<compile_context>
chip_gen: v7x
topology: tpu7x:2x2x1
jax: 0.10.2.dev20260603
libtpu: 0.0.44.dev20260713+nightly
codegen_flags: <defaults>
</compile_context>

<pallas_src>
import functools

import jax
import jax.numpy as jnp
from jax import lax
from jax.experimental import pallas as pl
from jax.experimental.pallas import tpu as pltpu
from jax.experimental.pallas import tpu_sc as plsc

_INFO = plsc.get_sparse_core_info()
_NC = _INFO.num_cores
_NS = _INFO.num_subcores
_NW = _NC * _NS
_C = 128



_R = 3


def _make_prop(N, D, E):
    n_chunks = E // _C
    assert n_chunks * _C == E
    rs = (N // _NS) // 8 * 8
    tail = N - rs * _NS
    nbase, extra = divmod(n_chunks, _NW)
    assert nbase % _R == 0 and nbase >= 2 * _R
    mesh = plsc.VectorSubcoreMesh(core_axis_name="c", subcore_axis_name="s")

    @functools.partial(
        pl.kernel,
        mesh=mesh,
        out_type=jax.ShapeDtypeStruct((_NC, N, D), jnp.float32),
        scratch_types=(
            [pltpu.VMEM((2, _C), jnp.int32)] * _R
            + [pltpu.VMEM((_C, D), jnp.float32)] * _R
            + [pltpu.VMEM_SHARED((N, D), jnp.float32)]
            + [pltpu.SemaphoreType.DMA] * (2 * _R)
        ),
    )
    def prop(x_hbm, e3_hbm, zeros_hbm, out_hbm, *scr):
        sd = scr[:_R]
        rb = scr[_R:2 * _R]
        acc = scr[2 * _R]
        gs = scr[2 * _R + 1:3 * _R + 1]
        ss = scr[3 * _R + 1:4 * _R + 1]
        cid = lax.axis_index("c")
        sid = lax.axis_index("s")
        wid = sid * _NC + cid
        r0 = sid * rs
        pltpu.sync_copy(zeros_hbm.at[pl.ds(r0, rs)], acc.at[pl.ds(r0, rs)])
        if tail:
            @pl.when(sid == _NS - 1)
            def _():
                pltpu.sync_copy(zeros_hbm.at[pl.ds(rs * _NS, tail)],
                                acc.at[pl.ds(rs * _NS, tail)])
        plsc.subcore_barrier()

        def fetch(chunk, b):
            pltpu.sync_copy(e3_hbm.at[chunk], sd[b])
            pltpu.async_copy(x_hbm.at[sd[b].at[0]], rb[b], gs[b])

        for b in range(_R - 1):
            fetch(wid + b * _NW, b)

        def body(j, carry):
            for k in range(_R):
                s = _R * j + k
                q = (k + _R - 1) % _R
                pltpu.make_async_copy(x_hbm.at[sd[k].at[0]], rb[k],
                                      gs[k]).wait()
                pltpu.async_copy(rb[k], acc.at[sd[k].at[1]], ss[k], add=True)

                @pl.when(s >= 1)
                def _():
                    pltpu.make_async_copy(rb[q], acc.at[sd[q].at[1]],
                                          ss[q]).wait()

                @pl.when(s + _R - 1 < nbase)
                def _():
                    fetch(wid + (s + _R - 1) * _NW, q)
            return carry

        lax.fori_loop(0, nbase // _R, body, 0)
        pltpu.make_async_copy(rb[_R - 1], acc.at[sd[_R - 1].at[1]],
                              ss[_R - 1]).wait()

        if extra:
            @pl.when(wid < extra)
            def _():
                pltpu.sync_copy(e3_hbm.at[nbase * _NW + wid], sd[0])
                pltpu.async_copy(x_hbm.at[sd[0].at[0]], rb[0], gs[0]).wait()
                pltpu.sync_copy(rb[0], acc.at[sd[0].at[1]], add=True)

        plsc.subcore_barrier()
        pltpu.sync_copy(acc.at[pl.ds(r0, rs)], out_hbm.at[cid, pl.ds(r0, rs)])
        if tail:
            @pl.when(sid == _NS - 1)
            def _():
                pltpu.sync_copy(acc.at[pl.ds(rs * _NS, tail)],
                                out_hbm.at[cid, pl.ds(rs * _NS, tail)])

    return prop


def _make_deg(N, E, W=128):
    n_chunks = E // _C
    rs = (N // _NS) // 8 * 8
    tail = N - rs * _NS
    nbase, extra = divmod(n_chunks, _NW)
    assert nbase % 2 == 0 and nbase >= 4
    mesh = plsc.VectorSubcoreMesh(core_axis_name="c", subcore_axis_name="s")

    @functools.partial(
        pl.kernel,
        mesh=mesh,
        out_type=jax.ShapeDtypeStruct((_NC, N, W), jnp.float32),
        scratch_types=[
            pltpu.VMEM((_C,), jnp.int32),
            pltpu.VMEM((_C,), jnp.int32),
            pltpu.VMEM((_C, W), jnp.float32),
            pltpu.VMEM_SHARED((N, W), jnp.float32),
            pltpu.SemaphoreType.DMA,
            pltpu.SemaphoreType.DMA,
        ],
    )
    def deg(src_hbm, ones_hbm, zeros_hbm, out_hbm,
            idx0, idx1, ones_v, acc, ss0, ss1):
        cid = lax.axis_index("c")
        sid = lax.axis_index("s")
        wid = sid * _NC + cid
        r0 = sid * rs
        pltpu.sync_copy(zeros_hbm.at[pl.ds(r0, rs)], acc.at[pl.ds(r0, rs)])
        if tail:
            @pl.when(sid == _NS - 1)
            def _():
                pltpu.sync_copy(zeros_hbm.at[pl.ds(rs * _NS, tail)],
                                acc.at[pl.ds(rs * _NS, tail)])
        pltpu.sync_copy(ones_hbm, ones_v)
        plsc.subcore_barrier()

        pltpu.sync_copy(src_hbm.at[pl.ds(wid * _C, _C)], idx0)

        def body(j, carry):
            pltpu.async_copy(ones_v, acc.at[idx0], ss0, add=True)

            @pl.when(j >= 1)
            def _():
                pltpu.make_async_copy(ones_v, acc.at[idx1], ss1).wait()

            pltpu.sync_copy(
                src_hbm.at[pl.ds((wid + (2 * j + 1) * _NW) * _C, _C)], idx1)
            pltpu.async_copy(ones_v, acc.at[idx1], ss1, add=True)

            @pl.when(j < nbase // 2 - 1)
            def _():
                pltpu.make_async_copy(ones_v, acc.at[idx0], ss0).wait()
                pltpu.sync_copy(
                    src_hbm.at[pl.ds((wid + (2 * j + 2) * _NW) * _C, _C)],
                    idx0)
            return carry

        lax.fori_loop(0, nbase // 2, body, 0)
        pltpu.make_async_copy(ones_v, acc.at[idx0], ss0).wait()
        pltpu.make_async_copy(ones_v, acc.at[idx1], ss1).wait()

        if extra:
            @pl.when(wid < extra)
            def _():
                pltpu.sync_copy(
                    src_hbm.at[pl.ds((nbase * _NW + wid) * _C, _C)], idx0)
                pltpu.sync_copy(ones_v, acc.at[idx0], add=True)

        plsc.subcore_barrier()
        pltpu.sync_copy(acc.at[pl.ds(r0, rs)], out_hbm.at[cid, pl.ds(r0, rs)])
        if tail:
            @pl.when(sid == _NS - 1)
            def _():
                pltpu.sync_copy(acc.at[pl.ds(rs * _NS, tail)],
                                out_hbm.at[cid, pl.ds(rs * _NS, tail)])

    return deg



_B = 5000


def _tc_pre(degp, x):
    N, D = x.shape

    def body(deg_ref, x_ref, o_ref, dn_ref):
        deg = deg_ref[0, :, 0:1] + deg_ref[1, :, 0:1]
        dinv = jnp.where(deg > 0, lax.rsqrt(jnp.maximum(deg, 1e-12)), 0.0)
        o_ref[...] = dinv * x_ref[...]
        dn_ref[...] = jnp.broadcast_to(dinv, (dinv.shape[0], 8))

    return pl.pallas_call(
        body,
        grid=(N // _B,),
        in_specs=[
            pl.BlockSpec((2, _B, 128), lambda i: (0, i, 0)),
            pl.BlockSpec((_B, D), lambda i: (i, 0)),
        ],
        out_specs=[
            pl.BlockSpec((_B, D), lambda i: (i, 0)),
            pl.BlockSpec((_B, 8), lambda i: (i, 0)),
        ],
        out_shape=[
            jax.ShapeDtypeStruct((N, D), jnp.float32),
            jax.ShapeDtypeStruct((N, 8), jnp.float32),
        ],
    )(degp, x)


def _tc_mid_a(dn, s1):
    N, D = s1.shape[1:]

    def body(dn_ref, s_ref, txp_ref):
        dinv = dn_ref[:, 0:1]
        txp_ref[...] = -(dinv * dinv) * (s_ref[0] + s_ref[1])

    return pl.pallas_call(
        body,
        grid=(N // _B,),
        in_specs=[
            pl.BlockSpec((_B, 8), lambda i: (i, 0)),
            pl.BlockSpec((2, _B, D), lambda i: (0, i, 0)),
        ],
        out_specs=pl.BlockSpec((_B, D), lambda i: (i, 0)),
        out_shape=jax.ShapeDtypeStruct((N, D), jnp.float32),
    )(dn, s1)


def _tc_mid_b(dn, s1, x, W):
    N, D = x.shape

    def body(dn_ref, s_ref, x_ref, w_ref, acc_ref):
        dinv = dn_ref[:, 0:1]
        tx1 = -dinv * (s_ref[0] + s_ref[1])
        acc_ref[...] = (
            jnp.dot(x_ref[...], w_ref[0], preferred_element_type=jnp.float32)
            + jnp.dot(tx1, w_ref[1], preferred_element_type=jnp.float32))

    return pl.pallas_call(
        body,
        grid=(N // _B,),
        in_specs=[
            pl.BlockSpec((_B, 8), lambda i: (i, 0)),
            pl.BlockSpec((2, _B, D), lambda i: (0, i, 0)),
            pl.BlockSpec((_B, D), lambda i: (i, 0)),
            pl.BlockSpec((3, D, D), lambda i: (0, 0, 0)),
        ],
        out_specs=pl.BlockSpec((_B, D), lambda i: (i, 0)),
        out_shape=jax.ShapeDtypeStruct((N, D), jnp.float32),
    )(dn, s1, x, W)


def _tc_fin(dn, s2, x, acc, W, b, relu):
    N, D = x.shape

    def body(dn_ref, s_ref, x_ref, acc_ref, w_ref, b_ref, *outs):
        dinv = dn_ref[:, 0:1]
        tx2 = -2.0 * dinv * (s_ref[0] + s_ref[1]) - x_ref[...]
        o = (acc_ref[...]
             + jnp.dot(tx2, w_ref[2], preferred_element_type=jnp.float32)
             + b_ref[...])
        if relu:
            h = jnp.maximum(o, 0.0)
            outs[0][...] = h
            outs[1][...] = dinv * h
        else:
            outs[0][...] = o

    n_out = 2 if relu else 1
    return pl.pallas_call(
        body,
        grid=(N // _B,),
        in_specs=[
            pl.BlockSpec((_B, 8), lambda i: (i, 0)),
            pl.BlockSpec((2, _B, D), lambda i: (0, i, 0)),
            pl.BlockSpec((_B, D), lambda i: (i, 0)),
            pl.BlockSpec((_B, D), lambda i: (i, 0)),
            pl.BlockSpec((3, D, D), lambda i: (0, 0, 0)),
            pl.BlockSpec((1, D), lambda i: (0, 0)),
        ],
        out_specs=[pl.BlockSpec((_B, D), lambda i: (i, 0))] * n_out,
        out_shape=[jax.ShapeDtypeStruct((N, D), jnp.float32)] * n_out,
    )(dn, s2, x, acc, W, b)



def kernel(x, edge_index, W1, b1, W2, b2):
    N, D = x.shape
    E = edge_index.shape[1]
    src = edge_index[0]
    e3 = edge_index.reshape(2, E // _C, _C).transpose(1, 0, 2)

    zeros_nd = jnp.zeros((N, D), jnp.float32)
    ones_cd = jnp.ones((_C, D), jnp.float32)
    b1r = b1.reshape(1, D)
    b2r = b2.reshape(1, D)

    prop = _make_prop(N, D, E)
    degf = _make_deg(N, E)

    degp = degf(src, ones_cd, zeros_nd)

    xp, dn = _tc_pre(degp, x)
    s1 = prop(xp, e3, zeros_nd)
    tx1p = _tc_mid_a(dn, s1)
    s2 = prop(tx1p, e3, zeros_nd)
    acc1 = _tc_mid_b(dn, s1, x, W1)
    h, hp = _tc_fin(dn, s2, x, acc1, W1, b1r, relu=True)

    s3 = prop(hp, e3, zeros_nd)
    tx1p2 = _tc_mid_a(dn, s3)
    s4 = prop(tx1p2, e3, zeros_nd)
    acc2 = _tc_mid_b(dn, s3, h, W2)
    (out,) = _tc_fin(dn, s4, h, acc2, W2, b2r, relu=False)
    return out

# --- scband reference (transcript-rebuilt; emitter-appended) ---
"""Pipeline reference for scband-cheb-net-50818053046716 (READ-ONLY COPY).

The authoritative reference and input builder live on the scoring server;
editing this copy changes nothing except your own understanding.
"""

import jax, jax.numpy as jnp
import numpy as np

N = 10000
E = 320000
D = 128
K = 3

def setup_inputs(seed: int = 0) -> dict:
    key = jax.random.key(seed)
    k1, k2, k3, k4, k5, k6 = jax.random.split(key, 6)
    x = jax.random.normal(k1, (N, D), dtype=jnp.float32)
    edge_index = jax.random.randint(k2, (2, E), 0, N, dtype=jnp.int32)
    s = 1.0 / np.sqrt(D)
    W1 = jax.random.uniform(k3, (K, D, D), dtype=jnp.float32, minval=-s, maxval=s)
    b1 = jnp.zeros((D,), dtype=jnp.float32)
    W2 = jax.random.uniform(k4, (K, D, D), dtype=jnp.float32, minval=-s, maxval=s)
    b2 = jnp.zeros((D,), dtype=jnp.float32)
    return {"x": x, "edge_index": edge_index, "W1": W1, "b1": b1, "W2": W2, "b2": b2}

def _cheb_conv(x, edge_index, W, b):
    # Faithful to PyG ChebConv with edge_weight=None, normalization='sym',
    # lambda_max=2.0: scaled Laplacian L_hat = -D^{-1/2} A D^{-1/2} (diag = 0).
    src = edge_index[0]
    dst = edge_index[1]
    n = x.shape[0]
    w = jnp.ones(src.shape[0], dtype=jnp.float32)
    deg = jax.ops.segment_sum(w, src, num_segments=n)
    deg_inv_sqrt = jnp.where(deg > 0, 1.0 / jnp.sqrt(jnp.maximum(deg, 1e-12)), 0.0)
    norm = -deg_inv_sqrt[src] * w * deg_inv_sqrt[dst]
    Tx0 = x
    out = Tx0 @ W[0]
    # Tx1 = L_hat @ x  via gather(src) -> scale -> scatter-add(dst)
    Tx1 = jax.ops.segment_sum(norm[:, None] * Tx0[src], dst, num_segments=n)
    out = out + Tx1 @ W[1]
    # Tx2 = 2 * L_hat @ Tx1 - Tx0
    Tx2 = 2.0 * jax.ops.segment_sum(norm[:, None] * Tx1[src], dst, num_segments=n) - Tx0
    out = out + Tx2 @ W[2]
    return out + b

def reference(x, edge_index, W1, b1, W2, b2):
    h = _cheb_conv(x, edge_index, W1, b1)
    h = jax.nn.relu(h)
    # dropout is identity in eval/deterministic mode
    out = _cheb_conv(h, edge_index, W2, b2)
    return out

if __name__ == "__main__":
    import jax
    _d = setup_inputs()
    print(jax.jit(kernel)(*tuple(_d.values())))

</pallas_src>

<mosaic_0001>
#map = affine_map<(d0, d1) -> (0, 0)>
#map1 = affine_map<(d0, d1) -> (0, 0, 0)>
module attributes {stable_mosaic.version = 14 : i64} {
  func.func @prop(%arg0: i32, %arg1: i32, %arg2: memref<10000x128xf32, #tpu.memory_space<hbm>>, %arg3: memref<2500x2x128xi32, #tpu.memory_space<hbm>>, %arg4: memref<10000x128xf32, #tpu.memory_space<hbm>>, %arg5: memref<2x10000x128xf32, #tpu.memory_space<hbm>>, %arg6: memref<2x128xi32, #tpu.memory_space<vmem>>, %arg7: memref<2x128xi32, #tpu.memory_space<vmem>>, %arg8: memref<2x128xi32, #tpu.memory_space<vmem>>, %arg9: memref<128x128xf32, #tpu.memory_space<vmem>>, %arg10: memref<128x128xf32, #tpu.memory_space<vmem>>, %arg11: memref<128x128xf32, #tpu.memory_space<vmem>>, %arg12: memref<10000x128xf32, #tpu.memory_space<vmem_shared>>, %arg13: memref<!tpu.dma_semaphore, #tpu.memory_space<semaphore_mem>>, %arg14: memref<!tpu.dma_semaphore, #tpu.memory_space<semaphore_mem>>, %arg15: memref<!tpu.dma_semaphore, #tpu.memory_space<semaphore_mem>>, %arg16: memref<!tpu.dma_semaphore, #tpu.memory_space<semaphore_mem>>, %arg17: memref<!tpu.dma_semaphore, #tpu.memory_space<semaphore_mem>>, %arg18: memref<!tpu.dma_semaphore, #tpu.memory_space<semaphore_mem>>) attributes {dimension_semantics = [#tpu.dimension_semantics<core_parallel>, #tpu.dimension_semantics<subcore_parallel>], iteration_bounds = array<i64: 2, 16>, scalar_prefetch = 0 : i64, scratch_operands = 13 : i64, tpu.core_type = #tpu.core_type<sc_vector_subcore>, window_params = [{transform_indices = #map}, {transform_indices = #map1}, {transform_indices = #map}, {transform_indices = #map1}]} {
    %mul3A = arith.constant 2 : i32
    %mul3A_0 = arith.muli %arg1, %mul3A : i32
    %add3A = arith.addi %mul3A_0, %arg0 : i32
    %mul3A_1 = arith.constant 624 : i32
    %mul3A_2 = arith.muli %arg1, %mul3A_1 : i32
    "tpu.region"() ({
      %run_scoped3A = tpu.sem_alloc : memref<!tpu.dma_semaphore, #tpu.memory_space<semaphore_mem>>
      %dma_start3A_43 = arith.constant 0 : i32
      %dma_start3A_44 = tpu.memref_slice %arg12[%mul3A_2, %dma_start3A_43] : memref<10000x128xf32, #tpu.memory_space<vmem_shared>> -> memref<624x128xf32, #tpu.memory_space<vmem_shared>>
      %dma_start3A_45 = arith.constant 0 : i32
      %dma_start3A_46 = tpu.memref_slice %arg4[%mul3A_2, %dma_start3A_45] : memref<10000x128xf32, #tpu.memory_space<hbm>> -> memref<624x128xf32, #tpu.memory_space<hbm>>
      tpu.enqueue_dma source(%dma_start3A_46 : memref<624x128xf32, #tpu.memory_space<hbm>>) target(%dma_start3A_44 : memref<624x128xf32, #tpu.memory_space<vmem_shared>>) target_semaphore(%run_scoped3A : memref<!tpu.dma_semaphore, #tpu.memory_space<semaphore_mem>>)
      %dma_wait3A_47 = arith.constant 0 : i32
      %dma_wait3A_48 = tpu.memref_slice %arg12[%mul3A_2, %dma_wait3A_47] : memref<10000x128xf32, #tpu.memory_space<vmem_shared>> -> memref<624x128xf32, #tpu.memory_space<vmem_shared>>
      %dma_wait3A_49 = arith.constant 0 : i32
      %dma_wait3A_50 = tpu.memref_slice %arg4[%mul3A_2, %dma_wait3A_49] : memref<10000x128xf32, #tpu.memory_space<hbm>> -> memref<624x128xf32, #tpu.memory_space<hbm>>
      tpu.wait_dma2 semaphore(%run_scoped3A : memref<!tpu.dma_semaphore, #tpu.memory_space<semaphore_mem>>) src(%dma_wait3A_50 : memref<624x128xf32, #tpu.memory_space<hbm>>) dst(%dma_wait3A_48 : memref<624x128xf32, #tpu.memory_space<vmem_shared>>)
      tpu.yield
    }) : () -> ()
    %eq3A = arith.constant 15 : i32
    %eq3A_3 = arith.cmpi eq, %arg1, %eq3A : i32
    %convert_element_type3A = arith.extui %eq3A_3 : i1 to i32
    %cond3A = arith.constant 0 : i32
    %cond3A_4 = arith.cmpi ne, %convert_element_type3A, %cond3A : i32
    scf.if %cond3A_4 {
      "tpu.region"() ({
        %run_scoped3A = tpu.sem_alloc : memref<!tpu.dma_semaphore, #tpu.memory_space<semaphore_mem>>
        %dma_start3A_43 = arith.constant 9984 : i32
        %dma_start3A_44 = arith.constant 0 : i32
        %dma_start3A_45 = tpu.memref_slice %arg12[%dma_start3A_43, %dma_start3A_44] : memref<10000x128xf32, #tpu.memory_space<vmem_shared>> -> memref<16x128xf32, #tpu.memory_space<vmem_shared>>
        %dma_start3A_46 = arith.constant 9984 : i32
        %dma_start3A_47 = arith.constant 0 : i32
        %dma_start3A_48 = tpu.memref_slice %arg4[%dma_start3A_46, %dma_start3A_47] : memref<10000x128xf32, #tpu.memory_space<hbm>> -> memref<16x128xf32, #tpu.memory_space<hbm>>
        tpu.enqueue_dma source(%dma_start3A_48 : memref<16x128xf32, #tpu.memory_space<hbm>>) target(%dma_start3A_45 : memref<16x128xf32, #tpu.memory_space<vmem_shared>>) target_semaphore(%run_scoped3A : memref<!tpu.dma_semaphore, #tpu.memory_space<semaphore_mem>>)
        %dma_wait3A_49 = arith.constant 9984 : i32
        %dma_wait3A_50 = arith.constant 0 : i32
        %dma_wait3A_51 = tpu.memref_slice %arg12[%dma_wait3A_49, %dma_wait3A_50] : memref<10000x128xf32, #tpu.memory_space<vmem_shared>> -> memref<16x128xf32, #tpu.memory_space<vmem_shared>>
        %dma_wait3A_52 = arith.constant 9984 : i32
        %dma_wait3A_53 = arith.constant 0 : i32
        %dma_wait3A_54 = tpu.memref_slice %arg4[%dma_wait3A_52, %dma_wait3A_53] : memref<10000x128xf32, #tpu.memory_space<hbm>> -> memref<16x128xf32, #tpu.memory_space<hbm>>
        tpu.wait_dma2 semaphore(%run_scoped3A : memref<!tpu.dma_semaphore, #tpu.memory_space<semaphore_mem>>) src(%dma_wait3A_54 : memref<16x128xf32, #tpu.memory_space<hbm>>) dst(%dma_wait3A_51 : memref<16x128xf32, #tpu.memory_space<vmem_shared>>)
        tpu.yield
      }) : () -> ()
    } else {
    }
    %barrier3A = arith.constant 0 : index
    tpu.barrier barrier_id(%barrier3A)
    %add3A_5 = arith.constant 0 : i32
    %add3A_6 = arith.addi %add3A, %add3A_5 : i32
    "tpu.region"() ({
      %run_scoped3A = tpu.sem_alloc : memref<!tpu.dma_semaphore, #tpu.memory_space<semaphore_mem>>
      %dma_start3A_43 = arith.constant 0 : i32
      %dma_start3A_44 = arith.constant 0 : i32
      %dma_start3A_45 = tpu.memref_slice %arg3[%add3A_6, %dma_start3A_43, %dma_start3A_44] : memref<2500x2x128xi32, #tpu.memory_space<hbm>> -> memref<1x2x128xi32, #tpu.memory_space<hbm>>
      %dma_start3A_46 = tpu.memref_squeeze %dma_start3A_45 : memref<1x2x128xi32, #tpu.memory_space<hbm>> -> memref<2x128xi32, #tpu.memory_space<hbm>>
      %dma_start3A_47 = arith.constant 0 : i32
      %dma_start3A_48 = arith.constant 0 : i32
      %dma_start3A_49 = tpu.memref_slice %arg3[%add3A_6, %dma_start3A_47, %dma_start3A_48] : memref<2500x2x128xi32, #tpu.memory_space<hbm>> -> memref<1x2x128xi32, #tpu.memory_space<hbm>>
      %dma_start3A_50 = tpu.memref_squeeze %dma_start3A_49 : memref<1x2x128xi32, #tpu.memory_space<hbm>> -> memref<2x128xi32, #tpu.memory_space<hbm>>
      tpu.enqueue_dma source(%dma_start3A_50 : memref<2x128xi32, #tpu.memory_space<hbm>>) target(%arg6 : memref<2x128xi32, #tpu.memory_space<vmem>>) target_semaphore(%run_scoped3A : memref<!tpu.dma_semaphore, #tpu.memory_space<semaphore_mem>>)
      %dma_wait3A_51 = arith.constant 0 : i32
      %dma_wait3A_52 = arith.constant 0 : i32
      %dma_wait3A_53 = tpu.memref_slice %arg3[%add3A_6, %dma_wait3A_51, %dma_wait3A_52] : memref<2500x2x128xi32, #tpu.memory_space<hbm>> -> memref<1x2x128xi32, #tpu.memory_space<hbm>>
      %dma_wait3A_54 = tpu.memref_squeeze %dma_wait3A_53 : memref<1x2x128xi32, #tpu.memory_space<hbm>> -> memref<2x128xi32, #tpu.memory_space<hbm>>
      %dma_wait3A_55 = arith.constant 0 : i32
      %dma_wait3A_56 = arith.constant 0 : i32
      %dma_wait3A_57 = tpu.memref_slice %arg3[%add3A_6, %dma_wait3A_55, %dma_wait3A_56] : memref<2500x2x128xi32, #tpu.memory_space<hbm>> -> memref<1x2x128xi32, #tpu.memory_space<hbm>>
      %dma_wait3A_58 = tpu.memref_squeeze %dma_wait3A_57 : memref<1x2x128xi32, #tpu.memory_space<hbm>> -> memref<2x128xi32, #tpu.memory_space<hbm>>
      tpu.wait_dma2 semaphore(%run_scoped3A : memref<!tpu.dma_semaphore, #tpu.memory_space<semaphore_mem>>) src(%dma_wait3A_58 : memref<2x128xi32, #tpu.memory_space<hbm>>) dst(%arg6 : memref<2x128xi32, #tpu.memory_space<vmem>>)
      tpu.yield
    }) : () -> ()
    %dma_start3A = arith.constant 0 : i32
    %dma_start3A_7 = arith.constant 0 : i32
    %dma_start3A_8 = tpu.memref_slice %arg6[%dma_start3A, %dma_start3A_7] : memref<2x128xi32, #tpu.memory_space<vmem>> -> memref<1x128xi32, #tpu.memory_space<vmem>>
    %dma_start3A_9 = tpu.memref_squeeze %dma_start3A_8 : memref<1x128xi32, #tpu.memory_space<vmem>> -> memref<128xi32, #tpu.memory_space<vmem>>
    %dma_start3A_10 = arith.constant 0 : i32
    %dma_start3A_11 = arith.constant 0 : i32
    %dma_start3A_12 = tpu.memref_slice %arg2[%dma_start3A_10, %dma_start3A_11] : memref<10000x128xf32, #tpu.memory_space<hbm>> -> memref<10000x128xf32, #tpu.memory_space<hbm>>
    tpu.enqueue_indirect_dma source(%dma_start3A_12 : memref<10000x128xf32, #tpu.memory_space<hbm>>) target(%arg9 : memref<128x128xf32, #tpu.memory_space<vmem>>) offsets(%dma_start3A_9 : memref<128xi32, #tpu.memory_space<vmem>>) semaphore(%arg13 : memref<!tpu.dma_semaphore, #tpu.memory_space<semaphore_mem>>)
    %add3A_13 = arith.constant 32 : i32
    %add3A_14 = arith.addi %add3A, %add3A_13 : i32
    "tpu.region"() ({
      %run_scoped3A = tpu.sem_alloc : memref<!tpu.dma_semaphore, #tpu.memory_space<semaphore_mem>>
      %dma_start3A_43 = arith.constant 0 : i32
      %dma_start3A_44 = arith.constant 0 : i32
      %dma_start3A_45 = tpu.memref_slice %arg3[%add3A_14, %dma_start3A_43, %dma_start3A_44] : memref<2500x2x128xi32, #tpu.memory_space<hbm>> -> memref<1x2x128xi32, #tpu.memory_space<hbm>>
      %dma_start3A_46 = tpu.memref_squeeze %dma_start3A_45 : memref<1x2x128xi32, #tpu.memory_space<hbm>> -> memref<2x128xi32, #tpu.memory_space<hbm>>
      %dma_start3A_47 = arith.constant 0 : i32
      %dma_start3A_48 = arith.constant 0 : i32
      %dma_start3A_49 = tpu.memref_slice %arg3[%add3A_14, %dma_start3A_47, %dma_start3A_48] : memref<2500x2x128xi32, #tpu.memory_space<hbm>> -> memref<1x2x128xi32, #tpu.memory_space<hbm>>
      %dma_start3A_50 = tpu.memref_squeeze %dma_start3A_49 : memref<1x2x128xi32, #tpu.memory_space<hbm>> -> memref<2x128xi32, #tpu.memory_space<hbm>>
      tpu.enqueue_dma source(%dma_start3A_50 : memref<2x128xi32, #tpu.memory_space<hbm>>) target(%arg7 : memref<2x128xi32, #tpu.memory_space<vmem>>) target_semaphore(%run_scoped3A : memref<!tpu.dma_semaphore, #tpu.memory_space<semaphore_mem>>)
      %dma_wait3A_51 = arith.constant 0 : i32
      %dma_wait3A_52 = arith.constant 0 : i32
      %dma_wait3A_53 = tpu.memref_slice %arg3[%add3A_14, %dma_wait3A_51, %dma_wait3A_52] : memref<2500x2x128xi32, #tpu.memory_space<hbm>> -> memref<1x2x128xi32, #tpu.memory_space<hbm>>
      %dma_wait3A_54 = tpu.memref_squeeze %dma_wait3A_53 : memref<1x2x128xi32, #tpu.memory_space<hbm>> -> memref<2x128xi32, #tpu.memory_space<hbm>>
      %dma_wait3A_55 = arith.constant 0 : i32
      %dma_wait3A_56 = arith.constant 0 : i32
      %dma_wait3A_57 = tpu.memref_slice %arg3[%add3A_14, %dma_wait3A_55, %dma_wait3A_56] : memref<2500x2x128xi32, #tpu.memory_space<hbm>> -> memref<1x2x128xi32, #tpu.memory_space<hbm>>
      %dma_wait3A_58 = tpu.memref_squeeze %dma_wait3A_57 : memref<1x2x128xi32, #tpu.memory_space<hbm>> -> memref<2x128xi32, #tpu.memory_space<hbm>>
      tpu.wait_dma2 semaphore(%run_scoped3A : memref<!tpu.dma_semaphore, #tpu.memory_space<semaphore_mem>>) src(%dma_wait3A_58 : memref<2x128xi32, #tpu.memory_space<hbm>>) dst(%arg7 : memref<2x128xi32, #tpu.memory_space<vmem>>)
      tpu.yield
    }) : () -> ()
    %dma_start3A_15 = arith.constant 0 : i32
    %dma_start3A_16 = arith.constant 0 : i32
    %dma_start3A_17 = tpu.memref_slice %arg7[%dma_start3A_15, %dma_start3A_16] : memref<2x128xi32, #tpu.memory_space<vmem>> -> memref<1x128xi32, #tpu.memory_space<vmem>>
    %dma_start3A_18 = tpu.memref_squeeze %dma_start3A_17 : memref<1x128xi32, #tpu.memory_space<vmem>> -> memref<128xi32, #tpu.memory_space<vmem>>
    %dma_start3A_19 = arith.constant 0 : i32
    %dma_start3A_20 = arith.constant 0 : i32
    %dma_start3A_21 = tpu.memref_slice %arg2[%dma_start3A_19, %dma_start3A_20] : memref<10000x128xf32, #tpu.memory_space<hbm>> -> memref<10000x128xf32, #tpu.memory_space<hbm>>
    tpu.enqueue_indirect_dma source(%dma_start3A_21 : memref<10000x128xf32, #tpu.memory_space<hbm>>) target(%arg10 : memref<128x128xf32, #tpu.memory_space<vmem>>) offsets(%dma_start3A_18 : memref<128xi32, #tpu.memory_space<vmem>>) semaphore(%arg14 : memref<!tpu.dma_semaphore, #tpu.memory_space<semaphore_mem>>)
    %scan3A = arith.constant 0 : i32
    %scan3A_22 = arith.constant 0 : i32
    %scan3A_23 = arith.constant 26 : i32
    %scan3A_24 = arith.addi %scan3A_22, %scan3A_23 : i32
    %scan3A_25 = arith.constant 1 : i32
    scf.for %scan3A_43 = %scan3A_22 to %scan3A_24 step %scan3A_25  : i32 {
      %mul3A_44 = arith.constant 3 : i32
      %mul3A_45 = arith.muli %mul3A_44, %scan3A_43 : i32
      %add3A_46 = arith.constant 0 : i32
      %add3A_47 = arith.addi %mul3A_45, %add3A_46 : i32
      %dma_wait3A_48 = arith.constant 0 : i32
      %dma_wait3A_49 = arith.constant 0 : i32
      %dma_wait3A_50 = tpu.memref_slice %arg6[%dma_wait3A_48, %dma_wait3A_49] : memref<2x128xi32, #tpu.memory_space<vmem>> -> memref<1x128xi32, #tpu.memory_space<vmem>>
      %dma_wait3A_51 = tpu.memref_squeeze %dma_wait3A_50 : memref<1x128xi32, #tpu.memory_space<vmem>> -> memref<128xi32, #tpu.memory_space<vmem>>
      %dma_wait3A_52 = arith.constant 0 : i32
      %dma_wait3A_53 = arith.constant 0 : i32
      %dma_wait3A_54 = tpu.memref_slice %arg2[%dma_wait3A_52, %dma_wait3A_53] : memref<10000x128xf32, #tpu.memory_space<hbm>> -> memref<10000x128xf32, #tpu.memory_space<hbm>>
      tpu.wait_indirect_dma semaphore(%arg13 : memref<!tpu.dma_semaphore, #tpu.memory_space<semaphore_mem>>) src(%dma_wait3A_54 : memref<10000x128xf32, #tpu.memory_space<hbm>>) dst(%arg9 : memref<128x128xf32, #tpu.memory_space<vmem>>)
      %dma_start3A_55 = arith.constant 1 : i32
      %dma_start3A_56 = arith.constant 0 : i32
      %dma_start3A_57 = tpu.memref_slice %arg6[%dma_start3A_55, %dma_start3A_56] : memref<2x128xi32, #tpu.memory_space<vmem>> -> memref<1x128xi32, #tpu.memory_space<vmem>>
      %dma_start3A_58 = tpu.memref_squeeze %dma_start3A_57 : memref<1x128xi32, #tpu.memory_space<vmem>> -> memref<128xi32, #tpu.memory_space<vmem>>
      %dma_start3A_59 = arith.constant 0 : i32
      %dma_start3A_60 = arith.constant 0 : i32
      %dma_start3A_61 = tpu.memref_slice %arg12[%dma_start3A_59, %dma_start3A_60] : memref<10000x128xf32, #tpu.memory_space<vmem_shared>> -> memref<10000x128xf32, #tpu.memory_space<vmem_shared>>
      tpu.enqueue_indirect_dma source(%arg9 : memref<128x128xf32, #tpu.memory_space<vmem>>) target(%dma_start3A_61 : memref<10000x128xf32, #tpu.memory_space<vmem_shared>>) offsets(%dma_start3A_58 : memref<128xi32, #tpu.memory_space<vmem>>) semaphore(%arg16 : memref<!tpu.dma_semaphore, #tpu.memory_space<semaphore_mem>>) {add = true}
      %ge3A = arith.constant 1 : i32
      %ge3A_62 = arith.cmpi sge, %add3A_47, %ge3A : i32
      %convert_element_type3A_63 = arith.extui %ge3A_62 : i1 to i32
      %cond3A_64 = arith.constant 0 : i32
      %cond3A_65 = arith.cmpi ne, %convert_element_type3A_63, %cond3A_64 : i32
      scf.if %cond3A_65 {
        %dma_wait3A_138 = arith.constant 1 : i32
        %dma_wait3A_139 = arith.constant 0 : i32
        %dma_wait3A_140 = tpu.memref_slice %arg8[%dma_wait3A_138, %dma_wait3A_139] : memref<2x128xi32, #tpu.memory_space<vmem>> -> memref<1x128xi32, #tpu.memory_space<vmem>>
        %dma_wait3A_141 = tpu.memref_squeeze %dma_wait3A_140 : memref<1x128xi32, #tpu.memory_space<vmem>> -> memref<128xi32, #tpu.memory_space<vmem>>
        %dma_wait3A_142 = arith.constant 0 : i32
        %dma_wait3A_143 = arith.constant 0 : i32
        %dma_wait3A_144 = tpu.memref_slice %arg12[%dma_wait3A_142, %dma_wait3A_143] : memref<10000x128xf32, #tpu.memory_space<vmem_shared>> -> memref<10000x128xf32, #tpu.memory_space<vmem_shared>>
        tpu.wait_indirect_dma semaphore(%arg18 : memref<!tpu.dma_semaphore, #tpu.memory_space<semaphore_mem>>) src(%arg11 : memref<128x128xf32, #tpu.memory_space<vmem>>) dst(%dma_wait3A_144 : memref<10000x128xf32, #tpu.memory_space<vmem_shared>>)
      } else {
      }
      %add3A_66 = arith.constant 3 : i32
      %add3A_67 = arith.addi %add3A_47, %add3A_66 : i32
      %sub3A = arith.constant 1 : i32
      %sub3A_68 = arith.subi %add3A_67, %sub3A : i32
      %lt3A_69 = arith.constant 78 : i32
      %lt3A_70 = arith.cmpi slt, %sub3A_68, %lt3A_69 : i32
      %convert_element_type3A_71 = arith.extui %lt3A_70 : i1 to i32
      %cond3A_72 = arith.constant 0 : i32
      %cond3A_73 = arith.cmpi ne, %convert_element_type3A_71, %cond3A_72 : i32
      scf.if %cond3A_73 {
        %add3A_138 = arith.constant 3 : i32
        %add3A_139 = arith.addi %add3A_47, %add3A_138 : i32
        %sub3A_140 = arith.constant 1 : i32
        %sub3A_141 = arith.subi %add3A_139, %sub3A_140 : i32
        %mul3A_142 = arith.constant 32 : i32
        %mul3A_143 = arith.muli %sub3A_141, %mul3A_142 : i32
        %add3A_144 = arith.addi %add3A, %mul3A_143 : i32
        "tpu.region"() ({
          %run_scoped3A = tpu.sem_alloc : memref<!tpu.dma_semaphore, #tpu.memory_space<semaphore_mem>>
          %dma_start3A_152 = arith.constant 0 : i32
          %dma_start3A_153 = arith.constant 0 : i32
          %dma_start3A_154 = tpu.memref_slice %arg3[%add3A_144, %dma_start3A_152, %dma_start3A_153] : memref<2500x2x128xi32, #tpu.memory_space<hbm>> -> memref<1x2x128xi32, #tpu.memory_space<hbm>>
          %dma_start3A_155 = tpu.memref_squeeze %dma_start3A_154 : memref<1x2x128xi32, #tpu.memory_space<hbm>> -> memref<2x128xi32, #tpu.memory_space<hbm>>
          %dma_start3A_156 = arith.constant 0 : i32
          %dma_start3A_157 = arith.constant 0 : i32
          %dma_start3A_158 = tpu.memref_slice %arg3[%add3A_144, %dma_start3A_156, %dma_start3A_157] : memref<2500x2x128xi32, #tpu.memory_space<hbm>> -> memref<1x2x128xi32, #tpu.memory_space<hbm>>
          %dma_start3A_159 = tpu.memref_squeeze %dma_start3A_158 : memref<1x2x128xi32, #tpu.memory_space<hbm>> -> memref<2x128xi32, #tpu.memory_space<hbm>>
          tpu.enqueue_dma source(%dma_start3A_159 : memref<2x128xi32, #tpu.memory_space<hbm>>) target(%arg8 : memref<2x128xi32, #tpu.memory_space<vmem>>) target_semaphore(%run_scoped3A : memref<!tpu.dma_semaphore, #tpu.memory_space<semaphore_mem>>)
          %dma_wait3A_160 = arith.constant 0 : i32
          %dma_wait3A_161 = arith.constant 0 : i32
          %dma_wait3A_162 = tpu.memref_slice %arg3[%add3A_144, %dma_wait3A_160, %dma_wait3A_161] : memref<2500x2x128xi32, #tpu.memory_space<hbm>> -> memref<1x2x128xi32, #tpu.memory_space<hbm>>
          %dma_wait3A_163 = tpu.memref_squeeze %dma_wait3A_162 : memref<1x2x128xi32, #tpu.memory_space<hbm>> -> memref<2x128xi32, #tpu.memory_space<hbm>>
          %dma_wait3A_164 = arith.constant 0 : i32
          %dma_wait3A_165 = arith.constant 0 : i32
          %dma_wait3A_166 = tpu.memref_slice %arg3[%add3A_144, %dma_wait3A_164, %dma_wait3A_165] : memref<2500x2x128xi32, #tpu.memory_space<hbm>> -> memref<1x2x128xi32, #tpu.memory_space<hbm>>
          %dma_wait3A_167 = tpu.memref_squeeze %dma_wait3A_166 : memref<1x2x128xi32, #tpu.memory_space<hbm>> -> memref<2x128xi32, #tpu.memory_space<hbm>>
          tpu.wait_dma2 semaphore(%run_scoped3A : memref<!tpu.dma_semaphore, #tpu.memory_space<semaphore_mem>>) src(%dma_wait3A_167 : memref<2x128xi32, #tpu.memory_space<hbm>>) dst(%arg8 : memref<2x128xi32, #tpu.memory_space<vmem>>)
          tpu.yield
        }) : () -> ()
        %dma_start3A_145 = arith.constant 0 : i32
        %dma_start3A_146 = arith.constant 0 : i32
        %dma_start3A_147 = tpu.memref_slice %arg8[%dma_start3A_145, %dma_start3A_146] : memref<2x128xi32, #tpu.memory_space<vmem>> -> memref<1x128xi32, #tpu.memory_space<vmem>>
        %dma_start3A_148 = tpu.memref_squeeze %dma_start3A_147 : memref<1x128xi32, #tpu.memory_space<vmem>> -> memref<128xi32, #tpu.memory_space<vmem>>
        %dma_start3A_149 = arith.constant 0 : i32
        %dma_start3A_150 = arith.constant 0 : i32
        %dma_start3A_151 = tpu.memref_slice %arg2[%dma_start3A_149, %dma_start3A_150] : memref<10000x128xf32, #tpu.memory_space<hbm>> -> memref<10000x128xf32, #tpu.memory_space<hbm>>
        tpu.enqueue_indirect_dma source(%dma_start3A_151 : memref<10000x128xf32, #tpu.memory_space<hbm>>) target(%arg11 : memref<128x128xf32, #tpu.memory_space<vmem>>) offsets(%dma_start3A_148 : memref<128xi32, #tpu.memory_space<vmem>>) semaphore(%arg15 : memref<!tpu.dma_semaphore, #tpu.memory_space<semaphore_mem>>)
      } else {
      }
      %mul3A_74 = arith.constant 3 : i32
      %mul3A_75 = arith.muli %mul3A_74, %scan3A_43 : i32
      %add3A_76 = arith.constant 1 : i32
      %add3A_77 = arith.addi %mul3A_75, %add3A_76 : i32
      %dma_wait3A_78 = arith.constant 0 : i32
      %dma_wait3A_79 = arith.constant 0 : i32
      %dma_wait3A_80 = tpu.memref_slice %arg7[%dma_wait3A_78, %dma_wait3A_79] : memref<2x128xi32, #tpu.memory_space<vmem>> -> memref<1x128xi32, #tpu.memory_space<vmem>>
      %dma_wait3A_81 = tpu.memref_squeeze %dma_wait3A_80 : memref<1x128xi32, #tpu.memory_space<vmem>> -> memref<128xi32, #tpu.memory_space<vmem>>
      %dma_wait3A_82 = arith.constant 0 : i32
      %dma_wait3A_83 = arith.constant 0 : i32
      %dma_wait3A_84 = tpu.memref_slice %arg2[%dma_wait3A_82, %dma_wait3A_83] : memref<10000x128xf32, #tpu.memory_space<hbm>> -> memref<10000x128xf32, #tpu.memory_space<hbm>>
      tpu.wait_indirect_dma semaphore(%arg14 : memref<!tpu.dma_semaphore, #tpu.memory_space<semaphore_mem>>) src(%dma_wait3A_84 : memref<10000x128xf32, #tpu.memory_space<hbm>>) dst(%arg10 : memref<128x128xf32, #tpu.memory_space<vmem>>)
      %dma_start3A_85 = arith.constant 1 : i32
      %dma_start3A_86 = arith.constant 0 : i32
      %dma_start3A_87 = tpu.memref_slice %arg7[%dma_start3A_85, %dma_start3A_86] : memref<2x128xi32, #tpu.memory_space<vmem>> -> memref<1x128xi32, #tpu.memory_space<vmem>>
      %dma_start3A_88 = tpu.memref_squeeze %dma_start3A_87 : memref<1x128xi32, #tpu.memory_space<vmem>> -> memref<128xi32, #tpu.memory_space<vmem>>
      %dma_start3A_89 = arith.constant 0 : i32
      %dma_start3A_90 = arith.constant 0 : i32
      %dma_start3A_91 = tpu.memref_slice %arg12[%dma_start3A_89, %dma_start3A_90] : memref<10000x128xf32, #tpu.memory_space<vmem_shared>> -> memref<10000x128xf32, #tpu.memory_space<vmem_shared>>
      tpu.enqueue_indirect_dma source(%arg10 : memref<128x128xf32, #tpu.memory_space<vmem>>) target(%dma_start3A_91 : memref<10000x128xf32, #tpu.memory_space<vmem_shared>>) offsets(%dma_start3A_88 : memref<128xi32, #tpu.memory_space<vmem>>) semaphore(%arg17 : memref<!tpu.dma_semaphore, #tpu.memory_space<semaphore_mem>>) {add = true}
      %ge3A_92 = arith.constant 1 : i32
      %ge3A_93 = arith.cmpi sge, %add3A_77, %ge3A_92 : i32
      %convert_element_type3A_94 = arith.extui %ge3A_93 : i1 to i32
      %cond3A_95 = arith.constant 0 : i32
      %cond3A_96 = arith.cmpi ne, %convert_element_type3A_94, %cond3A_95 : i32
      scf.if %cond3A_96 {
        %dma_wait3A_138 = arith.constant 1 : i32
        %dma_wait3A_139 = arith.constant 0 : i32
        %dma_wait3A_140 = tpu.memref_slice %arg6[%dma_wait3A_138, %dma_wait3A_139] : memref<2x128xi32, #tpu.memory_space<vmem>> -> memref<1x128xi32, #tpu.memory_space<vmem>>
        %dma_wait3A_141 = tpu.memref_squeeze %dma_wait3A_140 : memref<1x128xi32, #tpu.memory_space<vmem>> -> memref<128xi32, #tpu.memory_space<vmem>>
        %dma_wait3A_142 = arith.constant 0 : i32
        %dma_wait3A_143 = arith.constant 0 : i32
        %dma_wait3A_144 = tpu.memref_slice %arg12[%dma_wait3A_142, %dma_wait3A_143] : memref<10000x128xf32, #tpu.memory_space<vmem_shared>> -> memref<10000x128xf32, #tpu.memory_space<vmem_shared>>
        tpu.wait_indirect_dma semaphore(%arg16 : memref<!tpu.dma_semaphore, #tpu.memory_space<semaphore_mem>>) src(%arg9 : memref<128x128xf32, #tpu.memory_space<vmem>>) dst(%dma_wait3A_144 : memref<10000x128xf32, #tpu.memory_space<vmem_shared>>)
      } else {
      }
      %add3A_97 = arith.constant 3 : i32
      %add3A_98 = arith.addi %add3A_77, %add3A_97 : i32
      %sub3A_99 = arith.constant 1 : i32
      %sub3A_100 = arith.subi %add3A_98, %sub3A_99 : i32
      %lt3A_101 = arith.constant 78 : i32
      %lt3A_102 = arith.cmpi slt, %sub3A_100, %lt3A_101 : i32
      %convert_element_type3A_103 = arith.extui %lt3A_102 : i1 to i32
      %cond3A_104 = arith.constant 0 : i32
      %cond3A_105 = arith.cmpi ne, %convert_element_type3A_103, %cond3A_104 : i32
      scf.if %cond3A_105 {
        %add3A_138 = arith.constant 3 : i32
        %add3A_139 = arith.addi %add3A_77, %add3A_138 : i32
        %sub3A_140 = arith.constant 1 : i32
        %sub3A_141 = arith.subi %add3A_139, %sub3A_140 : i32
        %mul3A_142 = arith.constant 32 : i32
        %mul3A_143 = arith.muli %sub3A_141, %mul3A_142 : i32
        %add3A_144 = arith.addi %add3A, %mul3A_143 : i32
        "tpu.region"() ({
          %run_scoped3A = tpu.sem_alloc : memref<!tpu.dma_semaphore, #tpu.memory_space<semaphore_mem>>
          %dma_start3A_152 = arith.constant 0 : i32
          %dma_start3A_153 = arith.constant 0 : i32
          %dma_start3A_154 = tpu.memref_slice %arg3[%add3A_144, %dma_start3A_152, %dma_start3A_153] : memref<2500x2x128xi32, #tpu.memory_space<hbm>> -> memref<1x2x128xi32, #tpu.memory_space<hbm>>
          %dma_start3A_155 = tpu.memref_squeeze %dma_start3A_154 : memref<1x2x128xi32, #tpu.memory_space<hbm>> -> memref<2x128xi32, #tpu.memory_space<hbm>>
          %dma_start3A_156 = arith.constant 0 : i32
          %dma_start3A_157 = arith.constant 0 : i32
          %dma_start3A_158 = tpu.memref_slice %arg3[%add3A_144, %dma_start3A_156, %dma_start3A_157] : memref<2500x2x128xi32, #tpu.memory_space<hbm>> -> memref<1x2x128xi32, #tpu.memory_space<hbm>>
          %dma_start3A_159 = tpu.memref_squeeze %dma_start3A_158 : memref<1x2x128xi32, #tpu.memory_space<hbm>> -> memref<2x128xi32, #tpu.memory_space<hbm>>
          tpu.enqueue_dma source(%dma_start3A_159 : memref<2x128xi32, #tpu.memory_space<hbm>>) target(%arg6 : memref<2x128xi32, #tpu.memory_space<vmem>>) target_semaphore(%run_scoped3A : memref<!tpu.dma_semaphore, #tpu.memory_space<semaphore_mem>>)
          %dma_wait3A_160 = arith.constant 0 : i32
          %dma_wait3A_161 = arith.constant 0 : i32
          %dma_wait3A_162 = tpu.memref_slice %arg3[%add3A_144, %dma_wait3A_160, %dma_wait3A_161] : memref<2500x2x128xi32, #tpu.memory_space<hbm>> -> memref<1x2x128xi32, #tpu.memory_space<hbm>>
          %dma_wait3A_163 = tpu.memref_squeeze %dma_wait3A_162 : memref<1x2x128xi32, #tpu.memory_space<hbm>> -> memref<2x128xi32, #tpu.memory_space<hbm>>
          %dma_wait3A_164 = arith.constant 0 : i32
          %dma_wait3A_165 = arith.constant 0 : i32
          %dma_wait3A_166 = tpu.memref_slice %arg3[%add3A_144, %dma_wait3A_164, %dma_wait3A_165] : memref<2500x2x128xi32, #tpu.memory_space<hbm>> -> memref<1x2x128xi32, #tpu.memory_space<hbm>>
          %dma_wait3A_167 = tpu.memref_squeeze %dma_wait3A_166 : memref<1x2x128xi32, #tpu.memory_space<hbm>> -> memref<2x128xi32, #tpu.memory_space<hbm>>
          tpu.wait_dma2 semaphore(%run_scoped3A : memref<!tpu.dma_semaphore, #tpu.memory_space<semaphore_mem>>) src(%dma_wait3A_167 : memref<2x128xi32, #tpu.memory_space<hbm>>) dst(%arg6 : memref<2x128xi32, #tpu.memory_space<vmem>>)
          tpu.yield
        }) : () -> ()
        %dma_start3A_145 = arith.constant 0 : i32
        %dma_start3A_146 = arith.constant 0 : i32
        %dma_start3A_147 = tpu.memref_slice %arg6[%dma_start3A_145, %dma_start3A_146] : memref<2x128xi32, #tpu.memory_space<vmem>> -> memref<1x128xi32, #tpu.memory_space<vmem>>
        %dma_start3A_148 = tpu.memref_squeeze %dma_start3A_147 : memref<1x128xi32, #tpu.memory_space<vmem>> -> memref<128xi32, #tpu.memory_space<vmem>>
        %dma_start3A_149 = arith.constant 0 : i32
        %dma_start3A_150 = arith.constant 0 : i32
        %dma_start3A_151 = tpu.memref_slice %arg2[%dma_start3A_149, %dma_start3A_150] : memref<10000x128xf32, #tpu.memory_space<hbm>> -> memref<10000x128xf32, #tpu.memory_space<hbm>>
        tpu.enqueue_indirect_dma source(%dma_start3A_151 : memref<10000x128xf32, #tpu.memory_space<hbm>>) target(%arg9 : memref<128x128xf32, #tpu.memory_space<vmem>>) offsets(%dma_start3A_148 : memref<128xi32, #tpu.memory_space<vmem>>) semaphore(%arg13 : memref<!tpu.dma_semaphore, #tpu.memory_space<semaphore_mem>>)
      } else {
      }
      %mul3A_106 = arith.constant 3 : i32
      %mul3A_107 = arith.muli %mul3A_106, %scan3A_43 : i32
      %add3A_108 = arith.constant 2 : i32
      %add3A_109 = arith.addi %mul3A_107, %add3A_108 : i32
      %dma_wait3A_110 = arith.constant 0 : i32
      %dma_wait3A_111 = arith.constant 0 : i32
      %dma_wait3A_112 = tpu.memref_slice %arg8[%dma_wait3A_110, %dma_wait3A_111] : memref<2x128xi32, #tpu.memory_space<vmem>> -> memref<1x128xi32, #tpu.memory_space<vmem>>
      %dma_wait3A_113 = tpu.memref_squeeze %dma_wait3A_112 : memref<1x128xi32, #tpu.memory_space<vmem>> -> memref<128xi32, #tpu.memory_space<vmem>>
      %dma_wait3A_114 = arith.constant 0 : i32
      %dma_wait3A_115 = arith.constant 0 : i32
      %dma_wait3A_116 = tpu.memref_slice %arg2[%dma_wait3A_114, %dma_wait3A_115] : memref<10000x128xf32, #tpu.memory_space<hbm>> -> memref<10000x128xf32, #tpu.memory_space<hbm>>
      tpu.wait_indirect_dma semaphore(%arg15 : memref<!tpu.dma_semaphore, #tpu.memory_space<semaphore_mem>>) src(%dma_wait3A_116 : memref<10000x128xf32, #tpu.memory_space<hbm>>) dst(%arg11 : memref<128x128xf32, #tpu.memory_space<vmem>>)
      %dma_start3A_117 = arith.constant 1 : i32
      %dma_start3A_118 = arith.constant 0 : i32
      %dma_start3A_119 = tpu.memref_slice %arg8[%dma_start3A_117, %dma_start3A_118] : memref<2x128xi32, #tpu.memory_space<vmem>> -> memref<1x128xi32, #tpu.memory_space<vmem>>
      %dma_start3A_120 = tpu.memref_squeeze %dma_start3A_119 : memref<1x128xi32, #tpu.memory_space<vmem>> -> memref<128xi32, #tpu.memory_space<vmem>>
      %dma_start3A_121 = arith.constant 0 : i32
      %dma_start3A_122 = arith.constant 0 : i32
      %dma_start3A_123 = tpu.memref_slice %arg12[%dma_start3A_121, %dma_start3A_122] : memref<10000x128xf32, #tpu.memory_space<vmem_shared>> -> memref<10000x128xf32, #tpu.memory_space<vmem_shared>>
      tpu.enqueue_indirect_dma source(%arg11 : memref<128x128xf32, #tpu.memory_space<vmem>>) target(%dma_start3A_123 : memref<10000x128xf32, #tpu.memory_space<vmem_shared>>) offsets(%dma_start3A_120 : memref<128xi32, #tpu.memory_space<vmem>>) semaphore(%arg18 : memref<!tpu.dma_semaphore, #tpu.memory_space<semaphore_mem>>) {add = true}
      %ge3A_124 = arith.constant 1 : i32
      %ge3A_125 = arith.cmpi sge, %add3A_109, %ge3A_124 : i32
      %convert_element_type3A_126 = arith.extui %ge3A_125 : i1 to i32
      %cond3A_127 = arith.constant 0 : i32
      %cond3A_128 = arith.cmpi ne, %convert_element_type3A_126, %cond3A_127 : i32
      scf.if %cond3A_128 {
        %dma_wait3A_138 = arith.constant 1 : i32
        %dma_wait3A_139 = arith.constant 0 : i32
        %dma_wait3A_140 = tpu.memref_slice %arg7[%dma_wait3A_138, %dma_wait3A_139] : memref<2x128xi32, #tpu.memory_space<vmem>> -> memref<1x128xi32, #tpu.memory_space<vmem>>
        %dma_wait3A_141 = tpu.memref_squeeze %dma_wait3A_140 : memref<1x128xi32, #tpu.memory_space<vmem>> -> memref<128xi32, #tpu.memory_space<vmem>>
        %dma_wait3A_142 = arith.constant 0 : i32
        %dma_wait3A_143 = arith.constant 0 : i32
        %dma_wait3A_144 = tpu.memref_slice %arg12[%dma_wait3A_142, %dma_wait3A_143] : memref<10000x128xf32, #tpu.memory_space<vmem_shared>> -> memref<10000x128xf32, #tpu.memory_space<vmem_shared>>
        tpu.wait_indirect_dma semaphore(%arg17 : memref<!tpu.dma_semaphore, #tpu.memory_space<semaphore_mem>>) src(%arg10 : memref<128x128xf32, #tpu.memory_space<vmem>>) dst(%dma_wait3A_144 : memref<10000x128xf32, #tpu.memory_space<vmem_shared>>)
      } else {
      }
      %add3A_129 = arith.constant 3 : i32
      %add3A_130 = arith.addi %add3A_109, %add3A_129 : i32
      %sub3A_131 = arith.constant 1 : i32
      %sub3A_132 = arith.subi %add3A_130, %sub3A_131 : i32
      %lt3A_133 = arith.constant 78 : i32
      %lt3A_134 = arith.cmpi slt, %sub3A_132, %lt3A_133 : i32
      %convert_element_type3A_135 = arith.extui %lt3A_134 : i1 to i32
      %cond3A_136 = arith.constant 0 : i32
      %cond3A_137 = arith.cmpi ne, %convert_element_type3A_135, %cond3A_136 : i32
      scf.if %cond3A_137 {
        %add3A_138 = arith.constant 3 : i32
        %add3A_139 = arith.addi %add3A_109, %add3A_138 : i32
        %sub3A_140 = arith.constant 1 : i32
        %sub3A_141 = arith.subi %add3A_139, %sub3A_140 : i32
        %mul3A_142 = arith.constant 32 : i32
        %mul3A_143 = arith.muli %sub3A_141, %mul3A_142 : i32
        %add3A_144 = arith.addi %add3A, %mul3A_143 : i32
        "tpu.region"() ({
          %run_scoped3A = tpu.sem_alloc : memref<!tpu.dma_semaphore, #tpu.memory_space<semaphore_mem>>
          %dma_start3A_152 = arith.constant 0 : i32
          %dma_start3A_153 = arith.constant 0 : i32
          %dma_start3A_154 = tpu.memref_slice %arg3[%add3A_144, %dma_start3A_152, %dma_start3A_153] : memref<2500x2x128xi32, #tpu.memory_space<hbm>> -> memref<1x2x128xi32, #tpu.memory_space<hbm>>
          %dma_start3A_155 = tpu.memref_squeeze %dma_start3A_154 : memref<1x2x128xi32, #tpu.memory_space<hbm>> -> memref<2x128xi32, #tpu.memory_space<hbm>>
          %dma_start3A_156 = arith.constant 0 : i32
          %dma_start3A_157 = arith.constant 0 : i32
          %dma_start3A_158 = tpu.memref_slice %arg3[%add3A_144, %dma_start3A_156, %dma_start3A_157] : memref<2500x2x128xi32, #tpu.memory_space<hbm>> -> memref<1x2x128xi32, #tpu.memory_space<hbm>>
          %dma_start3A_159 = tpu.memref_squeeze %dma_start3A_158 : memref<1x2x128xi32, #tpu.memory_space<hbm>> -> memref<2x128xi32, #tpu.memory_space<hbm>>
          tpu.enqueue_dma source(%dma_start3A_159 : memref<2x128xi32, #tpu.memory_space<hbm>>) target(%arg7 : memref<2x128xi32, #tpu.memory_space<vmem>>) target_semaphore(%run_scoped3A : memref<!tpu.dma_semaphore, #tpu.memory_space<semaphore_mem>>)
          %dma_wait3A_160 = arith.constant 0 : i32
          %dma_wait3A_161 = arith.constant 0 : i32
          %dma_wait3A_162 = tpu.memref_slice %arg3[%add3A_144, %dma_wait3A_160, %dma_wait3A_161] : memref<2500x2x128xi32, #tpu.memory_space<hbm>> -> memref<1x2x128xi32, #tpu.memory_space<hbm>>
          %dma_wait3A_163 = tpu.memref_squeeze %dma_wait3A_162 : memref<1x2x128xi32, #tpu.memory_space<hbm>> -> memref<2x128xi32, #tpu.memory_space<hbm>>
          %dma_wait3A_164 = arith.constant 0 : i32
          %dma_wait3A_165 = arith.constant 0 : i32
          %dma_wait3A_166 = tpu.memref_slice %arg3[%add3A_144, %dma_wait3A_164, %dma_wait3A_165] : memref<2500x2x128xi32, #tpu.memory_space<hbm>> -> memref<1x2x128xi32, #tpu.memory_space<hbm>>
          %dma_wait3A_167 = tpu.memref_squeeze %dma_wait3A_166 : memref<1x2x128xi32, #tpu.memory_space<hbm>> -> memref<2x128xi32, #tpu.memory_space<hbm>>
          tpu.wait_dma2 semaphore(%run_scoped3A : memref<!tpu.dma_semaphore, #tpu.memory_space<semaphore_mem>>) src(%dma_wait3A_167 : memref<2x128xi32, #tpu.memory_space<hbm>>) dst(%arg7 : memref<2x128xi32, #tpu.memory_space<vmem>>)
          tpu.yield
        }) : () -> ()
        %dma_start3A_145 = arith.constant 0 : i32
        %dma_start3A_146 = arith.constant 0 : i32
        %dma_start3A_147 = tpu.memref_slice %arg7[%dma_start3A_145, %dma_start3A_146] : memref<2x128xi32, #tpu.memory_space<vmem>> -> memref<1x128xi32, #tpu.memory_space<vmem>>
        %dma_start3A_148 = tpu.memref_squeeze %dma_start3A_147 : memref<1x128xi32, #tpu.memory_space<vmem>> -> memref<128xi32, #tpu.memory_space<vmem>>
        %dma_start3A_149 = arith.constant 0 : i32
        %dma_start3A_150 = arith.constant 0 : i32
        %dma_start3A_151 = tpu.memref_slice %arg2[%dma_start3A_149, %dma_start3A_150] : memref<10000x128xf32, #tpu.memory_space<hbm>> -> memref<10000x128xf32, #tpu.memory_space<hbm>>
        tpu.enqueue_indirect_dma source(%dma_start3A_151 : memref<10000x128xf32, #tpu.memory_space<hbm>>) target(%arg10 : memref<128x128xf32, #tpu.memory_space<vmem>>) offsets(%dma_start3A_148 : memref<128xi32, #tpu.memory_space<vmem>>) semaphore(%arg14 : memref<!tpu.dma_semaphore, #tpu.memory_space<semaphore_mem>>)
      } else {
      }
    }
    %scan3A_26 = arith.constant 26 : i32
    %dma_wait3A = arith.constant 1 : i32
    %dma_wait3A_27 = arith.constant 0 : i32
    %dma_wait3A_28 = tpu.memref_slice %arg8[%dma_wait3A, %dma_wait3A_27] : memref<2x128xi32, #tpu.memory_space<vmem>> -> memref<1x128xi32, #tpu.memory_space<vmem>>
    %dma_wait3A_29 = tpu.memref_squeeze %dma_wait3A_28 : memref<1x128xi32, #tpu.memory_space<vmem>> -> memref<128xi32, #tpu.memory_space<vmem>>
    %dma_wait3A_30 = arith.constant 0 : i32
    %dma_wait3A_31 = arith.constant 0 : i32
    %dma_wait3A_32 = tpu.memref_slice %arg12[%dma_wait3A_30, %dma_wait3A_31] : memref<10000x128xf32, #tpu.memory_space<vmem_shared>> -> memref<10000x128xf32, #tpu.memory_space<vmem_shared>>
    tpu.wait_indirect_dma semaphore(%arg18 : memref<!tpu.dma_semaphore, #tpu.memory_space<semaphore_mem>>) src(%arg11 : memref<128x128xf32, #tpu.memory_space<vmem>>) dst(%dma_wait3A_32 : memref<10000x128xf32, #tpu.memory_space<vmem_shared>>)
    %lt3A = arith.constant 4 : i32
    %lt3A_33 = arith.cmpi slt, %add3A, %lt3A : i32
    %convert_element_type3A_34 = arith.extui %lt3A_33 : i1 to i32
    %cond3A_35 = arith.constant 0 : i32
    %cond3A_36 = arith.cmpi ne, %convert_element_type3A_34, %cond3A_35 : i32
    scf.if %cond3A_36 {
      %add3A_43 = arith.constant 2496 : i32
      %add3A_44 = arith.addi %add3A_43, %add3A : i32
      "tpu.region"() ({
        %run_scoped3A_59 = tpu.sem_alloc : memref<!tpu.dma_semaphore, #tpu.memory_space<semaphore_mem>>
        %dma_start3A_60 = arith.constant 0 : i32
        %dma_start3A_61 = arith.constant 0 : i32
        %dma_start3A_62 = tpu.memref_slice %arg3[%add3A_44, %dma_start3A_60, %dma_start3A_61] : memref<2500x2x128xi32, #tpu.memory_space<hbm>> -> memref<1x2x128xi32, #tpu.memory_space<hbm>>
        %dma_start3A_63 = tpu.memref_squeeze %dma_start3A_62 : memref<1x2x128xi32, #tpu.memory_space<hbm>> -> memref<2x128xi32, #tpu.memory_space<hbm>>
        %dma_start3A_64 = arith.constant 0 : i32
        %dma_start3A_65 = arith.constant 0 : i32
        %dma_start3A_66 = tpu.memref_slice %arg3[%add3A_44, %dma_start3A_64, %dma_start3A_65] : memref<2500x2x128xi32, #tpu.memory_space<hbm>> -> memref<1x2x128xi32, #tpu.memory_space<hbm>>
        %dma_start3A_67 = tpu.memref_squeeze %dma_start3A_66 : memref<1x2x128xi32, #tpu.memory_space<hbm>> -> memref<2x128xi32, #tpu.memory_space<hbm>>
        tpu.enqueue_dma source(%dma_start3A_67 : memref<2x128xi32, #tpu.memory_space<hbm>>) target(%arg6 : memref<2x128xi32, #tpu.memory_space<vmem>>) target_semaphore(%run_scoped3A_59 : memref<!tpu.dma_semaphore, #tpu.memory_space<semaphore_mem>>)
        %dma_wait3A_68 = arith.constant 0 : i32
        %dma_wait3A_69 = arith.constant 0 : i32
        %dma_wait3A_70 = tpu.memref_slice %arg3[%add3A_44, %dma_wait3A_68, %dma_wait3A_69] : memref<2500x2x128xi32, #tpu.memory_space<hbm>> -> memref<1x2x128xi32, #tpu.memory_space<hbm>>
        %dma_wait3A_71 = tpu.memref_squeeze %dma_wait3A_70 : memref<1x2x128xi32, #tpu.memory_space<hbm>> -> memref<2x128xi32, #tpu.memory_space<hbm>>
        %dma_wait3A_72 = arith.constant 0 : i32
        %dma_wait3A_73 = arith.constant 0 : i32
        %dma_wait3A_74 = tpu.memref_slice %arg3[%add3A_44, %dma_wait3A_72, %dma_wait3A_73] : memref<2500x2x128xi32, #tpu.memory_space<hbm>> -> memref<1x2x128xi32, #tpu.memory_space<hbm>>
        %dma_wait3A_75 = tpu.memref_squeeze %dma_wait3A_74 : memref<1x2x128xi32, #tpu.memory_space<hbm>> -> memref<2x128xi32, #tpu.memory_space<hbm>>
        tpu.wait_dma2 semaphore(%run_scoped3A_59 : memref<!tpu.dma_semaphore, #tpu.memory_space<semaphore_mem>>) src(%dma_wait3A_75 : memref<2x128xi32, #tpu.memory_space<hbm>>) dst(%arg6 : memref<2x128xi32, #tpu.memory_space<vmem>>)
        tpu.yield
      }) : () -> ()
      %dma_start3A_45 = arith.constant 0 : i32
      %dma_start3A_46 = arith.constant 0 : i32
      %dma_start3A_47 = tpu.memref_slice %arg6[%dma_start3A_45, %dma_start3A_46] : memref<2x128xi32, #tpu.memory_space<vmem>> -> memref<1x128xi32, #tpu.memory_space<vmem>>
      %dma_start3A_48 = tpu.memref_squeeze %dma_start3A_47 : memref<1x128xi32, #tpu.memory_space<vmem>> -> memref<128xi32, #tpu.memory_space<vmem>>
      %dma_start3A_49 = arith.constant 0 : i32
      %dma_start3A_50 = arith.constant 0 : i32
      %dma_start3A_51 = tpu.memref_slice %arg2[%dma_start3A_49, %dma_start3A_50] : memref<10000x128xf32, #tpu.memory_space<hbm>> -> memref<10000x128xf32, #tpu.memory_space<hbm>>
      tpu.enqueue_indirect_dma source(%dma_start3A_51 : memref<10000x128xf32, #tpu.memory_space<hbm>>) target(%arg9 : memref<128x128xf32, #tpu.memory_space<vmem>>) offsets(%dma_start3A_48 : memref<128xi32, #tpu.memory_space<vmem>>) semaphore(%arg13 : memref<!tpu.dma_semaphore, #tpu.memory_space<semaphore_mem>>)
      %dma_wait3A_52 = arith.constant 0 : i32
      %dma_wait3A_53 = arith.constant 0 : i32
      %dma_wait3A_54 = tpu.memref_slice %arg6[%dma_wait3A_52, %dma_wait3A_53] : memref<2x128xi32, #tpu.memory_space<vmem>> -> memref<1x128xi32, #tpu.memory_space<vmem>>
      %dma_wait3A_55 = tpu.memref_squeeze %dma_wait3A_54 : memref<1x128xi32, #tpu.memory_space<vmem>> -> memref<128xi32, #tpu.memory_space<vmem>>
      %dma_wait3A_56 = arith.constant 0 : i32
      %dma_wait3A_57 = arith.constant 0 : i32
      %dma_wait3A_58 = tpu.memref_slice %arg2[%dma_wait3A_56, %dma_wait3A_57] : memref<10000x128xf32, #tpu.memory_space<hbm>> -> memref<10000x128xf32, #tpu.memory_space<hbm>>
      tpu.wait_indirect_dma semaphore(%arg13 : memref<!tpu.dma_semaphore, #tpu.memory_space<semaphore_mem>>) src(%dma_wait3A_58 : memref<10000x128xf32, #tpu.memory_space<hbm>>) dst(%arg9 : memref<128x128xf32, #tpu.memory_space<vmem>>)
      %run_scoped3A = arith.constant 1 : i32
      "tpu.region"() ({
        %run_scoped3A_59 = tpu.sem_alloc : memref<!tpu.dma_semaphore, #tpu.memory_space<semaphore_mem>>
        %dma_start3A_60 = arith.constant 0 : i32
        %dma_start3A_61 = tpu.memref_slice %arg6[%run_scoped3A, %dma_start3A_60] : memref<2x128xi32, #tpu.memory_space<vmem>> -> memref<1x128xi32, #tpu.memory_space<vmem>>
        %dma_start3A_62 = tpu.memref_squeeze %dma_start3A_61 : memref<1x128xi32, #tpu.memory_space<vmem>> -> memref<128xi32, #tpu.memory_space<vmem>>
        %dma_start3A_63 = arith.constant 0 : i32
        %dma_start3A_64 = arith.constant 0 : i32
        %dma_start3A_65 = tpu.memref_slice %arg12[%dma_start3A_63, %dma_start3A_64] : memref<10000x128xf32, #tpu.memory_space<vmem_shared>> -> memref<10000x128xf32, #tpu.memory_space<vmem_shared>>
        tpu.enqueue_indirect_dma source(%arg9 : memref<128x128xf32, #tpu.memory_space<vmem>>) target(%dma_start3A_65 : memref<10000x128xf32, #tpu.memory_space<vmem_shared>>) offsets(%dma_start3A_62 : memref<128xi32, #tpu.memory_space<vmem>>) semaphore(%run_scoped3A_59 : memref<!tpu.dma_semaphore, #tpu.memory_space<semaphore_mem>>) {add = true}
        %dma_wait3A_66 = arith.constant 0 : i32
        %dma_wait3A_67 = tpu.memref_slice %arg6[%run_scoped3A, %dma_wait3A_66] : memref<2x128xi32, #tpu.memory_space<vmem>> -> memref<1x128xi32, #tpu.memory_space<vmem>>
        %dma_wait3A_68 = tpu.memref_squeeze %dma_wait3A_67 : memref<1x128xi32, #tpu.memory_space<vmem>> -> memref<128xi32, #tpu.memory_space<vmem>>
        %dma_wait3A_69 = arith.constant 0 : i32
        %dma_wait3A_70 = arith.constant 0 : i32
        %dma_wait3A_71 = tpu.memref_slice %arg12[%dma_wait3A_69, %dma_wait3A_70] : memref<10000x128xf32, #tpu.memory_space<vmem_shared>> -> memref<10000x128xf32, #tpu.memory_space<vmem_shared>>
        tpu.wait_indirect_dma semaphore(%run_scoped3A_59 : memref<!tpu.dma_semaphore, #tpu.memory_space<semaphore_mem>>) src(%arg9 : memref<128x128xf32, #tpu.memory_space<vmem>>) dst(%dma_wait3A_71 : memref<10000x128xf32, #tpu.memory_space<vmem_shared>>)
        tpu.yield
      }) : () -> ()
    } else {
    }
    %barrier3A_37 = arith.constant 0 : index
    tpu.barrier barrier_id(%barrier3A_37)
    "tpu.region"() ({
      %run_scoped3A = tpu.sem_alloc : memref<!tpu.dma_semaphore, #tpu.memory_space<semaphore_mem>>
      %dma_start3A_43 = arith.constant 0 : i32
      %dma_start3A_44 = tpu.memref_slice %arg5[%arg0, %mul3A_2, %dma_start3A_43] : memref<2x10000x128xf32, #tpu.memory_space<hbm>> -> memref<1x624x128xf32, #tpu.memory_space<hbm>>
      %dma_start3A_45 = tpu.memref_squeeze %dma_start3A_44 : memref<1x624x128xf32, #tpu.memory_space<hbm>> -> memref<624x128xf32, #tpu.memory_space<hbm>>
      %dma_start3A_46 = arith.constant 0 : i32
      %dma_start3A_47 = tpu.memref_slice %arg12[%mul3A_2, %dma_start3A_46] : memref<10000x128xf32, #tpu.memory_space<vmem_shared>> -> memref<624x128xf32, #tpu.memory_space<vmem_shared>>
      tpu.enqueue_dma source(%dma_start3A_47 : memref<624x128xf32, #tpu.memory_space<vmem_shared>>) target(%dma_start3A_45 : memref<624x128xf32, #tpu.memory_space<hbm>>) target_semaphore(%run_scoped3A : memref<!tpu.dma_semaphore, #tpu.memory_space<semaphore_mem>>)
      %dma_wait3A_48 = arith.constant 0 : i32
      %dma_wait3A_49 = tpu.memref_slice %arg5[%arg0, %mul3A_2, %dma_wait3A_48] : memref<2x10000x128xf32, #tpu.memory_space<hbm>> -> memref<1x624x128xf32, #tpu.memory_space<hbm>>
      %dma_wait3A_50 = tpu.memref_squeeze %dma_wait3A_49 : memref<1x624x128xf32, #tpu.memory_space<hbm>> -> memref<624x128xf32, #tpu.memory_space<hbm>>
      %dma_wait3A_51 = arith.constant 0 : i32
      %dma_wait3A_52 = tpu.memref_slice %arg12[%mul3A_2, %dma_wait3A_51] : memref<10000x128xf32, #tpu.memory_space<vmem_shared>> -> memref<624x128xf32, #tpu.memory_space<vmem_shared>>
      tpu.wait_dma2 semaphore(%run_scoped3A : memref<!tpu.dma_semaphore, #tpu.memory_space<semaphore_mem>>) src(%dma_wait3A_52 : memref<624x128xf32, #tpu.memory_space<vmem_shared>>) dst(%dma_wait3A_50 : memref<624x128xf32, #tpu.memory_space<hbm>>)
      tpu.yield
    }) : () -> ()
    %eq3A_38 = arith.constant 15 : i32
    %eq3A_39 = arith.cmpi eq, %arg1, %eq3A_38 : i32
    %convert_element_type3A_40 = arith.extui %eq3A_39 : i1 to i32
    %cond3A_41 = arith.constant 0 : i32
    %cond3A_42 = arith.cmpi ne, %convert_element_type3A_40, %cond3A_41 : i32
    scf.if %cond3A_42 {
      "tpu.region"() ({
        %run_scoped3A = tpu.sem_alloc : memref<!tpu.dma_semaphore, #tpu.memory_space<semaphore_mem>>
        %dma_start3A_43 = arith.constant 9984 : i32
        %dma_start3A_44 = arith.constant 0 : i32
        %dma_start3A_45 = tpu.memref_slice %arg5[%arg0, %dma_start3A_43, %dma_start3A_44] : memref<2x10000x128xf32, #tpu.memory_space<hbm>> -> memref<1x16x128xf32, #tpu.memory_space<hbm>>
        %dma_start3A_46 = tpu.memref_squeeze %dma_start3A_45 : memref<1x16x128xf32, #tpu.memory_space<hbm>> -> memref<16x128xf32, #tpu.memory_space<hbm>>
        %dma_start3A_47 = arith.constant 9984 : i32
        %dma_start3A_48 = arith.constant 0 : i32
        %dma_start3A_49 = tpu.memref_slice %arg12[%dma_start3A_47, %dma_start3A_48] : memref<10000x128xf32, #tpu.memory_space<vmem_shared>> -> memref<16x128xf32, #tpu.memory_space<vmem_shared>>
        tpu.enqueue_dma source(%dma_start3A_49 : memref<16x128xf32, #tpu.memory_space<vmem_shared>>) target(%dma_start3A_46 : memref<16x128xf32, #tpu.memory_space<hbm>>) target_semaphore(%run_scoped3A : memref<!tpu.dma_semaphore, #tpu.memory_space<semaphore_mem>>)
        %dma_wait3A_50 = arith.constant 9984 : i32
        %dma_wait3A_51 = arith.constant 0 : i32
        %dma_wait3A_52 = tpu.memref_slice %arg5[%arg0, %dma_wait3A_50, %dma_wait3A_51] : memref<2x10000x128xf32, #tpu.memory_space<hbm>> -> memref<1x16x128xf32, #tpu.memory_space<hbm>>
        %dma_wait3A_53 = tpu.memref_squeeze %dma_wait3A_52 : memref<1x16x128xf32, #tpu.memory_space<hbm>> -> memref<16x128xf32, #tpu.memory_space<hbm>>
        %dma_wait3A_54 = arith.constant 9984 : i32
        %dma_wait3A_55 = arith.constant 0 : i32
        %dma_wait3A_56 = tpu.memref_slice %arg12[%dma_wait3A_54, %dma_wait3A_55] : memref<10000x128xf32, #tpu.memory_space<vmem_shared>> -> memref<16x128xf32, #tpu.memory_space<vmem_shared>>
        tpu.wait_dma2 semaphore(%run_scoped3A : memref<!tpu.dma_semaphore, #tpu.memory_space<semaphore_mem>>) src(%dma_wait3A_56 : memref<16x128xf32, #tpu.memory_space<vmem_shared>>) dst(%dma_wait3A_53 : memref<16x128xf32, #tpu.memory_space<hbm>>)
        tpu.yield
      }) : () -> ()
    } else {
    }
    return
  }
}

#map = affine_map<(d0, d1) -> (0, 0)>
#map1 = affine_map<(d0, d1) -> (0, 0, 0)>
module attributes {stable_mosaic.version = 14 : i64} {
  func.func @prop(%arg0: i32, %arg1: i32, %arg2: memref<10000x128xf32, #tpu.memory_space<hbm>>, %arg3: memref<2500x2x128xi32, #tpu.memory_space<hbm>>, %arg4: memref<10000x128xf32, #tpu.memory_space<hbm>>, %arg5: memref<2x10000x128xf32, #tpu.memory_space<hbm>>, %arg6: memref<2x128xi32, #tpu.memory_space<vmem>>, %arg7: memref<2x128xi32, #tpu.memory_space<vmem>>, %arg8: memref<2x128xi32, #tpu.memory_space<vmem>>, %arg9: memref<128x128xf32, #tpu.memory_space<vmem>>, %arg10: memref<128x128xf32, #tpu.memory_space<vmem>>, %arg11: memref<128x128xf32, #tpu.memory_space<vmem>>, %arg12: memref<10000x128xf32, #tpu.memory_space<vmem_shared>>, %arg13: memref<!tpu.dma_semaphore, #tpu.memory_space<semaphore_mem>>, %arg14: memref<!tpu.dma_semaphore, #tpu.memory_space<semaphore_mem>>, %arg15: memref<!tpu.dma_semaphore, #tpu.memory_space<semaphore_mem>>, %arg16: memref<!tpu.dma_semaphore, #tpu.memory_space<semaphore_mem>>, %arg17: memref<!tpu.dma_semaphore, #tpu.memory_space<semaphore_mem>>, %arg18: memref<!tpu.dma_semaphore, #tpu.memory_space<semaphore_mem>>) attributes {dimension_semantics = [#tpu.dimension_semantics<core_parallel>, #tpu.dimension_semantics<subcore_parallel>], iteration_bounds = array<i64: 2, 16>, scalar_prefetch = 0 : i64, scratch_operands = 13 : i64, tpu.core_type = #tpu.core_type<sc_vector_subcore>, window_params = [{transform_indices = #map}, {transform_indices = #map1}, {transform_indices = #map}, {transform_indices = #map1}]} {
    %mul3A = arith.constant 2 : i32
    %mul3A_0 = arith.muli %arg1, %mul3A : i32
    %add3A = arith.addi %mul3A_0, %arg0 : i32
    %mul3A_1 = arith.constant 624 : i32
    %mul3A_2 = arith.muli %arg1, %mul3A_1 : i32
    "tpu.region"() ({
      %run_scoped3A = tpu.sem_alloc : memref<!tpu.dma_semaphore, #tpu.memory_space<semaphore_mem>>
      %dma_start3A_43 = arith.constant 0 : i32
      %dma_start3A_44 = tpu.memref_slice %arg12[%mul3A_2, %dma_start3A_43] : memref<10000x128xf32, #tpu.memory_space<vmem_shared>> -> memref<624x128xf32, #tpu.memory_space<vmem_shared>>
      %dma_start3A_45 = arith.constant 0 : i32
      %dma_start3A_46 = tpu.memref_slice %arg4[%mul3A_2, %dma_start3A_45] : memref<10000x128xf32, #tpu.memory_space<hbm>> -> memref<624x128xf32, #tpu.memory_space<hbm>>
      tpu.enqueue_dma source(%dma_start3A_46 : memref<624x128xf32, #tpu.memory_space<hbm>>) target(%dma_start3A_44 : memref<624x128xf32, #tpu.memory_space<vmem_shared>>) target_semaphore(%run_scoped3A : memref<!tpu.dma_semaphore, #tpu.memory_space<semaphore_mem>>)
      %dma_wait3A_47 = arith.constant 0 : i32
      %dma_wait3A_48 = tpu.memref_slice %arg12[%mul3A_2, %dma_wait3A_47] : memref<10000x128xf32, #tpu.memory_space<vmem_shared>> -> memref<624x128xf32, #tpu.memory_space<vmem_shared>>
      %dma_wait3A_49 = arith.constant 0 : i32
      %dma_wait3A_50 = tpu.memref_slice %arg4[%mul3A_2, %dma_wait3A_49] : memref<10000x128xf32, #tpu.memory_space<hbm>> -> memref<624x128xf32, #tpu.memory_space<hbm>>
      tpu.wait_dma2 semaphore(%run_scoped3A : memref<!tpu.dma_semaphore, #tpu.memory_space<semaphore_mem>>) src(%dma_wait3A_50 : memref<624x128xf32, #tpu.memory_space<hbm>>) dst(%dma_wait3A_48 : memref<624x128xf32, #tpu.memory_space<vmem_shared>>)
      tpu.yield
    }) : () -> ()
    %eq3A = arith.constant 15 : i32
    %eq3A_3 = arith.cmpi eq, %arg1, %eq3A : i32
    %convert_element_type3A = arith.extui %eq3A_3 : i1 to i32
    %cond3A = arith.constant 0 : i32
    %cond3A_4 = arith.cmpi ne, %convert_element_type3A, %cond3A : i32
    scf.if %cond3A_4 {
      "tpu.region"() ({
        %run_scoped3A = tpu.sem_alloc : memref<!tpu.dma_semaphore, #tpu.memory_space<semaphore_mem>>
        %dma_start3A_43 = arith.constant 9984 : i32
        %dma_start3A_44 = arith.constant 0 : i32
        %dma_start3A_45 = tpu.memref_slice %arg12[%dma_start3A_43, %dma_start3A_44] : memref<10000x128xf32, #tpu.memory_space<vmem_shared>> -> memref<16x128xf32, #tpu.memory_space<vmem_shared>>
        %dma_start3A_46 = arith.constant 9984 : i32
        %dma_start3A_47 = arith.constant 0 : i32
        %dma_start3A_48 = tpu.memref_slice %arg4[%dma_start3A_46, %dma_start3A_47] : memref<10000x128xf32, #tpu.memory_space<hbm>> -> memref<16x128xf32, #tpu.memory_space<hbm>>
        tpu.enqueue_dma source(%dma_start3A_48 : memref<16x128xf32, #tpu.memory_space<hbm>>) target(%dma_start3A_45 : memref<16x128xf32, #tpu.memory_space<vmem_shared>>) target_semaphore(%run_scoped3A : memref<!tpu.dma_semaphore, #tpu.memory_space<semaphore_mem>>)
        %dma_wait3A_49 = arith.constant 9984 : i32
        %dma_wait3A_50 = arith.constant 0 : i32
        %dma_wait3A_51 = tpu.memref_slice %arg12[%dma_wait3A_49, %dma_wait3A_50] : memref<10000x128xf32, #tpu.memory_space<vmem_shared>> -> memref<16x128xf32, #tpu.memory_space<vmem_shared>>
        %dma_wait3A_52 = arith.constant 9984 : i32
        %dma_wait3A_53 = arith.constant 0 : i32
        %dma_wait3A_54 = tpu.memref_slice %arg4[%dma_wait3A_52, %dma_wait3A_53] : memref<10000x128xf32, #tpu.memory_space<hbm>> -> memref<16x128xf32, #tpu.memory_space<hbm>>
        tpu.wait_dma2 semaphore(%run_scoped3A : memref<!tpu.dma_semaphore, #tpu.memory_space<semaphore_mem>>) src(%dma_wait3A_54 : memref<16x128xf32, #tpu.memory_space<hbm>>) dst(%dma_wait3A_51 : memref<16x128xf32, #tpu.memory_space<vmem_shared>>)
        tpu.yield
      }) : () -> ()
    } else {
    }
    %barrier3A = arith.constant 0 : index
    tpu.barrier barrier_id(%barrier3A)
    %add3A_5 = arith.constant 0 : i32
    %add3A_6 = arith.addi %add3A, %add3A_5 : i32
    "tpu.region"() ({
      %run_scoped3A = tpu.sem_alloc : memref<!tpu.dma_semaphore, #tpu.memory_space<semaphore_mem>>
      %dma_start3A_43 = arith.constant 0 : i32
      %dma_start3A_44 = arith.constant 0 : i32
      %dma_start3A_45 = tpu.memref_slice %arg3[%add3A_6, %dma_start3A_43, %dma_start3A_44] : memref<2500x2x128xi32, #tpu.memory_space<hbm>> -> memref<1x2x128xi32, #tpu.memory_space<hbm>>
      %dma_start3A_46 = tpu.memref_squeeze %dma_start3A_45 : memref<1x2x128xi32, #tpu.memory_space<hbm>> -> memref<2x128xi32, #tpu.memory_space<hbm>>
      %dma_start3A_47 = arith.constant 0 : i32
      %dma_start3A_48 = arith.constant 0 : i32
      %dma_start3A_49 = tpu.memref_slice %arg3[%add3A_6, %dma_start3A_47, %dma_start3A_48] : memref<2500x2x128xi32, #tpu.memory_space<hbm>> -> memref<1x2x128xi32, #tpu.memory_space<hbm>>
      %dma_start3A_50 = tpu.memref_squeeze %dma_start3A_49 : memref<1x2x128xi32, #tpu.memory_space<hbm>> -> memref<2x128xi32, #tpu.memory_space<hbm>>
      tpu.enqueue_dma source(%dma_start3A_50 : memref<2x128xi32, #tpu.memory_space<hbm>>) target(%arg6 : memref<2x128xi32, #tpu.memory_space<vmem>>) target_semaphore(%run_scoped3A : memref<!tpu.dma_semaphore, #tpu.memory_space<semaphore_mem>>)
      %dma_wait3A_51 = arith.constant 0 : i32
      %dma_wait3A_52 = arith.constant 0 : i32
      %dma_wait3A_53 = tpu.memref_slice %arg3[%add3A_6, %dma_wait3A_51, %dma_wait3A_52] : memref<2500x2x128xi32, #tpu.memory_space<hbm>> -> memref<1x2x128xi32, #tpu.memory_space<hbm>>
      %dma_wait3A_54 = tpu.memref_squeeze %dma_wait3A_53 : memref<1x2x128xi32, #tpu.memory_space<hbm>> -> memref<2x128xi32, #tpu.memory_space<hbm>>
      %dma_wait3A_55 = arith.constant 0 : i32
      %dma_wait3A_56 = arith.constant 0 : i32
      %dma_wait3A_57 = tpu.memref_slice %arg3[%add3A_6, %dma_wait3A_55, %dma_wait3A_56] : memref<2500x2x128xi32, #tpu.memory_space<hbm>> -> memref<1x2x128xi32, #tpu.memory_space<hbm>>
      %dma_wait3A_58 = tpu.memref_squeeze %dma_wait3A_57 : memref<1x2x128xi32, #tpu.memory_space<hbm>> -> memref<2x128xi32, #tpu.memory_space<hbm>>
      tpu.wait_dma2 semaphore(%run_scoped3A : memref<!tpu.dma_semaphore, #tpu.memory_space<semaphore_mem>>) src(%dma_wait3A_58 : memref<2x128xi32, #tpu.memory_space<hbm>>) dst(%arg6 : memref<2x128xi32, #tpu.memory_space<vmem>>)
      tpu.yield
    }) : () -> ()
    %dma_start3A = arith.constant 0 : i32
    %dma_start3A_7 = arith.constant 0 : i32
    %dma_start3A_8 = tpu.memref_slice %arg6[%dma_start3A, %dma_start3A_7] : memref<2x128xi32, #tpu.memory_space<vmem>> -> memref<1x128xi32, #tpu.memory_space<vmem>>
    %dma_start3A_9 = tpu.memref_squeeze %dma_start3A_8 : memref<1x128xi32, #tpu.memory_space<vmem>> -> memref<128xi32, #tpu.memory_space<vmem>>
    %dma_start3A_10 = arith.constant 0 : i32
    %dma_start3A_11 = arith.constant 0 : i32
    %dma_start3A_12 = tpu.memref_slice %arg2[%dma_start3A_10, %dma_start3A_11] : memref<10000x128xf32, #tpu.memory_space<hbm>> -> memref<10000x128xf32, #tpu.memory_space<hbm>>
    tpu.enqueue_indirect_dma source(%dma_start3A_12 : memref<10000x128xf32, #tpu.memory_space<hbm>>) target(%arg9 : memref<128x128xf32, #tpu.memory_space<vmem>>) offsets(%dma_start3A_9 : memref<128xi32, #tpu.memory_space<vmem>>) semaphore(%arg13 : memref<!tpu.dma_semaphore, #tpu.memory_space<semaphore_mem>>)
    %add3A_13 = arith.constant 32 : i32
    %add3A_14 = arith.addi %add3A, %add3A_13 : i32
    "tpu.region"() ({
      %run_scoped3A = tpu.sem_alloc : memref<!tpu.dma_semaphore, #tpu.memory_space<semaphore_mem>>
      %dma_start3A_43 = arith.constant 0 : i32
      %dma_start3A_44 = arith.constant 0 : i32
      %dma_start3A_45 = tpu.memref_slice %arg3[%add3A_14, %dma_start3A_43, %dma_start3A_44] : memref<2500x2x128xi32, #tpu.memory_space<hbm>> -> memref<1x2x128xi32, #tpu.memory_space<hbm>>
      %dma_start3A_46 = tpu.memref_squeeze %dma_start3A_45 : memref<1x2x128xi32, #tpu.memory_space<hbm>> -> memref<2x128xi32, #tpu.memory_space<hbm>>
      %dma_start3A_47 = arith.constant 0 : i32
      %dma_start3A_48 = arith.constant 0 : i32
      %dma_start3A_49 = tpu.memref_slice %arg3[%add3A_14, %dma_start3A_47, %dma_start3A_48] : memref<2500x2x128xi32, #tpu.memory_space<hbm>> -> memref<1x2x128xi32, #tpu.memory_space<hbm>>
      %dma_start3A_50 = tpu.memref_squeeze %dma_start3A_49 : memref<1x2x128xi32, #tpu.memory_space<hbm>> -> memref<2x128xi32, #tpu.memory_space<hbm>>
      tpu.enqueue_dma source(%dma_start3A_50 : memref<2x128xi32, #tpu.memory_space<hbm>>) target(%arg7 : memref<2x128xi32, #tpu.memory_space<vmem>>) target_semaphore(%run_scoped3A : memref<!tpu.dma_semaphore, #tpu.memory_space<semaphore_mem>>)
      %dma_wait3A_51 = arith.constant 0 : i32
      %dma_wait3A_52 = arith.constant 0 : i32
      %dma_wait3A_53 = tpu.memref_slice %arg3[%add3A_14, %dma_wait3A_51, %dma_wait3A_52] : memref<2500x2x128xi32, #tpu.memory_space<hbm>> -> memref<1x2x128xi32, #tpu.memory_space<hbm>>
      %dma_wait3A_54 = tpu.memref_squeeze %dma_wait3A_53 : memref<1x2x128xi32, #tpu.memory_space<hbm>> -> memref<2x128xi32, #tpu.memory_space<hbm>>
      %dma_wait3A_55 = arith.constant 0 : i32
      %dma_wait3A_56 = arith.constant 0 : i32
      %dma_wait3A_57 = tpu.memref_slice %arg3[%add3A_14, %dma_wait3A_55, %dma_wait3A_56] : memref<2500x2x128xi32, #tpu.memory_space<hbm>> -> memref<1x2x128xi32, #tpu.memory_space<hbm>>
      %dma_wait3A_58 = tpu.memref_squeeze %dma_wait3A_57 : memref<1x2x128xi32, #tpu.memory_space<hbm>> -> memref<2x128xi32, #tpu.memory_space<hbm>>
      tpu.wait_dma2 semaphore(%run_scoped3A : memref<!tpu.dma_semaphore, #tpu.memory_space<semaphore_mem>>) src(%dma_wait3A_58 : memref<2x128xi32, #tpu.memory_space<hbm>>) dst(%arg7 : memref<2x128xi32, #tpu.memory_space<vmem>>)
      tpu.yield
    }) : () -> ()
    %dma_start3A_15 = arith.constant 0 : i32
    %dma_start3A_16 = arith.constant 0 : i32
    %dma_start3A_17 = tpu.memref_slice %arg7[%dma_start3A_15, %dma_start3A_16] : memref<2x128xi32, #tpu.memory_space<vmem>> -> memref<1x128xi32, #tpu.memory_space<vmem>>
    %dma_start3A_18 = tpu.memref_squeeze %dma_start3A_17 : memref<1x128xi32, #tpu.memory_space<vmem>> -> memref<128xi32, #tpu.memory_space<vmem>>
    %dma_start3A_19 = arith.constant 0 : i32
    %dma_start3A_20 = arith.constant 0 : i32
    %dma_start3A_21 = tpu.memref_slice %arg2[%dma_start3A_19, %dma_start3A_20] : memref<10000x128xf32, #tpu.memory_space<hbm>> -> memref<10000x128xf32, #tpu.memory_space<hbm>>
    tpu.enqueue_indirect_dma source(%dma_start3A_21 : memref<10000x128xf32, #tpu.memory_space<hbm>>) target(%arg10 : memref<128x128xf32, #tpu.memory_space<vmem>>) offsets(%dma_start3A_18 : memref<128xi32, #tpu.memory_space<vmem>>) semaphore(%arg14 : memref<!tpu.dma_semaphore, #tpu.memory_space<semaphore_mem>>)
    %scan3A = arith.constant 0 : i32
    %scan3A_22 = arith.constant 0 : i32
    %scan3A_23 = arith.constant 26 : i32
    %scan3A_24 = arith.addi %scan3A_22, %scan3A_23 : i32
    %scan3A_25 = arith.constant 1 : i32
    scf.for %scan3A_43 = %scan3A_22 to %scan3A_24 step %scan3A_25  : i32 {
      %mul3A_44 = arith.constant 3 : i32
      %mul3A_45 = arith.muli %mul3A_44, %scan3A_43 : i32
      %add3A_46 = arith.constant 0 : i32
      %add3A_47 = arith.addi %mul3A_45, %add3A_46 : i32
      %dma_wait3A_48 = arith.constant 0 : i32
      %dma_wait3A_49 = arith.constant 0 : i32
      %dma_wait3A_50 = tpu.memref_slice %arg6[%dma_wait3A_48, %dma_wait3A_49] : memref<2x128xi32, #tpu.memory_space<vmem>> -> memref<1x128xi32, #tpu.memory_space<vmem>>
      %dma_wait3A_51 = tpu.memref_squeeze %dma_wait3A_50 : memref<1x128xi32, #tpu.memory_space<vmem>> -> memref<128xi32, #tpu.memory_space<vmem>>
      %dma_wait3A_52 = arith.constant 0 : i32
      %dma_wait3A_53 = arith.constant 0 : i32
      %dma_wait3A_54 = tpu.memref_slice %arg2[%dma_wait3A_52, %dma_wait3A_53] : memref<10000x128xf32, #tpu.memory_space<hbm>> -> memref<10000x128xf32, #tpu.memory_space<hbm>>
      tpu.wait_indirect_dma semaphore(%arg13 : memref<!tpu.dma_semaphore, #tpu.memory_space<semaphore_mem>>) src(%dma_wait3A_54 : memref<10000x128xf32, #tpu.memory_space<hbm>>) dst(%arg9 : memref<128x128xf32, #tpu.memory_space<vmem>>)
      %dma_start3A_55 = arith.constant 1 : i32
      %dma_start3A_56 = arith.constant 0 : i32
      %dma_start3A_57 = tpu.memref_slice %arg6[%dma_start3A_55, %dma_start3A_56] : memref<2x128xi32, #tpu.memory_space<vmem>> -> memref<1x128xi32, #tpu.memory_space<vmem>>
      %dma_start3A_58 = tpu.memref_squeeze %dma_start3A_57 : memref<1x128xi32, #tpu.memory_space<vmem>> -> memref<128xi32, #tpu.memory_space<vmem>>
      %dma_start3A_59 = arith.constant 0 : i32
      %dma_start3A_60 = arith.constant 0 : i32
      %dma_start3A_61 = tpu.memref_slice %arg12[%dma_start3A_59, %dma_start3A_60] : memref<10000x128xf32, #tpu.memory_space<vmem_shared>> -> memref<10000x128xf32, #tpu.memory_space<vmem_shared>>
      tpu.enqueue_indirect_dma source(%arg9 : memref<128x128xf32, #tpu.memory_space<vmem>>) target(%dma_start3A_61 : memref<10000x128xf32, #tpu.memory_space<vmem_shared>>) offsets(%dma_start3A_58 : memref<128xi32, #tpu.memory_space<vmem>>) semaphore(%arg16 : memref<!tpu.dma_semaphore, #tpu.memory_space<semaphore_mem>>) {add = true}
      %ge3A = arith.constant 1 : i32
      %ge3A_62 = arith.cmpi sge, %add3A_47, %ge3A : i32
      %convert_element_type3A_63 = arith.extui %ge3A_62 : i1 to i32
      %cond3A_64 = arith.constant 0 : i32
      %cond3A_65 = arith.cmpi ne, %convert_element_type3A_63, %cond3A_64 : i32
      scf.if %cond3A_65 {
        %dma_wait3A_138 = arith.constant 1 : i32
        %dma_wait3A_139 = arith.constant 0 : i32
        %dma_wait3A_140 = tpu.memref_slice %arg8[%dma_wait3A_138, %dma_wait3A_139] : memref<2x128xi32, #tpu.memory_space<vmem>> -> memref<1x128xi32, #tpu.memory_space<vmem>>
        %dma_wait3A_141 = tpu.memref_squeeze %dma_wait3A_140 : memref<1x128xi32, #tpu.memory_space<vmem>> -> memref<128xi32, #tpu.memory_space<vmem>>
        %dma_wait3A_142 = arith.constant 0 : i32
        %dma_wait3A_143 = arith.constant 0 : i32
        %dma_wait3A_144 = tpu.memref_slice %arg12[%dma_wait3A_142, %dma_wait3A_143] : memref<10000x128xf32, #tpu.memory_space<vmem_shared>> -> memref<10000x128xf32, #tpu.memory_space<vmem_shared>>
        tpu.wait_indirect_dma semaphore(%arg18 : memref<!tpu.dma_semaphore, #tpu.memory_space<semaphore_mem>>) src(%arg11 : memref<128x128xf32, #tpu.memory_space<vmem>>) dst(%dma_wait3A_144 : memref<10000x128xf32, #tpu.memory_space<vmem_shared>>)
      } else {
      }
      %add3A_66 = arith.constant 3 : i32
      %add3A_67 = arith.addi %add3A_47, %add3A_66 : i32
      %sub3A = arith.constant 1 : i32
      %sub3A_68 = arith.subi %add3A_67, %sub3A : i32
      %lt3A_69 = arith.constant 78 : i32
      %lt3A_70 = arith.cmpi slt, %sub3A_68, %lt3A_69 : i32
      %convert_element_type3A_71 = arith.extui %lt3A_70 : i1 to i32
      %cond3A_72 = arith.constant 0 : i32
      %cond3A_73 = arith.cmpi ne, %convert_element_type3A_71, %cond3A_72 : i32
      scf.if %cond3A_73 {
        %add3A_138 = arith.constant 3 : i32
        %add3A_139 = arith.addi %add3A_47, %add3A_138 : i32
        %sub3A_140 = arith.constant 1 : i32
        %sub3A_141 = arith.subi %add3A_139, %sub3A_140 : i32
        %mul3A_142 = arith.constant 32 : i32
        %mul3A_143 = arith.muli %sub3A_141, %mul3A_142 : i32
        %add3A_144 = arith.addi %add3A, %mul3A_143 : i32
        "tpu.region"() ({
          %run_scoped3A = tpu.sem_alloc : memref<!tpu.dma_semaphore, #tpu.memory_space<semaphore_mem>>
          %dma_start3A_152 = arith.constant 0 : i32
          %dma_start3A_153 = arith.constant 0 : i32
          %dma_start3A_154 = tpu.memref_slice %arg3[%add3A_144, %dma_start3A_152, %dma_start3A_153] : memref<2500x2x128xi32, #tpu.memory_space<hbm>> -> memref<1x2x128xi32, #tpu.memory_space<hbm>>
          %dma_start3A_155 = tpu.memref_squeeze %dma_start3A_154 : memref<1x2x128xi32, #tpu.memory_space<hbm>> -> memref<2x128xi32, #tpu.memory_space<hbm>>
          %dma_start3A_156 = arith.constant 0 : i32
          %dma_start3A_157 = arith.constant 0 : i32
          %dma_start3A_158 = tpu.memref_slice %arg3[%add3A_144, %dma_start3A_156, %dma_start3A_157] : memref<2500x2x128xi32, #tpu.memory_space<hbm>> -> memref<1x2x128xi32, #tpu.memory_space<hbm>>
          %dma_start3A_159 = tpu.memref_squeeze %dma_start3A_158 : memref<1x2x128xi32, #tpu.memory_space<hbm>> -> memref<2x128xi32, #tpu.memory_space<hbm>>
          tpu.enqueue_dma source(%dma_start3A_159 : memref<2x128xi32, #tpu.memory_space<hbm>>) target(%arg8 : memref<2x128xi32, #tpu.memory_space<vmem>>) target_semaphore(%run_scoped3A : memref<!tpu.dma_semaphore, #tpu.memory_space<semaphore_mem>>)
          %dma_wait3A_160 = arith.constant 0 : i32
          %dma_wait3A_161 = arith.constant 0 : i32
          %dma_wait3A_162 = tpu.memref_slice %arg3[%add3A_144, %dma_wait3A_160, %dma_wait3A_161] : memref<2500x2x128xi32, #tpu.memory_space<hbm>> -> memref<1x2x128xi32, #tpu.memory_space<hbm>>
          %dma_wait3A_163 = tpu.memref_squeeze %dma_wait3A_162 : memref<1x2x128xi32, #tpu.memory_space<hbm>> -> memref<2x128xi32, #tpu.memory_space<hbm>>
          %dma_wait3A_164 = arith.constant 0 : i32
          %dma_wait3A_165 = arith.constant 0 : i32
          %dma_wait3A_166 = tpu.memref_slice %arg3[%add3A_144, %dma_wait3A_164, %dma_wait3A_165] : memref<2500x2x128xi32, #tpu.memory_space<hbm>> -> memref<1x2x128xi32, #tpu.memory_space<hbm>>
          %dma_wait3A_167 = tpu.memref_squeeze %dma_wait3A_166 : memref<1x2x128xi32, #tpu.memory_space<hbm>> -> memref<2x128xi32, #tpu.memory_space<hbm>>
          tpu.wait_dma2 semaphore(%run_scoped3A : memref<!tpu.dma_semaphore, #tpu.memory_space<semaphore_mem>>) src(%dma_wait3A_167 : memref<2x128xi32, #tpu.memory_space<hbm>>) dst(%arg8 : memref<2x128xi32, #tpu.memory_space<vmem>>)
          tpu.yield
        }) : () -> ()
        %dma_start3A_145 = arith.constant 0 : i32
        %dma_start3A_146 = arith.constant 0 : i32
        %dma_start3A_147 = tpu.memref_slice %arg8[%dma_start3A_145, %dma_start3A_146] : memref<2x128xi32, #tpu.memory_space<vmem>> -> memref<1x128xi32, #tpu.memory_space<vmem>>
        %dma_start3A_148 = tpu.memref_squeeze %dma_start3A_147 : memref<1x128xi32, #tpu.memory_space<vmem>> -> memref<128xi32, #tpu.memory_space<vmem>>
        %dma_start3A_149 = arith.constant 0 : i32
        %dma_start3A_150 = arith.constant 0 : i32
        %dma_start3A_151 = tpu.memref_slice %arg2[%dma_start3A_149, %dma_start3A_150] : memref<10000x128xf32, #tpu.memory_space<hbm>> -> memref<10000x128xf32, #tpu.memory_space<hbm>>
        tpu.enqueue_indirect_dma source(%dma_start3A_151 : memref<10000x128xf32, #tpu.memory_space<hbm>>) target(%arg11 : memref<128x128xf32, #tpu.memory_space<vmem>>) offsets(%dma_start3A_148 : memref<128xi32, #tpu.memory_space<vmem>>) semaphore(%arg15 : memref<!tpu.dma_semaphore, #tpu.memory_space<semaphore_mem>>)
      } else {
      }
      %mul3A_74 = arith.constant 3 : i32
      %mul3A_75 = arith.muli %mul3A_74, %scan3A_43 : i32
      %add3A_76 = arith.constant 1 : i32
      %add3A_77 = arith.addi %mul3A_75, %add3A_76 : i32
      %dma_wait3A_78 = arith.constant 0 : i32
      %dma_wait3A_79 = arith.constant 0 : i32
      %dma_wait3A_80 = tpu.memref_slice %arg7[%dma_wait3A_78, %dma_wait3A_79] : memref<2x128xi32, #tpu.memory_space<vmem>> -> memref<1x128xi32, #tpu.memory_space<vmem>>
      %dma_wait3A_81 = tpu.memref_squeeze %dma_wait3A_80 : memref<1x128xi32, #tpu.memory_space<vmem>> -> memref<128xi32, #tpu.memory_space<vmem>>
      %dma_wait3A_82 = arith.constant 0 : i32
      %dma_wait3A_83 = arith.constant 0 : i32
      %dma_wait3A_84 = tpu.memref_slice %arg2[%dma_wait3A_82, %dma_wait3A_83] : memref<10000x128xf32, #tpu.memory_space<hbm>> -> memref<10000x128xf32, #tpu.memory_space<hbm>>
      tpu.wait_indirect_dma semaphore(%arg14 : memref<!tpu.dma_semaphore, #tpu.memory_space<semaphore_mem>>) src(%dma_wait3A_84 : memref<10000x128xf32, #tpu.memory_space<hbm>>) dst(%arg10 : memref<128x128xf32, #tpu.memory_space<vmem>>)
      %dma_start3A_85 = arith.constant 1 : i32
      %dma_start3A_86 = arith.constant 0 : i32
      %dma_start3A_87 = tpu.memref_slice %arg7[%dma_start3A_85, %dma_start3A_86] : memref<2x128xi32, #tpu.memory_space<vmem>> -> memref<1x128xi32, #tpu.memory_space<vmem>>
      %dma_start3A_88 = tpu.memref_squeeze %dma_start3A_87 : memref<1x128xi32, #tpu.memory_space<vmem>> -> memref<128xi32, #tpu.memory_space<vmem>>
      %dma_start3A_89 = arith.constant 0 : i32
      %dma_start3A_90 = arith.constant 0 : i32
      %dma_start3A_91 = tpu.memref_slice %arg12[%dma_start3A_89, %dma_start3A_90] : memref<10000x128xf32, #tpu.memory_space<vmem_shared>> -> memref<10000x128xf32, #tpu.memory_space<vmem_shared>>
      tpu.enqueue_indirect_dma source(%arg10 : memref<128x128xf32, #tpu.memory_space<vmem>>) target(%dma_start3A_91 : memref<10000x128xf32, #tpu.memory_space<vmem_shared>>) offsets(%dma_start3A_88 : memref<128xi32, #tpu.memory_space<vmem>>) semaphore(%arg17 : memref<!tpu.dma_semaphore, #tpu.memory_space<semaphore_mem>>) {add = true}
      %ge3A_92 = arith.constant 1 : i32
      %ge3A_93 = arith.cmpi sge, %add3A_77, %ge3A_92 : i32
      %convert_element_type3A_94 = arith.extui %ge3A_93 : i1 to i32
      %cond3A_95 = arith.constant 0 : i32
      %cond3A_96 = arith.cmpi ne, %convert_element_type3A_94, %cond3A_95 : i32
      scf.if %cond3A_96 {
        %dma_wait3A_138 = arith.constant 1 : i32
        %dma_wait3A_139 = arith.constant 0 : i32
        %dma_wait3A_140 = tpu.memref_slice %arg6[%dma_wait3A_138, %dma_wait3A_139] : memref<2x128xi32, #tpu.memory_space<vmem>> -> memref<1x128xi32, #tpu.memory_space<vmem>>
        %dma_wait3A_141 = tpu.memref_squeeze %dma_wait3A_140 : memref<1x128xi32, #tpu.memory_space<vmem>> -> memref<128xi32, #tpu.memory_space<vmem>>
        %dma_wait3A_142 = arith.constant 0 : i32
        %dma_wait3A_143 = arith.constant 0 : i32
        %dma_wait3A_144 = tpu.memref_slice %arg12[%dma_wait3A_142, %dma_wait3A_143] : memref<10000x128xf32, #tpu.memory_space<vmem_shared>> -> memref<10000x128xf32, #tpu.memory_space<vmem_shared>>
        tpu.wait_indirect_dma semaphore(%arg16 : memref<!tpu.dma_semaphore, #tpu.memory_space<semaphore_mem>>) src(%arg9 : memref<128x128xf32, #tpu.memory_space<vmem>>) dst(%dma_wait3A_144 : memref<10000x128xf32, #tpu.memory_space<vmem_shared>>)
      } else {
      }
      %add3A_97 = arith.constant 3 : i32
      %add3A_98 = arith.addi %add3A_77, %add3A_97 : i32
      %sub3A_99 = arith.constant 1 : i32
      %sub3A_100 = arith.subi %add3A_98, %sub3A_99 : i32
      %lt3A_101 = arith.constant 78 : i32
      %lt3A_102 = arith.cmpi slt, %sub3A_100, %lt3A_101 : i32
      %convert_element_type3A_103 = arith.extui %lt3A_102 : i1 to i32
      %cond3A_104 = arith.constant 0 : i32
      %cond3A_105 = arith.cmpi ne, %convert_element_type3A_103, %cond3A_104 : i32
      scf.if %cond3A_105 {
        %add3A_138 = arith.constant 3 : i32
        %add3A_139 = arith.addi %add3A_77, %add3A_138 : i32
        %sub3A_140 = arith.constant 1 : i32
        %sub3A_141 = arith.subi %add3A_139, %sub3A_140 : i32
        %mul3A_142 = arith.constant 32 : i32
        %mul3A_143 = arith.muli %sub3A_141, %mul3A_142 : i32
        %add3A_144 = arith.addi %add3A, %mul3A_143 : i32
        "tpu.region"() ({
          %run_scoped3A = tpu.sem_alloc : memref<!tpu.dma_semaphore, #tpu.memory_space<semaphore_mem>>
          %dma_start3A_152 = arith.constant 0 : i32
          %dma_start3A_153 = arith.constant 0 : i32
          %dma_start3A_154 = tpu.memref_slice %arg3[%add3A_144, %dma_start3A_152, %dma_start3A_153] : memref<2500x2x128xi32, #tpu.memory_space<hbm>> -> memref<1x2x128xi32, #tpu.memory_space<hbm>>
          %dma_start3A_155 = tpu.memref_squeeze %dma_start3A_154 : memref<1x2x128xi32, #tpu.memory_space<hbm>> -> memref<2x128xi32, #tpu.memory_space<hbm>>
          %dma_start3A_156 = arith.constant 0 : i32
          %dma_start3A_157 = arith.constant 0 : i32
          %dma_start3A_158 = tpu.memref_slice %arg3[%add3A_144, %dma_start3A_156, %dma_start3A_157] : memref<2500x2x128xi32, #tpu.memory_space<hbm>> -> memref<1x2x128xi32, #tpu.memory_space<hbm>>
          %dma_start3A_159 = tpu.memref_squeeze %dma_start3A_158 : memref<1x2x128xi32, #tpu.memory_space<hbm>> -> memref<2x128xi32, #tpu.memory_space<hbm>>
          tpu.enqueue_dma source(%dma_start3A_159 : memref<2x128xi32, #tpu.memory_space<hbm>>) target(%arg6 : memref<2x128xi32, #tpu.memory_space<vmem>>) target_semaphore(%run_scoped3A : memref<!tpu.dma_semaphore, #tpu.memory_space<semaphore_mem>>)
          %dma_wait3A_160 = arith.constant 0 : i32
          %dma_wait3A_161 = arith.constant 0 : i32
          %dma_wait3A_162 = tpu.memref_slice %arg3[%add3A_144, %dma_wait3A_160, %dma_wait3A_161] : memref<2500x2x128xi32, #tpu.memory_space<hbm>> -> memref<1x2x128xi32, #tpu.memory_space<hbm>>
          %dma_wait3A_163 = tpu.memref_squeeze %dma_wait3A_162 : memref<1x2x128xi32, #tpu.memory_space<hbm>> -> memref<2x128xi32, #tpu.memory_space<hbm>>
          %dma_wait3A_164 = arith.constant 0 : i32
          %dma_wait3A_165 = arith.constant 0 : i32
          %dma_wait3A_166 = tpu.memref_slice %arg3[%add3A_144, %dma_wait3A_164, %dma_wait3A_165] : memref<2500x2x128xi32, #tpu.memory_space<hbm>> -> memref<1x2x128xi32, #tpu.memory_space<hbm>>
          %dma_wait3A_167 = tpu.memref_squeeze %dma_wait3A_166 : memref<1x2x128xi32, #tpu.memory_space<hbm>> -> memref<2x128xi32, #tpu.memory_space<hbm>>
          tpu.wait_dma2 semaphore(%run_scoped3A : memref<!tpu.dma_semaphore, #tpu.memory_space<semaphore_mem>>) src(%dma_wait3A_167 : memref<2x128xi32, #tpu.memory_space<hbm>>) dst(%arg6 : memref<2x128xi32, #tpu.memory_space<vmem>>)
          tpu.yield
        }) : () -> ()
        %dma_start3A_145 = arith.constant 0 : i32
        %dma_start3A_146 = arith.constant 0 : i32
        %dma_start3A_147 = tpu.memref_slice %arg6[%dma_start3A_145, %dma_start3A_146] : memref<2x128xi32, #tpu.memory_space<vmem>> -> memref<1x128xi32, #tpu.memory_space<vmem>>
        %dma_start3A_148 = tpu.memref_squeeze %dma_start3A_147 : memref<1x128xi32, #tpu.memory_space<vmem>> -> memref<128xi32, #tpu.memory_space<vmem>>
        %dma_start3A_149 = arith.constant 0 : i32
        %dma_start3A_150 = arith.constant 0 : i32
        %dma_start3A_151 = tpu.memref_slice %arg2[%dma_start3A_149, %dma_start3A_150] : memref<10000x128xf32, #tpu.memory_space<hbm>> -> memref<10000x128xf32, #tpu.memory_space<hbm>>
        tpu.enqueue_indirect_dma source(%dma_start3A_151 : memref<10000x128xf32, #tpu.memory_space<hbm>>) target(%arg9 : memref<128x128xf32, #tpu.memory_space<vmem>>) offsets(%dma_start3A_148 : memref<128xi32, #tpu.memory_space<vmem>>) semaphore(%arg13 : memref<!tpu.dma_semaphore, #tpu.memory_space<semaphore_mem>>)
      } else {
      }
      %mul3A_106 = arith.constant 3 : i32
      %mul3A_107 = arith.muli %mul3A_106, %scan3A_43 : i32
      %add3A_108 = arith.constant 2 : i32
      %add3A_109 = arith.addi %mul3A_107, %add3A_108 : i32
      %dma_wait3A_110 = arith.constant 0 : i32
      %dma_wait3A_111 = arith.constant 0 : i32
      %dma_wait3A_112 = tpu.memref_slice %arg8[%dma_wait3A_110, %dma_wait3A_111] : memref<2x128xi32, #tpu.memory_space<vmem>> -> memref<1x128xi32, #tpu.memory_space<vmem>>
      %dma_wait3A_113 = tpu.memref_squeeze %dma_wait3A_112 : memref<1x128xi32, #tpu.memory_space<vmem>> -> memref<128xi32, #tpu.memory_space<vmem>>
      %dma_wait3A_114 = arith.constant 0 : i32
      %dma_wait3A_115 = arith.constant 0 : i32
      %dma_wait3A_116 = tpu.memref_slice %arg2[%dma_wait3A_114, %dma_wait3A_115] : memref<10000x128xf32, #tpu.memory_space<hbm>> -> memref<10000x128xf32, #tpu.memory_space<hbm>>
      tpu.wait_indirect_dma semaphore(%arg15 : memref<!tpu.dma_semaphore, #tpu.memory_space<semaphore_mem>>) src(%dma_wait3A_116 : memref<10000x128xf32, #tpu.memory_space<hbm>>) dst(%arg11 : memref<128x128xf32, #tpu.memory_space<vmem>>)
      %dma_start3A_117 = arith.constant 1 : i32
      %dma_start3A_118 = arith.constant 0 : i32
      %dma_start3A_119 = tpu.memref_slice %arg8[%dma_start3A_117, %dma_start3A_118] : memref<2x128xi32, #tpu.memory_space<vmem>> -> memref<1x128xi32, #tpu.memory_space<vmem>>
      %dma_start3A_120 = tpu.memref_squeeze %dma_start3A_119 : memref<1x128xi32, #tpu.memory_space<vmem>> -> memref<128xi32, #tpu.memory_space<vmem>>
      %dma_start3A_121 = arith.constant 0 : i32
      %dma_start3A_122 = arith.constant 0 : i32
      %dma_start3A_123 = tpu.memref_slice %arg12[%dma_start3A_121, %dma_start3A_122] : memref<10000x128xf32, #tpu.memory_space<vmem_shared>> -> memref<10000x128xf32, #tpu.memory_space<vmem_shared>>
      tpu.enqueue_indirect_dma source(%arg11 : memref<128x128xf32, #tpu.memory_space<vmem>>) target(%dma_start3A_123 : memref<10000x128xf32, #tpu.memory_space<vmem_shared>>) offsets(%dma_start3A_120 : memref<128xi32, #tpu.memory_space<vmem>>) semaphore(%arg18 : memref<!tpu.dma_semaphore, #tpu.memory_space<semaphore_mem>>) {add = true}
      %ge3A_124 = arith.constant 1 : i32
      %ge3A_125 = arith.cmpi sge, %add3A_109, %ge3A_124 : i32
      %convert_element_type3A_126 = arith.extui %ge3A_125 : i1 to i32
      %cond3A_127 = arith.constant 0 : i32
      %cond3A_128 = arith.cmpi ne, %convert_element_type3A_126, %cond3A_127 : i32
      scf.if %cond3A_128 {
        %dma_wait3A_138 = arith.constant 1 : i32
        %dma_wait3A_139 = arith.constant 0 : i32
        %dma_wait3A_140 = tpu.memref_slice %arg7[%dma_wait3A_138, %dma_wait3A_139] : memref<2x128xi32, #tpu.memory_space<vmem>> -> memref<1x128xi32, #tpu.memory_space<vmem>>
        %dma_wait3A_141 = tpu.memref_squeeze %dma_wait3A_140 : memref<1x128xi32, #tpu.memory_space<vmem>> -> memref<128xi32, #tpu.memory_space<vmem>>
        %dma_wait3A_142 = arith.constant 0 : i32
        %dma_wait3A_143 = arith.constant 0 : i32
        %dma_wait3A_144 = tpu.memref_slice %arg12[%dma_wait3A_142, %dma_wait3A_143] : memref<10000x128xf32, #tpu.memory_space<vmem_shared>> -> memref<10000x128xf32, #tpu.memory_space<vmem_shared>>
        tpu.wait_indirect_dma semaphore(%arg17 : memref<!tpu.dma_semaphore, #tpu.memory_space<semaphore_mem>>) src(%arg10 : memref<128x128xf32, #tpu.memory_space<vmem>>) dst(%dma_wait3A_144 : memref<10000x128xf32, #tpu.memory_space<vmem_shared>>)
      } else {
      }
      %add3A_129 = arith.constant 3 : i32
      %add3A_130 = arith.addi %add3A_109, %add3A_129 : i32
      %sub3A_131 = arith.constant 1 : i32
      %sub3A_132 = arith.subi %add3A_130, %sub3A_131 : i32
      %lt3A_133 = arith.constant 78 : i32
      %lt3A_134 = arith.cmpi slt, %sub3A_132, %lt3A_133 : i32
      %convert_element_type3A_135 = arith.extui %lt3A_134 : i1 to i32
      %cond3A_136 = arith.constant 0 : i32
      %cond3A_137 = arith.cmpi ne, %convert_element_type3A_135, %cond3A_136 : i32
      scf.if %cond3A_137 {
        %add3A_138 = arith.constant 3 : i32
        %add3A_139 = arith.addi %add3A_109, %add3A_138 : i32
        %sub3A_140 = arith.constant 1 : i32
        %sub3A_141 = arith.subi %add3A_139, %sub3A_140 : i32
        %mul3A_142 = arith.constant 32 : i32
        %mul3A_143 = arith.muli %sub3A_141, %mul3A_142 : i32
        %add3A_144 = arith.addi %add3A, %mul3A_143 : i32
        "tpu.region"() ({
          %run_scoped3A = tpu.sem_alloc : memref<!tpu.dma_semaphore, #tpu.memory_space<semaphore_mem>>
          %dma_start3A_152 = arith.constant 0 : i32
          %dma_start3A_153 = arith.constant 0 : i32
          %dma_start3A_154 = tpu.memref_slice %arg3[%add3A_144, %dma_start3A_152, %dma_start3A_153] : memref<2500x2x128xi32, #tpu.memory_space<hbm>> -> memref<1x2x128xi32, #tpu.memory_space<hbm>>
          %dma_start3A_155 = tpu.memref_squeeze %dma_start3A_154 : memref<1x2x128xi32, #tpu.memory_space<hbm>> -> memref<2x128xi32, #tpu.memory_space<hbm>>
          %dma_start3A_156 = arith.constant 0 : i32
          %dma_start3A_157 = arith.constant 0 : i32
          %dma_start3A_158 = tpu.memref_slice %arg3[%add3A_144, %dma_start3A_156, %dma_start3A_157] : memref<2500x2x128xi32, #tpu.memory_space<hbm>> -> memref<1x2x128xi32, #tpu.memory_space<hbm>>
          %dma_start3A_159 = tpu.memref_squeeze %dma_start3A_158 : memref<1x2x128xi32, #tpu.memory_space<hbm>> -> memref<2x128xi32, #tpu.memory_space<hbm>>
          tpu.enqueue_dma source(%dma_start3A_159 : memref<2x128xi32, #tpu.memory_space<hbm>>) target(%arg7 : memref<2x128xi32, #tpu.memory_space<vmem>>) target_semaphore(%run_scoped3A : memref<!tpu.dma_semaphore, #tpu.memory_space<semaphore_mem>>)
          %dma_wait3A_160 = arith.constant 0 : i32
          %dma_wait3A_161 = arith.constant 0 : i32
          %dma_wait3A_162 = tpu.memref_slice %arg3[%add3A_144, %dma_wait3A_160, %dma_wait3A_161] : memref<2500x2x128xi32, #tpu.memory_space<hbm>> -> memref<1x2x128xi32, #tpu.memory_space<hbm>>
          %dma_wait3A_163 = tpu.memref_squeeze %dma_wait3A_162 : memref<1x2x128xi32, #tpu.memory_space<hbm>> -> memref<2x128xi32, #tpu.memory_space<hbm>>
          %dma_wait3A_164 = arith.constant 0 : i32
          %dma_wait3A_165 = arith.constant 0 : i32
          %dma_wait3A_166 = tpu.memref_slice %arg3[%add3A_144, %dma_wait3A_164, %dma_wait3A_165] : memref<2500x2x128xi32, #tpu.memory_space<hbm>> -> memref<1x2x128xi32, #tpu.memory_space<hbm>>
          %dma_wait3A_167 = tpu.memref_squeeze %dma_wait3A_166 : memref<1x2x128xi32, #tpu.memory_space<hbm>> -> memref<2x128xi32, #tpu.memory_space<hbm>>
          tpu.wait_dma2 semaphore(%run_scoped3A : memref<!tpu.dma_semaphore, #tpu.memory_space<semaphore_mem>>) src(%dma_wait3A_167 : memref<2x128xi32, #tpu.memory_space<hbm>>) dst(%arg7 : memref<2x128xi32, #tpu.memory_space<vmem>>)
          tpu.yield
        }) : () -> ()
        %dma_start3A_145 = arith.constant 0 : i32
        %dma_start3A_146 = arith.constant 0 : i32
        %dma_start3A_147 = tpu.memref_slice %arg7[%dma_start3A_145, %dma_start3A_146] : memref<2x128xi32, #tpu.memory_space<vmem>> -> memref<1x128xi32, #tpu.memory_space<vmem>>
        %dma_start3A_148 = tpu.memref_squeeze %dma_start3A_147 : memref<1x128xi32, #tpu.memory_space<vmem>> -> memref<128xi32, #tpu.memory_space<vmem>>
        %dma_start3A_149 = arith.constant 0 : i32
        %dma_start3A_150 = arith.constant 0 : i32
        %dma_start3A_151 = tpu.memref_slice %arg2[%dma_start3A_149, %dma_start3A_150] : memref<10000x128xf32, #tpu.memory_space<hbm>> -> memref<10000x128xf32, #tpu.memory_space<hbm>>
        tpu.enqueue_indirect_dma source(%dma_start3A_151 : memref<10000x128xf32, #tpu.memory_space<hbm>>) target(%arg10 : memref<128x128xf32, #tpu.memory_space<vmem>>) offsets(%dma_start3A_148 : memref<128xi32, #tpu.memory_space<vmem>>) semaphore(%arg14 : memref<!tpu.dma_semaphore, #tpu.memory_space<semaphore_mem>>)
      } else {
      }
    }
    %scan3A_26 = arith.constant 26 : i32
    %dma_wait3A = arith.constant 1 : i32
    %dma_wait3A_27 = arith.constant 0 : i32
    %dma_wait3A_28 = tpu.memref_slice %arg8[%dma_wait3A, %dma_wait3A_27] : memref<2x128xi32, #tpu.memory_space<vmem>> -> memref<1x128xi32, #tpu.memory_space<vmem>>
    %dma_wait3A_29 = tpu.memref_squeeze %dma_wait3A_28 : memref<1x128xi32, #tpu.memory_space<vmem>> -> memref<128xi32, #tpu.memory_space<vmem>>
    %dma_wait3A_30 = arith.constant 0 : i32
    %dma_wait3A_31 = arith.constant 0 : i32
    %dma_wait3A_32 = tpu.memref_slice %arg12[%dma_wait3A_30, %dma_wait3A_31] : memref<10000x128xf32, #tpu.memory_space<vmem_shared>> -> memref<10000x128xf32, #tpu.memory_space<vmem_shared>>
    tpu.wait_indirect_dma semaphore(%arg18 : memref<!tpu.dma_semaphore, #tpu.memory_space<semaphore_mem>>) src(%arg11 : memref<128x128xf32, #tpu.memory_space<vmem>>) dst(%dma_wait3A_32 : memref<10000x128xf32, #tpu.memory_space<vmem_shared>>)
    %lt3A = arith.constant 4 : i32
    %lt3A_33 = arith.cmpi slt, %add3A, %lt3A : i32
    %convert_element_type3A_34 = arith.extui %lt3A_33 : i1 to i32
    %cond3A_35 = arith.constant 0 : i32
    %cond3A_36 = arith.cmpi ne, %convert_element_type3A_34, %cond3A_35 : i32
    scf.if %cond3A_36 {
      %add3A_43 = arith.constant 2496 : i32
      %add3A_44 = arith.addi %add3A_43, %add3A : i32
      "tpu.region"() ({
        %run_scoped3A_59 = tpu.sem_alloc : memref<!tpu.dma_semaphore, #tpu.memory_space<semaphore_mem>>
        %dma_start3A_60 = arith.constant 0 : i32
        %dma_start3A_61 = arith.constant 0 : i32
        %dma_start3A_62 = tpu.memref_slice %arg3[%add3A_44, %dma_start3A_60, %dma_start3A_61] : memref<2500x2x128xi32, #tpu.memory_space<hbm>> -> memref<1x2x128xi32, #tpu.memory_space<hbm>>
        %dma_start3A_63 = tpu.memref_squeeze %dma_start3A_62 : memref<1x2x128xi32, #tpu.memory_space<hbm>> -> memref<2x128xi32, #tpu.memory_space<hbm>>
        %dma_start3A_64 = arith.constant 0 : i32
        %dma_start3A_65 = arith.constant 0 : i32
        %dma_start3A_66 = tpu.memref_slice %arg3[%add3A_44, %dma_start3A_64, %dma_start3A_65] : memref<2500x2x128xi32, #tpu.memory_space<hbm>> -> memref<1x2x128xi32, #tpu.memory_space<hbm>>
        %dma_start3A_67 = tpu.memref_squeeze %dma_start3A_66 : memref<1x2x128xi32, #tpu.memory_space<hbm>> -> memref<2x128xi32, #tpu.memory_space<hbm>>
        tpu.enqueue_dma source(%dma_start3A_67 : memref<2x128xi32, #tpu.memory_space<hbm>>) target(%arg6 : memref<2x128xi32, #tpu.memory_space<vmem>>) target_semaphore(%run_scoped3A_59 : memref<!tpu.dma_semaphore, #tpu.memory_space<semaphore_mem>>)
        %dma_wait3A_68 = arith.constant 0 : i32
        %dma_wait3A_69 = arith.constant 0 : i32
        %dma_wait3A_70 = tpu.memref_slice %arg3[%add3A_44, %dma_wait3A_68, %dma_wait3A_69] : memref<2500x2x128xi32, #tpu.memory_space<hbm>> -> memref<1x2x128xi32, #tpu.memory_space<hbm>>
        %dma_wait3A_71 = tpu.memref_squeeze %dma_wait3A_70 : memref<1x2x128xi32, #tpu.memory_space<hbm>> -> memref<2x128xi32, #tpu.memory_space<hbm>>
        %dma_wait3A_72 = arith.constant 0 : i32
        %dma_wait3A_73 = arith.constant 0 : i32
        %dma_wait3A_74 = tpu.memref_slice %arg3[%add3A_44, %dma_wait3A_72, %dma_wait3A_73] : memref<2500x2x128xi32, #tpu.memory_space<hbm>> -> memref<1x2x128xi32, #tpu.memory_space<hbm>>
        %dma_wait3A_75 = tpu.memref_squeeze %dma_wait3A_74 : memref<1x2x128xi32, #tpu.memory_space<hbm>> -> memref<2x128xi32, #tpu.memory_space<hbm>>
        tpu.wait_dma2 semaphore(%run_scoped3A_59 : memref<!tpu.dma_semaphore, #tpu.memory_space<semaphore_mem>>) src(%dma_wait3A_75 : memref<2x128xi32, #tpu.memory_space<hbm>>) dst(%arg6 : memref<2x128xi32, #tpu.memory_space<vmem>>)
        tpu.yield
      }) : () -> ()
      %dma_start3A_45 = arith.constant 0 : i32
      %dma_start3A_46 = arith.constant 0 : i32
      %dma_start3A_47 = tpu.memref_slice %arg6[%dma_start3A_45, %dma_start3A_46] : memref<2x128xi32, #tpu.memory_space<vmem>> -> memref<1x128xi32, #tpu.memory_space<vmem>>
      %dma_start3A_48 = tpu.memref_squeeze %dma_start3A_47 : memref<1x128xi32, #tpu.memory_space<vmem>> -> memref<128xi32, #tpu.memory_space<vmem>>
      %dma_start3A_49 = arith.constant 0 : i32
      %dma_start3A_50 = arith.constant 0 : i32
      %dma_start3A_51 = tpu.memref_slice %arg2[%dma_start3A_49, %dma_start3A_50] : memref<10000x128xf32, #tpu.memory_space<hbm>> -> memref<10000x128xf32, #tpu.memory_space<hbm>>
      tpu.enqueue_indirect_dma source(%dma_start3A_51 : memref<10000x128xf32, #tpu.memory_space<hbm>>) target(%arg9 : memref<128x128xf32, #tpu.memory_space<vmem>>) offsets(%dma_start3A_48 : memref<128xi32, #tpu.memory_space<vmem>>) semaphore(%arg13 : memref<!tpu.dma_semaphore, #tpu.memory_space<semaphore_mem>>)
      %dma_wait3A_52 = arith.constant 0 : i32
      %dma_wait3A_53 = arith.constant 0 : i32
      %dma_wait3A_54 = tpu.memref_slice %arg6[%dma_wait3A_52, %dma_wait3A_53] : memref<2x128xi32, #tpu.memory_space<vmem>> -> memref<1x128xi32, #tpu.memory_space<vmem>>
      %dma_wait3A_55 = tpu.memref_squeeze %dma_wait3A_54 : memref<1x128xi32, #tpu.memory_space<vmem>> -> memref<128xi32, #tpu.memory_space<vmem>>
      %dma_wait3A_56 = arith.constant 0 : i32
      %dma_wait3A_57 = arith.constant 0 : i32
      %dma_wait3A_58 = tpu.memref_slice %arg2[%dma_wait3A_56, %dma_wait3A_57] : memref<10000x128xf32, #tpu.memory_space<hbm>> -> memref<10000x128xf32, #tpu.memory_space<hbm>>
      tpu.wait_indirect_dma semaphore(%arg13 : memref<!tpu.dma_semaphore, #tpu.memory_space<semaphore_mem>>) src(%dma_wait3A_58 : memref<10000x128xf32, #tpu.memory_space<hbm>>) dst(%arg9 : memref<128x128xf32, #tpu.memory_space<vmem>>)
      %run_scoped3A = arith.constant 1 : i32
      "tpu.region"() ({
        %run_scoped3A_59 = tpu.sem_alloc : memref<!tpu.dma_semaphore, #tpu.memory_space<semaphore_mem>>
        %dma_start3A_60 = arith.constant 0 : i32
        %dma_start3A_61 = tpu.memref_slice %arg6[%run_scoped3A, %dma_start3A_60] : memref<2x128xi32, #tpu.memory_space<vmem>> -> memref<1x128xi32, #tpu.memory_space<vmem>>
        %dma_start3A_62 = tpu.memref_squeeze %dma_start3A_61 : memref<1x128xi32, #tpu.memory_space<vmem>> -> memref<128xi32, #tpu.memory_space<vmem>>
        %dma_start3A_63 = arith.constant 0 : i32
        %dma_start3A_64 = arith.constant 0 : i32
        %dma_start3A_65 = tpu.memref_slice %arg12[%dma_start3A_63, %dma_start3A_64] : memref<10000x128xf32, #tpu.memory_space<vmem_shared>> -> memref<10000x128xf32, #tpu.memory_space<vmem_shared>>
        tpu.enqueue_indirect_dma source(%arg9 : memref<128x128xf32, #tpu.memory_space<vmem>>) target(%dma_start3A_65 : memref<10000x128xf32, #tpu.memory_space<vmem_shared>>) offsets(%dma_start3A_62 : memref<128xi32, #tpu.memory_space<vmem>>) semaphore(%run_scoped3A_59 : memref<!tpu.dma_semaphore, #tpu.memory_space<semaphore_mem>>) {add = true}
        %dma_wait3A_66 = arith.constant 0 : i32
        %dma_wait3A_67 = tpu.memref_slice %arg6[%run_scoped3A, %dma_wait3A_66] : memref<2x128xi32, #tpu.memory_space<vmem>> -> memref<1x128xi32, #tpu.memory_space<vmem>>
        %dma_wait3A_68 = tpu.memref_squeeze %dma_wait3A_67 : memref<1x128xi32, #tpu.memory_space<vmem>> -> memref<128xi32, #tpu.memory_space<vmem>>
        %dma_wait3A_69 = arith.constant 0 : i32
        %dma_wait3A_70 = arith.constant 0 : i32
        %dma_wait3A_71 = tpu.memref_slice %arg12[%dma_wait3A_69, %dma_wait3A_70] : memref<10000x128xf32, #tpu.memory_space<vmem_shared>> -> memref<10000x128xf32, #tpu.memory_space<vmem_shared>>
        tpu.wait_indirect_dma semaphore(%run_scoped3A_59 : memref<!tpu.dma_semaphore, #tpu.memory_space<semaphore_mem>>) src(%arg9 : memref<128x128xf32, #tpu.memory_space<vmem>>) dst(%dma_wait3A_71 : memref<10000x128xf32, #tpu.memory_space<vmem_shared>>)
        tpu.yield
      }) : () -> ()
    } else {
    }
    %barrier3A_37 = arith.constant 0 : index
    tpu.barrier barrier_id(%barrier3A_37)
    "tpu.region"() ({
      %run_scoped3A = tpu.sem_alloc : memref<!tpu.dma_semaphore, #tpu.memory_space<semaphore_mem>>
      %dma_start3A_43 = arith.constant 0 : i32
      %dma_start3A_44 = tpu.memref_slice %arg5[%arg0, %mul3A_2, %dma_start3A_43] : memref<2x10000x128xf32, #tpu.memory_space<hbm>> -> memref<1x624x128xf32, #tpu.memory_space<hbm>>
      %dma_start3A_45 = tpu.memref_squeeze %dma_start3A_44 : memref<1x624x128xf32, #tpu.memory_space<hbm>> -> memref<624x128xf32, #tpu.memory_space<hbm>>
      %dma_start3A_46 = arith.constant 0 : i32
      %dma_start3A_47 = tpu.memref_slice %arg12[%mul3A_2, %dma_start3A_46] : memref<10000x128xf32, #tpu.memory_space<vmem_shared>> -> memref<624x128xf32, #tpu.memory_space<vmem_shared>>
      tpu.enqueue_dma source(%dma_start3A_47 : memref<624x128xf32, #tpu.memory_space<vmem_shared>>) target(%dma_start3A_45 : memref<624x128xf32, #tpu.memory_space<hbm>>) target_semaphore(%run_scoped3A : memref<!tpu.dma_semaphore, #tpu.memory_space<semaphore_mem>>)
      %dma_wait3A_48 = arith.constant 0 : i32
      %dma_wait3A_49 = tpu.memref_slice %arg5[%arg0, %mul3A_2, %dma_wait3A_48] : memref<2x10000x128xf32, #tpu.memory_space<hbm>> -> memref<1x624x128xf32, #tpu.memory_space<hbm>>
      %dma_wait3A_50 = tpu.memref_squeeze %dma_wait3A_49 : memref<1x624x128xf32, #tpu.memory_space<hbm>> -> memref<624x128xf32, #tpu.memory_space<hbm>>
      %dma_wait3A_51 = arith.constant 0 : i32
      %dma_wait3A_52 = tpu.memref_slice %arg12[%mul3A_2, %dma_wait3A_51] : memref<10000x128xf32, #tpu.memory_space<vmem_shared>> -> memref<624x128xf32, #tpu.memory_space<vmem_shared>>
      tpu.wait_dma2 semaphore(%run_scoped3A : memref<!tpu.dma_semaphore, #tpu.memory_space<semaphore_mem>>) src(%dma_wait3A_52 : memref<624x128xf32, #tpu.memory_space<vmem_shared>>) dst(%dma_wait3A_50 : memref<624x128xf32, #tpu.memory_space<hbm>>)
      tpu.yield
    }) : () -> ()
    %eq3A_38 = arith.constant 15 : i32
    %eq3A_39 = arith.cmpi eq, %arg1, %eq3A_38 : i32
    %convert_element_type3A_40 = arith.extui %eq3A_39 : i1 to i32
    %cond3A_41 = arith.constant 0 : i32
    %cond3A_42 = arith.cmpi ne, %convert_element_type3A_40, %cond3A_41 : i32
    scf.if %cond3A_42 {
      "tpu.region"() ({
        %run_scoped3A = tpu.sem_alloc : memref<!tpu.dma_semaphore, #tpu.memory_space<semaphore_mem>>
        %dma_start3A_43 = arith.constant 9984 : i32
        %dma_start3A_44 = arith.constant 0 : i32
        %dma_start3A_45 = tpu.memref_slice %arg5[%arg0, %dma_start3A_43, %dma_start3A_44] : memref<2x10000x128xf32, #tpu.memory_space<hbm>> -> memref<1x16x128xf32, #tpu.memory_space<hbm>>
        %dma_start3A_46 = tpu.memref_squeeze %dma_start3A_45 : memref<1x16x128xf32, #tpu.memory_space<hbm>> -> memref<16x128xf32, #tpu.memory_space<hbm>>
        %dma_start3A_47 = arith.constant 9984 : i32
        %dma_start3A_48 = arith.constant 0 : i32
        %dma_start3A_49 = tpu.memref_slice %arg12[%dma_start3A_47, %dma_start3A_48] : memref<10000x128xf32, #tpu.memory_space<vmem_shared>> -> memref<16x128xf32, #tpu.memory_space<vmem_shared>>
        tpu.enqueue_dma source(%dma_start3A_49 : memref<16x128xf32, #tpu.memory_space<vmem_shared>>) target(%dma_start3A_46 : memref<16x128xf32, #tpu.memory_space<hbm>>) target_semaphore(%run_scoped3A : memref<!tpu.dma_semaphore, #tpu.memory_space<semaphore_mem>>)
        %dma_wait3A_50 = arith.constant 9984 : i32
        %dma_wait3A_51 = arith.constant 0 : i32
        %dma_wait3A_52 = tpu.memref_slice %arg5[%arg0, %dma_wait3A_50, %dma_wait3A_51] : memref<2x10000x128xf32, #tpu.memory_space<hbm>> -> memref<1x16x128xf32, #tpu.memory_space<hbm>>
        %dma_wait3A_53 = tpu.memref_squeeze %dma_wait3A_52 : memref<1x16x128xf32, #tpu.memory_space<hbm>> -> memref<16x128xf32, #tpu.memory_space<hbm>>
        %dma_wait3A_54 = arith.constant 9984 : i32
        %dma_wait3A_55 = arith.constant 0 : i32
        %dma_wait3A_56 = tpu.memref_slice %arg12[%dma_wait3A_54, %dma_wait3A_55] : memref<10000x128xf32, #tpu.memory_space<vmem_shared>> -> memref<16x128xf32, #tpu.memory_space<vmem_shared>>
        tpu.wait_dma2 semaphore(%run_scoped3A : memref<!tpu.dma_semaphore, #tpu.memory_space<semaphore_mem>>) src(%dma_wait3A_56 : memref<16x128xf32, #tpu.memory_space<vmem_shared>>) dst(%dma_wait3A_53 : memref<16x128xf32, #tpu.memory_space<hbm>>)
        tpu.yield
      }) : () -> ()
    } else {
    }
    return
  }
}

#map = affine_map<(d0, d1) -> (0)>
#map1 = affine_map<(d0, d1) -> (0, 0)>
#map2 = affine_map<(d0, d1) -> (0, 0, 0)>
module attributes {stable_mosaic.version = 14 : i64} {
  func.func @deg(%arg0: i32, %arg1: i32, %arg2: memref<320000xi32, #tpu.memory_space<hbm>>, %arg3: memref<128x128xf32, #tpu.memory_space<hbm>>, %arg4: memref<10000x128xf32, #tpu.memory_space<hbm>>, %arg5: memref<2x10000x128xf32, #tpu.memory_space<hbm>>, %arg6: memref<128xi32, #tpu.memory_space<vmem>>, %arg7: memref<128xi32, #tpu.memory_space<vmem>>, %arg8: memref<128x128xf32, #tpu.memory_space<vmem>>, %arg9: memref<10000x128xf32, #tpu.memory_space<vmem_shared>>, %arg10: memref<!tpu.dma_semaphore, #tpu.memory_space<semaphore_mem>>, %arg11: memref<!tpu.dma_semaphore, #tpu.memory_space<semaphore_mem>>) attributes {dimension_semantics = [#tpu.dimension_semantics<core_parallel>, #tpu.dimension_semantics<subcore_parallel>], iteration_bounds = array<i64: 2, 16>, scalar_prefetch = 0 : i64, scratch_operands = 6 : i64, tpu.core_type = #tpu.core_type<sc_vector_subcore>, window_params = [{transform_indices = #map}, {transform_indices = #map1}, {transform_indices = #map1}, {transform_indices = #map2}]} {
    %mul3A = arith.constant 2 : i32
    %mul3A_0 = arith.muli %arg1, %mul3A : i32
    %add3A = arith.addi %mul3A_0, %arg0 : i32
    %mul3A_1 = arith.constant 624 : i32
    %mul3A_2 = arith.muli %arg1, %mul3A_1 : i32
    "tpu.region"() ({
      %run_scoped3A = tpu.sem_alloc : memref<!tpu.dma_semaphore, #tpu.memory_space<semaphore_mem>>
      %dma_start3A = arith.constant 0 : i32
      %dma_start3A_27 = tpu.memref_slice %arg9[%mul3A_2, %dma_start3A] : memref<10000x128xf32, #tpu.memory_space<vmem_shared>> -> memref<624x128xf32, #tpu.memory_space<vmem_shared>>
      %dma_start3A_28 = arith.constant 0 : i32
      %dma_start3A_29 = tpu.memref_slice %arg4[%mul3A_2, %dma_start3A_28] : memref<10000x128xf32, #tpu.memory_space<hbm>> -> memref<624x128xf32, #tpu.memory_space<hbm>>
      tpu.enqueue_dma source(%dma_start3A_29 : memref<624x128xf32, #tpu.memory_space<hbm>>) target(%dma_start3A_27 : memref<624x128xf32, #tpu.memory_space<vmem_shared>>) target_semaphore(%run_scoped3A : memref<!tpu.dma_semaphore, #tpu.memory_space<semaphore_mem>>)
      %dma_wait3A_30 = arith.constant 0 : i32
      %dma_wait3A_31 = tpu.memref_slice %arg9[%mul3A_2, %dma_wait3A_30] : memref<10000x128xf32, #tpu.memory_space<vmem_shared>> -> memref<624x128xf32, #tpu.memory_space<vmem_shared>>
      %dma_wait3A_32 = arith.constant 0 : i32
      %dma_wait3A_33 = tpu.memref_slice %arg4[%mul3A_2, %dma_wait3A_32] : memref<10000x128xf32, #tpu.memory_space<hbm>> -> memref<624x128xf32, #tpu.memory_space<hbm>>
      tpu.wait_dma2 semaphore(%run_scoped3A : memref<!tpu.dma_semaphore, #tpu.memory_space<semaphore_mem>>) src(%dma_wait3A_33 : memref<624x128xf32, #tpu.memory_space<hbm>>) dst(%dma_wait3A_31 : memref<624x128xf32, #tpu.memory_space<vmem_shared>>)
      tpu.yield
    }) : () -> ()
    %eq3A = arith.constant 15 : i32
    %eq3A_3 = arith.cmpi eq, %arg1, %eq3A : i32
    %convert_element_type3A = arith.extui %eq3A_3 : i1 to i32
    %cond3A = arith.constant 0 : i32
    %cond3A_4 = arith.cmpi ne, %convert_element_type3A, %cond3A : i32
    scf.if %cond3A_4 {
      "tpu.region"() ({
        %run_scoped3A = tpu.sem_alloc : memref<!tpu.dma_semaphore, #tpu.memory_space<semaphore_mem>>
        %dma_start3A = arith.constant 9984 : i32
        %dma_start3A_27 = arith.constant 0 : i32
        %dma_start3A_28 = tpu.memref_slice %arg9[%dma_start3A, %dma_start3A_27] : memref<10000x128xf32, #tpu.memory_space<vmem_shared>> -> memref<16x128xf32, #tpu.memory_space<vmem_shared>>
        %dma_start3A_29 = arith.constant 9984 : i32
        %dma_start3A_30 = arith.constant 0 : i32
        %dma_start3A_31 = tpu.memref_slice %arg4[%dma_start3A_29, %dma_start3A_30] : memref<10000x128xf32, #tpu.memory_space<hbm>> -> memref<16x128xf32, #tpu.memory_space<hbm>>
        tpu.enqueue_dma source(%dma_start3A_31 : memref<16x128xf32, #tpu.memory_space<hbm>>) target(%dma_start3A_28 : memref<16x128xf32, #tpu.memory_space<vmem_shared>>) target_semaphore(%run_scoped3A : memref<!tpu.dma_semaphore, #tpu.memory_space<semaphore_mem>>)
        %dma_wait3A_32 = arith.constant 9984 : i32
        %dma_wait3A_33 = arith.constant 0 : i32
        %dma_wait3A_34 = tpu.memref_slice %arg9[%dma_wait3A_32, %dma_wait3A_33] : memref<10000x128xf32, #tpu.memory_space<vmem_shared>> -> memref<16x128xf32, #tpu.memory_space<vmem_shared>>
        %dma_wait3A_35 = arith.constant 9984 : i32
        %dma_wait3A_36 = arith.constant 0 : i32
        %dma_wait3A_37 = tpu.memref_slice %arg4[%dma_wait3A_35, %dma_wait3A_36] : memref<10000x128xf32, #tpu.memory_space<hbm>> -> memref<16x128xf32, #tpu.memory_space<hbm>>
        tpu.wait_dma2 semaphore(%run_scoped3A : memref<!tpu.dma_semaphore, #tpu.memory_space<semaphore_mem>>) src(%dma_wait3A_37 : memref<16x128xf32, #tpu.memory_space<hbm>>) dst(%dma_wait3A_34 : memref<16x128xf32, #tpu.memory_space<vmem_shared>>)
        tpu.yield
      }) : () -> ()
    } else {
    }
    "tpu.region"() ({
      %run_scoped3A = tpu.sem_alloc : memref<!tpu.dma_semaphore, #tpu.memory_space<semaphore_mem>>
      tpu.enqueue_dma source(%arg3 : memref<128x128xf32, #tpu.memory_space<hbm>>) target(%arg8 : memref<128x128xf32, #tpu.memory_space<vmem>>) target_semaphore(%run_scoped3A : memref<!tpu.dma_semaphore, #tpu.memory_space<semaphore_mem>>)
      tpu.wait_dma2 semaphore(%run_scoped3A : memref<!tpu.dma_semaphore, #tpu.memory_space<semaphore_mem>>) src(%arg3 : memref<128x128xf32, #tpu.memory_space<hbm>>) dst(%arg8 : memref<128x128xf32, #tpu.memory_space<vmem>>)
      tpu.yield
    }) : () -> ()
    %barrier3A = arith.constant 0 : index
    tpu.barrier barrier_id(%barrier3A)
    %mul3A_5 = arith.constant 128 : i32
    %mul3A_6 = arith.muli %add3A, %mul3A_5 : i32
    "tpu.region"() ({
      %run_scoped3A = tpu.sem_alloc : memref<!tpu.dma_semaphore, #tpu.memory_space<semaphore_mem>>
      %dma_start3A = tpu.memref_slice %arg2[%mul3A_6] : memref<320000xi32, #tpu.memory_space<hbm>> -> memref<128xi32, #tpu.memory_space<hbm>>
      %dma_start3A_27 = tpu.memref_slice %arg2[%mul3A_6] : memref<320000xi32, #tpu.memory_space<hbm>> -> memref<128xi32, #tpu.memory_space<hbm>>
      tpu.enqueue_dma source(%dma_start3A_27 : memref<128xi32, #tpu.memory_space<hbm>>) target(%arg6 : memref<128xi32, #tpu.memory_space<vmem>>) target_semaphore(%run_scoped3A : memref<!tpu.dma_semaphore, #tpu.memory_space<semaphore_mem>>)
      %dma_wait3A_28 = tpu.memref_slice %arg2[%mul3A_6] : memref<320000xi32, #tpu.memory_space<hbm>> -> memref<128xi32, #tpu.memory_space<hbm>>
      %dma_wait3A_29 = tpu.memref_slice %arg2[%mul3A_6] : memref<320000xi32, #tpu.memory_space<hbm>> -> memref<128xi32, #tpu.memory_space<hbm>>
      tpu.wait_dma2 semaphore(%run_scoped3A : memref<!tpu.dma_semaphore, #tpu.memory_space<semaphore_mem>>) src(%dma_wait3A_29 : memref<128xi32, #tpu.memory_space<hbm>>) dst(%arg6 : memref<128xi32, #tpu.memory_space<vmem>>)
      tpu.yield
    }) : () -> ()
    %scan3A = arith.constant 0 : i32
    %scan3A_7 = arith.constant 0 : i32
    %scan3A_8 = arith.constant 39 : i32
    %scan3A_9 = arith.addi %scan3A_7, %scan3A_8 : i32
    %scan3A_10 = arith.constant 1 : i32
    scf.for %scan3A_27 = %scan3A_7 to %scan3A_9 step %scan3A_10  : i32 {
      %dma_start3A = arith.constant 0 : i32
      %dma_start3A_28 = arith.constant 0 : i32
      %dma_start3A_29 = tpu.memref_slice %arg9[%dma_start3A, %dma_start3A_28] : memref<10000x128xf32, #tpu.memory_space<vmem_shared>> -> memref<10000x128xf32, #tpu.memory_space<vmem_shared>>
      tpu.enqueue_indirect_dma source(%arg8 : memref<128x128xf32, #tpu.memory_space<vmem>>) target(%dma_start3A_29 : memref<10000x128xf32, #tpu.memory_space<vmem_shared>>) offsets(%arg6 : memref<128xi32, #tpu.memory_space<vmem>>) semaphore(%arg10 : memref<!tpu.dma_semaphore, #tpu.memory_space<semaphore_mem>>) {add = true}
      %ge3A = arith.constant 1 : i32
      %ge3A_30 = arith.cmpi sge, %scan3A_27, %ge3A : i32
      %convert_element_type3A_31 = arith.extui %ge3A_30 : i1 to i32
      %cond3A_32 = arith.constant 0 : i32
      %cond3A_33 = arith.cmpi ne, %convert_element_type3A_31, %cond3A_32 : i32
      scf.if %cond3A_33 {
        %dma_wait3A_51 = arith.constant 0 : i32
        %dma_wait3A_52 = arith.constant 0 : i32
        %dma_wait3A_53 = tpu.memref_slice %arg9[%dma_wait3A_51, %dma_wait3A_52] : memref<10000x128xf32, #tpu.memory_space<vmem_shared>> -> memref<10000x128xf32, #tpu.memory_space<vmem_shared>>
        tpu.wait_indirect_dma semaphore(%arg11 : memref<!tpu.dma_semaphore, #tpu.memory_space<semaphore_mem>>) src(%arg8 : memref<128x128xf32, #tpu.memory_space<vmem>>) dst(%dma_wait3A_53 : memref<10000x128xf32, #tpu.memory_space<vmem_shared>>)
      } else {
      }
      %mul3A_34 = arith.constant 2 : i32
      %mul3A_35 = arith.muli %mul3A_34, %scan3A_27 : i32
      %add3A_36 = arith.constant 1 : i32
      %add3A_37 = arith.addi %mul3A_35, %add3A_36 : i32
      %mul3A_38 = arith.constant 32 : i32
      %mul3A_39 = arith.muli %add3A_37, %mul3A_38 : i32
      %add3A_40 = arith.addi %add3A, %mul3A_39 : i32
      %mul3A_41 = arith.constant 128 : i32
      %mul3A_42 = arith.muli %add3A_40, %mul3A_41 : i32
      "tpu.region"() ({
        %run_scoped3A = tpu.sem_alloc : memref<!tpu.dma_semaphore, #tpu.memory_space<semaphore_mem>>
        %dma_start3A_51 = tpu.memref_slice %arg2[%mul3A_42] : memref<320000xi32, #tpu.memory_space<hbm>> -> memref<128xi32, #tpu.memory_space<hbm>>
        %dma_start3A_52 = tpu.memref_slice %arg2[%mul3A_42] : memref<320000xi32, #tpu.memory_space<hbm>> -> memref<128xi32, #tpu.memory_space<hbm>>
        tpu.enqueue_dma source(%dma_start3A_52 : memref<128xi32, #tpu.memory_space<hbm>>) target(%arg7 : memref<128xi32, #tpu.memory_space<vmem>>) target_semaphore(%run_scoped3A : memref<!tpu.dma_semaphore, #tpu.memory_space<semaphore_mem>>)
        %dma_wait3A_53 = tpu.memref_slice %arg2[%mul3A_42] : memref<320000xi32, #tpu.memory_space<hbm>> -> memref<128xi32, #tpu.memory_space<hbm>>
        %dma_wait3A_54 = tpu.memref_slice %arg2[%mul3A_42] : memref<320000xi32, #tpu.memory_space<hbm>> -> memref<128xi32, #tpu.memory_space<hbm>>
        tpu.wait_dma2 semaphore(%run_scoped3A : memref<!tpu.dma_semaphore, #tpu.memory_space<semaphore_mem>>) src(%dma_wait3A_54 : memref<128xi32, #tpu.memory_space<hbm>>) dst(%arg7 : memref<128xi32, #tpu.memory_space<vmem>>)
        tpu.yield
      }) : () -> ()
      %dma_start3A_43 = arith.constant 0 : i32
      %dma_start3A_44 = arith.constant 0 : i32
      %dma_start3A_45 = tpu.memref_slice %arg9[%dma_start3A_43, %dma_start3A_44] : memref<10000x128xf32, #tpu.memory_space<vmem_shared>> -> memref<10000x128xf32, #tpu.memory_space<vmem_shared>>
      tpu.enqueue_indirect_dma source(%arg8 : memref<128x128xf32, #tpu.memory_space<vmem>>) target(%dma_start3A_45 : memref<10000x128xf32, #tpu.memory_space<vmem_shared>>) offsets(%arg7 : memref<128xi32, #tpu.memory_space<vmem>>) semaphore(%arg11 : memref<!tpu.dma_semaphore, #tpu.memory_space<semaphore_mem>>) {add = true}
      %lt3A_46 = arith.constant 38 : i32
      %lt3A_47 = arith.cmpi slt, %scan3A_27, %lt3A_46 : i32
      %convert_element_type3A_48 = arith.extui %lt3A_47 : i1 to i32
      %cond3A_49 = arith.constant 0 : i32
      %cond3A_50 = arith.cmpi ne, %convert_element_type3A_48, %cond3A_49 : i32
      scf.if %cond3A_50 {
        %dma_wait3A_51 = arith.constant 0 : i32
        %dma_wait3A_52 = arith.constant 0 : i32
        %dma_wait3A_53 = tpu.memref_slice %arg9[%dma_wait3A_51, %dma_wait3A_52] : memref<10000x128xf32, #tpu.memory_space<vmem_shared>> -> memref<10000x128xf32, #tpu.memory_space<vmem_shared>>
        tpu.wait_indirect_dma semaphore(%arg10 : memref<!tpu.dma_semaphore, #tpu.memory_space<semaphore_mem>>) src(%arg8 : memref<128x128xf32, #tpu.memory_space<vmem>>) dst(%dma_wait3A_53 : memref<10000x128xf32, #tpu.memory_space<vmem_shared>>)
        %mul3A_54 = arith.constant 2 : i32
        %mul3A_55 = arith.muli %mul3A_54, %scan3A_27 : i32
        %add3A_56 = arith.constant 2 : i32
        %add3A_57 = arith.addi %mul3A_55, %add3A_56 : i32
        %mul3A_58 = arith.constant 32 : i32
        %mul3A_59 = arith.muli %add3A_57, %mul3A_58 : i32
        %add3A_60 = arith.addi %add3A, %mul3A_59 : i32
        %mul3A_61 = arith.constant 128 : i32
        %mul3A_62 = arith.muli %add3A_60, %mul3A_61 : i32
        "tpu.region"() ({
          %run_scoped3A = tpu.sem_alloc : memref<!tpu.dma_semaphore, #tpu.memory_space<semaphore_mem>>
          %dma_start3A_63 = tpu.memref_slice %arg2[%mul3A_62] : memref<320000xi32, #tpu.memory_space<hbm>> -> memref<128xi32, #tpu.memory_space<hbm>>
          %dma_start3A_64 = tpu.memref_slice %arg2[%mul3A_62] : memref<320000xi32, #tpu.memory_space<hbm>> -> memref<128xi32, #tpu.memory_space<hbm>>
          tpu.enqueue_dma source(%dma_start3A_64 : memref<128xi32, #tpu.memory_space<hbm>>) target(%arg6 : memref<128xi32, #tpu.memory_space<vmem>>) target_semaphore(%run_scoped3A : memref<!tpu.dma_semaphore, #tpu.memory_space<semaphore_mem>>)
          %dma_wait3A_65 = tpu.memref_slice %arg2[%mul3A_62] : memref<320000xi32, #tpu.memory_space<hbm>> -> memref<128xi32, #tpu.memory_space<hbm>>
          %dma_wait3A_66 = tpu.memref_slice %arg2[%mul3A_62] : memref<320000xi32, #tpu.memory_space<hbm>> -> memref<128xi32, #tpu.memory_space<hbm>>
          tpu.wait_dma2 semaphore(%run_scoped3A : memref<!tpu.dma_semaphore, #tpu.memory_space<semaphore_mem>>) src(%dma_wait3A_66 : memref<128xi32, #tpu.memory_space<hbm>>) dst(%arg6 : memref<128xi32, #tpu.memory_space<vmem>>)
          tpu.yield
        }) : () -> ()
      } else {
      }
    }
    %scan3A_11 = arith.constant 39 : i32
    %dma_wait3A = arith.constant 0 : i32
    %dma_wait3A_12 = arith.constant 0 : i32
    %dma_wait3A_13 = tpu.memref_slice %arg9[%dma_wait3A, %dma_wait3A_12] : memref<10000x128xf32, #tpu.memory_space<vmem_shared>> -> memref<10000x128xf32, #tpu.memory_space<vmem_shared>>
    tpu.wait_indirect_dma semaphore(%arg10 : memref<!tpu.dma_semaphore, #tpu.memory_space<semaphore_mem>>) src(%arg8 : memref<128x128xf32, #tpu.memory_space<vmem>>) dst(%dma_wait3A_13 : memref<10000x128xf32, #tpu.memory_space<vmem_shared>>)
    %dma_wait3A_14 = arith.constant 0 : i32
    %dma_wait3A_15 = arith.constant 0 : i32
    %dma_wait3A_16 = tpu.memref_slice %arg9[%dma_wait3A_14, %dma_wait3A_15] : memref<10000x128xf32, #tpu.memory_space<vmem_shared>> -> memref<10000x128xf32, #tpu.memory_space<vmem_shared>>
    tpu.wait_indirect_dma semaphore(%arg11 : memref<!tpu.dma_semaphore, #tpu.memory_space<semaphore_mem>>) src(%arg8 : memref<128x128xf32, #tpu.memory_space<vmem>>) dst(%dma_wait3A_16 : memref<10000x128xf32, #tpu.memory_space<vmem_shared>>)
    %lt3A = arith.constant 4 : i32
    %lt3A_17 = arith.cmpi slt, %add3A, %lt3A : i32
    %convert_element_type3A_18 = arith.extui %lt3A_17 : i1 to i32
    %cond3A_19 = arith.constant 0 : i32
    %cond3A_20 = arith.cmpi ne, %convert_element_type3A_18, %cond3A_19 : i32
    scf.if %cond3A_20 {
      %add3A_27 = arith.constant 2496 : i32
      %add3A_28 = arith.addi %add3A_27, %add3A : i32
      %mul3A_29 = arith.constant 128 : i32
      %mul3A_30 = arith.muli %add3A_28, %mul3A_29 : i32
      "tpu.region"() ({
        %run_scoped3A = tpu.sem_alloc : memref<!tpu.dma_semaphore, #tpu.memory_space<semaphore_mem>>
        %dma_start3A = tpu.memref_slice %arg2[%mul3A_30] : memref<320000xi32, #tpu.memory_space<hbm>> -> memref<128xi32, #tpu.memory_space<hbm>>
        %dma_start3A_31 = tpu.memref_slice %arg2[%mul3A_30] : memref<320000xi32, #tpu.memory_space<hbm>> -> memref<128xi32, #tpu.memory_space<hbm>>
        tpu.enqueue_dma source(%dma_start3A_31 : memref<128xi32, #tpu.memory_space<hbm>>) target(%arg6 : memref<128xi32, #tpu.memory_space<vmem>>) target_semaphore(%run_scoped3A : memref<!tpu.dma_semaphore, #tpu.memory_space<semaphore_mem>>)
        %dma_wait3A_32 = tpu.memref_slice %arg2[%mul3A_30] : memref<320000xi32, #tpu.memory_space<hbm>> -> memref<128xi32, #tpu.memory_space<hbm>>
        %dma_wait3A_33 = tpu.memref_slice %arg2[%mul3A_30] : memref<320000xi32, #tpu.memory_space<hbm>> -> memref<128xi32, #tpu.memory_space<hbm>>
        tpu.wait_dma2 semaphore(%run_scoped3A : memref<!tpu.dma_semaphore, #tpu.memory_space<semaphore_mem>>) src(%dma_wait3A_33 : memref<128xi32, #tpu.memory_space<hbm>>) dst(%arg6 : memref<128xi32, #tpu.memory_space<vmem>>)
        tpu.yield
      }) : () -> ()
      "tpu.region"() ({
        %run_scoped3A = tpu.sem_alloc : memref<!tpu.dma_semaphore, #tpu.memory_space<semaphore_mem>>
        %dma_start3A = arith.constant 0 : i32
        %dma_start3A_31 = arith.constant 0 : i32
        %dma_start3A_32 = tpu.memref_slice %arg9[%dma_start3A, %dma_start3A_31] : memref<10000x128xf32, #tpu.memory_space<vmem_shared>> -> memref<10000x128xf32, #tpu.memory_space<vmem_shared>>
        tpu.enqueue_indirect_dma source(%arg8 : memref<128x128xf32, #tpu.memory_space<vmem>>) target(%dma_start3A_32 : memref<10000x128xf32, #tpu.memory_space<vmem_shared>>) offsets(%arg6 : memref<128xi32, #tpu.memory_space<vmem>>) semaphore(%run_scoped3A : memref<!tpu.dma_semaphore, #tpu.memory_space<semaphore_mem>>) {add = true}
        %dma_wait3A_33 = arith.constant 0 : i32
        %dma_wait3A_34 = arith.constant 0 : i32
        %dma_wait3A_35 = tpu.memref_slice %arg9[%dma_wait3A_33, %dma_wait3A_34] : memref<10000x128xf32, #tpu.memory_space<vmem_shared>> -> memref<10000x128xf32, #tpu.memory_space<vmem_shared>>
        tpu.wait_indirect_dma semaphore(%run_scoped3A : memref<!tpu.dma_semaphore, #tpu.memory_space<semaphore_mem>>) src(%arg8 : memref<128x128xf32, #tpu.memory_space<vmem>>) dst(%dma_wait3A_35 : memref<10000x128xf32, #tpu.memory_space<vmem_shared>>)
        tpu.yield
      }) : () -> ()
    } else {
    }
    %barrier3A_21 = arith.constant 0 : index
    tpu.barrier barrier_id(%barrier3A_21)
    "tpu.region"() ({
      %run_scoped3A = tpu.sem_alloc : memref<!tpu.dma_semaphore, #tpu.memory_space<semaphore_mem>>
      %dma_start3A = arith.constant 0 : i32
      %dma_start3A_27 = tpu.memref_slice %arg5[%arg0, %mul3A_2, %dma_start3A] : memref<2x10000x128xf32, #tpu.memory_space<hbm>> -> memref<1x624x128xf32, #tpu.memory_space<hbm>>
      %dma_start3A_28 = tpu.memref_squeeze %dma_start3A_27 : memref<1x624x128xf32, #tpu.memory_space<hbm>> -> memref<624x128xf32, #tpu.memory_space<hbm>>
      %dma_start3A_29 = arith.constant 0 : i32
      %dma_start3A_30 = tpu.memref_slice %arg9[%mul3A_2, %dma_start3A_29] : memref<10000x128xf32, #tpu.memory_space<vmem_shared>> -> memref<624x128xf32, #tpu.memory_space<vmem_shared>>
      tpu.enqueue_dma source(%dma_start3A_30 : memref<624x128xf32, #tpu.memory_space<vmem_shared>>) target(%dma_start3A_28 : memref<624x128xf32, #tpu.memory_space<hbm>>) target_semaphore(%run_scoped3A : memref<!tpu.dma_semaphore, #tpu.memory_space<semaphore_mem>>)
      %dma_wait3A_31 = arith.constant 0 : i32
      %dma_wait3A_32 = tpu.memref_slice %arg5[%arg0, %mul3A_2, %dma_wait3A_31] : memref<2x10000x128xf32, #tpu.memory_space<hbm>> -> memref<1x624x128xf32, #tpu.memory_space<hbm>>
      %dma_wait3A_33 = tpu.memref_squeeze %dma_wait3A_32 : memref<1x624x128xf32, #tpu.memory_space<hbm>> -> memref<624x128xf32, #tpu.memory_space<hbm>>
      %dma_wait3A_34 = arith.constant 0 : i32
      %dma_wait3A_35 = tpu.memref_slice %arg9[%mul3A_2, %dma_wait3A_34] : memref<10000x128xf32, #tpu.memory_space<vmem_shared>> -> memref<624x128xf32, #tpu.memory_space<vmem_shared>>
      tpu.wait_dma2 semaphore(%run_scoped3A : memref<!tpu.dma_semaphore, #tpu.memory_space<semaphore_mem>>) src(%dma_wait3A_35 : memref<624x128xf32, #tpu.memory_space<vmem_shared>>) dst(%dma_wait3A_33 : memref<624x128xf32, #tpu.memory_space<hbm>>)
      tpu.yield
    }) : () -> ()
    %eq3A_22 = arith.constant 15 : i32
    %eq3A_23 = arith.cmpi eq, %arg1, %eq3A_22 : i32
    %convert_element_type3A_24 = arith.extui %eq3A_23 : i1 to i32
    %cond3A_25 = arith.constant 0 : i32
    %cond3A_26 = arith.cmpi ne, %convert_element_type3A_24, %cond3A_25 : i32
    scf.if %cond3A_26 {
      "tpu.region"() ({
        %run_scoped3A = tpu.sem_alloc : memref<!tpu.dma_semaphore, #tpu.memory_space<semaphore_mem>>
        %dma_start3A = arith.constant 9984 : i32
        %dma_start3A_27 = arith.constant 0 : i32
        %dma_start3A_28 = tpu.memref_slice %arg5[%arg0, %dma_start3A, %dma_start3A_27] : memref<2x10000x128xf32, #tpu.memory_space<hbm>> -> memref<1x16x128xf32, #tpu.memory_space<hbm>>
        %dma_start3A_29 = tpu.memref_squeeze %dma_start3A_28 : memref<1x16x128xf32, #tpu.memory_space<hbm>> -> memref<16x128xf32, #tpu.memory_space<hbm>>
        %dma_start3A_30 = arith.constant 9984 : i32
        %dma_start3A_31 = arith.constant 0 : i32
        %dma_start3A_32 = tpu.memref_slice %arg9[%dma_start3A_30, %dma_start3A_31] : memref<10000x128xf32, #tpu.memory_space<vmem_shared>> -> memref<16x128xf32, #tpu.memory_space<vmem_shared>>
        tpu.enqueue_dma source(%dma_start3A_32 : memref<16x128xf32, #tpu.memory_space<vmem_shared>>) target(%dma_start3A_29 : memref<16x128xf32, #tpu.memory_space<hbm>>) target_semaphore(%run_scoped3A : memref<!tpu.dma_semaphore, #tpu.memory_space<semaphore_mem>>)
        %dma_wait3A_33 = arith.constant 9984 : i32
        %dma_wait3A_34 = arith.constant 0 : i32
        %dma_wait3A_35 = tpu.memref_slice %arg5[%arg0, %dma_wait3A_33, %dma_wait3A_34] : memref<2x10000x128xf32, #tpu.memory_space<hbm>> -> memref<1x16x128xf32, #tpu.memory_space<hbm>>
        %dma_wait3A_36 = tpu.memref_squeeze %dma_wait3A_35 : memref<1x16x128xf32, #tpu.memory_space<hbm>> -> memref<16x128xf32, #tpu.memory_space<hbm>>
        %dma_wait3A_37 = arith.constant 9984 : i32
        %dma_wait3A_38 = arith.constant 0 : i32
        %dma_wait3A_39 = tpu.memref_slice %arg9[%dma_wait3A_37, %dma_wait3A_38] : memref<10000x128xf32, #tpu.memory_space<vmem_shared>> -> memref<16x128xf32, #tpu.memory_space<vmem_shared>>
        tpu.wait_dma2 semaphore(%run_scoped3A : memref<!tpu.dma_semaphore, #tpu.memory_space<semaphore_mem>>) src(%dma_wait3A_39 : memref<16x128xf32, #tpu.memory_space<vmem_shared>>) dst(%dma_wait3A_36 : memref<16x128xf32, #tpu.memory_space<hbm>>)
        tpu.yield
      }) : () -> ()
    } else {
    }
    return
  }
}

#map = affine_map<(d0, d1) -> (0, 0)>
#map1 = affine_map<(d0, d1) -> (0, 0, 0)>
module attributes {stable_mosaic.version = 14 : i64} {
  func.func @prop(%arg0: i32, %arg1: i32, %arg2: memref<10000x128xf32, #tpu.memory_space<hbm>>, %arg3: memref<2500x2x128xi32, #tpu.memory_space<hbm>>, %arg4: memref<10000x128xf32, #tpu.memory_space<hbm>>, %arg5: memref<2x10000x128xf32, #tpu.memory_space<hbm>>, %arg6: memref<2x128xi32, #tpu.memory_space<vmem>>, %arg7: memref<2x128xi32, #tpu.memory_space<vmem>>, %arg8: memref<2x128xi32, #tpu.memory_space<vmem>>, %arg9: memref<128x128xf32, #tpu.memory_space<vmem>>, %arg10: memref<128x128xf32, #tpu.memory_space<vmem>>, %arg11: memref<128x128xf32, #tpu.memory_space<vmem>>, %arg12: memref<10000x128xf32, #tpu.memory_space<vmem_shared>>, %arg13: memref<!tpu.dma_semaphore, #tpu.memory_space<semaphore_mem>>, %arg14: memref<!tpu.dma_semaphore, #tpu.memory_space<semaphore_mem>>, %arg15: memref<!tpu.dma_semaphore, #tpu.memory_space<semaphore_mem>>, %arg16: memref<!tpu.dma_semaphore, #tpu.memory_space<semaphore_mem>>, %arg17: memref<!tpu.dma_semaphore, #tpu.memory_space<semaphore_mem>>, %arg18: memref<!tpu.dma_semaphore, #tpu.memory_space<semaphore_mem>>) attributes {dimension_semantics = [#tpu.dimension_semantics<core_parallel>, #tpu.dimension_semantics<subcore_parallel>], iteration_bounds = array<i64: 2, 16>, scalar_prefetch = 0 : i64, scratch_operands = 13 : i64, tpu.core_type = #tpu.core_type<sc_vector_subcore>, window_params = [{transform_indices = #map}, {transform_indices = #map1}, {transform_indices = #map}, {transform_indices = #map1}]} {
    %mul3A = arith.constant 2 : i32
    %mul3A_0 = arith.muli %arg1, %mul3A : i32
    %add3A = arith.addi %mul3A_0, %arg0 : i32
    %mul3A_1 = arith.constant 624 : i32
    %mul3A_2 = arith.muli %arg1, %mul3A_1 : i32
    "tpu.region"() ({
      %run_scoped3A = tpu.sem_alloc : memref<!tpu.dma_semaphore, #tpu.memory_space<semaphore_mem>>
      %dma_start3A_43 = arith.constant 0 : i32
      %dma_start3A_44 = tpu.memref_slice %arg12[%mul3A_2, %dma_start3A_43] : memref<10000x128xf32, #tpu.memory_space<vmem_shared>> -> memref<624x128xf32, #tpu.memory_space<vmem_shared>>
      %dma_start3A_45 = arith.constant 0 : i32
      %dma_start3A_46 = tpu.memref_slice %arg4[%mul3A_2, %dma_start3A_45] : memref<10000x128xf32, #tpu.memory_space<hbm>> -> memref<624x128xf32, #tpu.memory_space<hbm>>
      tpu.enqueue_dma source(%dma_start3A_46 : memref<624x128xf32, #tpu.memory_space<hbm>>) target(%dma_start3A_44 : memref<624x128xf32, #tpu.memory_space<vmem_shared>>) target_semaphore(%run_scoped3A : memref<!tpu.dma_semaphore, #tpu.memory_space<semaphore_mem>>)
      %dma_wait3A_47 = arith.constant 0 : i32
      %dma_wait3A_48 = tpu.memref_slice %arg12[%mul3A_2, %dma_wait3A_47] : memref<10000x128xf32, #tpu.memory_space<vmem_shared>> -> memref<624x128xf32, #tpu.memory_space<vmem_shared>>
      %dma_wait3A_49 = arith.constant 0 : i32
      %dma_wait3A_50 = tpu.memref_slice %arg4[%mul3A_2, %dma_wait3A_49] : memref<10000x128xf32, #tpu.memory_space<hbm>> -> memref<624x128xf32, #tpu.memory_space<hbm>>
      tpu.wait_dma2 semaphore(%run_scoped3A : memref<!tpu.dma_semaphore, #tpu.memory_space<semaphore_mem>>) src(%dma_wait3A_50 : memref<624x128xf32, #tpu.memory_space<hbm>>) dst(%dma_wait3A_48 : memref<624x128xf32, #tpu.memory_space<vmem_shared>>)
      tpu.yield
    }) : () -> ()
    %eq3A = arith.constant 15 : i32
    %eq3A_3 = arith.cmpi eq, %arg1, %eq3A : i32
    %convert_element_type3A = arith.extui %eq3A_3 : i1 to i32
    %cond3A = arith.constant 0 : i32
    %cond3A_4 = arith.cmpi ne, %convert_element_type3A, %cond3A : i32
    scf.if %cond3A_4 {
      "tpu.region"() ({
        %run_scoped3A = tpu.sem_alloc : memref<!tpu.dma_semaphore, #tpu.memory_space<semaphore_mem>>
        %dma_start3A_43 = arith.constant 9984 : i32
        %dma_start3A_44 = arith.constant 0 : i32
        %dma_start3A_45 = tpu.memref_slice %arg12[%dma_start3A_43, %dma_start3A_44] : memref<10000x128xf32, #tpu.memory_space<vmem_shared>> -> memref<16x128xf32, #tpu.memory_space<vmem_shared>>
        %dma_start3A_46 = arith.constant 9984 : i32
        %dma_start3A_47 = arith.constant 0 : i32
        %dma_start3A_48 = tpu.memref_slice %arg4[%dma_start3A_46, %dma_start3A_47] : memref<10000x128xf32, #tpu.memory_space<hbm>> -> memref<16x128xf32, #tpu.memory_space<hbm>>
        tpu.enqueue_dma source(%dma_start3A_48 : memref<16x128xf32, #tpu.memory_space<hbm>>) target(%dma_start3A_45 : memref<16x128xf32, #tpu.memory_space<vmem_shared>>) target_semaphore(%run_scoped3A : memref<!tpu.dma_semaphore, #tpu.memory_space<semaphore_mem>>)
        %dma_wait3A_49 = arith.constant 9984 : i32
        %dma_wait3A_50 = arith.constant 0 : i32
        %dma_wait3A_51 = tpu.memref_slice %arg12[%dma_wait3A_49, %dma_wait3A_50] : memref<10000x128xf32, #tpu.memory_space<vmem_shared>> -> memref<16x128xf32, #tpu.memory_space<vmem_shared>>
        %dma_wait3A_52 = arith.constant 9984 : i32
        %dma_wait3A_53 = arith.constant 0 : i32
        %dma_wait3A_54 = tpu.memref_slice %arg4[%dma_wait3A_52, %dma_wait3A_53] : memref<10000x128xf32, #tpu.memory_space<hbm>> -> memref<16x128xf32, #tpu.memory_space<hbm>>
        tpu.wait_dma2 semaphore(%run_scoped3A : memref<!tpu.dma_semaphore, #tpu.memory_space<semaphore_mem>>) src(%dma_wait3A_54 : memref<16x128xf32, #tpu.memory_space<hbm>>) dst(%dma_wait3A_51 : memref<16x128xf32, #tpu.memory_space<vmem_shared>>)
        tpu.yield
      }) : () -> ()
    } else {
    }
    %barrier3A = arith.constant 0 : index
    tpu.barrier barrier_id(%barrier3A)
    %add3A_5 = arith.constant 0 : i32
    %add3A_6 = arith.addi %add3A, %add3A_5 : i32
    "tpu.region"() ({
      %run_scoped3A = tpu.sem_alloc : memref<!tpu.dma_semaphore, #tpu.memory_space<semaphore_mem>>
      %dma_start3A_43 = arith.constant 0 : i32
      %dma_start3A_44 = arith.constant 0 : i32
      %dma_start3A_45 = tpu.memref_slice %arg3[%add3A_6, %dma_start3A_43, %dma_start3A_44] : memref<2500x2x128xi32, #tpu.memory_space<hbm>> -> memref<1x2x128xi32, #tpu.memory_space<hbm>>
      %dma_start3A_46 = tpu.memref_squeeze %dma_start3A_45 : memref<1x2x128xi32, #tpu.memory_space<hbm>> -> memref<2x128xi32, #tpu.memory_space<hbm>>
      %dma_start3A_47 = arith.constant 0 : i32
      %dma_start3A_48 = arith.constant 0 : i32
      %dma_start3A_49 = tpu.memref_slice %arg3[%add3A_6, %dma_start3A_47, %dma_start3A_48] : memref<2500x2x128xi32, #tpu.memory_space<hbm>> -> memref<1x2x128xi32, #tpu.memory_space<hbm>>
      %dma_start3A_50 = tpu.memref_squeeze %dma_start3A_49 : memref<1x2x128xi32, #tpu.memory_space<hbm>> -> memref<2x128xi32, #tpu.memory_space<hbm>>
      tpu.enqueue_dma source(%dma_start3A_50 : memref<2x128xi32, #tpu.memory_space<hbm>>) target(%arg6 : memref<2x128xi32, #tpu.memory_space<vmem>>) target_semaphore(%run_scoped3A : memref<!tpu.dma_semaphore, #tpu.memory_space<semaphore_mem>>)
      %dma_wait3A_51 = arith.constant 0 : i32
      %dma_wait3A_52 = arith.constant 0 : i32
      %dma_wait3A_53 = tpu.memref_slice %arg3[%add3A_6, %dma_wait3A_51, %dma_wait3A_52] : memref<2500x2x128xi32, #tpu.memory_space<hbm>> -> memref<1x2x128xi32, #tpu.memory_space<hbm>>
      %dma_wait3A_54 = tpu.memref_squeeze %dma_wait3A_53 : memref<1x2x128xi32, #tpu.memory_space<hbm>> -> memref<2x128xi32, #tpu.memory_space<hbm>>
      %dma_wait3A_55 = arith.constant 0 : i32
      %dma_wait3A_56 = arith.constant 0 : i32
      %dma_wait3A_57 = tpu.memref_slice %arg3[%add3A_6, %dma_wait3A_55, %dma_wait3A_56] : memref<2500x2x128xi32, #tpu.memory_space<hbm>> -> memref<1x2x128xi32, #tpu.memory_space<hbm>>
      %dma_wait3A_58 = tpu.memref_squeeze %dma_wait3A_57 : memref<1x2x128xi32, #tpu.memory_space<hbm>> -> memref<2x128xi32, #tpu.memory_space<hbm>>
      tpu.wait_dma2 semaphore(%run_scoped3A : memref<!tpu.dma_semaphore, #tpu.memory_space<semaphore_mem>>) src(%dma_wait3A_58 : memref<2x128xi32, #tpu.memory_space<hbm>>) dst(%arg6 : memref<2x128xi32, #tpu.memory_space<vmem>>)
      tpu.yield
    }) : () -> ()
    %dma_start3A = arith.constant 0 : i32
    %dma_start3A_7 = arith.constant 0 : i32
    %dma_start3A_8 = tpu.memref_slice %arg6[%dma_start3A, %dma_start3A_7] : memref<2x128xi32, #tpu.memory_space<vmem>> -> memref<1x128xi32, #tpu.memory_space<vmem>>
    %dma_start3A_9 = tpu.memref_squeeze %dma_start3A_8 : memref<1x128xi32, #tpu.memory_space<vmem>> -> memref<128xi32, #tpu.memory_space<vmem>>
    %dma_start3A_10 = arith.constant 0 : i32
    %dma_start3A_11 = arith.constant 0 : i32
    %dma_start3A_12 = tpu.memref_slice %arg2[%dma_start3A_10, %dma_start3A_11] : memref<10000x128xf32, #tpu.memory_space<hbm>> -> memref<10000x128xf32, #tpu.memory_space<hbm>>
    tpu.enqueue_indirect_dma source(%dma_start3A_12 : memref<10000x128xf32, #tpu.memory_space<hbm>>) target(%arg9 : memref<128x128xf32, #tpu.memory_space<vmem>>) offsets(%dma_start3A_9 : memref<128xi32, #tpu.memory_space<vmem>>) semaphore(%arg13 : memref<!tpu.dma_semaphore, #tpu.memory_space<semaphore_mem>>)
    %add3A_13 = arith.constant 32 : i32
    %add3A_14 = arith.addi %add3A, %add3A_13 : i32
    "tpu.region"() ({
      %run_scoped3A = tpu.sem_alloc : memref<!tpu.dma_semaphore, #tpu.memory_space<semaphore_mem>>
      %dma_start3A_43 = arith.constant 0 : i32
      %dma_start3A_44 = arith.constant 0 : i32
      %dma_start3A_45 = tpu.memref_slice %arg3[%add3A_14, %dma_start3A_43, %dma_start3A_44] : memref<2500x2x128xi32, #tpu.memory_space<hbm>> -> memref<1x2x128xi32, #tpu.memory_space<hbm>>
      %dma_start3A_46 = tpu.memref_squeeze %dma_start3A_45 : memref<1x2x128xi32, #tpu.memory_space<hbm>> -> memref<2x128xi32, #tpu.memory_space<hbm>>
      %dma_start3A_47 = arith.constant 0 : i32
      %dma_start3A_48 = arith.constant 0 : i32
      %dma_start3A_49 = tpu.memref_slice %arg3[%add3A_14, %dma_start3A_47, %dma_start3A_48] : memref<2500x2x128xi32, #tpu.memory_space<hbm>> -> memref<1x2x128xi32, #tpu.memory_space<hbm>>
      %dma_start3A_50 = tpu.memref_squeeze %dma_start3A_49 : memref<1x2x128xi32, #tpu.memory_space<hbm>> -> memref<2x128xi32, #tpu.memory_space<hbm>>
      tpu.enqueue_dma source(%dma_start3A_50 : memref<2x128xi32, #tpu.memory_space<hbm>>) target(%arg7 : memref<2x128xi32, #tpu.memory_space<vmem>>) target_semaphore(%run_scoped3A : memref<!tpu.dma_semaphore, #tpu.memory_space<semaphore_mem>>)
      %dma_wait3A_51 = arith.constant 0 : i32
      %dma_wait3A_52 = arith.constant 0 : i32
      %dma_wait3A_53 = tpu.memref_slice %arg3[%add3A_14, %dma_wait3A_51, %dma_wait3A_52] : memref<2500x2x128xi32, #tpu.memory_space<hbm>> -> memref<1x2x128xi32, #tpu.memory_space<hbm>>
      %dma_wait3A_54 = tpu.memref_squeeze %dma_wait3A_53 : memref<1x2x128xi32, #tpu.memory_space<hbm>> -> memref<2x128xi32, #tpu.memory_space<hbm>>
      %dma_wait3A_55 = arith.constant 0 : i32
      %dma_wait3A_56 = arith.constant 0 : i32
      %dma_wait3A_57 = tpu.memref_slice %arg3[%add3A_14, %dma_wait3A_55, %dma_wait3A_56] : memref<2500x2x128xi32, #tpu.memory_space<hbm>> -> memref<1x2x128xi32, #tpu.memory_space<hbm>>
      %dma_wait3A_58 = tpu.memref_squeeze %dma_wait3A_57 : memref<1x2x128xi32, #tpu.memory_space<hbm>> -> memref<2x128xi32, #tpu.memory_space<hbm>>
      tpu.wait_dma2 semaphore(%run_scoped3A : memref<!tpu.dma_semaphore, #tpu.memory_space<semaphore_mem>>) src(%dma_wait3A_58 : memref<2x128xi32, #tpu.memory_space<hbm>>) dst(%arg7 : memref<2x128xi32, #tpu.memory_space<vmem>>)
      tpu.yield
    }) : () -> ()
    %dma_start3A_15 = arith.constant 0 : i32
    %dma_start3A_16 = arith.constant 0 : i32
    %dma_start3A_17 = tpu.memref_slice %arg7[%dma_start3A_15, %dma_start3A_16] : memref<2x128xi32, #tpu.memory_space<vmem>> -> memref<1x128xi32, #tpu.memory_space<vmem>>
    %dma_start3A_18 = tpu.memref_squeeze %dma_start3A_17 : memref<1x128xi32, #tpu.memory_space<vmem>> -> memref<128xi32, #tpu.memory_space<vmem>>
    %dma_start3A_19 = arith.constant 0 : i32
    %dma_start3A_20 = arith.constant 0 : i32
    %dma_start3A_21 = tpu.memref_slice %arg2[%dma_start3A_19, %dma_start3A_20] : memref<10000x128xf32, #tpu.memory_space<hbm>> -> memref<10000x128xf32, #tpu.memory_space<hbm>>
    tpu.enqueue_indirect_dma source(%dma_start3A_21 : memref<10000x128xf32, #tpu.memory_space<hbm>>) target(%arg10 : memref<128x128xf32, #tpu.memory_space<vmem>>) offsets(%dma_start3A_18 : memref<128xi32, #tpu.memory_space<vmem>>) semaphore(%arg14 : memref<!tpu.dma_semaphore, #tpu.memory_space<semaphore_mem>>)
    %scan3A = arith.constant 0 : i32
    %scan3A_22 = arith.constant 0 : i32
    %scan3A_23 = arith.constant 26 : i32
    %scan3A_24 = arith.addi %scan3A_22, %scan3A_23 : i32
    %scan3A_25 = arith.constant 1 : i32
    scf.for %scan3A_43 = %scan3A_22 to %scan3A_24 step %scan3A_25  : i32 {
      %mul3A_44 = arith.constant 3 : i32
      %mul3A_45 = arith.muli %mul3A_44, %scan3A_43 : i32
      %add3A_46 = arith.constant 0 : i32
      %add3A_47 = arith.addi %mul3A_45, %add3A_46 : i32
      %dma_wait3A_48 = arith.constant 0 : i32
      %dma_wait3A_49 = arith.constant 0 : i32
      %dma_wait3A_50 = tpu.memref_slice %arg6[%dma_wait3A_48, %dma_wait3A_49] : memref<2x128xi32, #tpu.memory_space<vmem>> -> memref<1x128xi32, #tpu.memory_space<vmem>>
      %dma_wait3A_51 = tpu.memref_squeeze %dma_wait3A_50 : memref<1x128xi32, #tpu.memory_space<vmem>> -> memref<128xi32, #tpu.memory_space<vmem>>
      %dma_wait3A_52 = arith.constant 0 : i32
      %dma_wait3A_53 = arith.constant 0 : i32
      %dma_wait3A_54 = tpu.memref_slice %arg2[%dma_wait3A_52, %dma_wait3A_53] : memref<10000x128xf32, #tpu.memory_space<hbm>> -> memref<10000x128xf32, #tpu.memory_space<hbm>>
      tpu.wait_indirect_dma semaphore(%arg13 : memref<!tpu.dma_semaphore, #tpu.memory_space<semaphore_mem>>) src(%dma_wait3A_54 : memref<10000x128xf32, #tpu.memory_space<hbm>>) dst(%arg9 : memref<128x128xf32, #tpu.memory_space<vmem>>)
      %dma_start3A_55 = arith.constant 1 : i32
      %dma_start3A_56 = arith.constant 0 : i32
      %dma_start3A_57 = tpu.memref_slice %arg6[%dma_start3A_55, %dma_start3A_56] : memref<2x128xi32, #tpu.memory_space<vmem>> -> memref<1x128xi32, #tpu.memory_space<vmem>>
      %dma_start3A_58 = tpu.memref_squeeze %dma_start3A_57 : memref<1x128xi32, #tpu.memory_space<vmem>> -> memref<128xi32, #tpu.memory_space<vmem>>
      %dma_start3A_59 = arith.constant 0 : i32
      %dma_start3A_60 = arith.constant 0 : i32
      %dma_start3A_61 = tpu.memref_slice %arg12[%dma_start3A_59, %dma_start3A_60] : memref<10000x128xf32, #tpu.memory_space<vmem_shared>> -> memref<10000x128xf32, #tpu.memory_space<vmem_shared>>
      tpu.enqueue_indirect_dma source(%arg9 : memref<128x128xf32, #tpu.memory_space<vmem>>) target(%dma_start3A_61 : memref<10000x128xf32, #tpu.memory_space<vmem_shared>>) offsets(%dma_start3A_58 : memref<128xi32, #tpu.memory_space<vmem>>) semaphore(%arg16 : memref<!tpu.dma_semaphore, #tpu.memory_space<semaphore_mem>>) {add = true}
      %ge3A = arith.constant 1 : i32
      %ge3A_62 = arith.cmpi sge, %add3A_47, %ge3A : i32
      %convert_element_type3A_63 = arith.extui %ge3A_62 : i1 to i32
      %cond3A_64 = arith.constant 0 : i32
      %cond3A_65 = arith.cmpi ne, %convert_element_type3A_63, %cond3A_64 : i32
      scf.if %cond3A_65 {
        %dma_wait3A_138 = arith.constant 1 : i32
        %dma_wait3A_139 = arith.constant 0 : i32
        %dma_wait3A_140 = tpu.memref_slice %arg8[%dma_wait3A_138, %dma_wait3A_139] : memref<2x128xi32, #tpu.memory_space<vmem>> -> memref<1x128xi32, #tpu.memory_space<vmem>>
        %dma_wait3A_141 = tpu.memref_squeeze %dma_wait3A_140 : memref<1x128xi32, #tpu.memory_space<vmem>> -> memref<128xi32, #tpu.memory_space<vmem>>
        %dma_wait3A_142 = arith.constant 0 : i32
        %dma_wait3A_143 = arith.constant 0 : i32
        %dma_wait3A_144 = tpu.memref_slice %arg12[%dma_wait3A_142, %dma_wait3A_143] : memref<10000x128xf32, #tpu.memory_space<vmem_shared>> -> memref<10000x128xf32, #tpu.memory_space<vmem_shared>>
        tpu.wait_indirect_dma semaphore(%arg18 : memref<!tpu.dma_semaphore, #tpu.memory_space<semaphore_mem>>) src(%arg11 : memref<128x128xf32, #tpu.memory_space<vmem>>) dst(%dma_wait3A_144 : memref<10000x128xf32, #tpu.memory_space<vmem_shared>>)
      } else {
      }
      %add3A_66 = arith.constant 3 : i32
      %add3A_67 = arith.addi %add3A_47, %add3A_66 : i32
      %sub3A = arith.constant 1 : i32
      %sub3A_68 = arith.subi %add3A_67, %sub3A : i32
      %lt3A_69 = arith.constant 78 : i32
      %lt3A_70 = arith.cmpi slt, %sub3A_68, %lt3A_69 : i32
      %convert_element_type3A_71 = arith.extui %lt3A_70 : i1 to i32
      %cond3A_72 = arith.constant 0 : i32
      %cond3A_73 = arith.cmpi ne, %convert_element_type3A_71, %cond3A_72 : i32
      scf.if %cond3A_73 {
        %add3A_138 = arith.constant 3 : i32
        %add3A_139 = arith.addi %add3A_47, %add3A_138 : i32
        %sub3A_140 = arith.constant 1 : i32
        %sub3A_141 = arith.subi %add3A_139, %sub3A_140 : i32
        %mul3A_142 = arith.constant 32 : i32
        %mul3A_143 = arith.muli %sub3A_141, %mul3A_142 : i32
        %add3A_144 = arith.addi %add3A, %mul3A_143 : i32
        "tpu.region"() ({
          %run_scoped3A = tpu.sem_alloc : memref<!tpu.dma_semaphore, #tpu.memory_space<semaphore_mem>>
          %dma_start3A_152 = arith.constant 0 : i32
          %dma_start3A_153 = arith.constant 0 : i32
          %dma_start3A_154 = tpu.memref_slice %arg3[%add3A_144, %dma_start3A_152, %dma_start3A_153] : memref<2500x2x128xi32, #tpu.memory_space<hbm>> -> memref<1x2x128xi32, #tpu.memory_space<hbm>>
          %dma_start3A_155 = tpu.memref_squeeze %dma_start3A_154 : memref<1x2x128xi32, #tpu.memory_space<hbm>> -> memref<2x128xi32, #tpu.memory_space<hbm>>
          %dma_start3A_156 = arith.constant 0 : i32
          %dma_start3A_157 = arith.constant 0 : i32
          %dma_start3A_158 = tpu.memref_slice %arg3[%add3A_144, %dma_start3A_156, %dma_start3A_157] : memref<2500x2x128xi32, #tpu.memory_space<hbm>> -> memref<1x2x128xi32, #tpu.memory_space<hbm>>
          %dma_start3A_159 = tpu.memref_squeeze %dma_start3A_158 : memref<1x2x128xi32, #tpu.memory_space<hbm>> -> memref<2x128xi32, #tpu.memory_space<hbm>>
          tpu.enqueue_dma source(%dma_start3A_159 : memref<2x128xi32, #tpu.memory_space<hbm>>) target(%arg8 : memref<2x128xi32, #tpu.memory_space<vmem>>) target_semaphore(%run_scoped3A : memref<!tpu.dma_semaphore, #tpu.memory_space<semaphore_mem>>)
          %dma_wait3A_160 = arith.constant 0 : i32
          %dma_wait3A_161 = arith.constant 0 : i32
          %dma_wait3A_162 = tpu.memref_slice %arg3[%add3A_144, %dma_wait3A_160, %dma_wait3A_161] : memref<2500x2x128xi32, #tpu.memory_space<hbm>> -> memref<1x2x128xi32, #tpu.memory_space<hbm>>
          %dma_wait3A_163 = tpu.memref_squeeze %dma_wait3A_162 : memref<1x2x128xi32, #tpu.memory_space<hbm>> -> memref<2x128xi32, #tpu.memory_space<hbm>>
          %dma_wait3A_164 = arith.constant 0 : i32
          %dma_wait3A_165 = arith.constant 0 : i32
          %dma_wait3A_166 = tpu.memref_slice %arg3[%add3A_144, %dma_wait3A_164, %dma_wait3A_165] : memref<2500x2x128xi32, #tpu.memory_space<hbm>> -> memref<1x2x128xi32, #tpu.memory_space<hbm>>
          %dma_wait3A_167 = tpu.memref_squeeze %dma_wait3A_166 : memref<1x2x128xi32, #tpu.memory_space<hbm>> -> memref<2x128xi32, #tpu.memory_space<hbm>>
          tpu.wait_dma2 semaphore(%run_scoped3A : memref<!tpu.dma_semaphore, #tpu.memory_space<semaphore_mem>>) src(%dma_wait3A_167 : memref<2x128xi32, #tpu.memory_space<hbm>>) dst(%arg8 : memref<2x128xi32, #tpu.memory_space<vmem>>)
          tpu.yield
        }) : () -> ()
        %dma_start3A_145 = arith.constant 0 : i32
        %dma_start3A_146 = arith.constant 0 : i32
        %dma_start3A_147 = tpu.memref_slice %arg8[%dma_start3A_145, %dma_start3A_146] : memref<2x128xi32, #tpu.memory_space<vmem>> -> memref<1x128xi32, #tpu.memory_space<vmem>>
        %dma_start3A_148 = tpu.memref_squeeze %dma_start3A_147 : memref<1x128xi32, #tpu.memory_space<vmem>> -> memref<128xi32, #tpu.memory_space<vmem>>
        %dma_start3A_149 = arith.constant 0 : i32
        %dma_start3A_150 = arith.constant 0 : i32
        %dma_start3A_151 = tpu.memref_slice %arg2[%dma_start3A_149, %dma_start3A_150] : memref<10000x128xf32, #tpu.memory_space<hbm>> -> memref<10000x128xf32, #tpu.memory_space<hbm>>
        tpu.enqueue_indirect_dma source(%dma_start3A_151 : memref<10000x128xf32, #tpu.memory_space<hbm>>) target(%arg11 : memref<128x128xf32, #tpu.memory_space<vmem>>) offsets(%dma_start3A_148 : memref<128xi32, #tpu.memory_space<vmem>>) semaphore(%arg15 : memref<!tpu.dma_semaphore, #tpu.memory_space<semaphore_mem>>)
      } else {
      }
      %mul3A_74 = arith.constant 3 : i32
      %mul3A_75 = arith.muli %mul3A_74, %scan3A_43 : i32
      %add3A_76 = arith.constant 1 : i32
      %add3A_77 = arith.addi %mul3A_75, %add3A_76 : i32
      %dma_wait3A_78 = arith.constant 0 : i32
      %dma_wait3A_79 = arith.constant 0 : i32
      %dma_wait3A_80 = tpu.memref_slice %arg7[%dma_wait3A_78, %dma_wait3A_79] : memref<2x128xi32, #tpu.memory_space<vmem>> -> memref<1x128xi32, #tpu.memory_space<vmem>>
      %dma_wait3A_81 = tpu.memref_squeeze %dma_wait3A_80 : memref<1x128xi32, #tpu.memory_space<vmem>> -> memref<128xi32, #tpu.memory_space<vmem>>
      %dma_wait3A_82 = arith.constant 0 : i32
      %dma_wait3A_83 = arith.constant 0 : i32
      %dma_wait3A_84 = tpu.memref_slice %arg2[%dma_wait3A_82, %dma_wait3A_83] : memref<10000x128xf32, #tpu.memory_space<hbm>> -> memref<10000x128xf32, #tpu.memory_space<hbm>>
      tpu.wait_indirect_dma semaphore(%arg14 : memref<!tpu.dma_semaphore, #tpu.memory_space<semaphore_mem>>) src(%dma_wait3A_84 : memref<10000x128xf32, #tpu.memory_space<hbm>>) dst(%arg10 : memref<128x128xf32, #tpu.memory_space<vmem>>)
      %dma_start3A_85 = arith.constant 1 : i32
      %dma_start3A_86 = arith.constant 0 : i32
      %dma_start3A_87 = tpu.memref_slice %arg7[%dma_start3A_85, %dma_start3A_86] : memref<2x128xi32, #tpu.memory_space<vmem>> -> memref<1x128xi32, #tpu.memory_space<vmem>>
      %dma_start3A_88 = tpu.memref_squeeze %dma_start3A_87 : memref<1x128xi32, #tpu.memory_space<vmem>> -> memref<128xi32, #tpu.memory_space<vmem>>
      %dma_start3A_89 = arith.constant 0 : i32
      %dma_start3A_90 = arith.constant 0 : i32
      %dma_start3A_91 = tpu.memref_slice %arg12[%dma_start3A_89, %dma_start3A_90] : memref<10000x128xf32, #tpu.memory_space<vmem_shared>> -> memref<10000x128xf32, #tpu.memory_space<vmem_shared>>
      tpu.enqueue_indirect_dma source(%arg10 : memref<128x128xf32, #tpu.memory_space<vmem>>) target(%dma_start3A_91 : memref<10000x128xf32, #tpu.memory_space<vmem_shared>>) offsets(%dma_start3A_88 : memref<128xi32, #tpu.memory_space<vmem>>) semaphore(%arg17 : memref<!tpu.dma_semaphore, #tpu.memory_space<semaphore_mem>>) {add = true}
      %ge3A_92 = arith.constant 1 : i32
      %ge3A_93 = arith.cmpi sge, %add3A_77, %ge3A_92 : i32
      %convert_element_type3A_94 = arith.extui %ge3A_93 : i1 to i32
      %cond3A_95 = arith.constant 0 : i32
      %cond3A_96 = arith.cmpi ne, %convert_element_type3A_94, %cond3A_95 : i32
      scf.if %cond3A_96 {
        %dma_wait3A_138 = arith.constant 1 : i32
        %dma_wait3A_139 = arith.constant 0 : i32
        %dma_wait3A_140 = tpu.memref_slice %arg6[%dma_wait3A_138, %dma_wait3A_139] : memref<2x128xi32, #tpu.memory_space<vmem>> -> memref<1x128xi32, #tpu.memory_space<vmem>>
        %dma_wait3A_141 = tpu.memref_squeeze %dma_wait3A_140 : memref<1x128xi32, #tpu.memory_space<vmem>> -> memref<128xi32, #tpu.memory_space<vmem>>
        %dma_wait3A_142 = arith.constant 0 : i32
        %dma_wait3A_143 = arith.constant 0 : i32
        %dma_wait3A_144 = tpu.memref_slice %arg12[%dma_wait3A_142, %dma_wait3A_143] : memref<10000x128xf32, #tpu.memory_space<vmem_shared>> -> memref<10000x128xf32, #tpu.memory_space<vmem_shared>>
        tpu.wait_indirect_dma semaphore(%arg16 : memref<!tpu.dma_semaphore, #tpu.memory_space<semaphore_mem>>) src(%arg9 : memref<128x128xf32, #tpu.memory_space<vmem>>) dst(%dma_wait3A_144 : memref<10000x128xf32, #tpu.memory_space<vmem_shared>>)
      } else {
      }
      %add3A_97 = arith.constant 3 : i32
      %add3A_98 = arith.addi %add3A_77, %add3A_97 : i32
      %sub3A_99 = arith.constant 1 : i32
      %sub3A_100 = arith.subi %add3A_98, %sub3A_99 : i32
      %lt3A_101 = arith.constant 78 : i32
      %lt3A_102 = arith.cmpi slt, %sub3A_100, %lt3A_101 : i32
      %convert_element_type3A_103 = arith.extui %lt3A_102 : i1 to i32
      %cond3A_104 = arith.constant 0 : i32
      %cond3A_105 = arith.cmpi ne, %convert_element_type3A_103, %cond3A_104 : i32
      scf.if %cond3A_105 {
        %add3A_138 = arith.constant 3 : i32
        %add3A_139 = arith.addi %add3A_77, %add3A_138 : i32
        %sub3A_140 = arith.constant 1 : i32
        %sub3A_141 = arith.subi %add3A_139, %sub3A_140 : i32
        %mul3A_142 = arith.constant 32 : i32
        %mul3A_143 = arith.muli %sub3A_141, %mul3A_142 : i32
        %add3A_144 = arith.addi %add3A, %mul3A_143 : i32
        "tpu.region"() ({
          %run_scoped3A = tpu.sem_alloc : memref<!tpu.dma_semaphore, #tpu.memory_space<semaphore_mem>>
          %dma_start3A_152 = arith.constant 0 : i32
          %dma_start3A_153 = arith.constant 0 : i32
          %dma_start3A_154 = tpu.memref_slice %arg3[%add3A_144, %dma_start3A_152, %dma_start3A_153] : memref<2500x2x128xi32, #tpu.memory_space<hbm>> -> memref<1x2x128xi32, #tpu.memory_space<hbm>>
          %dma_start3A_155 = tpu.memref_squeeze %dma_start3A_154 : memref<1x2x128xi32, #tpu.memory_space<hbm>> -> memref<2x128xi32, #tpu.memory_space<hbm>>
          %dma_start3A_156 = arith.constant 0 : i32
          %dma_start3A_157 = arith.constant 0 : i32
          %dma_start3A_158 = tpu.memref_slice %arg3[%add3A_144, %dma_start3A_156, %dma_start3A_157] : memref<2500x2x128xi32, #tpu.memory_space<hbm>> -> memref<1x2x128xi32, #tpu.memory_space<hbm>>
          %dma_start3A_159 = tpu.memref_squeeze %dma_start3A_158 : memref<1x2x128xi32, #tpu.memory_space<hbm>> -> memref<2x128xi32, #tpu.memory_space<hbm>>
          tpu.enqueue_dma source(%dma_start3A_159 : memref<2x128xi32, #tpu.memory_space<hbm>>) target(%arg6 : memref<2x128xi32, #tpu.memory_space<vmem>>) target_semaphore(%run_scoped3A : memref<!tpu.dma_semaphore, #tpu.memory_space<semaphore_mem>>)
          %dma_wait3A_160 = arith.constant 0 : i32
          %dma_wait3A_161 = arith.constant 0 : i32
          %dma_wait3A_162 = tpu.memref_slice %arg3[%add3A_144, %dma_wait3A_160, %dma_wait3A_161] : memref<2500x2x128xi32, #tpu.memory_space<hbm>> -> memref<1x2x128xi32, #tpu.memory_space<hbm>>
          %dma_wait3A_163 = tpu.memref_squeeze %dma_wait3A_162 : memref<1x2x128xi32, #tpu.memory_space<hbm>> -> memref<2x128xi32, #tpu.memory_space<hbm>>
          %dma_wait3A_164 = arith.constant 0 : i32
          %dma_wait3A_165 = arith.constant 0 : i32
          %dma_wait3A_166 = tpu.memref_slice %arg3[%add3A_144, %dma_wait3A_164, %dma_wait3A_165] : memref<2500x2x128xi32, #tpu.memory_space<hbm>> -> memref<1x2x128xi32, #tpu.memory_space<hbm>>
          %dma_wait3A_167 = tpu.memref_squeeze %dma_wait3A_166 : memref<1x2x128xi32, #tpu.memory_space<hbm>> -> memref<2x128xi32, #tpu.memory_space<hbm>>
          tpu.wait_dma2 semaphore(%run_scoped3A : memref<!tpu.dma_semaphore, #tpu.memory_space<semaphore_mem>>) src(%dma_wait3A_167 : memref<2x128xi32, #tpu.memory_space<hbm>>) dst(%arg6 : memref<2x128xi32, #tpu.memory_space<vmem>>)
          tpu.yield
        }) : () -> ()
        %dma_start3A_145 = arith.constant 0 : i32
        %dma_start3A_146 = arith.constant 0 : i32
        %dma_start3A_147 = tpu.memref_slice %arg6[%dma_start3A_145, %dma_start3A_146] : memref<2x128xi32, #tpu.memory_space<vmem>> -> memref<1x128xi32, #tpu.memory_space<vmem>>
        %dma_start3A_148 = tpu.memref_squeeze %dma_start3A_147 : memref<1x128xi32, #tpu.memory_space<vmem>> -> memref<128xi32, #tpu.memory_space<vmem>>
        %dma_start3A_149 = arith.constant 0 : i32
        %dma_start3A_150 = arith.constant 0 : i32
        %dma_start3A_151 = tpu.memref_slice %arg2[%dma_start3A_149, %dma_start3A_150] : memref<10000x128xf32, #tpu.memory_space<hbm>> -> memref<10000x128xf32, #tpu.memory_space<hbm>>
        tpu.enqueue_indirect_dma source(%dma_start3A_151 : memref<10000x128xf32, #tpu.memory_space<hbm>>) target(%arg9 : memref<128x128xf32, #tpu.memory_space<vmem>>) offsets(%dma_start3A_148 : memref<128xi32, #tpu.memory_space<vmem>>) semaphore(%arg13 : memref<!tpu.dma_semaphore, #tpu.memory_space<semaphore_mem>>)
      } else {
      }
      %mul3A_106 = arith.constant 3 : i32
      %mul3A_107 = arith.muli %mul3A_106, %scan3A_43 : i32
      %add3A_108 = arith.constant 2 : i32
      %add3A_109 = arith.addi %mul3A_107, %add3A_108 : i32
      %dma_wait3A_110 = arith.constant 0 : i32
      %dma_wait3A_111 = arith.constant 0 : i32
      %dma_wait3A_112 = tpu.memref_slice %arg8[%dma_wait3A_110, %dma_wait3A_111] : memref<2x128xi32, #tpu.memory_space<vmem>> -> memref<1x128xi32, #tpu.memory_space<vmem>>
      %dma_wait3A_113 = tpu.memref_squeeze %dma_wait3A_112 : memref<1x128xi32, #tpu.memory_space<vmem>> -> memref<128xi32, #tpu.memory_space<vmem>>
      %dma_wait3A_114 = arith.constant 0 : i32
      %dma_wait3A_115 = arith.constant 0 : i32
      %dma_wait3A_116 = tpu.memref_slice %arg2[%dma_wait3A_114, %dma_wait3A_115] : memref<10000x128xf32, #tpu.memory_space<hbm>> -> memref<10000x128xf32, #tpu.memory_space<hbm>>
      tpu.wait_indirect_dma semaphore(%arg15 : memref<!tpu.dma_semaphore, #tpu.memory_space<semaphore_mem>>) src(%dma_wait3A_116 : memref<10000x128xf32, #tpu.memory_space<hbm>>) dst(%arg11 : memref<128x128xf32, #tpu.memory_space<vmem>>)
      %dma_start3A_117 = arith.constant 1 : i32
      %dma_start3A_118 = arith.constant 0 : i32
      %dma_start3A_119 = tpu.memref_slice %arg8[%dma_start3A_117, %dma_start3A_118] : memref<2x128xi32, #tpu.memory_space<vmem>> -> memref<1x128xi32, #tpu.memory_space<vmem>>
      %dma_start3A_120 = tpu.memref_squeeze %dma_start3A_119 : memref<1x128xi32, #tpu.memory_space<vmem>> -> memref<128xi32, #tpu.memory_space<vmem>>
      %dma_start3A_121 = arith.constant 0 : i32
      %dma_start3A_122 = arith.constant 0 : i32
      %dma_start3A_123 = tpu.memref_slice %arg12[%dma_start3A_121, %dma_start3A_122] : memref<10000x128xf32, #tpu.memory_space<vmem_shared>> -> memref<10000x128xf32, #tpu.memory_space<vmem_shared>>
      tpu.enqueue_indirect_dma source(%arg11 : memref<128x128xf32, #tpu.memory_space<vmem>>) target(%dma_start3A_123 : memref<10000x128xf32, #tpu.memory_space<vmem_shared>>) offsets(%dma_start3A_120 : memref<128xi32, #tpu.memory_space<vmem>>) semaphore(%arg18 : memref<!tpu.dma_semaphore, #tpu.memory_space<semaphore_mem>>) {add = true}
      %ge3A_124 = arith.constant 1 : i32
      %ge3A_125 = arith.cmpi sge, %add3A_109, %ge3A_124 : i32
      %convert_element_type3A_126 = arith.extui %ge3A_125 : i1 to i32
      %cond3A_127 = arith.constant 0 : i32
      %cond3A_128 = arith.cmpi ne, %convert_element_type3A_126, %cond3A_127 : i32
      scf.if %cond3A_128 {
        %dma_wait3A_138 = arith.constant 1 : i32
        %dma_wait3A_139 = arith.constant 0 : i32
        %dma_wait3A_140 = tpu.memref_slice %arg7[%dma_wait3A_138, %dma_wait3A_139] : memref<2x128xi32, #tpu.memory_space<vmem>> -> memref<1x128xi32, #tpu.memory_space<vmem>>
        %dma_wait3A_141 = tpu.memref_squeeze %dma_wait3A_140 : memref<1x128xi32, #tpu.memory_space<vmem>> -> memref<128xi32, #tpu.memory_space<vmem>>
        %dma_wait3A_142 = arith.constant 0 : i32
        %dma_wait3A_143 = arith.constant 0 : i32
        %dma_wait3A_144 = tpu.memref_slice %arg12[%dma_wait3A_142, %dma_wait3A_143] : memref<10000x128xf32, #tpu.memory_space<vmem_shared>> -> memref<10000x128xf32, #tpu.memory_space<vmem_shared>>
        tpu.wait_indirect_dma semaphore(%arg17 : memref<!tpu.dma_semaphore, #tpu.memory_space<semaphore_mem>>) src(%arg10 : memref<128x128xf32, #tpu.memory_space<vmem>>) dst(%dma_wait3A_144 : memref<10000x128xf32, #tpu.memory_space<vmem_shared>>)
      } else {
      }
      %add3A_129 = arith.constant 3 : i32
      %add3A_130 = arith.addi %add3A_109, %add3A_129 : i32
      %sub3A_131 = arith.constant 1 : i32
      %sub3A_132 = arith.subi %add3A_130, %sub3A_131 : i32
      %lt3A_133 = arith.constant 78 : i32
      %lt3A_134 = arith.cmpi slt, %sub3A_132, %lt3A_133 : i32
      %convert_element_type3A_135 = arith.extui %lt3A_134 : i1 to i32
      %cond3A_136 = arith.constant 0 : i32
      %cond3A_137 = arith.cmpi ne, %convert_element_type3A_135, %cond3A_136 : i32
      scf.if %cond3A_137 {
        %add3A_138 = arith.constant 3 : i32
        %add3A_139 = arith.addi %add3A_109, %add3A_138 : i32
        %sub3A_140 = arith.constant 1 : i32
        %sub3A_141 = arith.subi %add3A_139, %sub3A_140 : i32
        %mul3A_142 = arith.constant 32 : i32
        %mul3A_143 = arith.muli %sub3A_141, %mul3A_142 : i32
        %add3A_144 = arith.addi %add3A, %mul3A_143 : i32
        "tpu.region"() ({
          %run_scoped3A = tpu.sem_alloc : memref<!tpu.dma_semaphore, #tpu.memory_space<semaphore_mem>>
          %dma_start3A_152 = arith.constant 0 : i32
          %dma_start3A_153 = arith.constant 0 : i32
          %dma_start3A_154 = tpu.memref_slice %arg3[%add3A_144, %dma_start3A_152, %dma_start3A_153] : memref<2500x2x128xi32, #tpu.memory_space<hbm>> -> memref<1x2x128xi32, #tpu.memory_space<hbm>>
          %dma_start3A_155 = tpu.memref_squeeze %dma_start3A_154 : memref<1x2x128xi32, #tpu.memory_space<hbm>> -> memref<2x128xi32, #tpu.memory_space<hbm>>
          %dma_start3A_156 = arith.constant 0 : i32
          %dma_start3A_157 = arith.constant 0 : i32
          %dma_start3A_158 = tpu.memref_slice %arg3[%add3A_144, %dma_start3A_156, %dma_start3A_157] : memref<2500x2x128xi32, #tpu.memory_space<hbm>> -> memref<1x2x128xi32, #tpu.memory_space<hbm>>
          %dma_start3A_159 = tpu.memref_squeeze %dma_start3A_158 : memref<1x2x128xi32, #tpu.memory_space<hbm>> -> memref<2x128xi32, #tpu.memory_space<hbm>>
          tpu.enqueue_dma source(%dma_start3A_159 : memref<2x128xi32, #tpu.memory_space<hbm>>) target(%arg7 : memref<2x128xi32, #tpu.memory_space<vmem>>) target_semaphore(%run_scoped3A : memref<!tpu.dma_semaphore, #tpu.memory_space<semaphore_mem>>)
          %dma_wait3A_160 = arith.constant 0 : i32
          %dma_wait3A_161 = arith.constant 0 : i32
          %dma_wait3A_162 = tpu.memref_slice %arg3[%add3A_144, %dma_wait3A_160, %dma_wait3A_161] : memref<2500x2x128xi32, #tpu.memory_space<hbm>> -> memref<1x2x128xi32, #tpu.memory_space<hbm>>
          %dma_wait3A_163 = tpu.memref_squeeze %dma_wait3A_162 : memref<1x2x128xi32, #tpu.memory_space<hbm>> -> memref<2x128xi32, #tpu.memory_space<hbm>>
          %dma_wait3A_164 = arith.constant 0 : i32
          %dma_wait3A_165 = arith.constant 0 : i32
          %dma_wait3A_166 = tpu.memref_slice %arg3[%add3A_144, %dma_wait3A_164, %dma_wait3A_165] : memref<2500x2x128xi32, #tpu.memory_space<hbm>> -> memref<1x2x128xi32, #tpu.memory_space<hbm>>
          %dma_wait3A_167 = tpu.memref_squeeze %dma_wait3A_166 : memref<1x2x128xi32, #tpu.memory_space<hbm>> -> memref<2x128xi32, #tpu.memory_space<hbm>>
          tpu.wait_dma2 semaphore(%run_scoped3A : memref<!tpu.dma_semaphore, #tpu.memory_space<semaphore_mem>>) src(%dma_wait3A_167 : memref<2x128xi32, #tpu.memory_space<hbm>>) dst(%arg7 : memref<2x128xi32, #tpu.memory_space<vmem>>)
          tpu.yield
        }) : () -> ()
        %dma_start3A_145 = arith.constant 0 : i32
        %dma_start3A_146 = arith.constant 0 : i32
        %dma_start3A_147 = tpu.memref_slice %arg7[%dma_start3A_145, %dma_start3A_146] : memref<2x128xi32, #tpu.memory_space<vmem>> -> memref<1x128xi32, #tpu.memory_space<vmem>>
        %dma_start3A_148 = tpu.memref_squeeze %dma_start3A_147 : memref<1x128xi32, #tpu.memory_space<vmem>> -> memref<128xi32, #tpu.memory_space<vmem>>
        %dma_start3A_149 = arith.constant 0 : i32
        %dma_start3A_150 = arith.constant 0 : i32
        %dma_start3A_151 = tpu.memref_slice %arg2[%dma_start3A_149, %dma_start3A_150] : memref<10000x128xf32, #tpu.memory_space<hbm>> -> memref<10000x128xf32, #tpu.memory_space<hbm>>
        tpu.enqueue_indirect_dma source(%dma_start3A_151 : memref<10000x128xf32, #tpu.memory_space<hbm>>) target(%arg10 : memref<128x128xf32, #tpu.memory_space<vmem>>) offsets(%dma_start3A_148 : memref<128xi32, #tpu.memory_space<vmem>>) semaphore(%arg14 : memref<!tpu.dma_semaphore, #tpu.memory_space<semaphore_mem>>)
      } else {
      }
    }
    %scan3A_26 = arith.constant 26 : i32
    %dma_wait3A = arith.constant 1 : i32
    %dma_wait3A_27 = arith.constant 0 : i32
    %dma_wait3A_28 = tpu.memref_slice %arg8[%dma_wait3A, %dma_wait3A_27] : memref<2x128xi32, #tpu.memory_space<vmem>> -> memref<1x128xi32, #tpu.memory_space<vmem>>
    %dma_wait3A_29 = tpu.memref_squeeze %dma_wait3A_28 : memref<1x128xi32, #tpu.memory_space<vmem>> -> memref<128xi32, #tpu.memory_space<vmem>>
    %dma_wait3A_30 = arith.constant 0 : i32
    %dma_wait3A_31 = arith.constant 0 : i32
    %dma_wait3A_32 = tpu.memref_slice %arg12[%dma_wait3A_30, %dma_wait3A_31] : memref<10000x128xf32, #tpu.memory_space<vmem_shared>> -> memref<10000x128xf32, #tpu.memory_space<vmem_shared>>
    tpu.wait_indirect_dma semaphore(%arg18 : memref<!tpu.dma_semaphore, #tpu.memory_space<semaphore_mem>>) src(%arg11 : memref<128x128xf32, #tpu.memory_space<vmem>>) dst(%dma_wait3A_32 : memref<10000x128xf32, #tpu.memory_space<vmem_shared>>)
    %lt3A = arith.constant 4 : i32
    %lt3A_33 = arith.cmpi slt, %add3A, %lt3A : i32
    %convert_element_type3A_34 = arith.extui %lt3A_33 : i1 to i32
    %cond3A_35 = arith.constant 0 : i32
    %cond3A_36 = arith.cmpi ne, %convert_element_type3A_34, %cond3A_35 : i32
    scf.if %cond3A_36 {
      %add3A_43 = arith.constant 2496 : i32
      %add3A_44 = arith.addi %add3A_43, %add3A : i32
      "tpu.region"() ({
        %run_scoped3A_59 = tpu.sem_alloc : memref<!tpu.dma_semaphore, #tpu.memory_space<semaphore_mem>>
        %dma_start3A_60 = arith.constant 0 : i32
        %dma_start3A_61 = arith.constant 0 : i32
        %dma_start3A_62 = tpu.memref_slice %arg3[%add3A_44, %dma_start3A_60, %dma_start3A_61] : memref<2500x2x128xi32, #tpu.memory_space<hbm>> -> memref<1x2x128xi32, #tpu.memory_space<hbm>>
        %dma_start3A_63 = tpu.memref_squeeze %dma_start3A_62 : memref<1x2x128xi32, #tpu.memory_space<hbm>> -> memref<2x128xi32, #tpu.memory_space<hbm>>
        %dma_start3A_64 = arith.constant 0 : i32
        %dma_start3A_65 = arith.constant 0 : i32
        %dma_start3A_66 = tpu.memref_slice %arg3[%add3A_44, %dma_start3A_64, %dma_start3A_65] : memref<2500x2x128xi32, #tpu.memory_space<hbm>> -> memref<1x2x128xi32, #tpu.memory_space<hbm>>
        %dma_start3A_67 = tpu.memref_squeeze %dma_start3A_66 : memref<1x2x128xi32, #tpu.memory_space<hbm>> -> memref<2x128xi32, #tpu.memory_space<hbm>>
        tpu.enqueue_dma source(%dma_start3A_67 : memref<2x128xi32, #tpu.memory_space<hbm>>) target(%arg6 : memref<2x128xi32, #tpu.memory_space<vmem>>) target_semaphore(%run_scoped3A_59 : memref<!tpu.dma_semaphore, #tpu.memory_space<semaphore_mem>>)
        %dma_wait3A_68 = arith.constant 0 : i32
        %dma_wait3A_69 = arith.constant 0 : i32
        %dma_wait3A_70 = tpu.memref_slice %arg3[%add3A_44, %dma_wait3A_68, %dma_wait3A_69] : memref<2500x2x128xi32, #tpu.memory_space<hbm>> -> memref<1x2x128xi32, #tpu.memory_space<hbm>>
        %dma_wait3A_71 = tpu.memref_squeeze %dma_wait3A_70 : memref<1x2x128xi32, #tpu.memory_space<hbm>> -> memref<2x128xi32, #tpu.memory_space<hbm>>
        %dma_wait3A_72 = arith.constant 0 : i32
        %dma_wait3A_73 = arith.constant 0 : i32
        %dma_wait3A_74 = tpu.memref_slice %arg3[%add3A_44, %dma_wait3A_72, %dma_wait3A_73] : memref<2500x2x128xi32, #tpu.memory_space<hbm>> -> memref<1x2x128xi32, #tpu.memory_space<hbm>>
        %dma_wait3A_75 = tpu.memref_squeeze %dma_wait3A_74 : memref<1x2x128xi32, #tpu.memory_space<hbm>> -> memref<2x128xi32, #tpu.memory_space<hbm>>
        tpu.wait_dma2 semaphore(%run_scoped3A_59 : memref<!tpu.dma_semaphore, #tpu.memory_space<semaphore_mem>>) src(%dma_wait3A_75 : memref<2x128xi32, #tpu.memory_space<hbm>>) dst(%arg6 : memref<2x128xi32, #tpu.memory_space<vmem>>)
        tpu.yield
      }) : () -> ()
      %dma_start3A_45 = arith.constant 0 : i32
      %dma_start3A_46 = arith.constant 0 : i32
      %dma_start3A_47 = tpu.memref_slice %arg6[%dma_start3A_45, %dma_start3A_46] : memref<2x128xi32, #tpu.memory_space<vmem>> -> memref<1x128xi32, #tpu.memory_space<vmem>>
      %dma_start3A_48 = tpu.memref_squeeze %dma_start3A_47 : memref<1x128xi32, #tpu.memory_space<vmem>> -> memref<128xi32, #tpu.memory_space<vmem>>
      %dma_start3A_49 = arith.constant 0 : i32
      %dma_start3A_50 = arith.constant 0 : i32
      %dma_start3A_51 = tpu.memref_slice %arg2[%dma_start3A_49, %dma_start3A_50] : memref<10000x128xf32, #tpu.memory_space<hbm>> -> memref<10000x128xf32, #tpu.memory_space<hbm>>
      tpu.enqueue_indirect_dma source(%dma_start3A_51 : memref<10000x128xf32, #tpu.memory_space<hbm>>) target(%arg9 : memref<128x128xf32, #tpu.memory_space<vmem>>) offsets(%dma_start3A_48 : memref<128xi32, #tpu.memory_space<vmem>>) semaphore(%arg13 : memref<!tpu.dma_semaphore, #tpu.memory_space<semaphore_mem>>)
      %dma_wait3A_52 = arith.constant 0 : i32
      %dma_wait3A_53 = arith.constant 0 : i32
      %dma_wait3A_54 = tpu.memref_slice %arg6[%dma_wait3A_52, %dma_wait3A_53] : memref<2x128xi32, #tpu.memory_space<vmem>> -> memref<1x128xi32, #tpu.memory_space<vmem>>
      %dma_wait3A_55 = tpu.memref_squeeze %dma_wait3A_54 : memref<1x128xi32, #tpu.memory_space<vmem>> -> memref<128xi32, #tpu.memory_space<vmem>>
      %dma_wait3A_56 = arith.constant 0 : i32
      %dma_wait3A_57 = arith.constant 0 : i32
      %dma_wait3A_58 = tpu.memref_slice %arg2[%dma_wait3A_56, %dma_wait3A_57] : memref<10000x128xf32, #tpu.memory_space<hbm>> -> memref<10000x128xf32, #tpu.memory_space<hbm>>
      tpu.wait_indirect_dma semaphore(%arg13 : memref<!tpu.dma_semaphore, #tpu.memory_space<semaphore_mem>>) src(%dma_wait3A_58 : memref<10000x128xf32, #tpu.memory_space<hbm>>) dst(%arg9 : memref<128x128xf32, #tpu.memory_space<vmem>>)
      %run_scoped3A = arith.constant 1 : i32
      "tpu.region"() ({
        %run_scoped3A_59 = tpu.sem_alloc : memref<!tpu.dma_semaphore, #tpu.memory_space<semaphore_mem>>
        %dma_start3A_60 = arith.constant 0 : i32
        %dma_start3A_61 = tpu.memref_slice %arg6[%run_scoped3A, %dma_start3A_60] : memref<2x128xi32, #tpu.memory_space<vmem>> -> memref<1x128xi32, #tpu.memory_space<vmem>>
        %dma_start3A_62 = tpu.memref_squeeze %dma_start3A_61 : memref<1x128xi32, #tpu.memory_space<vmem>> -> memref<128xi32, #tpu.memory_space<vmem>>
        %dma_start3A_63 = arith.constant 0 : i32
        %dma_start3A_64 = arith.constant 0 : i32
        %dma_start3A_65 = tpu.memref_slice %arg12[%dma_start3A_63, %dma_start3A_64] : memref<10000x128xf32, #tpu.memory_space<vmem_shared>> -> memref<10000x128xf32, #tpu.memory_space<vmem_shared>>
        tpu.enqueue_indirect_dma source(%arg9 : memref<128x128xf32, #tpu.memory_space<vmem>>) target(%dma_start3A_65 : memref<10000x128xf32, #tpu.memory_space<vmem_shared>>) offsets(%dma_start3A_62 : memref<128xi32, #tpu.memory_space<vmem>>) semaphore(%run_scoped3A_59 : memref<!tpu.dma_semaphore, #tpu.memory_space<semaphore_mem>>) {add = true}
        %dma_wait3A_66 = arith.constant 0 : i32
        %dma_wait3A_67 = tpu.memref_slice %arg6[%run_scoped3A, %dma_wait3A_66] : memref<2x128xi32, #tpu.memory_space<vmem>> -> memref<1x128xi32, #tpu.memory_space<vmem>>
        %dma_wait3A_68 = tpu.memref_squeeze %dma_wait3A_67 : memref<1x128xi32, #tpu.memory_space<vmem>> -> memref<128xi32, #tpu.memory_space<vmem>>
        %dma_wait3A_69 = arith.constant 0 : i32
        %dma_wait3A_70 = arith.constant 0 : i32
        %dma_wait3A_71 = tpu.memref_slice %arg12[%dma_wait3A_69, %dma_wait3A_70] : memref<10000x128xf32, #tpu.memory_space<vmem_shared>> -> memref<10000x128xf32, #tpu.memory_space<vmem_shared>>
        tpu.wait_indirect_dma semaphore(%run_scoped3A_59 : memref<!tpu.dma_semaphore, #tpu.memory_space<semaphore_mem>>) src(%arg9 : memref<128x128xf32, #tpu.memory_space<vmem>>) dst(%dma_wait3A_71 : memref<10000x128xf32, #tpu.memory_space<vmem_shared>>)
        tpu.yield
      }) : () -> ()
    } else {
    }
    %barrier3A_37 = arith.constant 0 : index
    tpu.barrier barrier_id(%barrier3A_37)
    "tpu.region"() ({
      %run_scoped3A = tpu.sem_alloc : memref<!tpu.dma_semaphore, #tpu.memory_space<semaphore_mem>>
      %dma_start3A_43 = arith.constant 0 : i32
      %dma_start3A_44 = tpu.memref_slice %arg5[%arg0, %mul3A_2, %dma_start3A_43] : memref<2x10000x128xf32, #tpu.memory_space<hbm>> -> memref<1x624x128xf32, #tpu.memory_space<hbm>>
      %dma_start3A_45 = tpu.memref_squeeze %dma_start3A_44 : memref<1x624x128xf32, #tpu.memory_space<hbm>> -> memref<624x128xf32, #tpu.memory_space<hbm>>
      %dma_start3A_46 = arith.constant 0 : i32
      %dma_start3A_47 = tpu.memref_slice %arg12[%mul3A_2, %dma_start3A_46] : memref<10000x128xf32, #tpu.memory_space<vmem_shared>> -> memref<624x128xf32, #tpu.memory_space<vmem_shared>>
      tpu.enqueue_dma source(%dma_start3A_47 : memref<624x128xf32, #tpu.memory_space<vmem_shared>>) target(%dma_start3A_45 : memref<624x128xf32, #tpu.memory_space<hbm>>) target_semaphore(%run_scoped3A : memref<!tpu.dma_semaphore, #tpu.memory_space<semaphore_mem>>)
      %dma_wait3A_48 = arith.constant 0 : i32
      %dma_wait3A_49 = tpu.memref_slice %arg5[%arg0, %mul3A_2, %dma_wait3A_48] : memref<2x10000x128xf32, #tpu.memory_space<hbm>> -> memref<1x624x128xf32, #tpu.memory_space<hbm>>
      %dma_wait3A_50 = tpu.memref_squeeze %dma_wait3A_49 : memref<1x624x128xf32, #tpu.memory_space<hbm>> -> memref<624x128xf32, #tpu.memory_space<hbm>>
      %dma_wait3A_51 = arith.constant 0 : i32
      %dma_wait3A_52 = tpu.memref_slice %arg12[%mul3A_2, %dma_wait3A_51] : memref<10000x128xf32, #tpu.memory_space<vmem_shared>> -> memref<624x128xf32, #tpu.memory_space<vmem_shared>>
      tpu.wait_dma2 semaphore(%run_scoped3A : memref<!tpu.dma_semaphore, #tpu.memory_space<semaphore_mem>>) src(%dma_wait3A_52 : memref<624x128xf32, #tpu.memory_space<vmem_shared>>) dst(%dma_wait3A_50 : memref<624x128xf32, #tpu.memory_space<hbm>>)
      tpu.yield
    }) : () -> ()
    %eq3A_38 = arith.constant 15 : i32
    %eq3A_39 = arith.cmpi eq, %arg1, %eq3A_38 : i32
    %convert_element_type3A_40 = arith.extui %eq3A_39 : i1 to i32
    %cond3A_41 = arith.constant 0 : i32
    %cond3A_42 = arith.cmpi ne, %convert_element_type3A_40, %cond3A_41 : i32
    scf.if %cond3A_42 {
      "tpu.region"() ({
        %run_scoped3A = tpu.sem_alloc : memref<!tpu.dma_semaphore, #tpu.memory_space<semaphore_mem>>
        %dma_start3A_43 = arith.constant 9984 : i32
        %dma_start3A_44 = arith.constant 0 : i32
        %dma_start3A_45 = tpu.memref_slice %arg5[%arg0, %dma_start3A_43, %dma_start3A_44] : memref<2x10000x128xf32, #tpu.memory_space<hbm>> -> memref<1x16x128xf32, #tpu.memory_space<hbm>>
        %dma_start3A_46 = tpu.memref_squeeze %dma_start3A_45 : memref<1x16x128xf32, #tpu.memory_space<hbm>> -> memref<16x128xf32, #tpu.memory_space<hbm>>
        %dma_start3A_47 = arith.constant 9984 : i32
        %dma_start3A_48 = arith.constant 0 : i32
        %dma_start3A_49 = tpu.memref_slice %arg12[%dma_start3A_47, %dma_start3A_48] : memref<10000x128xf32, #tpu.memory_space<vmem_shared>> -> memref<16x128xf32, #tpu.memory_space<vmem_shared>>
        tpu.enqueue_dma source(%dma_start3A_49 : memref<16x128xf32, #tpu.memory_space<vmem_shared>>) target(%dma_start3A_46 : memref<16x128xf32, #tpu.memory_space<hbm>>) target_semaphore(%run_scoped3A : memref<!tpu.dma_semaphore, #tpu.memory_space<semaphore_mem>>)
        %dma_wait3A_50 = arith.constant 9984 : i32
        %dma_wait3A_51 = arith.constant 0 : i32
        %dma_wait3A_52 = tpu.memref_slice %arg5[%arg0, %dma_wait3A_50, %dma_wait3A_51] : memref<2x10000x128xf32, #tpu.memory_space<hbm>> -> memref<1x16x128xf32, #tpu.memory_space<hbm>>
        %dma_wait3A_53 = tpu.memref_squeeze %dma_wait3A_52 : memref<1x16x128xf32, #tpu.memory_space<hbm>> -> memref<16x128xf32, #tpu.memory_space<hbm>>
        %dma_wait3A_54 = arith.constant 9984 : i32
        %dma_wait3A_55 = arith.constant 0 : i32
        %dma_wait3A_56 = tpu.memref_slice %arg12[%dma_wait3A_54, %dma_wait3A_55] : memref<10000x128xf32, #tpu.memory_space<vmem_shared>> -> memref<16x128xf32, #tpu.memory_space<vmem_shared>>
        tpu.wait_dma2 semaphore(%run_scoped3A : memref<!tpu.dma_semaphore, #tpu.memory_space<semaphore_mem>>) src(%dma_wait3A_56 : memref<16x128xf32, #tpu.memory_space<vmem_shared>>) dst(%dma_wait3A_53 : memref<16x128xf32, #tpu.memory_space<hbm>>)
        tpu.yield
      }) : () -> ()
    } else {
    }
    return
  }
}

#map = affine_map<(d0, d1) -> (0, 0)>
#map1 = affine_map<(d0, d1) -> (0, 0, 0)>
module attributes {stable_mosaic.version = 14 : i64} {
  func.func @prop(%arg0: i32, %arg1: i32, %arg2: memref<10000x128xf32, #tpu.memory_space<hbm>>, %arg3: memref<2500x2x128xi32, #tpu.memory_space<hbm>>, %arg4: memref<10000x128xf32, #tpu.memory_space<hbm>>, %arg5: memref<2x10000x128xf32, #tpu.memory_space<hbm>>, %arg6: memref<2x128xi32, #tpu.memory_space<vmem>>, %arg7: memref<2x128xi32, #tpu.memory_space<vmem>>, %arg8: memref<2x128xi32, #tpu.memory_space<vmem>>, %arg9: memref<128x128xf32, #tpu.memory_space<vmem>>, %arg10: memref<128x128xf32, #tpu.memory_space<vmem>>, %arg11: memref<128x128xf32, #tpu.memory_space<vmem>>, %arg12: memref<10000x128xf32, #tpu.memory_space<vmem_shared>>, %arg13: memref<!tpu.dma_semaphore, #tpu.memory_space<semaphore_mem>>, %arg14: memref<!tpu.dma_semaphore, #tpu.memory_space<semaphore_mem>>, %arg15: memref<!tpu.dma_semaphore, #tpu.memory_space<semaphore_mem>>, %arg16: memref<!tpu.dma_semaphore, #tpu.memory_space<semaphore_mem>>, %arg17: memref<!tpu.dma_semaphore, #tpu.memory_space<semaphore_mem>>, %arg18: memref<!tpu.dma_semaphore, #tpu.memory_space<semaphore_mem>>) attributes {dimension_semantics = [#tpu.dimension_semantics<core_parallel>, #tpu.dimension_semantics<subcore_parallel>], iteration_bounds = array<i64: 2, 16>, scalar_prefetch = 0 : i64, scratch_operands = 13 : i64, tpu.core_type = #tpu.core_type<sc_vector_subcore>, window_params = [{transform_indices = #map}, {transform_indices = #map1}, {transform_indices = #map}, {transform_indices = #map1}]} {
    %mul3A = arith.constant 2 : i32
    %mul3A_0 = arith.muli %arg1, %mul3A : i32
    %add3A = arith.addi %mul3A_0, %arg0 : i32
    %mul3A_1 = arith.constant 624 : i32
    %mul3A_2 = arith.muli %arg1, %mul3A_1 : i32
    "tpu.region"() ({
      %run_scoped3A = tpu.sem_alloc : memref<!tpu.dma_semaphore, #tpu.memory_space<semaphore_mem>>
      %dma_start3A_43 = arith.constant 0 : i32
      %dma_start3A_44 = tpu.memref_slice %arg12[%mul3A_2, %dma_start3A_43] : memref<10000x128xf32, #tpu.memory_space<vmem_shared>> -> memref<624x128xf32, #tpu.memory_space<vmem_shared>>
      %dma_start3A_45 = arith.constant 0 : i32
      %dma_start3A_46 = tpu.memref_slice %arg4[%mul3A_2, %dma_start3A_45] : memref<10000x128xf32, #tpu.memory_space<hbm>> -> memref<624x128xf32, #tpu.memory_space<hbm>>
      tpu.enqueue_dma source(%dma_start3A_46 : memref<624x128xf32, #tpu.memory_space<hbm>>) target(%dma_start3A_44 : memref<624x128xf32, #tpu.memory_space<vmem_shared>>) target_semaphore(%run_scoped3A : memref<!tpu.dma_semaphore, #tpu.memory_space<semaphore_mem>>)
      %dma_wait3A_47 = arith.constant 0 : i32
      %dma_wait3A_48 = tpu.memref_slice %arg12[%mul3A_2, %dma_wait3A_47] : memref<10000x128xf32, #tpu.memory_space<vmem_shared>> -> memref<624x128xf32, #tpu.memory_space<vmem_shared>>
      %dma_wait3A_49 = arith.constant 0 : i32
      %dma_wait3A_50 = tpu.memref_slice %arg4[%mul3A_2, %dma_wait3A_49] : memref<10000x128xf32, #tpu.memory_space<hbm>> -> memref<624x128xf32, #tpu.memory_space<hbm>>
      tpu.wait_dma2 semaphore(%run_scoped3A : memref<!tpu.dma_semaphore, #tpu.memory_space<semaphore_mem>>) src(%dma_wait3A_50 : memref<624x128xf32, #tpu.memory_space<hbm>>) dst(%dma_wait3A_48 : memref<624x128xf32, #tpu.memory_space<vmem_shared>>)
      tpu.yield
    }) : () -> ()
    %eq3A = arith.constant 15 : i32
    %eq3A_3 = arith.cmpi eq, %arg1, %eq3A : i32
    %convert_element_type3A = arith.extui %eq3A_3 : i1 to i32
    %cond3A = arith.constant 0 : i32
    %cond3A_4 = arith.cmpi ne, %convert_element_type3A, %cond3A : i32
    scf.if %cond3A_4 {
      "tpu.region"() ({
        %run_scoped3A = tpu.sem_alloc : memref<!tpu.dma_semaphore, #tpu.memory_space<semaphore_mem>>
        %dma_start3A_43 = arith.constant 9984 : i32
        %dma_start3A_44 = arith.constant 0 : i32
        %dma_start3A_45 = tpu.memref_slice %arg12[%dma_start3A_43, %dma_start3A_44] : memref<10000x128xf32, #tpu.memory_space<vmem_shared>> -> memref<16x128xf32, #tpu.memory_space<vmem_shared>>
        %dma_start3A_46 = arith.constant 9984 : i32
        %dma_start3A_47 = arith.constant 0 : i32
        %dma_start3A_48 = tpu.memref_slice %arg4[%dma_start3A_46, %dma_start3A_47] : memref<10000x128xf32, #tpu.memory_space<hbm>> -> memref<16x128xf32, #tpu.memory_space<hbm>>
        tpu.enqueue_dma source(%dma_start3A_48 : memref<16x128xf32, #tpu.memory_space<hbm>>) target(%dma_start3A_45 : memref<16x128xf32, #tpu.memory_space<vmem_shared>>) target_semaphore(%run_scoped3A : memref<!tpu.dma_semaphore, #tpu.memory_space<semaphore_mem>>)
        %dma_wait3A_49 = arith.constant 9984 : i32
        %dma_wait3A_50 = arith.constant 0 : i32
        %dma_wait3A_51 = tpu.memref_slice %arg12[%dma_wait3A_49, %dma_wait3A_50] : memref<10000x128xf32, #tpu.memory_space<vmem_shared>> -> memref<16x128xf32, #tpu.memory_space<vmem_shared>>
        %dma_wait3A_52 = arith.constant 9984 : i32
        %dma_wait3A_53 = arith.constant 0 : i32
        %dma_wait3A_54 = tpu.memref_slice %arg4[%dma_wait3A_52, %dma_wait3A_53] : memref<10000x128xf32, #tpu.memory_space<hbm>> -> memref<16x128xf32, #tpu.memory_space<hbm>>
        tpu.wait_dma2 semaphore(%run_scoped3A : memref<!tpu.dma_semaphore, #tpu.memory_space<semaphore_mem>>) src(%dma_wait3A_54 : memref<16x128xf32, #tpu.memory_space<hbm>>) dst(%dma_wait3A_51 : memref<16x128xf32, #tpu.memory_space<vmem_shared>>)
        tpu.yield
      }) : () -> ()
    } else {
    }
    %barrier3A = arith.constant 0 : index
    tpu.barrier barrier_id(%barrier3A)
    %add3A_5 = arith.constant 0 : i32
    %add3A_6 = arith.addi %add3A, %add3A_5 : i32
    "tpu.region"() ({
      %run_scoped3A = tpu.sem_alloc : memref<!tpu.dma_semaphore, #tpu.memory_space<semaphore_mem>>
      %dma_start3A_43 = arith.constant 0 : i32
      %dma_start3A_44 = arith.constant 0 : i32
      %dma_start3A_45 = tpu.memref_slice %arg3[%add3A_6, %dma_start3A_43, %dma_start3A_44] : memref<2500x2x128xi32, #tpu.memory_space<hbm>> -> memref<1x2x128xi32, #tpu.memory_space<hbm>>
      %dma_start3A_46 = tpu.memref_squeeze %dma_start3A_45 : memref<1x2x128xi32, #tpu.memory_space<hbm>> -> memref<2x128xi32, #tpu.memory_space<hbm>>
      %dma_start3A_47 = arith.constant 0 : i32
      %dma_start3A_48 = arith.constant 0 : i32
      %dma_start3A_49 = tpu.memref_slice %arg3[%add3A_6, %dma_start3A_47, %dma_start3A_48] : memref<2500x2x128xi32, #tpu.memory_space<hbm>> -> memref<1x2x128xi32, #tpu.memory_space<hbm>>
      %dma_start3A_50 = tpu.memref_squeeze %dma_start3A_49 : memref<1x2x128xi32, #tpu.memory_space<hbm>> -> memref<2x128xi32, #tpu.memory_space<hbm>>
      tpu.enqueue_dma source(%dma_start3A_50 : memref<2x128xi32, #tpu.memory_space<hbm>>) target(%arg6 : memref<2x128xi32, #tpu.memory_space<vmem>>) target_semaphore(%run_scoped3A : memref<!tpu.dma_semaphore, #tpu.memory_space<semaphore_mem>>)
      %dma_wait3A_51 = arith.constant 0 : i32
      %dma_wait3A_52 = arith.constant 0 : i32
      %dma_wait3A_53 = tpu.memref_slice %arg3[%add3A_6, %dma_wait3A_51, %dma_wait3A_52] : memref<2500x2x128xi32, #tpu.memory_space<hbm>> -> memref<1x2x128xi32, #tpu.memory_space<hbm>>
      %dma_wait3A_54 = tpu.memref_squeeze %dma_wait3A_53 : memref<1x2x128xi32, #tpu.memory_space<hbm>> -> memref<2x128xi32, #tpu.memory_space<hbm>>
      %dma_wait3A_55 = arith.constant 0 : i32
      %dma_wait3A_56 = arith.constant 0 : i32
      %dma_wait3A_57 = tpu.memref_slice %arg3[%add3A_6, %dma_wait3A_55, %dma_wait3A_56] : memref<2500x2x128xi32, #tpu.memory_space<hbm>> -> memref<1x2x128xi32, #tpu.memory_space<hbm>>
      %dma_wait3A_58 = tpu.memref_squeeze %dma_wait3A_57 : memref<1x2x128xi32, #tpu.memory_space<hbm>> -> memref<2x128xi32, #tpu.memory_space<hbm>>
      tpu.wait_dma2 semaphore(%run_scoped3A : memref<!tpu.dma_semaphore, #tpu.memory_space<semaphore_mem>>) src(%dma_wait3A_58 : memref<2x128xi32, #tpu.memory_space<hbm>>) dst(%arg6 : memref<2x128xi32, #tpu.memory_space<vmem>>)
      tpu.yield
    }) : () -> ()
    %dma_start3A = arith.constant 0 : i32
    %dma_start3A_7 = arith.constant 0 : i32
    %dma_start3A_8 = tpu.memref_slice %arg6[%dma_start3A, %dma_start3A_7] : memref<2x128xi32, #tpu.memory_space<vmem>> -> memref<1x128xi32, #tpu.memory_space<vmem>>
    %dma_start3A_9 = tpu.memref_squeeze %dma_start3A_8 : memref<1x128xi32, #tpu.memory_space<vmem>> -> memref<128xi32, #tpu.memory_space<vmem>>
    %dma_start3A_10 = arith.constant 0 : i32
    %dma_start3A_11 = arith.constant 0 : i32
    %dma_start3A_12 = tpu.memref_slice %arg2[%dma_start3A_10, %dma_start3A_11] : memref<10000x128xf32, #tpu.memory_space<hbm>> -> memref<10000x128xf32, #tpu.memory_space<hbm>>
    tpu.enqueue_indirect_dma source(%dma_start3A_12 : memref<10000x128xf32, #tpu.memory_space<hbm>>) target(%arg9 : memref<128x128xf32, #tpu.memory_space<vmem>>) offsets(%dma_start3A_9 : memref<128xi32, #tpu.memory_space<vmem>>) semaphore(%arg13 : memref<!tpu.dma_semaphore, #tpu.memory_space<semaphore_mem>>)
    %add3A_13 = arith.constant 32 : i32
    %add3A_14 = arith.addi %add3A, %add3A_13 : i32
    "tpu.region"() ({
      %run_scoped3A = tpu.sem_alloc : memref<!tpu.dma_semaphore, #tpu.memory_space<semaphore_mem>>
      %dma_start3A_43 = arith.constant 0 : i32
      %dma_start3A_44 = arith.constant 0 : i32
      %dma_start3A_45 = tpu.memref_slice %arg3[%add3A_14, %dma_start3A_43, %dma_start3A_44] : memref<2500x2x128xi32, #tpu.memory_space<hbm>> -> memref<1x2x128xi32, #tpu.memory_space<hbm>>
      %dma_start3A_46 = tpu.memref_squeeze %dma_start3A_45 : memref<1x2x128xi32, #tpu.memory_space<hbm>> -> memref<2x128xi32, #tpu.memory_space<hbm>>
      %dma_start3A_47 = arith.constant 0 : i32
      %dma_start3A_48 = arith.constant 0 : i32
      %dma_start3A_49 = tpu.memref_slice %arg3[%add3A_14, %dma_start3A_47, %dma_start3A_48] : memref<2500x2x128xi32, #tpu.memory_space<hbm>> -> memref<1x2x128xi32, #tpu.memory_space<hbm>>
      %dma_start3A_50 = tpu.memref_squeeze %dma_start3A_49 : memref<1x2x128xi32, #tpu.memory_space<hbm>> -> memref<2x128xi32, #tpu.memory_space<hbm>>
      tpu.enqueue_dma source(%dma_start3A_50 : memref<2x128xi32, #tpu.memory_space<hbm>>) target(%arg7 : memref<2x128xi32, #tpu.memory_space<vmem>>) target_semaphore(%run_scoped3A : memref<!tpu.dma_semaphore, #tpu.memory_space<semaphore_mem>>)
      %dma_wait3A_51 = arith.constant 0 : i32
      %dma_wait3A_52 = arith.constant 0 : i32
      %dma_wait3A_53 = tpu.memref_slice %arg3[%add3A_14, %dma_wait3A_51, %dma_wait3A_52] : memref<2500x2x128xi32, #tpu.memory_space<hbm>> -> memref<1x2x128xi32, #tpu.memory_space<hbm>>
      %dma_wait3A_54 = tpu.memref_squeeze %dma_wait3A_53 : memref<1x2x128xi32, #tpu.memory_space<hbm>> -> memref<2x128xi32, #tpu.memory_space<hbm>>
      %dma_wait3A_55 = arith.constant 0 : i32
      %dma_wait3A_56 = arith.constant 0 : i32
      %dma_wait3A_57 = tpu.memref_slice %arg3[%add3A_14, %dma_wait3A_55, %dma_wait3A_56] : memref<2500x2x128xi32, #tpu.memory_space<hbm>> -> memref<1x2x128xi32, #tpu.memory_space<hbm>>
      %dma_wait3A_58 = tpu.memref_squeeze %dma_wait3A_57 : memref<1x2x128xi32, #tpu.memory_space<hbm>> -> memref<2x128xi32, #tpu.memory_space<hbm>>
      tpu.wait_dma2 semaphore(%run_scoped3A : memref<!tpu.dma_semaphore, #tpu.memory_space<semaphore_mem>>) src(%dma_wait3A_58 : memref<2x128xi32, #tpu.memory_space<hbm>>) dst(%arg7 : memref<2x128xi32, #tpu.memory_space<vmem>>)
      tpu.yield
    }) : () -> ()
    %dma_start3A_15 = arith.constant 0 : i32
    %dma_start3A_16 = arith.constant 0 : i32
    %dma_start3A_17 = tpu.memref_slice %arg7[%dma_start3A_15, %dma_start3A_16] : memref<2x128xi32, #tpu.memory_space<vmem>> -> memref<1x128xi32, #tpu.memory_space<vmem>>
    %dma_start3A_18 = tpu.memref_squeeze %dma_start3A_17 : memref<1x128xi32, #tpu.memory_space<vmem>> -> memref<128xi32, #tpu.memory_space<vmem>>
    %dma_start3A_19 = arith.constant 0 : i32
    %dma_start3A_20 = arith.constant 0 : i32
    %dma_start3A_21 = tpu.memref_slice %arg2[%dma_start3A_19, %dma_start3A_20] : memref<10000x128xf32, #tpu.memory_space<hbm>> -> memref<10000x128xf32, #tpu.memory_space<hbm>>
    tpu.enqueue_indirect_dma source(%dma_start3A_21 : memref<10000x128xf32, #tpu.memory_space<hbm>>) target(%arg10 : memref<128x128xf32, #tpu.memory_space<vmem>>) offsets(%dma_start3A_18 : memref<128xi32, #tpu.memory_space<vmem>>) semaphore(%arg14 : memref<!tpu.dma_semaphore, #tpu.memory_space<semaphore_mem>>)
    %scan3A = arith.constant 0 : i32
    %scan3A_22 = arith.constant 0 : i32
    %scan3A_23 = arith.constant 26 : i32
    %scan3A_24 = arith.addi %scan3A_22, %scan3A_23 : i32
    %scan3A_25 = arith.constant 1 : i32
    scf.for %scan3A_43 = %scan3A_22 to %scan3A_24 step %scan3A_25  : i32 {
      %mul3A_44 = arith.constant 3 : i32
      %mul3A_45 = arith.muli %mul3A_44, %scan3A_43 : i32
      %add3A_46 = arith.constant 0 : i32
      %add3A_47 = arith.addi %mul3A_45, %add3A_46 : i32
      %dma_wait3A_48 = arith.constant 0 : i32
      %dma_wait3A_49 = arith.constant 0 : i32
      %dma_wait3A_50 = tpu.memref_slice %arg6[%dma_wait3A_48, %dma_wait3A_49] : memref<2x128xi32, #tpu.memory_space<vmem>> -> memref<1x128xi32, #tpu.memory_space<vmem>>
      %dma_wait3A_51 = tpu.memref_squeeze %dma_wait3A_50 : memref<1x128xi32, #tpu.memory_space<vmem>> -> memref<128xi32, #tpu.memory_space<vmem>>
      %dma_wait3A_52 = arith.constant 0 : i32
      %dma_wait3A_53 = arith.constant 0 : i32
      %dma_wait3A_54 = tpu.memref_slice %arg2[%dma_wait3A_52, %dma_wait3A_53] : memref<10000x128xf32, #tpu.memory_space<hbm>> -> memref<10000x128xf32, #tpu.memory_space<hbm>>
      tpu.wait_indirect_dma semaphore(%arg13 : memref<!tpu.dma_semaphore, #tpu.memory_space<semaphore_mem>>) src(%dma_wait3A_54 : memref<10000x128xf32, #tpu.memory_space<hbm>>) dst(%arg9 : memref<128x128xf32, #tpu.memory_space<vmem>>)
      %dma_start3A_55 = arith.constant 1 : i32
      %dma_start3A_56 = arith.constant 0 : i32
      %dma_start3A_57 = tpu.memref_slice %arg6[%dma_start3A_55, %dma_start3A_56] : memref<2x128xi32, #tpu.memory_space<vmem>> -> memref<1x128xi32, #tpu.memory_space<vmem>>
      %dma_start3A_58 = tpu.memref_squeeze %dma_start3A_57 : memref<1x128xi32, #tpu.memory_space<vmem>> -> memref<128xi32, #tpu.memory_space<vmem>>
      %dma_start3A_59 = arith.constant 0 : i32
      %dma_start3A_60 = arith.constant 0 : i32
      %dma_start3A_61 = tpu.memref_slice %arg12[%dma_start3A_59, %dma_start3A_60] : memref<10000x128xf32, #tpu.memory_space<vmem_shared>> -> memref<10000x128xf32, #tpu.memory_space<vmem_shared>>
      tpu.enqueue_indirect_dma source(%arg9 : memref<128x128xf32, #tpu.memory_space<vmem>>) target(%dma_start3A_61 : memref<10000x128xf32, #tpu.memory_space<vmem_shared>>) offsets(%dma_start3A_58 : memref<128xi32, #tpu.memory_space<vmem>>) semaphore(%arg16 : memref<!tpu.dma_semaphore, #tpu.memory_space<semaphore_mem>>) {add = true}
      %ge3A = arith.constant 1 : i32
      %ge3A_62 = arith.cmpi sge, %add3A_47, %ge3A : i32
      %convert_element_type3A_63 = arith.extui %ge3A_62 : i1 to i32
      %cond3A_64 = arith.constant 0 : i32
      %cond3A_65 = arith.cmpi ne, %convert_element_type3A_63, %cond3A_64 : i32
      scf.if %cond3A_65 {
        %dma_wait3A_138 = arith.constant 1 : i32
        %dma_wait3A_139 = arith.constant 0 : i32
        %dma_wait3A_140 = tpu.memref_slice %arg8[%dma_wait3A_138, %dma_wait3A_139] : memref<2x128xi32, #tpu.memory_space<vmem>> -> memref<1x128xi32, #tpu.memory_space<vmem>>
        %dma_wait3A_141 = tpu.memref_squeeze %dma_wait3A_140 : memref<1x128xi32, #tpu.memory_space<vmem>> -> memref<128xi32, #tpu.memory_space<vmem>>
        %dma_wait3A_142 = arith.constant 0 : i32
        %dma_wait3A_143 = arith.constant 0 : i32
        %dma_wait3A_144 = tpu.memref_slice %arg12[%dma_wait3A_142, %dma_wait3A_143] : memref<10000x128xf32, #tpu.memory_space<vmem_shared>> -> memref<10000x128xf32, #tpu.memory_space<vmem_shared>>
        tpu.wait_indirect_dma semaphore(%arg18 : memref<!tpu.dma_semaphore, #tpu.memory_space<semaphore_mem>>) src(%arg11 : memref<128x128xf32, #tpu.memory_space<vmem>>) dst(%dma_wait3A_144 : memref<10000x128xf32, #tpu.memory_space<vmem_shared>>)
      } else {
      }
      %add3A_66 = arith.constant 3 : i32
      %add3A_67 = arith.addi %add3A_47, %add3A_66 : i32
      %sub3A = arith.constant 1 : i32
      %sub3A_68 = arith.subi %add3A_67, %sub3A : i32
      %lt3A_69 = arith.constant 78 : i32
      %lt3A_70 = arith.cmpi slt, %sub3A_68, %lt3A_69 : i32
      %convert_element_type3A_71 = arith.extui %lt3A_70 : i1 to i32
      %cond3A_72 = arith.constant 0 : i32
      %cond3A_73 = arith.cmpi ne, %convert_element_type3A_71, %cond3A_72 : i32
      scf.if %cond3A_73 {
        %add3A_138 = arith.constant 3 : i32
        %add3A_139 = arith.addi %add3A_47, %add3A_138 : i32
        %sub3A_140 = arith.constant 1 : i32
        %sub3A_141 = arith.subi %add3A_139, %sub3A_140 : i32
        %mul3A_142 = arith.constant 32 : i32
        %mul3A_143 = arith.muli %sub3A_141, %mul3A_142 : i32
        %add3A_144 = arith.addi %add3A, %mul3A_143 : i32
        "tpu.region"() ({
          %run_scoped3A = tpu.sem_alloc : memref<!tpu.dma_semaphore, #tpu.memory_space<semaphore_mem>>
          %dma_start3A_152 = arith.constant 0 : i32
          %dma_start3A_153 = arith.constant 0 : i32
          %dma_start3A_154 = tpu.memref_slice %arg3[%add3A_144, %dma_start3A_152, %dma_start3A_153] : memref<2500x2x128xi32, #tpu.memory_space<hbm>> -> memref<1x2x128xi32, #tpu.memory_space<hbm>>
          %dma_start3A_155 = tpu.memref_squeeze %dma_start3A_154 : memref<1x2x128xi32, #tpu.memory_space<hbm>> -> memref<2x128xi32, #tpu.memory_space<hbm>>
          %dma_start3A_156 = arith.constant 0 : i32
          %dma_start3A_157 = arith.constant 0 : i32
          %dma_start3A_158 = tpu.memref_slice %arg3[%add3A_144, %dma_start3A_156, %dma_start3A_157] : memref<2500x2x128xi32, #tpu.memory_space<hbm>> -> memref<1x2x128xi32, #tpu.memory_space<hbm>>
          %dma_start3A_159 = tpu.memref_squeeze %dma_start3A_158 : memref<1x2x128xi32, #tpu.memory_space<hbm>> -> memref<2x128xi32, #tpu.memory_space<hbm>>
          tpu.enqueue_dma source(%dma_start3A_159 : memref<2x128xi32, #tpu.memory_space<hbm>>) target(%arg8 : memref<2x128xi32, #tpu.memory_space<vmem>>) target_semaphore(%run_scoped3A : memref<!tpu.dma_semaphore, #tpu.memory_space<semaphore_mem>>)
          %dma_wait3A_160 = arith.constant 0 : i32
          %dma_wait3A_161 = arith.constant 0 : i32
          %dma_wait3A_162 = tpu.memref_slice %arg3[%add3A_144, %dma_wait3A_160, %dma_wait3A_161] : memref<2500x2x128xi32, #tpu.memory_space<hbm>> -> memref<1x2x128xi32, #tpu.memory_space<hbm>>
          %dma_wait3A_163 = tpu.memref_squeeze %dma_wait3A_162 : memref<1x2x128xi32, #tpu.memory_space<hbm>> -> memref<2x128xi32, #tpu.memory_space<hbm>>
          %dma_wait3A_164 = arith.constant 0 : i32
          %dma_wait3A_165 = arith.constant 0 : i32
          %dma_wait3A_166 = tpu.memref_slice %arg3[%add3A_144, %dma_wait3A_164, %dma_wait3A_165] : memref<2500x2x128xi32, #tpu.memory_space<hbm>> -> memref<1x2x128xi32, #tpu.memory_space<hbm>>
          %dma_wait3A_167 = tpu.memref_squeeze %dma_wait3A_166 : memref<1x2x128xi32, #tpu.memory_space<hbm>> -> memref<2x128xi32, #tpu.memory_space<hbm>>
          tpu.wait_dma2 semaphore(%run_scoped3A : memref<!tpu.dma_semaphore, #tpu.memory_space<semaphore_mem>>) src(%dma_wait3A_167 : memref<2x128xi32, #tpu.memory_space<hbm>>) dst(%arg8 : memref<2x128xi32, #tpu.memory_space<vmem>>)
          tpu.yield
        }) : () -> ()
        %dma_start3A_145 = arith.constant 0 : i32
        %dma_start3A_146 = arith.constant 0 : i32
        %dma_start3A_147 = tpu.memref_slice %arg8[%dma_start3A_145, %dma_start3A_146] : memref<2x128xi32, #tpu.memory_space<vmem>> -> memref<1x128xi32, #tpu.memory_space<vmem>>
        %dma_start3A_148 = tpu.memref_squeeze %dma_start3A_147 : memref<1x128xi32, #tpu.memory_space<vmem>> -> memref<128xi32, #tpu.memory_space<vmem>>
        %dma_start3A_149 = arith.constant 0 : i32
        %dma_start3A_150 = arith.constant 0 : i32
        %dma_start3A_151 = tpu.memref_slice %arg2[%dma_start3A_149, %dma_start3A_150] : memref<10000x128xf32, #tpu.memory_space<hbm>> -> memref<10000x128xf32, #tpu.memory_space<hbm>>
        tpu.enqueue_indirect_dma source(%dma_start3A_151 : memref<10000x128xf32, #tpu.memory_space<hbm>>) target(%arg11 : memref<128x128xf32, #tpu.memory_space<vmem>>) offsets(%dma_start3A_148 : memref<128xi32, #tpu.memory_space<vmem>>) semaphore(%arg15 : memref<!tpu.dma_semaphore, #tpu.memory_space<semaphore_mem>>)
      } else {
      }
      %mul3A_74 = arith.constant 3 : i32
      %mul3A_75 = arith.muli %mul3A_74, %scan3A_43 : i32
      %add3A_76 = arith.constant 1 : i32
      %add3A_77 = arith.addi %mul3A_75, %add3A_76 : i32
      %dma_wait3A_78 = arith.constant 0 : i32
      %dma_wait3A_79 = arith.constant 0 : i32
      %dma_wait3A_80 = tpu.memref_slice %arg7[%dma_wait3A_78, %dma_wait3A_79] : memref<2x128xi32, #tpu.memory_space<vmem>> -> memref<1x128xi32, #tpu.memory_space<vmem>>
      %dma_wait3A_81 = tpu.memref_squeeze %dma_wait3A_80 : memref<1x128xi32, #tpu.memory_space<vmem>> -> memref<128xi32, #tpu.memory_space<vmem>>
      %dma_wait3A_82 = arith.constant 0 : i32
      %dma_wait3A_83 = arith.constant 0 : i32
      %dma_wait3A_84 = tpu.memref_slice %arg2[%dma_wait3A_82, %dma_wait3A_83] : memref<10000x128xf32, #tpu.memory_space<hbm>> -> memref<10000x128xf32, #tpu.memory_space<hbm>>
      tpu.wait_indirect_dma semaphore(%arg14 : memref<!tpu.dma_semaphore, #tpu.memory_space<semaphore_mem>>) src(%dma_wait3A_84 : memref<10000x128xf32, #tpu.memory_space<hbm>>) dst(%arg10 : memref<128x128xf32, #tpu.memory_space<vmem>>)
      %dma_start3A_85 = arith.constant 1 : i32
      %dma_start3A_86 = arith.constant 0 : i32
      %dma_start3A_87 = tpu.memref_slice %arg7[%dma_start3A_85, %dma_start3A_86] : memref<2x128xi32, #tpu.memory_space<vmem>> -> memref<1x128xi32, #tpu.memory_space<vmem>>
      %dma_start3A_88 = tpu.memref_squeeze %dma_start3A_87 : memref<1x128xi32, #tpu.memory_space<vmem>> -> memref<128xi32, #tpu.memory_space<vmem>>
      %dma_start3A_89 = arith.constant 0 : i32
      %dma_start3A_90 = arith.constant 0 : i32
      %dma_start3A_91 = tpu.memref_slice %arg12[%dma_start3A_89, %dma_start3A_90] : memref<10000x128xf32, #tpu.memory_space<vmem_shared>> -> memref<10000x128xf32, #tpu.memory_space<vmem_shared>>
      tpu.enqueue_indirect_dma source(%arg10 : memref<128x128xf32, #tpu.memory_space<vmem>>) target(%dma_start3A_91 : memref<10000x128xf32, #tpu.memory_space<vmem_shared>>) offsets(%dma_start3A_88 : memref<128xi32, #tpu.memory_space<vmem>>) semaphore(%arg17 : memref<!tpu.dma_semaphore, #tpu.memory_space<semaphore_mem>>) {add = true}
      %ge3A_92 = arith.constant 1 : i32
      %ge3A_93 = arith.cmpi sge, %add3A_77, %ge3A_92 : i32
      %convert_element_type3A_94 = arith.extui %ge3A_93 : i1 to i32
      %cond3A_95 = arith.constant 0 : i32
      %cond3A_96 = arith.cmpi ne, %convert_element_type3A_94, %cond3A_95 : i32
      scf.if %cond3A_96 {
        %dma_wait3A_138 = arith.constant 1 : i32
        %dma_wait3A_139 = arith.constant 0 : i32
        %dma_wait3A_140 = tpu.memref_slice %arg6[%dma_wait3A_138, %dma_wait3A_139] : memref<2x128xi32, #tpu.memory_space<vmem>> -> memref<1x128xi32, #tpu.memory_space<vmem>>
        %dma_wait3A_141 = tpu.memref_squeeze %dma_wait3A_140 : memref<1x128xi32, #tpu.memory_space<vmem>> -> memref<128xi32, #tpu.memory_space<vmem>>
        %dma_wait3A_142 = arith.constant 0 : i32
        %dma_wait3A_143 = arith.constant 0 : i32
        %dma_wait3A_144 = tpu.memref_slice %arg12[%dma_wait3A_142, %dma_wait3A_143] : memref<10000x128xf32, #tpu.memory_space<vmem_shared>> -> memref<10000x128xf32, #tpu.memory_space<vmem_shared>>
        tpu.wait_indirect_dma semaphore(%arg16 : memref<!tpu.dma_semaphore, #tpu.memory_space<semaphore_mem>>) src(%arg9 : memref<128x128xf32, #tpu.memory_space<vmem>>) dst(%dma_wait3A_144 : memref<10000x128xf32, #tpu.memory_space<vmem_shared>>)
      } else {
      }
      %add3A_97 = arith.constant 3 : i32
      %add3A_98 = arith.addi %add3A_77, %add3A_97 : i32
      %sub3A_99 = arith.constant 1 : i32
      %sub3A_100 = arith.subi %add3A_98, %sub3A_99 : i32
      %lt3A_101 = arith.constant 78 : i32
      %lt3A_102 = arith.cmpi slt, %sub3A_100, %lt3A_101 : i32
      %convert_element_type3A_103 = arith.extui %lt3A_102 : i1 to i32
      %cond3A_104 = arith.constant 0 : i32
      %cond3A_105 = arith.cmpi ne, %convert_element_type3A_103, %cond3A_104 : i32
      scf.if %cond3A_105 {
        %add3A_138 = arith.constant 3 : i32
        %add3A_139 = arith.addi %add3A_77, %add3A_138 : i32
        %sub3A_140 = arith.constant 1 : i32
        %sub3A_141 = arith.subi %add3A_139, %sub3A_140 : i32
        %mul3A_142 = arith.constant 32 : i32
        %mul3A_143 = arith.muli %sub3A_141, %mul3A_142 : i32
        %add3A_144 = arith.addi %add3A, %mul3A_143 : i32
        "tpu.region"() ({
          %run_scoped3A = tpu.sem_alloc : memref<!tpu.dma_semaphore, #tpu.memory_space<semaphore_mem>>
          %dma_start3A_152 = arith.constant 0 : i32
          %dma_start3A_153 = arith.constant 0 : i32
          %dma_start3A_154 = tpu.memref_slice %arg3[%add3A_144, %dma_start3A_152, %dma_start3A_153] : memref<2500x2x128xi32, #tpu.memory_space<hbm>> -> memref<1x2x128xi32, #tpu.memory_space<hbm>>
          %dma_start3A_155 = tpu.memref_squeeze %dma_start3A_154 : memref<1x2x128xi32, #tpu.memory_space<hbm>> -> memref<2x128xi32, #tpu.memory_space<hbm>>
          %dma_start3A_156 = arith.constant 0 : i32
          %dma_start3A_157 = arith.constant 0 : i32
          %dma_start3A_158 = tpu.memref_slice %arg3[%add3A_144, %dma_start3A_156, %dma_start3A_157] : memref<2500x2x128xi32, #tpu.memory_space<hbm>> -> memref<1x2x128xi32, #tpu.memory_space<hbm>>
          %dma_start3A_159 = tpu.memref_squeeze %dma_start3A_158 : memref<1x2x128xi32, #tpu.memory_space<hbm>> -> memref<2x128xi32, #tpu.memory_space<hbm>>
          tpu.enqueue_dma source(%dma_start3A_159 : memref<2x128xi32, #tpu.memory_space<hbm>>) target(%arg6 : memref<2x128xi32, #tpu.memory_space<vmem>>) target_semaphore(%run_scoped3A : memref<!tpu.dma_semaphore, #tpu.memory_space<semaphore_mem>>)
          %dma_wait3A_160 = arith.constant 0 : i32
          %dma_wait3A_161 = arith.constant 0 : i32
          %dma_wait3A_162 = tpu.memref_slice %arg3[%add3A_144, %dma_wait3A_160, %dma_wait3A_161] : memref<2500x2x128xi32, #tpu.memory_space<hbm>> -> memref<1x2x128xi32, #tpu.memory_space<hbm>>
          %dma_wait3A_163 = tpu.memref_squeeze %dma_wait3A_162 : memref<1x2x128xi32, #tpu.memory_space<hbm>> -> memref<2x128xi32, #tpu.memory_space<hbm>>
          %dma_wait3A_164 = arith.constant 0 : i32
          %dma_wait3A_165 = arith.constant 0 : i32
          %dma_wait3A_166 = tpu.memref_slice %arg3[%add3A_144, %dma_wait3A_164, %dma_wait3A_165] : memref<2500x2x128xi32, #tpu.memory_space<hbm>> -> memref<1x2x128xi32, #tpu.memory_space<hbm>>
          %dma_wait3A_167 = tpu.memref_squeeze %dma_wait3A_166 : memref<1x2x128xi32, #tpu.memory_space<hbm>> -> memref<2x128xi32, #tpu.memory_space<hbm>>
          tpu.wait_dma2 semaphore(%run_scoped3A : memref<!tpu.dma_semaphore, #tpu.memory_space<semaphore_mem>>) src(%dma_wait3A_167 : memref<2x128xi32, #tpu.memory_space<hbm>>) dst(%arg6 : memref<2x128xi32, #tpu.memory_space<vmem>>)
          tpu.yield
        }) : () -> ()
        %dma_start3A_145 = arith.constant 0 : i32
        %dma_start3A_146 = arith.constant 0 : i32
        %dma_start3A_147 = tpu.memref_slice %arg6[%dma_start3A_145, %dma_start3A_146] : memref<2x128xi32, #tpu.memory_space<vmem>> -> memref<1x128xi32, #tpu.memory_space<vmem>>
        %dma_start3A_148 = tpu.memref_squeeze %dma_start3A_147 : memref<1x128xi32, #tpu.memory_space<vmem>> -> memref<128xi32, #tpu.memory_space<vmem>>
        %dma_start3A_149 = arith.constant 0 : i32
        %dma_start3A_150 = arith.constant 0 : i32
        %dma_start3A_151 = tpu.memref_slice %arg2[%dma_start3A_149, %dma_start3A_150] : memref<10000x128xf32, #tpu.memory_space<hbm>> -> memref<10000x128xf32, #tpu.memory_space<hbm>>
        tpu.enqueue_indirect_dma source(%dma_start3A_151 : memref<10000x128xf32, #tpu.memory_space<hbm>>) target(%arg9 : memref<128x128xf32, #tpu.memory_space<vmem>>) offsets(%dma_start3A_148 : memref<128xi32, #tpu.memory_space<vmem>>) semaphore(%arg13 : memref<!tpu.dma_semaphore, #tpu.memory_space<semaphore_mem>>)
      } else {
      }
      %mul3A_106 = arith.constant 3 : i32
      %mul3A_107 = arith.muli %mul3A_106, %scan3A_43 : i32
      %add3A_108 = arith.constant 2 : i32
      %add3A_109 = arith.addi %mul3A_107, %add3A_108 : i32
      %dma_wait3A_110 = arith.constant 0 : i32
      %dma_wait3A_111 = arith.constant 0 : i32
      %dma_wait3A_112 = tpu.memref_slice %arg8[%dma_wait3A_110, %dma_wait3A_111] : memref<2x128xi32, #tpu.memory_space<vmem>> -> memref<1x128xi32, #tpu.memory_space<vmem>>
      %dma_wait3A_113 = tpu.memref_squeeze %dma_wait3A_112 : memref<1x128xi32, #tpu.memory_space<vmem>> -> memref<128xi32, #tpu.memory_space<vmem>>
      %dma_wait3A_114 = arith.constant 0 : i32
      %dma_wait3A_115 = arith.constant 0 : i32
      %dma_wait3A_116 = tpu.memref_slice %arg2[%dma_wait3A_114, %dma_wait3A_115] : memref<10000x128xf32, #tpu.memory_space<hbm>> -> memref<10000x128xf32, #tpu.memory_space<hbm>>
      tpu.wait_indirect_dma semaphore(%arg15 : memref<!tpu.dma_semaphore, #tpu.memory_space<semaphore_mem>>) src(%dma_wait3A_116 : memref<10000x128xf32, #tpu.memory_space<hbm>>) dst(%arg11 : memref<128x128xf32, #tpu.memory_space<vmem>>)
      %dma_start3A_117 = arith.constant 1 : i32
      %dma_start3A_118 = arith.constant 0 : i32
      %dma_start3A_119 = tpu.memref_slice %arg8[%dma_start3A_117, %dma_start3A_118] : memref<2x128xi32, #tpu.memory_space<vmem>> -> memref<1x128xi32, #tpu.memory_space<vmem>>
      %dma_start3A_120 = tpu.memref_squeeze %dma_start3A_119 : memref<1x128xi32, #tpu.memory_space<vmem>> -> memref<128xi32, #tpu.memory_space<vmem>>
      %dma_start3A_121 = arith.constant 0 : i32
      %dma_start3A_122 = arith.constant 0 : i32
      %dma_start3A_123 = tpu.memref_slice %arg12[%dma_start3A_121, %dma_start3A_122] : memref<10000x128xf32, #tpu.memory_space<vmem_shared>> -> memref<10000x128xf32, #tpu.memory_space<vmem_shared>>
      tpu.enqueue_indirect_dma source(%arg11 : memref<128x128xf32, #tpu.memory_space<vmem>>) target(%dma_start3A_123 : memref<10000x128xf32, #tpu.memory_space<vmem_shared>>) offsets(%dma_start3A_120 : memref<128xi32, #tpu.memory_space<vmem>>) semaphore(%arg18 : memref<!tpu.dma_semaphore, #tpu.memory_space<semaphore_mem>>) {add = true}
      %ge3A_124 = arith.constant 1 : i32
      %ge3A_125 = arith.cmpi sge, %add3A_109, %ge3A_124 : i32
      %convert_element_type3A_126 = arith.extui %ge3A_125 : i1 to i32
      %cond3A_127 = arith.constant 0 : i32
      %cond3A_128 = arith.cmpi ne, %convert_element_type3A_126, %cond3A_127 : i32
      scf.if %cond3A_128 {
        %dma_wait3A_138 = arith.constant 1 : i32
        %dma_wait3A_139 = arith.constant 0 : i32
        %dma_wait3A_140 = tpu.memref_slice %arg7[%dma_wait3A_138, %dma_wait3A_139] : memref<2x128xi32, #tpu.memory_space<vmem>> -> memref<1x128xi32, #tpu.memory_space<vmem>>
        %dma_wait3A_141 = tpu.memref_squeeze %dma_wait3A_140 : memref<1x128xi32, #tpu.memory_space<vmem>> -> memref<128xi32, #tpu.memory_space<vmem>>
        %dma_wait3A_142 = arith.constant 0 : i32
        %dma_wait3A_143 = arith.constant 0 : i32
        %dma_wait3A_144 = tpu.memref_slice %arg12[%dma_wait3A_142, %dma_wait3A_143] : memref<10000x128xf32, #tpu.memory_space<vmem_shared>> -> memref<10000x128xf32, #tpu.memory_space<vmem_shared>>
        tpu.wait_indirect_dma semaphore(%arg17 : memref<!tpu.dma_semaphore, #tpu.memory_space<semaphore_mem>>) src(%arg10 : memref<128x128xf32, #tpu.memory_space<vmem>>) dst(%dma_wait3A_144 : memref<10000x128xf32, #tpu.memory_space<vmem_shared>>)
      } else {
      }
      %add3A_129 = arith.constant 3 : i32
      %add3A_130 = arith.addi %add3A_109, %add3A_129 : i32
      %sub3A_131 = arith.constant 1 : i32
      %sub3A_132 = arith.subi %add3A_130, %sub3A_131 : i32
      %lt3A_133 = arith.constant 78 : i32
      %lt3A_134 = arith.cmpi slt, %sub3A_132, %lt3A_133 : i32
      %convert_element_type3A_135 = arith.extui %lt3A_134 : i1 to i32
      %cond3A_136 = arith.constant 0 : i32
      %cond3A_137 = arith.cmpi ne, %convert_element_type3A_135, %cond3A_136 : i32
      scf.if %cond3A_137 {
        %add3A_138 = arith.constant 3 : i32
        %add3A_139 = arith.addi %add3A_109, %add3A_138 : i32
        %sub3A_140 = arith.constant 1 : i32
        %sub3A_141 = arith.subi %add3A_139, %sub3A_140 : i32
        %mul3A_142 = arith.constant 32 : i32
        %mul3A_143 = arith.muli %sub3A_141, %mul3A_142 : i32
        %add3A_144 = arith.addi %add3A, %mul3A_143 : i32
        "tpu.region"() ({
          %run_scoped3A = tpu.sem_alloc : memref<!tpu.dma_semaphore, #tpu.memory_space<semaphore_mem>>
          %dma_start3A_152 = arith.constant 0 : i32
          %dma_start3A_153 = arith.constant 0 : i32
          %dma_start3A_154 = tpu.memref_slice %arg3[%add3A_144, %dma_start3A_152, %dma_start3A_153] : memref<2500x2x128xi32, #tpu.memory_space<hbm>> -> memref<1x2x128xi32, #tpu.memory_space<hbm>>
          %dma_start3A_155 = tpu.memref_squeeze %dma_start3A_154 : memref<1x2x128xi32, #tpu.memory_space<hbm>> -> memref<2x128xi32, #tpu.memory_space<hbm>>
          %dma_start3A_156 = arith.constant 0 : i32
          %dma_start3A_157 = arith.constant 0 : i32
          %dma_start3A_158 = tpu.memref_slice %arg3[%add3A_144, %dma_start3A_156, %dma_start3A_157] : memref<2500x2x128xi32, #tpu.memory_space<hbm>> -> memref<1x2x128xi32, #tpu.memory_space<hbm>>
          %dma_start3A_159 = tpu.memref_squeeze %dma_start3A_158 : memref<1x2x128xi32, #tpu.memory_space<hbm>> -> memref<2x128xi32, #tpu.memory_space<hbm>>
          tpu.enqueue_dma source(%dma_start3A_159 : memref<2x128xi32, #tpu.memory_space<hbm>>) target(%arg7 : memref<2x128xi32, #tpu.memory_space<vmem>>) target_semaphore(%run_scoped3A : memref<!tpu.dma_semaphore, #tpu.memory_space<semaphore_mem>>)
          %dma_wait3A_160 = arith.constant 0 : i32
          %dma_wait3A_161 = arith.constant 0 : i32
          %dma_wait3A_162 = tpu.memref_slice %arg3[%add3A_144, %dma_wait3A_160, %dma_wait3A_161] : memref<2500x2x128xi32, #tpu.memory_space<hbm>> -> memref<1x2x128xi32, #tpu.memory_space<hbm>>
          %dma_wait3A_163 = tpu.memref_squeeze %dma_wait3A_162 : memref<1x2x128xi32, #tpu.memory_space<hbm>> -> memref<2x128xi32, #tpu.memory_space<hbm>>
          %dma_wait3A_164 = arith.constant 0 : i32
          %dma_wait3A_165 = arith.constant 0 : i32
          %dma_wait3A_166 = tpu.memref_slice %arg3[%add3A_144, %dma_wait3A_164, %dma_wait3A_165] : memref<2500x2x128xi32, #tpu.memory_space<hbm>> -> memref<1x2x128xi32, #tpu.memory_space<hbm>>
          %dma_wait3A_167 = tpu.memref_squeeze %dma_wait3A_166 : memref<1x2x128xi32, #tpu.memory_space<hbm>> -> memref<2x128xi32, #tpu.memory_space<hbm>>
          tpu.wait_dma2 semaphore(%run_scoped3A : memref<!tpu.dma_semaphore, #tpu.memory_space<semaphore_mem>>) src(%dma_wait3A_167 : memref<2x128xi32, #tpu.memory_space<hbm>>) dst(%arg7 : memref<2x128xi32, #tpu.memory_space<vmem>>)
          tpu.yield
        }) : () -> ()
        %dma_start3A_145 = arith.constant 0 : i32
        %dma_start3A_146 = arith.constant 0 : i32
        %dma_start3A_147 = tpu.memref_slice %arg7[%dma_start3A_145, %dma_start3A_146] : memref<2x128xi32, #tpu.memory_space<vmem>> -> memref<1x128xi32, #tpu.memory_space<vmem>>
        %dma_start3A_148 = tpu.memref_squeeze %dma_start3A_147 : memref<1x128xi32, #tpu.memory_space<vmem>> -> memref<128xi32, #tpu.memory_space<vmem>>
        %dma_start3A_149 = arith.constant 0 : i32
        %dma_start3A_150 = arith.constant 0 : i32
        %dma_start3A_151 = tpu.memref_slice %arg2[%dma_start3A_149, %dma_start3A_150] : memref<10000x128xf32, #tpu.memory_space<hbm>> -> memref<10000x128xf32, #tpu.memory_space<hbm>>
        tpu.enqueue_indirect_dma source(%dma_start3A_151 : memref<10000x128xf32, #tpu.memory_space<hbm>>) target(%arg10 : memref<128x128xf32, #tpu.memory_space<vmem>>) offsets(%dma_start3A_148 : memref<128xi32, #tpu.memory_space<vmem>>) semaphore(%arg14 : memref<!tpu.dma_semaphore, #tpu.memory_space<semaphore_mem>>)
      } else {
      }
    }
    %scan3A_26 = arith.constant 26 : i32
    %dma_wait3A = arith.constant 1 : i32
    %dma_wait3A_27 = arith.constant 0 : i32
    %dma_wait3A_28 = tpu.memref_slice %arg8[%dma_wait3A, %dma_wait3A_27] : memref<2x128xi32, #tpu.memory_space<vmem>> -> memref<1x128xi32, #tpu.memory_space<vmem>>
    %dma_wait3A_29 = tpu.memref_squeeze %dma_wait3A_28 : memref<1x128xi32, #tpu.memory_space<vmem>> -> memref<128xi32, #tpu.memory_space<vmem>>
    %dma_wait3A_30 = arith.constant 0 : i32
    %dma_wait3A_31 = arith.constant 0 : i32
    %dma_wait3A_32 = tpu.memref_slice %arg12[%dma_wait3A_30, %dma_wait3A_31] : memref<10000x128xf32, #tpu.memory_space<vmem_shared>> -> memref<10000x128xf32, #tpu.memory_space<vmem_shared>>
    tpu.wait_indirect_dma semaphore(%arg18 : memref<!tpu.dma_semaphore, #tpu.memory_space<semaphore_mem>>) src(%arg11 : memref<128x128xf32, #tpu.memory_space<vmem>>) dst(%dma_wait3A_32 : memref<10000x128xf32, #tpu.memory_space<vmem_shared>>)
    %lt3A = arith.constant 4 : i32
    %lt3A_33 = arith.cmpi slt, %add3A, %lt3A : i32
    %convert_element_type3A_34 = arith.extui %lt3A_33 : i1 to i32
    %cond3A_35 = arith.constant 0 : i32
    %cond3A_36 = arith.cmpi ne, %convert_element_type3A_34, %cond3A_35 : i32
    scf.if %cond3A_36 {
      %add3A_43 = arith.constant 2496 : i32
      %add3A_44 = arith.addi %add3A_43, %add3A : i32
      "tpu.region"() ({
        %run_scoped3A_59 = tpu.sem_alloc : memref<!tpu.dma_semaphore, #tpu.memory_space<semaphore_mem>>
        %dma_start3A_60 = arith.constant 0 : i32
        %dma_start3A_61 = arith.constant 0 : i32
        %dma_start3A_62 = tpu.memref_slice %arg3[%add3A_44, %dma_start3A_60, %dma_start3A_61] : memref<2500x2x128xi32, #tpu.memory_space<hbm>> -> memref<1x2x128xi32, #tpu.memory_space<hbm>>
        %dma_start3A_63 = tpu.memref_squeeze %dma_start3A_62 : memref<1x2x128xi32, #tpu.memory_space<hbm>> -> memref<2x128xi32, #tpu.memory_space<hbm>>
        %dma_start3A_64 = arith.constant 0 : i32
        %dma_start3A_65 = arith.constant 0 : i32
        %dma_start3A_66 = tpu.memref_slice %arg3[%add3A_44, %dma_start3A_64, %dma_start3A_65] : memref<2500x2x128xi32, #tpu.memory_space<hbm>> -> memref<1x2x128xi32, #tpu.memory_space<hbm>>
        %dma_start3A_67 = tpu.memref_squeeze %dma_start3A_66 : memref<1x2x128xi32, #tpu.memory_space<hbm>> -> memref<2x128xi32, #tpu.memory_space<hbm>>
        tpu.enqueue_dma source(%dma_start3A_67 : memref<2x128xi32, #tpu.memory_space<hbm>>) target(%arg6 : memref<2x128xi32, #tpu.memory_space<vmem>>) target_semaphore(%run_scoped3A_59 : memref<!tpu.dma_semaphore, #tpu.memory_space<semaphore_mem>>)
        %dma_wait3A_68 = arith.constant 0 : i32
        %dma_wait3A_69 = arith.constant 0 : i32
        %dma_wait3A_70 = tpu.memref_slice %arg3[%add3A_44, %dma_wait3A_68, %dma_wait3A_69] : memref<2500x2x128xi32, #tpu.memory_space<hbm>> -> memref<1x2x128xi32, #tpu.memory_space<hbm>>
        %dma_wait3A_71 = tpu.memref_squeeze %dma_wait3A_70 : memref<1x2x128xi32, #tpu.memory_space<hbm>> -> memref<2x128xi32, #tpu.memory_space<hbm>>
        %dma_wait3A_72 = arith.constant 0 : i32
        %dma_wait3A_73 = arith.constant 0 : i32
        %dma_wait3A_74 = tpu.memref_slice %arg3[%add3A_44, %dma_wait3A_72, %dma_wait3A_73] : memref<2500x2x128xi32, #tpu.memory_space<hbm>> -> memref<1x2x128xi32, #tpu.memory_space<hbm>>
        %dma_wait3A_75 = tpu.memref_squeeze %dma_wait3A_74 : memref<1x2x128xi32, #tpu.memory_space<hbm>> -> memref<2x128xi32, #tpu.memory_space<hbm>>
        tpu.wait_dma2 semaphore(%run_scoped3A_59 : memref<!tpu.dma_semaphore, #tpu.memory_space<semaphore_mem>>) src(%dma_wait3A_75 : memref<2x128xi32, #tpu.memory_space<hbm>>) dst(%arg6 : memref<2x128xi32, #tpu.memory_space<vmem>>)
        tpu.yield
      }) : () -> ()
      %dma_start3A_45 = arith.constant 0 : i32
      %dma_start3A_46 = arith.constant 0 : i32
      %dma_start3A_47 = tpu.memref_slice %arg6[%dma_start3A_45, %dma_start3A_46] : memref<2x128xi32, #tpu.memory_space<vmem>> -> memref<1x128xi32, #tpu.memory_space<vmem>>
      %dma_start3A_48 = tpu.memref_squeeze %dma_start3A_47 : memref<1x128xi32, #tpu.memory_space<vmem>> -> memref<128xi32, #tpu.memory_space<vmem>>
      %dma_start3A_49 = arith.constant 0 : i32
      %dma_start3A_50 = arith.constant 0 : i32
      %dma_start3A_51 = tpu.memref_slice %arg2[%dma_start3A_49, %dma_start3A_50] : memref<10000x128xf32, #tpu.memory_space<hbm>> -> memref<10000x128xf32, #tpu.memory_space<hbm>>
      tpu.enqueue_indirect_dma source(%dma_start3A_51 : memref<10000x128xf32, #tpu.memory_space<hbm>>) target(%arg9 : memref<128x128xf32, #tpu.memory_space<vmem>>) offsets(%dma_start3A_48 : memref<128xi32, #tpu.memory_space<vmem>>) semaphore(%arg13 : memref<!tpu.dma_semaphore, #tpu.memory_space<semaphore_mem>>)
      %dma_wait3A_52 = arith.constant 0 : i32
      %dma_wait3A_53 = arith.constant 0 : i32
      %dma_wait3A_54 = tpu.memref_slice %arg6[%dma_wait3A_52, %dma_wait3A_53] : memref<2x128xi32, #tpu.memory_space<vmem>> -> memref<1x128xi32, #tpu.memory_space<vmem>>
      %dma_wait3A_55 = tpu.memref_squeeze %dma_wait3A_54 : memref<1x128xi32, #tpu.memory_space<vmem>> -> memref<128xi32, #tpu.memory_space<vmem>>
      %dma_wait3A_56 = arith.constant 0 : i32
      %dma_wait3A_57 = arith.constant 0 : i32
      %dma_wait3A_58 = tpu.memref_slice %arg2[%dma_wait3A_56, %dma_wait3A_57] : memref<10000x128xf32, #tpu.memory_space<hbm>> -> memref<10000x128xf32, #tpu.memory_space<hbm>>
      tpu.wait_indirect_dma semaphore(%arg13 : memref<!tpu.dma_semaphore, #tpu.memory_space<semaphore_mem>>) src(%dma_wait3A_58 : memref<10000x128xf32, #tpu.memory_space<hbm>>) dst(%arg9 : memref<128x128xf32, #tpu.memory_space<vmem>>)
      %run_scoped3A = arith.constant 1 : i32
      "tpu.region"() ({
        %run_scoped3A_59 = tpu.sem_alloc : memref<!tpu.dma_semaphore, #tpu.memory_space<semaphore_mem>>
        %dma_start3A_60 = arith.constant 0 : i32
        %dma_start3A_61 = tpu.memref_slice %arg6[%run_scoped3A, %dma_start3A_60] : memref<2x128xi32, #tpu.memory_space<vmem>> -> memref<1x128xi32, #tpu.memory_space<vmem>>
        %dma_start3A_62 = tpu.memref_squeeze %dma_start3A_61 : memref<1x128xi32, #tpu.memory_space<vmem>> -> memref<128xi32, #tpu.memory_space<vmem>>
        %dma_start3A_63 = arith.constant 0 : i32
        %dma_start3A_64 = arith.constant 0 : i32
        %dma_start3A_65 = tpu.memref_slice %arg12[%dma_start3A_63, %dma_start3A_64] : memref<10000x128xf32, #tpu.memory_space<vmem_shared>> -> memref<10000x128xf32, #tpu.memory_space<vmem_shared>>
        tpu.enqueue_indirect_dma source(%arg9 : memref<128x128xf32, #tpu.memory_space<vmem>>) target(%dma_start3A_65 : memref<10000x128xf32, #tpu.memory_space<vmem_shared>>) offsets(%dma_start3A_62 : memref<128xi32, #tpu.memory_space<vmem>>) semaphore(%run_scoped3A_59 : memref<!tpu.dma_semaphore, #tpu.memory_space<semaphore_mem>>) {add = true}
        %dma_wait3A_66 = arith.constant 0 : i32
        %dma_wait3A_67 = tpu.memref_slice %arg6[%run_scoped3A, %dma_wait3A_66] : memref<2x128xi32, #tpu.memory_space<vmem>> -> memref<1x128xi32, #tpu.memory_space<vmem>>
        %dma_wait3A_68 = tpu.memref_squeeze %dma_wait3A_67 : memref<1x128xi32, #tpu.memory_space<vmem>> -> memref<128xi32, #tpu.memory_space<vmem>>
        %dma_wait3A_69 = arith.constant 0 : i32
        %dma_wait3A_70 = arith.constant 0 : i32
        %dma_wait3A_71 = tpu.memref_slice %arg12[%dma_wait3A_69, %dma_wait3A_70] : memref<10000x128xf32, #tpu.memory_space<vmem_shared>> -> memref<10000x128xf32, #tpu.memory_space<vmem_shared>>
        tpu.wait_indirect_dma semaphore(%run_scoped3A_59 : memref<!tpu.dma_semaphore, #tpu.memory_space<semaphore_mem>>) src(%arg9 : memref<128x128xf32, #tpu.memory_space<vmem>>) dst(%dma_wait3A_71 : memref<10000x128xf32, #tpu.memory_space<vmem_shared>>)
        tpu.yield
      }) : () -> ()
    } else {
    }
    %barrier3A_37 = arith.constant 0 : index
    tpu.barrier barrier_id(%barrier3A_37)
    "tpu.region"() ({
      %run_scoped3A = tpu.sem_alloc : memref<!tpu.dma_semaphore, #tpu.memory_space<semaphore_mem>>
      %dma_start3A_43 = arith.constant 0 : i32
      %dma_start3A_44 = tpu.memref_slice %arg5[%arg0, %mul3A_2, %dma_start3A_43] : memref<2x10000x128xf32, #tpu.memory_space<hbm>> -> memref<1x624x128xf32, #tpu.memory_space<hbm>>
      %dma_start3A_45 = tpu.memref_squeeze %dma_start3A_44 : memref<1x624x128xf32, #tpu.memory_space<hbm>> -> memref<624x128xf32, #tpu.memory_space<hbm>>
      %dma_start3A_46 = arith.constant 0 : i32
      %dma_start3A_47 = tpu.memref_slice %arg12[%mul3A_2, %dma_start3A_46] : memref<10000x128xf32, #tpu.memory_space<vmem_shared>> -> memref<624x128xf32, #tpu.memory_space<vmem_shared>>
      tpu.enqueue_dma source(%dma_start3A_47 : memref<624x128xf32, #tpu.memory_space<vmem_shared>>) target(%dma_start3A_45 : memref<624x128xf32, #tpu.memory_space<hbm>>) target_semaphore(%run_scoped3A : memref<!tpu.dma_semaphore, #tpu.memory_space<semaphore_mem>>)
      %dma_wait3A_48 = arith.constant 0 : i32
      %dma_wait3A_49 = tpu.memref_slice %arg5[%arg0, %mul3A_2, %dma_wait3A_48] : memref<2x10000x128xf32, #tpu.memory_space<hbm>> -> memref<1x624x128xf32, #tpu.memory_space<hbm>>
      %dma_wait3A_50 = tpu.memref_squeeze %dma_wait3A_49 : memref<1x624x128xf32, #tpu.memory_space<hbm>> -> memref<624x128xf32, #tpu.memory_space<hbm>>
      %dma_wait3A_51 = arith.constant 0 : i32
      %dma_wait3A_52 = tpu.memref_slice %arg12[%mul3A_2, %dma_wait3A_51] : memref<10000x128xf32, #tpu.memory_space<vmem_shared>> -> memref<624x128xf32, #tpu.memory_space<vmem_shared>>
      tpu.wait_dma2 semaphore(%run_scoped3A : memref<!tpu.dma_semaphore, #tpu.memory_space<semaphore_mem>>) src(%dma_wait3A_52 : memref<624x128xf32, #tpu.memory_space<vmem_shared>>) dst(%dma_wait3A_50 : memref<624x128xf32, #tpu.memory_space<hbm>>)
      tpu.yield
    }) : () -> ()
    %eq3A_38 = arith.constant 15 : i32
    %eq3A_39 = arith.cmpi eq, %arg1, %eq3A_38 : i32
    %convert_element_type3A_40 = arith.extui %eq3A_39 : i1 to i32
    %cond3A_41 = arith.constant 0 : i32
    %cond3A_42 = arith.cmpi ne, %convert_element_type3A_40, %cond3A_41 : i32
    scf.if %cond3A_42 {
      "tpu.region"() ({
        %run_scoped3A = tpu.sem_alloc : memref<!tpu.dma_semaphore, #tpu.memory_space<semaphore_mem>>
        %dma_start3A_43 = arith.constant 9984 : i32
        %dma_start3A_44 = arith.constant 0 : i32
        %dma_start3A_45 = tpu.memref_slice %arg5[%arg0, %dma_start3A_43, %dma_start3A_44] : memref<2x10000x128xf32, #tpu.memory_space<hbm>> -> memref<1x16x128xf32, #tpu.memory_space<hbm>>
        %dma_start3A_46 = tpu.memref_squeeze %dma_start3A_45 : memref<1x16x128xf32, #tpu.memory_space<hbm>> -> memref<16x128xf32, #tpu.memory_space<hbm>>
        %dma_start3A_47 = arith.constant 9984 : i32
        %dma_start3A_48 = arith.constant 0 : i32
        %dma_start3A_49 = tpu.memref_slice %arg12[%dma_start3A_47, %dma_start3A_48] : memref<10000x128xf32, #tpu.memory_space<vmem_shared>> -> memref<16x128xf32, #tpu.memory_space<vmem_shared>>
        tpu.enqueue_dma source(%dma_start3A_49 : memref<16x128xf32, #tpu.memory_space<vmem_shared>>) target(%dma_start3A_46 : memref<16x128xf32, #tpu.memory_space<hbm>>) target_semaphore(%run_scoped3A : memref<!tpu.dma_semaphore, #tpu.memory_space<semaphore_mem>>)
        %dma_wait3A_50 = arith.constant 9984 : i32
        %dma_wait3A_51 = arith.constant 0 : i32
        %dma_wait3A_52 = tpu.memref_slice %arg5[%arg0, %dma_wait3A_50, %dma_wait3A_51] : memref<2x10000x128xf32, #tpu.memory_space<hbm>> -> memref<1x16x128xf32, #tpu.memory_space<hbm>>
        %dma_wait3A_53 = tpu.memref_squeeze %dma_wait3A_52 : memref<1x16x128xf32, #tpu.memory_space<hbm>> -> memref<16x128xf32, #tpu.memory_space<hbm>>
        %dma_wait3A_54 = arith.constant 9984 : i32
        %dma_wait3A_55 = arith.constant 0 : i32
        %dma_wait3A_56 = tpu.memref_slice %arg12[%dma_wait3A_54, %dma_wait3A_55] : memref<10000x128xf32, #tpu.memory_space<vmem_shared>> -> memref<16x128xf32, #tpu.memory_space<vmem_shared>>
        tpu.wait_dma2 semaphore(%run_scoped3A : memref<!tpu.dma_semaphore, #tpu.memory_space<semaphore_mem>>) src(%dma_wait3A_56 : memref<16x128xf32, #tpu.memory_space<vmem_shared>>) dst(%dma_wait3A_53 : memref<16x128xf32, #tpu.memory_space<hbm>>)
        tpu.yield
      }) : () -> ()
    } else {
    }
    return
  }
}

module attributes {stable_mosaic.version = 14 : i64} {
  func.func @body(%arg0: i32, %arg1: memref<2x5000x128xf32, #tpu.memory_space<vmem>>, %arg2: memref<5000x128xf32, #tpu.memory_space<vmem>>, %arg3: memref<5000x128xf32, #tpu.memory_space<vmem>>, %arg4: memref<5000x8xf32, #tpu.memory_space<vmem>>) attributes {dimension_semantics = [#tpu.dimension_semantics<arbitrary>], iteration_bounds = array<i64: 2>, scalar_prefetch = 0 : i64, scratch_operands = 0 : i64, tpu.core_type = #tpu.core_type<tc>, window_params = [{transform_indices = @transform_0, window_bounds = array<i64: 2, 5000, 128>}, {transform_indices = @transform_1, window_bounds = array<i64: 5000, 128>}, {transform_indices = @transform_2, window_bounds = array<i64: 5000, 128>}, {transform_indices = @transform_3, window_bounds = array<i64: 5000, 8>}]} {
    %get3A = arith.constant 0 : index
    %get3A_0 = arith.constant 0 : index
    %get3A_1 = arith.constant 0 : index
    %get3A_2 = vector.load %arg1[%get3A, %get3A_0, %get3A_1] : memref<2x5000x128xf32, #tpu.memory_space<vmem>>, vector<1x5000x1xf32>
    %get3A_3 = vector.shape_cast %get3A_2 : vector<1x5000x1xf32> to vector<5000x1xf32>
    %get3A_4 = arith.constant 1 : index
    %get3A_5 = arith.constant 0 : index
    %get3A_6 = arith.constant 0 : index
    %get3A_7 = vector.load %arg1[%get3A_4, %get3A_5, %get3A_6] : memref<2x5000x128xf32, #tpu.memory_space<vmem>>, vector<1x5000x1xf32>
    %get3A_8 = vector.shape_cast %get3A_7 : vector<1x5000x1xf32> to vector<5000x1xf32>
    %add3A = arith.addf %get3A_3, %get3A_8 : vector<5000x1xf32>
    %gt3A = arith.constant 0.000000e+00 : f32
    %gt3A_9 = vector.broadcast %gt3A : f32 to vector<5000x1xf32>
    %gt3A_10 = arith.cmpf ogt, %add3A, %gt3A_9 : vector<5000x1xf32>
    %max3A = arith.constant 9.99999996E-13 : f32
    %max3A_11 = vector.broadcast %max3A : f32 to vector<5000x1xf32>
    %max3A_12 = arith.maximumf %add3A, %max3A_11 : vector<5000x1xf32>
    %rsqrt3A = math.rsqrt %max3A_12 : vector<5000x1xf32>
    %jit3A = arith.constant 0.000000e+00 : f32
    %broadcast_in_dim3A = vector.broadcast %jit3A : f32 to vector<5000x1xf32>
    %select_n3A = arith.select %gt3A_10, %rsqrt3A, %broadcast_in_dim3A : vector<5000x1xi1>, vector<5000x1xf32>
    %get3A_13 = arith.constant 0 : index
    %get3A_14 = arith.constant 0 : index
    %get3A_15 = vector.load %arg2[%get3A_13, %get3A_14] : memref<5000x128xf32, #tpu.memory_space<vmem>>, vector<5000x128xf32>
    %mul3A = vector.broadcast %select_n3A : vector<5000x1xf32> to vector<5000x128xf32>
    %mul3A_16 = arith.mulf %mul3A, %get3A_15 : vector<5000x128xf32>
    %swap3A = arith.constant 0 : index
    %swap3A_17 = arith.constant 0 : index
    %swap3A_18 = vector.load %arg3[%swap3A, %swap3A_17] : memref<5000x128xf32, #tpu.memory_space<vmem>>, vector<5000x128xf32>
    tpu.vector_store %arg3[%swap3A, %swap3A_17], %mul3A_16 {strides = array<i32>} : memref<5000x128xf32, #tpu.memory_space<vmem>>, vector<5000x128xf32>,
    %broadcast_in_dim3A_19 = vector.shape_cast %select_n3A : vector<5000x1xf32> to vector<5000x1xf32>
    %broadcast_in_dim3A_20 = vector.broadcast %broadcast_in_dim3A_19 : vector<5000x1xf32> to vector<5000x8xf32>
    %swap3A_21 = arith.constant 0 : index
    %swap3A_22 = arith.constant 0 : index
    %swap3A_23 = vector.load %arg4[%swap3A_21, %swap3A_22] : memref<5000x8xf32, #tpu.memory_space<vmem>>, vector<5000x8xf32>
    tpu.vector_store %arg4[%swap3A_21, %swap3A_22], %broadcast_in_dim3A_20 {strides = array<i32>} : memref<5000x8xf32, #tpu.memory_space<vmem>>, vector<5000x8xf32>,
    return
  }
  func.func @transform_0(%arg0: i32) -> (i32, i32, i32) {
    %c0_i32 = arith.constant 0 : i32
    %c0_i32_0 = arith.constant 0 : i32
    %c0_i32_1 = arith.constant 0 : i32
    return %c0_i32, %arg0, %c0_i32_0 : i32, i32, i32
  }
  func.func @transform_1(%arg0: i32) -> (i32, i32) {
    %c0_i32 = arith.constant 0 : i32
    %c0_i32_0 = arith.constant 0 : i32
    return %arg0, %c0_i32 : i32, i32
  }
  func.func @transform_2(%arg0: i32) -> (i32, i32) {
    %c0_i32 = arith.constant 0 : i32
    %c0_i32_0 = arith.constant 0 : i32
    return %arg0, %c0_i32 : i32, i32
  }
  func.func @transform_3(%arg0: i32) -> (i32, i32) {
    %c0_i32 = arith.constant 0 : i32
    %c0_i32_0 = arith.constant 0 : i32
    return %arg0, %c0_i32 : i32, i32
  }
}

module attributes {stable_mosaic.version = 14 : i64} {
  func.func @body(%arg0: i32, %arg1: memref<5000x8xf32, #tpu.memory_space<vmem>>, %arg2: memref<2x5000x128xf32, #tpu.memory_space<vmem>>, %arg3: memref<5000x128xf32, #tpu.memory_space<vmem>>) attributes {dimension_semantics = [#tpu.dimension_semantics<arbitrary>], iteration_bounds = array<i64: 2>, scalar_prefetch = 0 : i64, scratch_operands = 0 : i64, tpu.core_type = #tpu.core_type<tc>, window_params = [{transform_indices = @transform_0, window_bounds = array<i64: 5000, 8>}, {transform_indices = @transform_1, window_bounds = array<i64: 2, 5000, 128>}, {transform_indices = @transform_2, window_bounds = array<i64: 5000, 128>}]} {
    %get3A = arith.constant 0 : index
    %get3A_0 = arith.constant 0 : index
    %get3A_1 = vector.load %arg1[%get3A, %get3A_0] : memref<5000x8xf32, #tpu.memory_space<vmem>>, vector<5000x1xf32>
    %mul3A = arith.mulf %get3A_1, %get3A_1 : vector<5000x1xf32>
    %neg3A = arith.constant 0.000000e+00 : f32
    %neg3A_2 = vector.broadcast %neg3A : f32 to vector<5000x1xf32>
    %neg3A_3 = arith.subf %neg3A_2, %mul3A : vector<5000x1xf32>
    %get3A_4 = arith.constant 0 : index
    %get3A_5 = arith.constant 0 : index
    %get3A_6 = arith.constant 0 : index
    %get3A_7 = vector.load %arg2[%get3A_4, %get3A_5, %get3A_6] : memref<2x5000x128xf32, #tpu.memory_space<vmem>>, vector<1x5000x128xf32>
    %get3A_8 = vector.shape_cast %get3A_7 : vector<1x5000x128xf32> to vector<5000x128xf32>
    %get3A_9 = arith.constant 1 : index
    %get3A_10 = arith.constant 0 : index
    %get3A_11 = arith.constant 0 : index
    %get3A_12 = vector.load %arg2[%get3A_9, %get3A_10, %get3A_11] : memref<2x5000x128xf32, #tpu.memory_space<vmem>>, vector<1x5000x128xf32>
    %get3A_13 = vector.shape_cast %get3A_12 : vector<1x5000x128xf32> to vector<5000x128xf32>
    %add3A = arith.addf %get3A_8, %get3A_13 : vector<5000x128xf32>
    %mul3A_14 = vector.broadcast %neg3A_3 : vector<5000x1xf32> to vector<5000x128xf32>
    %mul3A_15 = arith.mulf %mul3A_14, %add3A : vector<5000x128xf32>
    %swap3A = arith.constant 0 : index
    %swap3A_16 = arith.constant 0 : index
    %swap3A_17 = vector.load %arg3[%swap3A, %swap3A_16] : memref<5000x128xf32, #tpu.memory_space<vmem>>, vector<5000x128xf32>
    tpu.vector_store %arg3[%swap3A, %swap3A_16], %mul3A_15 {strides = array<i32>} : memref<5000x128xf32, #tpu.memory_space<vmem>>, vector<5000x128xf32>,
    return
  }
  func.func @transform_0(%arg0: i32) -> (i32, i32) {
    %c0_i32 = arith.constant 0 : i32
    %c0_i32_0 = arith.constant 0 : i32
    return %arg0, %c0_i32 : i32, i32
  }
  func.func @transform_1(%arg0: i32) -> (i32, i32, i32) {
    %c0_i32 = arith.constant 0 : i32
    %c0_i32_0 = arith.constant 0 : i32
    %c0_i32_1 = arith.constant 0 : i32
    return %c0_i32, %arg0, %c0_i32_0 : i32, i32, i32
  }
  func.func @transform_2(%arg0: i32) -> (i32, i32) {
    %c0_i32 = arith.constant 0 : i32
    %c0_i32_0 = arith.constant 0 : i32
    return %arg0, %c0_i32 : i32, i32
  }
}

module attributes {stable_mosaic.version = 14 : i64} {
  func.func @body(%arg0: i32, %arg1: memref<5000x8xf32, #tpu.memory_space<vmem>>, %arg2: memref<2x5000x128xf32, #tpu.memory_space<vmem>>, %arg3: memref<5000x128xf32, #tpu.memory_space<vmem>>, %arg4: memref<3x128x128xf32, #tpu.memory_space<vmem>>, %arg5: memref<5000x128xf32, #tpu.memory_space<vmem>>) attributes {dimension_semantics = [#tpu.dimension_semantics<arbitrary>], iteration_bounds = array<i64: 2>, scalar_prefetch = 0 : i64, scratch_operands = 0 : i64, tpu.core_type = #tpu.core_type<tc>, window_params = [{transform_indices = @transform_0, window_bounds = array<i64: 5000, 8>}, {transform_indices = @transform_1, window_bounds = array<i64: 2, 5000, 128>}, {transform_indices = @transform_2, window_bounds = array<i64: 5000, 128>}, {pipeline_mode = #tpu.pipeline_mode<synchronous>, transform_indices = @transform_3, window_bounds = array<i64: 3, 128, 128>}, {transform_indices = @transform_4, window_bounds = array<i64: 5000, 128>}]} {
    %get3A = arith.constant 0 : index
    %get3A_0 = arith.constant 0 : index
    %get3A_1 = vector.load %arg1[%get3A, %get3A_0] : memref<5000x8xf32, #tpu.memory_space<vmem>>, vector<5000x1xf32>
    %neg3A = arith.constant 0.000000e+00 : f32
    %neg3A_2 = vector.broadcast %neg3A : f32 to vector<5000x1xf32>
    %neg3A_3 = arith.subf %neg3A_2, %get3A_1 : vector<5000x1xf32>
    %get3A_4 = arith.constant 0 : index
    %get3A_5 = arith.constant 0 : index
    %get3A_6 = arith.constant 0 : index
    %get3A_7 = vector.load %arg2[%get3A_4, %get3A_5, %get3A_6] : memref<2x5000x128xf32, #tpu.memory_space<vmem>>, vector<1x5000x128xf32>
    %get3A_8 = vector.shape_cast %get3A_7 : vector<1x5000x128xf32> to vector<5000x128xf32>
    %get3A_9 = arith.constant 1 : index
    %get3A_10 = arith.constant 0 : index
    %get3A_11 = arith.constant 0 : index
    %get3A_12 = vector.load %arg2[%get3A_9, %get3A_10, %get3A_11] : memref<2x5000x128xf32, #tpu.memory_space<vmem>>, vector<1x5000x128xf32>
    %get3A_13 = vector.shape_cast %get3A_12 : vector<1x5000x128xf32> to vector<5000x128xf32>
    %add3A = arith.addf %get3A_8, %get3A_13 : vector<5000x128xf32>
    %mul3A = vector.broadcast %neg3A_3 : vector<5000x1xf32> to vector<5000x128xf32>
    %mul3A_14 = arith.mulf %mul3A, %add3A : vector<5000x128xf32>
    %get3A_15 = arith.constant 0 : index
    %get3A_16 = arith.constant 0 : index
    %get3A_17 = vector.load %arg3[%get3A_15, %get3A_16] : memref<5000x128xf32, #tpu.memory_space<vmem>>, vector<5000x128xf32>
    %get3A_18 = arith.constant 0 : index
    %get3A_19 = arith.constant 0 : index
    %get3A_20 = arith.constant 0 : index
    %get3A_21 = vector.load %arg4[%get3A_18, %get3A_19, %get3A_20] : memref<3x128x128xf32, #tpu.memory_space<vmem>>, vector<1x128x128xf32>
    %get3A_22 = vector.shape_cast %get3A_21 : vector<1x128x128xf32> to vector<128x128xf32>
    %dot_general3A = arith.constant dense<0.000000e+00> : vector<5000x128xf32>
    %dot_general3A_23 = tpu.matmul %get3A_17, %get3A_22, %dot_general3A {dimension_numbers = #tpu.dot_dimension_numbers<[1], [0], [0], [1], [0, 0, 1, 1], [], []>, transpose_lhs_hint = false} : vector<5000x128xf32>, vector<128x128xf32>, vector<5000x128xf32> -> vector<5000x128xf32>
    %get3A_24 = arith.constant 1 : index
    %get3A_25 = arith.constant 0 : index
    %get3A_26 = arith.constant 0 : index
    %get3A_27 = vector.load %arg4[%get3A_24, %get3A_25, %get3A_26] : memref<3x128x128xf32, #tpu.memory_space<vmem>>, vector<1x128x128xf32>
    %get3A_28 = vector.shape_cast %get3A_27 : vector<1x128x128xf32> to vector<128x128xf32>
    %dot_general3A_29 = arith.constant dense<0.000000e+00> : vector<5000x128xf32>
    %dot_general3A_30 = tpu.matmul %mul3A_14, %get3A_28, %dot_general3A_29 {dimension_numbers = #tpu.dot_dimension_numbers<[1], [0], [0], [1], [0, 0, 1, 1], [], []>, transpose_lhs_hint = false} : vector<5000x128xf32>, vector<128x128xf32>, vector<5000x128xf32> -> vector<5000x128xf32>
    %add3A_31 = arith.addf %dot_general3A_23, %dot_general3A_30 : vector<5000x128xf32>
    %swap3A = arith.constant 0 : index
    %swap3A_32 = arith.constant 0 : index
    %swap3A_33 = vector.load %arg5[%swap3A, %swap3A_32] : memref<5000x128xf32, #tpu.memory_space<vmem>>, vector<5000x128xf32>
    tpu.vector_store %arg5[%swap3A, %swap3A_32], %add3A_31 {strides = array<i32>} : memref<5000x128xf32, #tpu.memory_space<vmem>>, vector<5000x128xf32>,
    return
  }
  func.func @transform_0(%arg0: i32) -> (i32, i32) {
    %c0_i32 = arith.constant 0 : i32
    %c0_i32_0 = arith.constant 0 : i32
    return %arg0, %c0_i32 : i32, i32
  }
  func.func @transform_1(%arg0: i32) -> (i32, i32, i32) {
    %c0_i32 = arith.constant 0 : i32
    %c0_i32_0 = arith.constant 0 : i32
    %c0_i32_1 = arith.constant 0 : i32
    return %c0_i32, %arg0, %c0_i32_0 : i32, i32, i32
  }
  func.func @transform_2(%arg0: i32) -> (i32, i32) {
    %c0_i32 = arith.constant 0 : i32
    %c0_i32_0 = arith.constant 0 : i32
    return %arg0, %c0_i32 : i32, i32
  }
  func.func @transform_3(%arg0: i32) -> (i32, i32, i32) {
    %c0_i32 = arith.constant 0 : i32
    %c0_i32_0 = arith.constant 0 : i32
    %c0_i32_1 = arith.constant 0 : i32
    %c0_i32_2 = arith.constant 0 : i32
    return %c0_i32, %c0_i32_0, %c0_i32_1 : i32, i32, i32
  }
  func.func @transform_4(%arg0: i32) -> (i32, i32) {
    %c0_i32 = arith.constant 0 : i32
    %c0_i32_0 = arith.constant 0 : i32
    return %arg0, %c0_i32 : i32, i32
  }
}

module attributes {stable_mosaic.version = 14 : i64} {
  func.func @body(%arg0: i32, %arg1: memref<5000x8xf32, #tpu.memory_space<vmem>>, %arg2: memref<2x5000x128xf32, #tpu.memory_space<vmem>>, %arg3: memref<5000x128xf32, #tpu.memory_space<vmem>>, %arg4: memref<5000x128xf32, #tpu.memory_space<vmem>>, %arg5: memref<3x128x128xf32, #tpu.memory_space<vmem>>, %arg6: memref<1x128xf32, #tpu.memory_space<vmem>>, %arg7: memref<5000x128xf32, #tpu.memory_space<vmem>>, %arg8: memref<5000x128xf32, #tpu.memory_space<vmem>>) attributes {dimension_semantics = [#tpu.dimension_semantics<arbitrary>], iteration_bounds = array<i64: 2>, scalar_prefetch = 0 : i64, scratch_operands = 0 : i64, tpu.core_type = #tpu.core_type<tc>, window_params = [{transform_indices = @transform_0, window_bounds = array<i64: 5000, 8>}, {transform_indices = @transform_1, window_bounds = array<i64: 2, 5000, 128>}, {transform_indices = @transform_2, window_bounds = array<i64: 5000, 128>}, {transform_indices = @transform_3, window_bounds = array<i64: 5000, 128>}, {pipeline_mode = #tpu.pipeline_mode<synchronous>, transform_indices = @transform_4, window_bounds = array<i64: 3, 128, 128>}, {pipeline_mode = #tpu.pipeline_mode<synchronous>, transform_indices = @transform_5, window_bounds = array<i64: 1, 128>}, {transform_indices = @transform_6, window_bounds = array<i64: 5000, 128>}, {transform_indices = @transform_7, window_bounds = array<i64: 5000, 128>}]} {
    %get3A = arith.constant 0 : index
    %get3A_0 = arith.constant 0 : index
    %get3A_1 = vector.load %arg1[%get3A, %get3A_0] : memref<5000x8xf32, #tpu.memory_space<vmem>>, vector<5000x1xf32>
    %mul3A = arith.constant -2.000000e+00 : f32
    %mul3A_2 = vector.broadcast %mul3A : f32 to vector<5000x1xf32>
    %mul3A_3 = arith.mulf %mul3A_2, %get3A_1 : vector<5000x1xf32>
    %get3A_4 = arith.constant 0 : index
    %get3A_5 = arith.constant 0 : index
    %get3A_6 = arith.constant 0 : index
    %get3A_7 = vector.load %arg2[%get3A_4, %get3A_5, %get3A_6] : memref<2x5000x128xf32, #tpu.memory_space<vmem>>, vector<1x5000x128xf32>
    %get3A_8 = vector.shape_cast %get3A_7 : vector<1x5000x128xf32> to vector<5000x128xf32>
    %get3A_9 = arith.constant 1 : index
    %get3A_10 = arith.constant 0 : index
    %get3A_11 = arith.constant 0 : index
    %get3A_12 = vector.load %arg2[%get3A_9, %get3A_10, %get3A_11] : memref<2x5000x128xf32, #tpu.memory_space<vmem>>, vector<1x5000x128xf32>
    %get3A_13 = vector.shape_cast %get3A_12 : vector<1x5000x128xf32> to vector<5000x128xf32>
    %add3A = arith.addf %get3A_8, %get3A_13 : vector<5000x128xf32>
    %mul3A_14 = vector.broadcast %mul3A_3 : vector<5000x1xf32> to vector<5000x128xf32>
    %mul3A_15 = arith.mulf %mul3A_14, %add3A : vector<5000x128xf32>
    %get3A_16 = arith.constant 0 : index
    %get3A_17 = arith.constant 0 : index
    %get3A_18 = vector.load %arg3[%get3A_16, %get3A_17] : memref<5000x128xf32, #tpu.memory_space<vmem>>, vector<5000x128xf32>
    %sub3A = arith.subf %mul3A_15, %get3A_18 : vector<5000x128xf32>
    %get3A_19 = arith.constant 0 : index
    %get3A_20 = arith.constant 0 : index
    %get3A_21 = vector.load %arg4[%get3A_19, %get3A_20] : memref<5000x128xf32, #tpu.memory_space<vmem>>, vector<5000x128xf32>
    %get3A_22 = arith.constant 2 : index
    %get3A_23 = arith.constant 0 : index
    %get3A_24 = arith.constant 0 : index
    %get3A_25 = vector.load %arg5[%get3A_22, %get3A_23, %get3A_24] : memref<3x128x128xf32, #tpu.memory_space<vmem>>, vector<1x128x128xf32>
    %get3A_26 = vector.shape_cast %get3A_25 : vector<1x128x128xf32> to vector<128x128xf32>
    %dot_general3A = arith.constant dense<0.000000e+00> : vector<5000x128xf32>
    %dot_general3A_27 = tpu.matmul %sub3A, %get3A_26, %dot_general3A {dimension_numbers = #tpu.dot_dimension_numbers<[1], [0], [0], [1], [0, 0, 1, 1], [], []>, transpose_lhs_hint = false} : vector<5000x128xf32>, vector<128x128xf32>, vector<5000x128xf32> -> vector<5000x128xf32>
    %add3A_28 = arith.addf %get3A_21, %dot_general3A_27 : vector<5000x128xf32>
    %get3A_29 = arith.constant 0 : index
    %get3A_30 = arith.constant 0 : index
    %get3A_31 = vector.load %arg6[%get3A_29, %get3A_30] : memref<1x128xf32, #tpu.memory_space<vmem>>, vector<1x128xf32>
    %add3A_32 = vector.broadcast %get3A_31 : vector<1x128xf32> to vector<5000x128xf32>
    %add3A_33 = arith.addf %add3A_28, %add3A_32 : vector<5000x128xf32>
    %max3A = arith.constant 0.000000e+00 : f32
    %max3A_34 = vector.broadcast %max3A : f32 to vector<5000x128xf32>
    %max3A_35 = arith.maximumf %add3A_33, %max3A_34 : vector<5000x128xf32>
    %swap3A = arith.constant 0 : index
    %swap3A_36 = arith.constant 0 : index
    %swap3A_37 = vector.load %arg7[%swap3A, %swap3A_36] : memref<5000x128xf32, #tpu.memory_space<vmem>>, vector<5000x128xf32>
    tpu.vector_store %arg7[%swap3A, %swap3A_36], %max3A_35 {strides = array<i32>} : memref<5000x128xf32, #tpu.memory_space<vmem>>, vector<5000x128xf32>,
    %mul3A_38 = vector.broadcast %get3A_1 : vector<5000x1xf32> to vector<5000x128xf32>
    %mul3A_39 = arith.mulf %mul3A_38, %max3A_35 : vector<5000x128xf32>
    %swap3A_40 = arith.constant 0 : index
    %swap3A_41 = arith.constant 0 : index
    %swap3A_42 = vector.load %arg8[%swap3A_40, %swap3A_41] : memref<5000x128xf32, #tpu.memory_space<vmem>>, vector<5000x128xf32>
    tpu.vector_store %arg8[%swap3A_40, %swap3A_41], %mul3A_39 {strides = array<i32>} : memref<5000x128xf32, #tpu.memory_space<vmem>>, vector<5000x128xf32>,
    return
  }
  func.func @transform_0(%arg0: i32) -> (i32, i32) {
    %c0_i32 = arith.constant 0 : i32
    %c0_i32_0 = arith.constant 0 : i32
    return %arg0, %c0_i32 : i32, i32
  }
  func.func @transform_1(%arg0: i32) -> (i32, i32, i32) {
    %c0_i32 = arith.constant 0 : i32
    %c0_i32_0 = arith.constant 0 : i32
    %c0_i32_1 = arith.constant 0 : i32
    return %c0_i32, %arg0, %c0_i32_0 : i32, i32, i32
  }
  func.func @transform_2(%arg0: i32) -> (i32, i32) {
    %c0_i32 = arith.constant 0 : i32
    %c0_i32_0 = arith.constant 0 : i32
    return %arg0, %c0_i32 : i32, i32
  }
  func.func @transform_3(%arg0: i32) -> (i32, i32) {
    %c0_i32 = arith.constant 0 : i32
    %c0_i32_0 = arith.constant 0 : i32
    return %arg0, %c0_i32 : i32, i32
  }
  func.func @transform_4(%arg0: i32) -> (i32, i32, i32) {
    %c0_i32 = arith.constant 0 : i32
    %c0_i32_0 = arith.constant 0 : i32
    %c0_i32_1 = arith.constant 0 : i32
    %c0_i32_2 = arith.constant 0 : i32
    return %c0_i32, %c0_i32_0, %c0_i32_1 : i32, i32, i32
  }
  func.func @transform_5(%arg0: i32) -> (i32, i32) {
    %c0_i32 = arith.constant 0 : i32
    %c0_i32_0 = arith.constant 0 : i32
    %c0_i32_1 = arith.constant 0 : i32
    return %c0_i32, %c0_i32_0 : i32, i32
  }
  func.func @transform_6(%arg0: i32) -> (i32, i32) {
    %c0_i32 = arith.constant 0 : i32
    %c0_i32_0 = arith.constant 0 : i32
    return %arg0, %c0_i32 : i32, i32
  }
  func.func @transform_7(%arg0: i32) -> (i32, i32) {
    %c0_i32 = arith.constant 0 : i32
    %c0_i32_0 = arith.constant 0 : i32
    return %arg0, %c0_i32 : i32, i32
  }
}

module attributes {stable_mosaic.version = 14 : i64} {
  func.func @body(%arg0: i32, %arg1: memref<5000x8xf32, #tpu.memory_space<vmem>>, %arg2: memref<2x5000x128xf32, #tpu.memory_space<vmem>>, %arg3: memref<5000x128xf32, #tpu.memory_space<vmem>>, %arg4: memref<5000x128xf32, #tpu.memory_space<vmem>>, %arg5: memref<3x128x128xf32, #tpu.memory_space<vmem>>, %arg6: memref<1x128xf32, #tpu.memory_space<vmem>>, %arg7: memref<5000x128xf32, #tpu.memory_space<vmem>>) attributes {dimension_semantics = [#tpu.dimension_semantics<arbitrary>], iteration_bounds = array<i64: 2>, scalar_prefetch = 0 : i64, scratch_operands = 0 : i64, tpu.core_type = #tpu.core_type<tc>, window_params = [{transform_indices = @transform_0, window_bounds = array<i64: 5000, 8>}, {transform_indices = @transform_1, window_bounds = array<i64: 2, 5000, 128>}, {transform_indices = @transform_2, window_bounds = array<i64: 5000, 128>}, {transform_indices = @transform_3, window_bounds = array<i64: 5000, 128>}, {pipeline_mode = #tpu.pipeline_mode<synchronous>, transform_indices = @transform_4, window_bounds = array<i64: 3, 128, 128>}, {pipeline_mode = #tpu.pipeline_mode<synchronous>, transform_indices = @transform_5, window_bounds = array<i64: 1, 128>}, {transform_indices = @transform_6, window_bounds = array<i64: 5000, 128>}]} {
    %get3A = arith.constant 0 : index
    %get3A_0 = arith.constant 0 : index
    %get3A_1 = vector.load %arg1[%get3A, %get3A_0] : memref<5000x8xf32, #tpu.memory_space<vmem>>, vector<5000x1xf32>
    %mul3A = arith.constant -2.000000e+00 : f32
    %mul3A_2 = vector.broadcast %mul3A : f32 to vector<5000x1xf32>
    %mul3A_3 = arith.mulf %mul3A_2, %get3A_1 : vector<5000x1xf32>
    %get3A_4 = arith.constant 0 : index
    %get3A_5 = arith.constant 0 : index
    %get3A_6 = arith.constant 0 : index
    %get3A_7 = vector.load %arg2[%get3A_4, %get3A_5, %get3A_6] : memref<2x5000x128xf32, #tpu.memory_space<vmem>>, vector<1x5000x128xf32>
    %get3A_8 = vector.shape_cast %get3A_7 : vector<1x5000x128xf32> to vector<5000x128xf32>
    %get3A_9 = arith.constant 1 : index
    %get3A_10 = arith.constant 0 : index
    %get3A_11 = arith.constant 0 : index
    %get3A_12 = vector.load %arg2[%get3A_9, %get3A_10, %get3A_11] : memref<2x5000x128xf32, #tpu.memory_space<vmem>>, vector<1x5000x128xf32>
    %get3A_13 = vector.shape_cast %get3A_12 : vector<1x5000x128xf32> to vector<5000x128xf32>
    %add3A = arith.addf %get3A_8, %get3A_13 : vector<5000x128xf32>
    %mul3A_14 = vector.broadcast %mul3A_3 : vector<5000x1xf32> to vector<5000x128xf32>
    %mul3A_15 = arith.mulf %mul3A_14, %add3A : vector<5000x128xf32>
    %get3A_16 = arith.constant 0 : index
    %get3A_17 = arith.constant 0 : index
    %get3A_18 = vector.load %arg3[%get3A_16, %get3A_17] : memref<5000x128xf32, #tpu.memory_space<vmem>>, vector<5000x128xf32>
    %sub3A = arith.subf %mul3A_15, %get3A_18 : vector<5000x128xf32>
    %get3A_19 = arith.constant 0 : index
    %get3A_20 = arith.constant 0 : index
    %get3A_21 = vector.load %arg4[%get3A_19, %get3A_20] : memref<5000x128xf32, #tpu.memory_space<vmem>>, vector<5000x128xf32>
    %get3A_22 = arith.constant 2 : index
    %get3A_23 = arith.constant 0 : index
    %get3A_24 = arith.constant 0 : index
    %get3A_25 = vector.load %arg5[%get3A_22, %get3A_23, %get3A_24] : memref<3x128x128xf32, #tpu.memory_space<vmem>>, vector<1x128x128xf32>
    %get3A_26 = vector.shape_cast %get3A_25 : vector<1x128x128xf32> to vector<128x128xf32>
    %dot_general3A = arith.constant dense<0.000000e+00> : vector<5000x128xf32>
    %dot_general3A_27 = tpu.matmul %sub3A, %get3A_26, %dot_general3A {dimension_numbers = #tpu.dot_dimension_numbers<[1], [0], [0], [1], [0, 0, 1, 1], [], []>, transpose_lhs_hint = false} : vector<5000x128xf32>, vector<128x128xf32>, vector<5000x128xf32> -> vector<5000x128xf32>
    %add3A_28 = arith.addf %get3A_21, %dot_general3A_27 : vector<5000x128xf32>
    %get3A_29 = arith.constant 0 : index
    %get3A_30 = arith.constant 0 : index
    %get3A_31 = vector.load %arg6[%get3A_29, %get3A_30] : memref<1x128xf32, #tpu.memory_space<vmem>>, vector<1x128xf32>
    %add3A_32 = vector.broadcast %get3A_31 : vector<1x128xf32> to vector<5000x128xf32>
    %add3A_33 = arith.addf %add3A_28, %add3A_32 : vector<5000x128xf32>
    %swap3A = arith.constant 0 : index
    %swap3A_34 = arith.constant 0 : index
    %swap3A_35 = vector.load %arg7[%swap3A, %swap3A_34] : memref<5000x128xf32, #tpu.memory_space<vmem>>, vector<5000x128xf32>
    tpu.vector_store %arg7[%swap3A, %swap3A_34], %add3A_33 {strides = array<i32>} : memref<5000x128xf32, #tpu.memory_space<vmem>>, vector<5000x128xf32>,
    return
  }
  func.func @transform_0(%arg0: i32) -> (i32, i32) {
    %c0_i32 = arith.constant 0 : i32
    %c0_i32_0 = arith.constant 0 : i32
    return %arg0, %c0_i32 : i32, i32
  }
  func.func @transform_1(%arg0: i32) -> (i32, i32, i32) {
    %c0_i32 = arith.constant 0 : i32
    %c0_i32_0 = arith.constant 0 : i32
    %c0_i32_1 = arith.constant 0 : i32
    return %c0_i32, %arg0, %c0_i32_0 : i32, i32, i32
  }
  func.func @transform_2(%arg0: i32) -> (i32, i32) {
    %c0_i32 = arith.constant 0 : i32
    %c0_i32_0 = arith.constant 0 : i32
    return %arg0, %c0_i32 : i32, i32
  }
  func.func @transform_3(%arg0: i32) -> (i32, i32) {
    %c0_i32 = arith.constant 0 : i32
    %c0_i32_0 = arith.constant 0 : i32
    return %arg0, %c0_i32 : i32, i32
  }
  func.func @transform_4(%arg0: i32) -> (i32, i32, i32) {
    %c0_i32 = arith.constant 0 : i32
    %c0_i32_0 = arith.constant 0 : i32
    %c0_i32_1 = arith.constant 0 : i32
    %c0_i32_2 = arith.constant 0 : i32
    return %c0_i32, %c0_i32_0, %c0_i32_1 : i32, i32, i32
  }
  func.func @transform_5(%arg0: i32) -> (i32, i32) {
    %c0_i32 = arith.constant 0 : i32
    %c0_i32_0 = arith.constant 0 : i32
    %c0_i32_1 = arith.constant 0 : i32
    return %c0_i32, %c0_i32_0 : i32, i32
  }
  func.func @transform_6(%arg0: i32) -> (i32, i32) {
    %c0_i32 = arith.constant 0 : i32
    %c0_i32_0 = arith.constant 0 : i32
    return %arg0, %c0_i32 : i32, i32
  }
}

</mosaic_0001>

<sc_bundles>
// kernel: kernel.14.cloned.1.call-start
scs
__scs_entry_jumppad:
0x0: {  	(pc) =	sbr.rel $0x88, $3  }
0x1: {  	(tag) =	ssettag $0x0;
	lr =	simm.s32 $0x1  }
0x2: {  	[smem:$0x3F9B] =	sst lr;
	_ =	strace $0xD0000000  }
0x3: {  	_ = 	snop  }
0x4: {  	_ = 	snop  }
0x5: {  	_ = 	snop  }
0x6: {  	_ = 	snop  }
0x7: {  	_ = 	snop  }
__scs_overlays_trampoline_lowered:
0x8: {  	[smem:$0x3FAA] =	sst s0  }
0x9: {  	[smem:$0x3FAB] =	sst s1  }
0xa: {  	[smem:$0x3FAC] =	sst s2  }
0xb: {  	[smem:$0x3FAD] =	sst s3  }
0xc: {  	[smem:$0x3FAE] =	sst s4  }
0xd: {  	[smem:$0x3FAF] =	sst s5  }
0xe: {  	[smem:$0x3FB0] =	sst s6  }
0xf: {  	[smem:$0x3FB1] =	sst s7  }
0x10: {  	[smem:$0x3FB2] =	sst s8  }
0x11: {  	[smem:$0x3FB3] =	sst s9;
	s0 =	simm.s32 @!p0 $0x0  }
0x12: {  	s1 =	sld [smem:$0x3F99];
	s0 =	simm.s32 @p0 $0x1  }
0x13: {  	[smem:$0x3FB4] =	sst s0;
	s0 =	simm.s32 @!p1 $0x0  }
0x14: {  	s2 =	sld [smem:$0x3F98];
	s0 =	simm.s32 @p1 $0x1  }
0x15: {  	[smem:$0x3FB5] =	sst s0;
	s0 =	simm.s32 @!p2 $0x0  }
0x16: {  	s3 =	sld [smem:$0x3FDB];
	s0 =	simm.s32 @p2 $0x1  }
0x17: {  	s4 =	simm.s32 $0x1BF5;
	[smem:$0x3FB7] =	sst s0  }
0x18: {  	s0 =	sld [smem:$0x3F9A];
	_ =	swait.ge [sflag:s4], $0x0  }
0x19: {  	s7 =	sld [smem:$0x3F9B]  }
0x1a: {  	s8 =	sadd.s32 $0xFFFFE003, lr  }
0x1b: {  	s9 =	sadd.s32 $0xFFFFFEF7, lr;
	s5 =	simm.s32 $0xFFFFFFFF;
	p2 =	slt.u32 s8, $0xFFFFF086  }
0x1c: {  	p1 =	slt.u32 s9, $0xF7A;
	s5 =	simm.s32 @!p2 $0x0  }
0x1d: {  	s5 =	simm.s32 @p1 $0x1;
	p0 =	seq.s32 s7, s2  }
0x1e: {  	s7 =	smul.u32 @!p0 $0xF7A, s2;
	p2 =	seq.s32 @!p0 s5, $0x0  }
0x1f: {  	s9 =	smul.u32 $0xF7A, s1;
	s8 =	simm.s32 @!p0 $0x1BF5;
	p2 =	por !p2, p0  }
0x20: {  	[sflag:s8] =	ssyncset.s32 @!p0 $0xFFFFF086;
	s6 =	sadd.s32 @!p0 s3, s7;
	s7 =	simm.s32 @!p0 $0x108  }
0x21: {  	s3 =	sadd.s32 s3, s9;
	s6 =	sadd.s32 @!p0 $0x88, s6;
	s7 =	simm.s32 @p2 $0x1082  }
0x22: {  	[simem:s7], [sflag:s8] =	dma.local @!p0 [hbm:s6], $0xF7A  }
0x23: {  	s9 =	sor.u32 $0xD0000000, s2;
	s6 =	simm.s32 $0x108;
	_ =	swait.ge @!p0 [sflag:s8], $0x0  }
0x24: {  	s3 =	sadd.s32 $0x88, s3;
	s6 =	simm.s32 @!p1 $0x1082;
	[sflag:s4] =	ssyncset.s32 $0xFFFFF086  }
0x25: {  	[simem:s6], [sflag:s4] =	dma.local [hbm:s3], $0xF7A  }
0x26: {  	[smem:$0x3F9B] =	sst s1;
	(tag) =	ssettag s2;
	_ =	strace s9  }
0x27: {  	s1 =	sld [smem:$0x3FAB]  }
0x28: {  	s2 =	sld [smem:$0x3FAC]  }
0x29: {  	s4 =	sld [smem:$0x3FAE]  }
0x2a: {  	p0 =	seq.s32 s5, $0x0;
	s5 =	sld [smem:$0x3FAF]  }
0x2b: {  	s6 =	sld [smem:$0x3FB0]  }
0x2c: {  	s7 =	sld [smem:$0x3FB1]  }
0x2d: {  	s3 =	simm.s32 $0x108;
	s8 =	sld [smem:$0x3FB2]  }
0x2e: {  	s3 =	simm.s32 @!p0 $0x1082;
	s9 =	sld [smem:$0x3FB3]  }
0x2f: {  	lr =	sadd.s32 s0, s3;
	s0 =	sld [smem:$0x3FAA]  }
0x30: {  	s3 =	sld [smem:$0x3FAD]  }
0x31: {  	[smem:$0x3FB6] =	sst s10  }
0x32: {  	s10 =	sld [smem:$0x3FB4];
	_ =	sdelay $0x3  }
0x33: {  	p0 =	seq.s32 s10, $0x1;
	s10 =	sld [smem:$0x3FB6];
	_ =	sdelay $0x3  }
0x34: {  	[smem:$0x3FB6] =	sst s10  }
0x35: {  	s10 =	sld [smem:$0x3FB5];
	_ =	sdelay $0x3  }
0x36: {  	p1 =	seq.s32 s10, $0x1;
	s10 =	sld [smem:$0x3FB6];
	_ =	sdelay $0x3  }
0x37: {  	[smem:$0x3FB6] =	sst s10  }
0x38: {  	s10 =	sld [smem:$0x3FB7]  }
0x39: {  	_ = 	snop;
	(pc) =	sbr.ind lr, $3  }
0x3a: {  	_ = 	snop  }
0x3b: {  	_ = 	snop  }
0x3c: {  	p2 =	seq.s32 s10, $0x1;
	s10 =	sld [smem:$0x3FB6]  }
0x3d: {  	_ =	shalt  }
0x3e: {  	_ =	shalt  }
0x3f: {  	_ =	shalt  }
0x40: {  	_ =	shalt  }
0x41: {  	_ =	shalt  }
0x42: {  	_ =	shalt  }
0x43: {  	_ =	shalt  }
0x44: {  	_ =	shalt  }
0x45: {  	_ =	shalt  }
0x46: {  	_ =	shalt  }
0x47: {  	_ =	shalt  }
0x48: {  	_ =	shalt  }
0x49: {  	_ =	shalt  }
0x4a: {  	_ =	shalt  }
0x4b: {  	_ =	shalt  }
0x4c: {  	_ =	shalt  }
0x4d: {  	_ =	shalt  }
0x4e: {  	_ =	shalt  }
0x4f: {  	_ =	shalt  }
0x50: {  	_ =	shalt  }
0x51: {  	_ =	shalt  }
0x52: {  	_ =	shalt  }
0x53: {  	_ =	shalt  }
0x54: {  	_ =	shalt  }
0x55: {  	_ =	shalt  }
0x56: {  	_ =	shalt  }
0x57: {  	_ =	shalt  }
0x58: {  	_ =	shalt  }
0x59: {  	_ =	shalt  }
0x5a: {  	_ =	shalt  }
0x5b: {  	_ =	shalt  }
0x5c: {  	_ =	shalt  }
0x5d: {  	_ =	shalt  }
0x5e: {  	_ =	shalt  }
0x5f: {  	_ =	shalt  }
0x60: {  	_ =	shalt  }
0x61: {  	_ =	shalt  }
0x62: {  	_ =	shalt  }
0x63: {  	_ =	shalt  }
0x64: {  	_ =	shalt  }
0x65: {  	_ =	shalt  }
0x66: {  	_ =	shalt  }
0x67: {  	_ =	shalt  }
0x68: {  	_ =	shalt  }
0x69: {  	_ =	shalt  }
0x6a: {  	_ =	shalt  }
0x6b: {  	_ =	shalt  }
0x6c: {  	_ =	shalt  }
0x6d: {  	_ =	shalt  }
0x6e: {  	_ =	shalt  }
0x6f: {  	_ =	shalt  }
0x70: {  	_ =	shalt  }
0x71: {  	_ =	shalt  }
0x72: {  	_ =	shalt  }
0x73: {  	_ =	shalt  }
0x74: {  	_ =	shalt  }
0x75: {  	_ =	shalt  }
0x76: {  	_ =	shalt  }
0x77: {  	_ =	shalt  }
0x78: {  	_ =	shalt  }
0x79: {  	_ =	shalt  }
0x7a: {  	_ =	shalt  }
0x7b: {  	_ =	shalt  }
0x7c: {  	_ =	shalt  }
0x7d: {  	_ =	shalt  }
0x7e: {  	_ =	shalt  }
0x7f: {  	_ =	shalt  }
0x80: {  	_ =	shalt  }
0x81: {  	_ =	shalt  }
0x82: {  	_ =	shalt  }
0x83: {  	_ =	shalt  }
0x84: {  	_ =	shalt  }
0x85: {  	_ =	shalt  }
0x86: {  	_ =	shalt  }
0x87: {  	_ =	shalt  }
.Lfunc_end0:
.L_simem_size_0:
called_computation_lowered:
.L_overlay_start_0:
0x88: {  	s2 =	sld [smem:$0x3FD9]  }
0x89: {  	s3 =	sld [smem:$0x3FFE];
	_ =	sdelay $0x1  }
0x8a: {  	s1 =	srdreg.scid  }
0x8b: {  	s0 =	sand.u32 $0x1, s1  }
0x8c: {  	s17 =	sshll.u32 s0, $0xA;
	s2 =	sadd.s32 s3, s2  }
0x8d: {  	s2 =	sadd.s32 s2, s17  }
0x8e: {  	[smem:$0x3FC2] =	sst s2  }
0x8f: {  	_ = 	snop  }
0x90: {  	s2 =	sld [smem:$0x3FD0];
	(tm) =	ssettm $0x1  }
0x91: {  	s18 =	sld [smem:$0x3FFB];
	_ =	sdelay $0x3  }
0x92: {  	_ =	strace s18  }
0x93: {  	s3 =	sld [smem:$0x3FFC];
	_ =	sdelay $0x3  }
0x94: {  	_ =	strace s3  }
0x95: {  	s3 =	sld [smem:$0x3FFD];
	_ =	sdelay $0x3  }
0x96: {  	_ =	strace s3  }
0x97: {  	_ =	strace $0x8FFFFFFF  }
0x98: {  	s19 =	sld [smem:$0x3FDB];
	_ =	sdelay $0x1  }
0x99: {  	s4 =	simm.s32 $_scs_section_size  }
0x9a: {  	s5 =	simm.s32 $_size__tile_overlayer_lowered;
	s6 =	simm.s32 $_tile_overlayer_lowered  }
0x9b: {  	s22 =	simm.s32 $0x1BFF;
	s21 =	sshll.u32 s6, $0x1;
	s3 =	sadd.s32 s4, s19  }
0x9c: {  	s7 =	simm.s32 $0x0;
	s20 =	sshll.u32 s5, $0x1;
	s5 =	sadd.s32 s21, s3  }
0x9d: {  	[timem:s7], [sflag:s22] =	dma.local [hbm:s5], s20  }
0x9e: {  	_ =	swait.ge [sflag:s22], s20  }
0x9f: {  	s4 =	ssub.s32 $0x0, s20;
	[sflag:s22] =	ssyncset.done $0x0  }
0xa0: {  	[sflag:s22] =	ssyncadd.s32 s4;
	_ =	sdelay $0x1  }
0xa1: {  	s23 =	simm.s32 $0x1B8B  }
0xa2: {  	_ =	swait.ge [sflag:s23], $0x1  }
0xa3: {  	[sflag:s23] =	ssyncset.done $0x0  }
0xa4: {  	s25 =	simm.s32 $0x1B8E;
	s24 =	sld [smem:$0x3FFE];
	[sflag:s23] =	ssyncadd.s32 $0xFFFFFFFF  }
0xa5: {  	s26 =	simm.s32 $execute0_lowered;
	[smem:$0x3FD2] =	sst s25  }
0xa6: {  	s5 =	sshll.u32 s26, $0x1;
	_ =	strace $0x80000046;
	[dreg:$0x1] =	wrdreg $0xFFFFFFFF  }
0xa7: {  	s28 =	simm.s32 $_size_execute0_lowered;
	s3 =	sadd.s32 s3, s5;
	[dreg:$0x0] =	wrdreg $0x0  }
0xa8: {  	s5 =	sshll.u32 s28, $0x1;
	[dreg:$0x2] =	wrdreg s3  }
0xa9: {  	[dreg:$0x3] =	wrdreg s5  }
0xaa: {  	[dreg:$0x4] =	wrdreg $0xC0  }
0xab: {  	_ =	task [dreg:s7], $0x5FFFF  }
0xac: {  	[dreg:$0x1] =	wrdreg $0xFFFFFFFF  }
0xad: {  	[dreg:$0x0] =	wrdreg $0x60  }
0xae: {  	[dreg:$0x2] =	wrdreg s24  }
0xaf: {  	[dreg:$0x3] =	wrdreg s2  }
0xb0: {  	[dreg:$0x4] =	wrdreg $0x41000  }
0xb1: {  	[dreg:$0x5] =	wrdreg $0x9  }
0xb2: {  	_ =	task.clear_ibuf [dreg:s7], $0x6FFFF;
	_ =	strace $0x90000046  }
0xb3: {  	s29 =	simm.s32 $0x9;
	_ =	strace $0x80000048  }
0xb4: {  	_ =	swait.ge [sflag:s29], $0x1  }
0xb5: {  	[sflag:s29] =	ssyncadd.s32 $0xFFFFFFFF  }
0xb6: {  	_ =	strace $0x90000048  }
0xb7: {  	_ =	sfence  }
0xb8: {  	s30 =	sld [smem:$0x0];
	_ =	sdelay $0x2  }
0xb9: {  	s31 =	sshll.u32 s1, $0xD;
	s1 =	sshrl.u32 s1, $0x2  }
0xba: {  	s3 =	sand.u32 $0x4000, s31;
	s1 =	sadd.s32 s1, s30  }
0xbb: {  	s0 =	sor.u32 s3, s0;
	s1 =	sshll.u32 s1, $0x11  }
0xbc: {  	s0 =	sor.u32 s1, s0  }
0xbd: {  	s0 =	sadd.s32 $0x8F2B, s0  }
0xbe: {  	[sflag:s0] =	ssyncadd.remote.s32 $0x1  }
0xbf: {  	_ =	sfence.sel $0xFFFF  }
0xc0: {  	[dreg:$0x0] =	wrdreg $0xFFFFFFFF;
	(pc) =	sbr.abs _section_cstart, $3  }
0xc1: {  	[dreg:$0x1] =	wrdreg $0xFFFFFFFF  }
0xc2: {  	_ =	task.clear_ibuf [dreg:s7], $0x2FFFF;
	_ =	strace $0x9FFFFFFF  }
0xc3: {  	(tm) =	ssettm $0x7FFFFFFF  }
tec
execute0_lowered:
.L_overlay_start_1:
0x0: {  	(tag) =	ssettag $0x1  }
0x1: {  	s5 =	rddreg [dreg:$0x0]  }
0x2: {  	s7 =	rddreg [dreg:$0x1]  }
0x3: {  	s1 =	rddreg [dreg:$0x2]  }
0x4: {  	s0 =	rddreg [dreg:$0x3]  }
0x5: {  	s3 =	simm.s32 $0x0;
	s4 =	srdreg.scid;
	s2 =	stileid.u32  }
0x6: {  	s20 =	simm.s32 $0x80;
	s21 =	simm.s32 $0x4;
	s22 =	simm.s32 $0x1  }
0x7: {  	s23 =	simm.s32 $0x2;
	[smem:$0x7FF] =	sst s3;
	s9 =	smul.u32 $0x4E000, s2  }
0x8: {  	s8 =	sand.u32 $0x1, s4;
	s15 =	sadd.s32 $0x3200, s5;
	s11 =	smul.u32 $0x13800, s2  }
0x9: {  	s4 =	sadd.s32 $0xD000, s5;
	s12 =	sadd.s32 $0xD800, s5;
	s26 =	sshll.u32 s2, $0x6  }
0xa: {  	s17 =	sshll.u32 s2, $0x5;
	s19 =	sadd.s32 $0x138000, s1;
	p0 =	sne.s32 s2, $0xF  }
0xb: {  	p1 =	sgt.u32 s2, $0x1;
	_ =	strace $0x80000047;
	s6 =	ssub.s32 $0x2, s8  }
0xc: {  	s18 =	sshll.u32 s8, $0x4;
	s28 =	smul.u32 $0x138800, s8;
	s10 =	sshrl.u32 s6, $0x1  }
0xd: {  	s24 =	sshrl.u32 s9, $0x2;
	s25 =	sshrl.u32 s11, $0x3;
	s29 =	sor.u32 s18, s17  }
0xe: {  	s13 =	ssub.s32 s6, s10;
	s16 =	sadd.s32 s24, s1;
	s5 =	sadd.s32 s7, s25  }
0xf: {  	s6 =	sor.u32 $0x1C03, s26;
	s7 =	sadd.s32 $0x27000, s7;
	s8 =	sadd.s32 s15, s29  }
0x10: {  	s30 =	sadd.s32 s11, s28;
	s31 =	sshrl.u32 s28, $0x3;
	s15 =	sadd.s32 s17, s15  }
.Ltmp0:
0x11: {  	s17 =	simm.s32 $0x3;
	s24 =	simm.s32 $0x0;
	(pc) =	sbr.rel .LBB2_1-.Ltmp0, $4  }
0x12: {  	s9 =	sadd.s32 $0x9C00, s8;
	s10 =	sshrl.u32 s30, $0x3;
	s11 =	sadd.s32 s12, s31  }
0x13: {  	s14 =	sadd.s32 $0x400, s8;
	s15 =	sadd.s32 s18, s15;
	s16 =	sshrl.u32 s16, $0x3  }
0x14: {  	s18 =	sshrl.u32 @!p0 s19, $0x3;
	s19 =	simm.s32 $0x100;
	s10 =	sadd.s32 s12, s10  }
0x15: {  	s11 =	sadd.s32 $0x27000, s11;
	s12 =	smax.u32 s13, $0x1;
	s13 =	sadd.s32 $0x200, s8  }
.LBB2_4:
0x16: {  	_ =	swait.ge [sflag:s23], $0x4000  }
0x17: {  	[sflag:s23] =	ssyncset.done $0x0  }
0x18: {  	s25 =	simm.s32 @!p1 $0x0;
	s26 =	simm.s32 @!p1 $0x3;
	[sflag:s23] =	ssyncadd.s32 $0xFFFFC000  }
0x19: {  	[tilespmem:s25], [sflag:$0x3] =	stream.linear.gather @!p1 [hbm4b:s9+s25], $0x80, $0x38;
	[tilespmem:$0x17980] =	vst v63  }
0x1a: {  	_ =	swait.ge @!p1 [sflag:s26], $0x80  }
0x1b: {  	[sflag:s26] =	ssyncset.done @!p1 $0x0  }
0x1c: {  	s28 =	simm.s32 @!p1 $0x80;
	s29 =	simm.s32 @!p1 $0x100;
	[sflag:s26] =	ssyncadd.s32 @!p1 $0xFFFFFF80  }
0x1d: {  	[spmem:s1] =	stream.indirect.scatter.add.f32 @!p1 [tilespmem:s29], [sflag:$0x3], $0x80, s25, s28, $0xb8;
	[tilespmem:$0x17980] =	vst v63  }
0x1e: {  	_ =	swait.ge @!p1 [sflag:s26], $0x4000  }
0x1f: {  	[sflag:s26] =	ssyncset.done @!p1 $0x0  }
0x20: {  	[sflag:s26] =	ssyncadd.s32 @!p1 $0xFFFFC000  }
0x21: {  	[bflag:$0x0] =	sbarrier.arrive $0xFFFF  }
0x22: {  	[hbm:s10], [sflag:s6] =	dma.local [spmem:s16], $0x2700  }
0x23: {  	s24 =	sadd.s32 $0x1, s24;
	_ =	swait.ge [sflag:s17], $0x2700  }
0x24: {  	p2 =	sne.s32 s24, s12;
	[sflag:s17] =	ssyncset.done $0x0  }
.Ltmp1:
0x25: {  	s25 =	simm.s32 @!p0 $0x3;
	[sflag:s17] =	ssyncadd.s32 $0xFFFFD900;
	(pc) =	sbr.rel @!p2 .LBB2_5-.Ltmp1, $4  }
0x26: {  	[hbm:s11], [sflag:s6] =	dma.local @!p0 [spmem:s18], $0x100  }
0x27: {  	_ =	swait.ge @!p0 [sflag:s25], $0x100  }
0x28: {  	[sflag:s25] =	ssyncset.done @!p0 $0x0  }
0x29: {  	[sflag:s25] =	ssyncadd.s32 @!p0 $0xFFFFFF00  }
.LBB2_1:
0x2a: {  	[spmem:s16], [sflag:s6] =	dma.local [hbm:s5], $0x2700  }
0x2b: {  	_ =	swait.ge [sflag:s17], $0x2700  }
0x2c: {  	[sflag:s17] =	ssyncset.done $0x0  }
0x2d: {  	s25 =	simm.s32 @!p0 $0x3;
	[sflag:s17] =	ssyncadd.s32 $0xFFFFD900  }
0x2e: {  	[spmem:s18], [sflag:s6] =	dma.local @!p0 [hbm:s7], $0x100  }
0x2f: {  	_ =	swait.ge @!p0 [sflag:s25], $0x100  }
0x30: {  	[sflag:s25] =	ssyncset.done @!p0 $0x0  }
0x31: {  	[sflag:s25] =	ssyncadd.s32 @!p0 $0xFFFFFF00  }
0x32: {  	[tilespmem:s19], [sflag:$0x3] =	stream.linear.gather [hbm4b:s4+s3], $0x4000, $0x38;
	[tilespmem:$0x17980] =	vst v63  }
0x33: {  	_ =	swait.ge [sflag:s17], $0x4000  }
0x34: {  	[sflag:s17] =	ssyncset.done $0x0  }
0x35: {  	[sflag:s17] =	ssyncadd.s32 $0xFFFFC000  }
0x36: {  	[bflag:$0x0] =	sbarrier.arrive $0xFFFF  }
0x37: {  	[tilespmem:s3], [sflag:$0x3] =	stream.linear.gather [hbm4b:s8+s3], $0x80, $0x38;
	[tilespmem:$0x17980] =	vst v63  }
0x38: {  	_ =	swait.ge [sflag:s17], $0x80  }
0x39: {  	[sflag:s17] =	ssyncset.done $0x0  }
0x3a: {  	[sflag:s17] =	ssyncadd.s32 $0xFFFFFF80  }
0x3b: {  	[spmem:s1] =	stream.indirect.scatter.add.f32 [tilespmem:s19], [sflag:$0x1], $0x80, s3, s20, $0xb8;
	[tilespmem:$0x17980] =	vst v63  }
0x3c: {  	_ = 	snop  }
0x3d: {  	[tilespmem:s20], [sflag:$0x4] =	stream.linear.gather [hbm4b:s13+s3], $0x80, $0x38;
	[tilespmem:$0x17980] =	vst v63  }
0x3e: {  	_ =	swait.ge [sflag:s21], $0x80  }
0x3f: {  	[sflag:s21] =	ssyncset.done $0x0  }
0x40: {  	[sflag:s21] =	ssyncadd.s32 $0xFFFFFF80  }
0x41: {  	[spmem:s1] =	stream.indirect.scatter.add.f32 [tilespmem:s19], [sflag:$0x2], $0x80, s20, s20, $0xb8;
	[tilespmem:$0x17980] =	vst v63  }
0x42: {  	_ =	swait.ge [sflag:s22], $0x4000  }
0x43: {  	[sflag:s22] =	ssyncset.done $0x0  }
0x44: {  	[sflag:s22] =	ssyncadd.s32 $0xFFFFC000  }
0x45: {  	[tilespmem:s3], [sflag:$0x3] =	stream.linear.gather [hbm4b:s14+s3], $0x80, $0x38;
	[tilespmem:$0x17980] =	vst v63  }
0x46: {  	_ =	swait.ge [sflag:s17], $0x80  }
0x47: {  	[sflag:s17] =	ssyncset.done $0x0  }
0x48: {  	s25 =	simm.s32 $0xFFFF6C00;
	[sflag:s17] =	ssyncadd.s32 $0xFFFFFF80  }
.LBB2_2:
0x49: {  	[spmem:s1] =	stream.indirect.scatter.add.f32 [tilespmem:s19], [sflag:$0x1], $0x80, s3, s20, $0xb8;
	[tilespmem:$0x17980] =	vst v63  }
0x4a: {  	_ =	swait.ge [sflag:s23], $0x4000  }
0x4b: {  	s26 =	sadd.s32 s25, s15;
	[sflag:s23] =	ssyncset.done $0x0  }
0x4c: {  	s28 =	sadd.s32 $0x9A00, s26;
	[sflag:s23] =	ssyncadd.s32 $0xFFFFC000  }
0x4d: {  	[tilespmem:s20], [sflag:$0x4] =	stream.linear.gather [hbm4b:s28+s3], $0x80, $0x38;
	[tilespmem:$0x17980] =	vst v63  }
0x4e: {  	_ =	swait.ge [sflag:s21], $0x80  }
0x4f: {  	p2 =	seq.s32 s25, $0x0;
	[sflag:s21] =	ssyncset.done $0x0  }
.Ltmp2:
0x50: {  	[sflag:s21] =	ssyncadd.s32 $0xFFFFFF80;
	(pc) =	sbr.rel @p2 .LBB2_4-.Ltmp2, $4  }
0x51: {  	[spmem:s1] =	stream.indirect.scatter.add.f32 [tilespmem:s19], [sflag:$0x2], $0x80, s20, s20, $0xb8;
	[tilespmem:$0x17980] =	vst v63  }
0x52: {  	_ =	swait.ge [sflag:s22], $0x4000  }
0x53: {  	[sflag:s22] =	ssyncset.done $0x0  }
0x54: {  	[sflag:s22] =	ssyncadd.s32 $0xFFFFC000  }
.Ltmp3:
0x55: {  	s26 =	sadd.s32 $0x9C00, s26;
	(pc) =	sbr.rel .LBB2_2-.Ltmp3, $4  }
0x56: {  	[tilespmem:s3], [sflag:$0x3] =	stream.linear.gather [hbm4b:s26+s3], $0x80, $0x38;
	[tilespmem:$0x17980] =	vst v63  }
0x57: {  	_ =	swait.ge [sflag:s17], $0x80  }
0x58: {  	[sflag:s17] =	ssyncset.done $0x0  }
0x59: {  	s25 =	sadd.s32 $0x400, s25;
	[sflag:s17] =	ssyncadd.s32 $0xFFFFFF80  }
.LBB2_5:
0x5a: {  	_ =	sfence.sel $0x180000  }
0x5b: {  	[bflag:$0x0] =	sbarrier.arrive $0xFFFF  }
0x5c: {  	p0 =	sne.s32 s2, $0x0;
	_ =	strace $0x90000047  }
0x5d: {  	s0 =	sadd.s32 @!p0 $0x100000, s0;
	[bflag:$0x2] =	sbarrier.arrive $0xFFFF  }
0x5e: {  	[sflag:s0] =	ssyncadd.tile.s32 @!p0 $0x1;
	_ =	shalt  }
.Lfunc_end2:
_tile_overlayer_lowered:
.L_overlay_start_2:
0x5f: {  	(tag) =	ssettag $0x2  }
0x60: {  	s0 =	rddreg [dreg:$0x0];
	s2 =	stileid.u32  }
0x61: {  	s1 =	rddreg [dreg:$0x1];
	p0 =	sne.s32 s2, $0x0  }
0x62: {  	s3 =	rddreg [dreg:$0x2];
	[bflag:$0x3] =	sbarrier.arrive $0xFFFF;
	s2 =	simm.s32 @!p0 $0x1C03  }
0x63: {  	[timem:s3], [sflag:s2] =	dma.local @!p0 [hbm:s0], s1  }
0x64: {  	s0 =	simm.s32 @!p0 $0x3  }
0x65: {  	_ =	swait.ge @!p0 [sflag:s0], s1  }
0x66: {  	s1 =	ssub.s32 @!p0 $0x0, s1;
	[sflag:s0] =	ssyncset.done @!p0 $0x0  }
0x67: {  	[sflag:s0] =	ssyncadd.s32 @!p0 s1  }
0x68: {  	[bflag:$0x3] =	sbarrier.arrive $0xFFFF  }
0x69: {  	_ =	shalt  }

// kernel: kernel.17.cloned.1.call-start
scs
__scs_entry_jumppad:
0x0: {  	(pc) =	sbr.rel $0x88, $3  }
0x1: {  	(tag) =	ssettag $0x0;
	lr =	simm.s32 $0x1  }
0x2: {  	[smem:$0x3F9B] =	sst lr;
	_ =	strace $0xD0000000  }
0x3: {  	_ = 	snop  }
0x4: {  	_ = 	snop  }
0x5: {  	_ = 	snop  }
0x6: {  	_ = 	snop  }
0x7: {  	_ = 	snop  }
__scs_overlays_trampoline_lowered:
0x8: {  	[smem:$0x3FAA] =	sst s0  }
0x9: {  	[smem:$0x3FAB] =	sst s1  }
0xa: {  	[smem:$0x3FAC] =	sst s2  }
0xb: {  	[smem:$0x3FAD] =	sst s3  }
0xc: {  	[smem:$0x3FAE] =	sst s4  }
0xd: {  	[smem:$0x3FAF] =	sst s5  }
0xe: {  	[smem:$0x3FB0] =	sst s6  }
0xf: {  	[smem:$0x3FB1] =	sst s7  }
0x10: {  	[smem:$0x3FB2] =	sst s8  }
0x11: {  	[smem:$0x3FB3] =	sst s9;
	s0 =	simm.s32 @!p0 $0x0  }
0x12: {  	s1 =	sld [smem:$0x3F99];
	s0 =	simm.s32 @p0 $0x1  }
0x13: {  	[smem:$0x3FB4] =	sst s0;
	s0 =	simm.s32 @!p1 $0x0  }
0x14: {  	s2 =	sld [smem:$0x3F98];
	s0 =	simm.s32 @p1 $0x1  }
0x15: {  	[smem:$0x3FB5] =	sst s0;
	s0 =	simm.s32 @!p2 $0x0  }
0x16: {  	s3 =	sld [smem:$0x3FDB];
	s0 =	simm.s32 @p2 $0x1  }
0x17: {  	s4 =	simm.s32 $0x1BF5;
	[smem:$0x3FB7] =	sst s0  }
0x18: {  	s0 =	sld [smem:$0x3F9A];
	_ =	swait.ge [sflag:s4], $0x0  }
0x19: {  	s7 =	sld [smem:$0x3F9B]  }
0x1a: {  	s8 =	sadd.s32 $0xFFFFE003, lr  }
0x1b: {  	s9 =	sadd.s32 $0xFFFFFEF7, lr;
	s5 =	simm.s32 $0xFFFFFFFF;
	p2 =	slt.u32 s8, $0xFFFFF086  }
0x1c: {  	p1 =	slt.u32 s9, $0xF7A;
	s5 =	simm.s32 @!p2 $0x0  }
0x1d: {  	s5 =	simm.s32 @p1 $0x1;
	p0 =	seq.s32 s7, s2  }
0x1e: {  	s7 =	smul.u32 @!p0 $0xF7A, s2;
	p2 =	seq.s32 @!p0 s5, $0x0  }
0x1f: {  	s9 =	smul.u32 $0xF7A, s1;
	s8 =	simm.s32 @!p0 $0x1BF5;
	p2 =	por !p2, p0  }
0x20: {  	[sflag:s8] =	ssyncset.s32 @!p0 $0xFFFFF086;
	s6 =	sadd.s32 @!p0 s3, s7;
	s7 =	simm.s32 @!p0 $0x108  }
0x21: {  	s3 =	sadd.s32 s3, s9;
	s6 =	sadd.s32 @!p0 $0x88, s6;
	s7 =	simm.s32 @p2 $0x1082  }
0x22: {  	[simem:s7], [sflag:s8] =	dma.local @!p0 [hbm:s6], $0xF7A  }
0x23: {  	s9 =	sor.u32 $0xD0000000, s2;
	s6 =	simm.s32 $0x108;
	_ =	swait.ge @!p0 [sflag:s8], $0x0  }
0x24: {  	s3 =	sadd.s32 $0x88, s3;
	s6 =	simm.s32 @!p1 $0x1082;
	[sflag:s4] =	ssyncset.s32 $0xFFFFF086  }
0x25: {  	[simem:s6], [sflag:s4] =	dma.local [hbm:s3], $0xF7A  }
0x26: {  	[smem:$0x3F9B] =	sst s1;
	(tag) =	ssettag s2;
	_ =	strace s9  }
0x27: {  	s1 =	sld [smem:$0x3FAB]  }
0x28: {  	s2 =	sld [smem:$0x3FAC]  }
0x29: {  	s4 =	sld [smem:$0x3FAE]  }
0x2a: {  	p0 =	seq.s32 s5, $0x0;
	s5 =	sld [smem:$0x3FAF]  }
0x2b: {  	s6 =	sld [smem:$0x3FB0]  }
0x2c: {  	s7 =	sld [smem:$0x3FB1]  }
0x2d: {  	s3 =	simm.s32 $0x108;
	s8 =	sld [smem:$0x3FB2]  }
0x2e: {  	s3 =	simm.s32 @!p0 $0x1082;
	s9 =	sld [smem:$0x3FB3]  }
0x2f: {  	lr =	sadd.s32 s0, s3;
	s0 =	sld [smem:$0x3FAA]  }
0x30: {  	s3 =	sld [smem:$0x3FAD]  }
0x31: {  	[smem:$0x3FB6] =	sst s10  }
0x32: {  	s10 =	sld [smem:$0x3FB4];
	_ =	sdelay $0x3  }
0x33: {  	p0 =	seq.s32 s10, $0x1;
	s10 =	sld [smem:$0x3FB6];
	_ =	sdelay $0x3  }
0x34: {  	[smem:$0x3FB6] =	sst s10  }
0x35: {  	s10 =	sld [smem:$0x3FB5];
	_ =	sdelay $0x3  }
0x36: {  	p1 =	seq.s32 s10, $0x1;
	s10 =	sld [smem:$0x3FB6];
	_ =	sdelay $0x3  }
0x37: {  	[smem:$0x3FB6] =	sst s10  }
0x38: {  	s10 =	sld [smem:$0x3FB7]  }
0x39: {  	_ = 	snop;
	(pc) =	sbr.ind lr, $3  }
0x3a: {  	_ = 	snop  }
0x3b: {  	_ = 	snop  }
0x3c: {  	p2 =	seq.s32 s10, $0x1;
	s10 =	sld [smem:$0x3FB6]  }
0x3d: {  	_ =	shalt  }
0x3e: {  	_ =	shalt  }
0x3f: {  	_ =	shalt  }
0x40: {  	_ =	shalt  }
0x41: {  	_ =	shalt  }
0x42: {  	_ =	shalt  }
0x43: {  	_ =	shalt  }
0x44: {  	_ =	shalt  }
0x45: {  	_ =	shalt  }
0x46: {  	_ =	shalt  }
0x47: {  	_ =	shalt  }
0x48: {  	_ =	shalt  }
0x49: {  	_ =	shalt  }
0x4a: {  	_ =	shalt  }
0x4b: {  	_ =	shalt  }
0x4c: {  	_ =	shalt  }
0x4d: {  	_ =	shalt  }
0x4e: {  	_ =	shalt  }
0x4f: {  	_ =	shalt  }
0x50: {  	_ =	shalt  }
0x51: {  	_ =	shalt  }
0x52: {  	_ =	shalt  }
0x53: {  	_ =	shalt  }
0x54: {  	_ =	shalt  }
0x55: {  	_ =	shalt  }
0x56: {  	_ =	shalt  }
0x57: {  	_ =	shalt  }
0x58: {  	_ =	shalt  }
0x59: {  	_ =	shalt  }
0x5a: {  	_ =	shalt  }
0x5b: {  	_ =	shalt  }
0x5c: {  	_ =	shalt  }
0x5d: {  	_ =	shalt  }
0x5e: {  	_ =	shalt  }
0x5f: {  	_ =	shalt  }
0x60: {  	_ =	shalt  }
0x61: {  	_ =	shalt  }
0x62: {  	_ =	shalt  }
0x63: {  	_ =	shalt  }
0x64: {  	_ =	shalt  }
0x65: {  	_ =	shalt  }
0x66: {  	_ =	shalt  }
0x67: {  	_ =	shalt  }
0x68: {  	_ =	shalt  }
0x69: {  	_ =	shalt  }
0x6a: {  	_ =	shalt  }
0x6b: {  	_ =	shalt  }
0x6c: {  	_ =	shalt  }
0x6d: {  	_ =	shalt  }
0x6e: {  	_ =	shalt  }
0x6f: {  	_ =	shalt  }
0x70: {  	_ =	shalt  }
0x71: {  	_ =	shalt  }
0x72: {  	_ =	shalt  }
0x73: {  	_ =	shalt  }
0x74: {  	_ =	shalt  }
0x75: {  	_ =	shalt  }
0x76: {  	_ =	shalt  }
0x77: {  	_ =	shalt  }
0x78: {  	_ =	shalt  }
0x79: {  	_ =	shalt  }
0x7a: {  	_ =	shalt  }
0x7b: {  	_ =	shalt  }
0x7c: {  	_ =	shalt  }
0x7d: {  	_ =	shalt  }
0x7e: {  	_ =	shalt  }
0x7f: {  	_ =	shalt  }
0x80: {  	_ =	shalt  }
0x81: {  	_ =	shalt  }
0x82: {  	_ =	shalt  }
0x83: {  	_ =	shalt  }
0x84: {  	_ =	shalt  }
0x85: {  	_ =	shalt  }
0x86: {  	_ =	shalt  }
0x87: {  	_ =	shalt  }
.Lfunc_end0:
.L_simem_size_0:
called_computation.1_lowered:
.L_overlay_start_0:
0x88: {  	s2 =	sld [smem:$0x3FD9]  }
0x89: {  	s3 =	sld [smem:$0x3FFE];
	_ =	sdelay $0x1  }
0x8a: {  	s1 =	srdreg.scid  }
0x8b: {  	s0 =	sand.u32 $0x1, s1  }
0x8c: {  	s17 =	sshll.u32 s0, $0xA;
	s2 =	sadd.s32 s3, s2  }
0x8d: {  	s2 =	sadd.s32 s2, s17  }
0x8e: {  	[smem:$0x3FC2] =	sst s2  }
0x8f: {  	_ = 	snop  }
0x90: {  	s2 =	sld [smem:$0x3FC8]  }
0x91: {  	s18 =	sld [smem:$0x3FD0];
	(tm) =	ssettm $0x1  }
0x92: {  	s4 =	sld [smem:$0x3FFB];
	_ =	sdelay $0x3  }
0x93: {  	_ =	strace s4  }
0x94: {  	s4 =	sld [smem:$0x3FFC];
	_ =	sdelay $0x3  }
0x95: {  	_ =	strace s4  }
0x96: {  	s4 =	sld [smem:$0x3FFD];
	_ =	sdelay $0x3  }
0x97: {  	_ =	strace s4  }
0x98: {  	_ =	strace $0x8FFFFFFF  }
0x99: {  	s19 =	sld [smem:$0x3FDB];
	_ =	sdelay $0x1  }
0x9a: {  	s5 =	simm.s32 $_scs_section_size  }
0x9b: {  	s6 =	simm.s32 $_size__tile_overlayer_lowered;
	s7 =	simm.s32 $_tile_overlayer_lowered  }
0x9c: {  	s22 =	simm.s32 $0x1BFF;
	s21 =	sshll.u32 s7, $0x1;
	s4 =	sadd.s32 s5, s19  }
0x9d: {  	s8 =	simm.s32 $0x0;
	s20 =	sshll.u32 s6, $0x1;
	s6 =	sadd.s32 s21, s4  }
0x9e: {  	[timem:s8], [sflag:s22] =	dma.local [hbm:s6], s20  }
0x9f: {  	_ =	swait.ge [sflag:s22], s20  }
0xa0: {  	s5 =	ssub.s32 $0x0, s20;
	[sflag:s22] =	ssyncset.done $0x0  }
0xa1: {  	[sflag:s22] =	ssyncadd.s32 s5;
	_ =	sdelay $0x1  }
0xa2: {  	s23 =	simm.s32 $0x1B8B  }
0xa3: {  	_ =	swait.ge [sflag:s23], $0x1  }
0xa4: {  	[sflag:s23] =	ssyncset.done $0x0  }
0xa5: {  	s25 =	simm.s32 $0x1B8E;
	s24 =	sld [smem:$0x3FFE];
	[sflag:s23] =	ssyncadd.s32 $0xFFFFFFFF  }
0xa6: {  	s26 =	simm.s32 $execute0_lowered;
	[smem:$0x3FD2] =	sst s25  }
0xa7: {  	s6 =	sshll.u32 s26, $0x1;
	_ =	strace $0x80000049;
	[dreg:$0x1] =	wrdreg $0xFFFFFFFF  }
0xa8: {  	s28 =	simm.s32 $_size_execute0_lowered;
	s4 =	sadd.s32 s4, s6;
	[dreg:$0x0] =	wrdreg $0x0  }
0xa9: {  	s6 =	sshll.u32 s28, $0x1;
	[dreg:$0x2] =	wrdreg s4  }
0xaa: {  	[dreg:$0x3] =	wrdreg s6  }
0xab: {  	[dreg:$0x4] =	wrdreg $0xC0  }
0xac: {  	_ =	task [dreg:s8], $0x5FFFF  }
0xad: {  	[dreg:$0x1] =	wrdreg $0xFFFFFFFF  }
0xae: {  	[dreg:$0x0] =	wrdreg $0x60  }
0xaf: {  	[dreg:$0x2] =	wrdreg s24  }
0xb0: {  	[dreg:$0x3] =	wrdreg s2  }
0xb1: {  	[dreg:$0x4] =	wrdreg s18  }
0xb2: {  	[dreg:$0x5] =	wrdreg $0xC3000  }
0xb3: {  	[dreg:$0x6] =	wrdreg $0x9  }
0xb4: {  	_ =	task.clear_ibuf [dreg:s8], $0x7FFFF;
	_ =	strace $0x90000049  }
0xb5: {  	s29 =	simm.s32 $0x9;
	_ =	strace $0x8000004B  }
0xb6: {  	_ =	swait.ge [sflag:s29], $0x1  }
0xb7: {  	[sflag:s29] =	ssyncadd.s32 $0xFFFFFFFF  }
0xb8: {  	_ =	strace $0x9000004B  }
0xb9: {  	_ =	sfence  }
0xba: {  	s30 =	sld [smem:$0x0];
	_ =	sdelay $0x2  }
0xbb: {  	s31 =	sshll.u32 s1, $0xD;
	s1 =	sshrl.u32 s1, $0x2  }
0xbc: {  	s3 =	sand.u32 $0x4000, s31;
	s1 =	sadd.s32 s1, s30  }
0xbd: {  	s0 =	sor.u32 s3, s0;
	s1 =	sshll.u32 s1, $0x11  }
0xbe: {  	s0 =	sor.u32 s1, s0  }
0xbf: {  	s0 =	sadd.s32 $0x8F2B, s0  }
0xc0: {  	[sflag:s0] =	ssyncadd.remote.s32 $0x1  }
0xc1: {  	_ =	sfence.sel $0xFFFF  }
0xc2: {  	[dreg:$0x0] =	wrdreg $0xFFFFFFFF;
	(pc) =	sbr.abs _section_cstart, $3  }
0xc3: {  	[dreg:$0x1] =	wrdreg $0xFFFFFFFF  }
0xc4: {  	_ =	task.clear_ibuf [dreg:s8], $0x2FFFF;
	_ =	strace $0x9FFFFFFF  }
0xc5: {  	(tm) =	ssettm $0x7FFFFFFF  }
tec
execute0_lowered:
.L_overlay_start_1:
0x0: {  	(tag) =	ssettag $0x1  }
0x1: {  	s0 =	rddreg [dreg:$0x0]  }
0x2: {  	s2 =	rddreg [dreg:$0x1]  }
0x3: {  	s5 =	rddreg [dreg:$0x2]  }
0x4: {  	s1 =	rddreg [dreg:$0x3];
	s3 =	simm.s32 $0x0  }
0x5: {  	s4 =	srdreg.scid;
	s14 =	stileid.u32;
	s28 =	simm.s32 $0x1  }
0x6: {  	s29 =	simm.s32 $0x200;
	s30 =	simm.s32 $0x8300;
	s31 =	simm.s32 $0x2  }
0x7: {  	[smem:$0x7FF] =	sst s3;
	s6 =	sand.u32 $0x1, s4;
	s7 =	smul.u32 $0x4E000, s14  }
0x8: {  	s4 =	sadd.s32 $0x3200, s0;
	s9 =	smul.u32 $0x13800, s14;
	s0 =	sadd.s32 $0x2A400, s0  }
0x9: {  	s11 =	sshll.u32 s14, $0x6;
	s15 =	sadd.s32 $0x138000, s1;
	s23 =	sshll.u32 s14, $0x9  }
0xa: {  	p0 =	sne.s32 s14, $0xF;
	p1 =	sgt.u32 s14, $0x1;
	_ =	strace $0x8000004A  }
0xb: {  	s8 =	ssub.s32 $0x2, s6;
	s12 =	sshll.u32 s6, $0x5;
	s13 =	smul.u32 $0x138800, s6  }
0xc: {  	[dreg:$0x7] =	wrdreg s15;
	s24 =	sshll.u32 s6, $0x8;
	s10 =	sshrl.u32 s8, $0x1  }
0xd: {  	s7 =	sshrl.u32 s7, $0x2;
	s25 =	sshrl.u32 s9, $0x3;
	s26 =	sor.u32 s12, s11  }
0xe: {  	s8 =	ssub.s32 s8, s10;
	s7 =	sadd.s32 s7, s1;
	s10 =	sadd.s32 s2, s26  }
0xf: {  	s17 =	sadd.s32 s9, s13;
	s18 =	sshrl.u32 s13, $0x3;
	s26 =	sadd.s32 s11, s2  }
0x10: {  	[dreg:$0x5] =	wrdreg s7;
	s7 =	sadd.s32 s5, s25;
	s5 =	sadd.s32 $0x27000, s5  }
0x11: {  	s16 =	sadd.s32 $0x400, s10;
	s19 =	sadd.s32 $0x800, s10;
	[dreg:$0x6] =	wrdreg s7  }
0x12: {  	s9 =	sadd.s32 s0, s18;
	s20 =	sadd.s32 $0x13800, s10;
	[dreg:$0x8] =	wrdreg s5  }
0x13: {  	s22 =	smax.u32 s8, $0x1;
	s25 =	sadd.s32 $0xC00, s10;
	[dreg:$0x9] =	wrdreg s16  }
0x14: {  	s18 =	sadd.s32 $0x1000, s10;
	s6 =	sadd.s32 s12, s26;
	[dreg:$0xa] =	wrdreg s19  }
0x15: {  	s26 =	simm.s32 $0x4300;
	s8 =	simm.s32 $0x5;
	[dreg:$0xb] =	wrdreg s20  }
0x16: {  	s7 =	sor.u32 $0x1C07, s11;
	s5 =	sshrl.u32 s17, $0x3;
	[dreg:$0xe] =	wrdreg s22  }
0x17: {  	s21 =	sadd.s32 $0x27000, s9;
	[dreg:$0xf] =	wrdreg s25;
	s22 =	simm.s32 $0x7  }
0x18: {  	s25 =	simm.s32 $0x100;
	s9 =	simm.s32 $0x6;
	s11 =	simm.s32 $0x0  }
0x19: {  	s0 =	sadd.s32 s0, s5;
	[dreg:$0xd] =	wrdreg s21;
	s21 =	sadd.s32 $0x1400, s6  }
.Ltmp0:
0x1a: {  	[dreg:$0xc] =	wrdreg s0;
	s0 =	sor.u32 s24, s23;
	(pc) =	sbr.rel .LBB2_1-.Ltmp0, $4  }
0x1b: {  	s6 =	simm.s32 $0x280;
	s5 =	sor.u32 $0xE000, s0;
	s0 =	sor.u32 $0xC000, s0  }
0x1c: {  	s23 =	simm.s32 $0x80;
	s5 =	sshrl.u32 s5, $0x3;
	s0 =	sshrl.u32 s0, $0x3  }
0x1d: {  	s24 =	simm.s32 $0x300;
	s19 =	sadd.s32 s5, s2;
	s20 =	sadd.s32 s0, s2  }
0x1e: {  	s0 =	simm.s32 $0x180;
	s2 =	simm.s32 $0x4;
	s5 =	simm.s32 $0x3  }
.LBB2_4:
0x1f: {  	_ =	swait.ge [sflag:s5], $0x4000  }
0x20: {  	[sflag:s5] =	ssyncset.done $0x0  }
0x21: {  	[sflag:s5] =	ssyncadd.s32 $0xFFFFC000  }
0x22: {  	[spmem:s1] =	stream.indirect.scatter.add.f32 [tilespmem:s30], [sflag:$0x6], $0x80, s6, s23, $0xb8;
	[tilespmem:$0x1FB80] =	vst v63  }
0x23: {  	_ =	swait.ge [sflag:s8], $0x4000  }
0x24: {  	[sflag:s8] =	ssyncset.done $0x0  }
0x25: {  	[sflag:s8] =	ssyncadd.s32 $0xFFFFC000  }
0x26: {  	_ =	swait.ge [sflag:s9], $0x4000  }
0x27: {  	[sflag:s9] =	ssyncset.done $0x0  }
0x28: {  	s14 =	simm.s32 @!p1 $0x0;
	s15 =	rddreg [dreg:$0xb];
	[sflag:s9] =	ssyncadd.s32 $0xFFFFC000  }
0x29: {  	[tilespmem:s14], [sflag:$0x7] =	stream.linear.gather @!p1 [hbm4b:s15+s14], $0x100, $0x38;
	[tilespmem:$0x1FB80] =	vst v63  }
0x2a: {  	s15 =	simm.s32 @!p1 $0x7  }
0x2b: {  	_ =	swait.ge @!p1 [sflag:s15], $0x100  }
0x2c: {  	[sflag:s15] =	ssyncset.done @!p1 $0x0  }
0x2d: {  	s16 =	simm.s32 @!p1 $0x80;
	s17 =	simm.s32 @!p1 $0x300;
	[sflag:s15] =	ssyncadd.s32 @!p1 $0xFFFFFF00  }
0x2e: {  	[tilespmem:s17], [sflag:$0x1] =	stream.indirect.gather @!p1 [hbm4b:s4+s16], $0x80, s14, s16, $0xb8;
	[tilespmem:$0x1FB80] =	vst v63  }
0x2f: {  	s14 =	simm.s32 @!p1 $0x1  }
0x30: {  	_ =	swait.ge @!p1 [sflag:s14], $0x4000  }
0x31: {  	[sflag:s14] =	ssyncset.done @!p1 $0x0  }
0x32: {  	[sflag:s14] =	ssyncadd.s32 @!p1 $0xFFFFC000  }
0x33: {  	[spmem:s1] =	stream.indirect.scatter.add.f32 @!p1 [tilespmem:s17], [sflag:$0x7], $0x80, s16, s16, $0xb8;
	[tilespmem:$0x1FB80] =	vst v63  }
0x34: {  	_ =	swait.ge @!p1 [sflag:s15], $0x4000  }
0x35: {  	[sflag:s15] =	ssyncset.done @!p1 $0x0  }
0x36: {  	[sflag:s15] =	ssyncadd.s32 @!p1 $0xFFFFC000  }
0x37: {  	[bflag:$0x0] =	sbarrier.arrive $0xFFFF  }
0x38: {  	s16 =	rddreg [dreg:$0xc]  }
0x39: {  	[hbm:s16], [sflag:s7] =	dma.local [spmem:s12], $0x2700  }
0x3a: {  	_ =	swait.ge [sflag:s22], $0x2700  }
0x3b: {  	[sflag:s22] =	ssyncset.done $0x0  }
0x3c: {  	s12 =	rddreg [dreg:$0xd];
	[sflag:s22] =	ssyncadd.s32 $0xFFFFD900  }
0x3d: {  	[hbm:s12], [sflag:s7] =	dma.local @!p0 [spmem:s13], $0x100  }
0x3e: {  	s12 =	simm.s32 @!p0 $0x7  }
0x3f: {  	_ =	swait.ge @!p0 [sflag:s12], $0x100  }
0x40: {  	s11 =	sadd.s32 $0x1, s11;
	s17 =	rddreg [dreg:$0xe]  }
0x41: {  	p2 =	sne.s32 s11, s17  }
.Ltmp1:
0x42: {  	_ = 	snop;
	(pc) =	sbr.rel @!p2 .LBB2_5-.Ltmp1, $3  }
0x43: {  	_ =	sdelay $0x1  }
0x44: {  	[sflag:s12] =	ssyncset.done @!p0 $0x0  }
0x45: {  	[sflag:s12] =	ssyncadd.s32 @!p0 $0xFFFFFF00  }
.LBB2_1:
0x46: {  	s12 =	rddreg [dreg:$0x5]  }
0x47: {  	s13 =	rddreg [dreg:$0x6];
	s12 =	sshrl.u32 s12, $0x3  }
0x48: {  	[spmem:s12], [sflag:s7] =	dma.local [hbm:s13], $0x2700  }
0x49: {  	_ =	swait.ge [sflag:s22], $0x2700  }
0x4a: {  	[sflag:s22] =	ssyncset.done $0x0;
	s13 =	rddreg [dreg:$0x7]  }
0x4b: {  	s14 =	rddreg [dreg:$0x8];
	[sflag:s22] =	ssyncadd.s32 $0xFFFFD900;
	s13 =	sshrl.u32 @!p0 s13, $0x3  }
0x4c: {  	[spmem:s13], [sflag:s7] =	dma.local @!p0 [hbm:s14], $0x100  }
0x4d: {  	s14 =	simm.s32 @!p0 $0x7  }
0x4e: {  	_ =	swait.ge @!p0 [sflag:s14], $0x100  }
0x4f: {  	[sflag:s14] =	ssyncset.done @!p0 $0x0  }
0x50: {  	[sflag:s14] =	ssyncadd.s32 @!p0 $0xFFFFFF00  }
0x51: {  	[bflag:$0x0] =	sbarrier.arrive $0xFFFF  }
0x52: {  	[tilespmem:s3], [sflag:$0x7] =	stream.linear.gather [hbm4b:s10+s3], $0x100, $0x38;
	[tilespmem:$0x1FB80] =	vst v63  }
0x53: {  	_ =	swait.ge [sflag:s22], $0x100  }
0x54: {  	[sflag:s22] =	ssyncset.done $0x0  }
0x55: {  	[sflag:s22] =	ssyncadd.s32 $0xFFFFFF00  }
0x56: {  	[tilespmem:s24], [sflag:$0x1] =	stream.indirect.gather [hbm4b:s4+s23], $0x80, s3, s23, $0xb8;
	[tilespmem:$0x1FB80] =	vst v63  }
0x57: {  	s15 =	rddreg [dreg:$0x9]  }
0x58: {  	[tilespmem:s25], [sflag:$0x7] =	stream.linear.gather [hbm4b:s15+s3], $0x100, $0x38;
	[tilespmem:$0x1FB80] =	vst v63  }
0x59: {  	_ =	swait.ge [sflag:s22], $0x100  }
0x5a: {  	[sflag:s22] =	ssyncset.done $0x0  }
0x5b: {  	[sflag:s22] =	ssyncadd.s32 $0xFFFFFF00  }
0x5c: {  	[tilespmem:s26], [sflag:$0x2] =	stream.indirect.gather [hbm4b:s4+s23], $0x80, s25, s23, $0xb8;
	[tilespmem:$0x1FB80] =	vst v63  }
0x5d: {  	_ =	swait.ge [sflag:s28], $0x4000  }
0x5e: {  	[sflag:s28] =	ssyncset.done $0x0  }
0x5f: {  	[sflag:s28] =	ssyncadd.s32 $0xFFFFC000  }
0x60: {  	[spmem:s1] =	stream.indirect.scatter.add.f32 [tilespmem:s24], [sflag:$0x4], $0x80, s23, s23, $0xb8;
	[tilespmem:$0x1FB80] =	vst v63  }
0x61: {  	s16 =	rddreg [dreg:$0xa]  }
0x62: {  	[tilespmem:s29], [sflag:$0x7] =	stream.linear.gather [hbm4b:s16+s3], $0x100, $0x38;
	[tilespmem:$0x1FB80] =	vst v63  }
0x63: {  	_ =	swait.ge [sflag:s22], $0x100  }
0x64: {  	[sflag:s22] =	ssyncset.done $0x0  }
0x65: {  	[sflag:s22] =	ssyncadd.s32 $0xFFFFFF00  }
0x66: {  	[tilespmem:s30], [sflag:$0x3] =	stream.indirect.gather [hbm4b:s4+s23], $0x80, s29, s23, $0xb8;
	[tilespmem:$0x1FB80] =	vst v63  }
0x67: {  	_ =	swait.ge [sflag:s31], $0x4000  }
0x68: {  	[sflag:s31] =	ssyncset.done $0x0  }
0x69: {  	[sflag:s31] =	ssyncadd.s32 $0xFFFFC000  }
0x6a: {  	[spmem:s1] =	stream.indirect.scatter.add.f32 [tilespmem:s26], [sflag:$0x5], $0x80, s0, s23, $0xb8;
	[tilespmem:$0x1FB80] =	vst v63  }
0x6b: {  	_ =	swait.ge [sflag:s2], $0x4000  }
0x6c: {  	[sflag:s2] =	ssyncset.done $0x0  }
0x6d: {  	s17 =	rddreg [dreg:$0xf];
	[sflag:s2] =	ssyncadd.s32 $0xFFFFC000  }
0x6e: {  	[tilespmem:s3], [sflag:$0x7] =	stream.linear.gather [hbm4b:s17+s3], $0x100, $0x38;
	[tilespmem:$0x1FB80] =	vst v63  }
0x6f: {  	_ =	swait.ge [sflag:s22], $0x100  }
0x70: {  	[sflag:s22] =	ssyncset.done $0x0  }
0x71: {  	[sflag:s22] =	ssyncadd.s32 $0xFFFFFF00  }
0x72: {  	[tilespmem:s24], [sflag:$0x1] =	stream.indirect.gather [hbm4b:s4+s23], $0x80, s3, s23, $0xb8;
	[tilespmem:$0x1FB80] =	vst v63  }
0x73: {  	_ =	swait.ge [sflag:s5], $0x4000  }
0x74: {  	[sflag:s5] =	ssyncset.done $0x0  }
0x75: {  	[sflag:s5] =	ssyncadd.s32 $0xFFFFC000  }
0x76: {  	[spmem:s1] =	stream.indirect.scatter.add.f32 [tilespmem:s30], [sflag:$0x6], $0x80, s6, s23, $0xb8;
	[tilespmem:$0x1FB80] =	vst v63  }
0x77: {  	_ =	swait.ge [sflag:s8], $0x4000  }
0x78: {  	[sflag:s8] =	ssyncset.done $0x0  }
0x79: {  	[sflag:s8] =	ssyncadd.s32 $0xFFFFC000  }
0x7a: {  	[tilespmem:s25], [sflag:$0x7] =	stream.linear.gather [hbm4b:s18+s3], $0x100, $0x38;
	[tilespmem:$0x1FB80] =	vst v63  }
0x7b: {  	_ =	swait.ge [sflag:s22], $0x100  }
0x7c: {  	[sflag:s22] =	ssyncset.done $0x0  }
0x7d: {  	s14 =	simm.s32 $0x0;
	[sflag:s22] =	ssyncadd.s32 $0xFFFFFF00  }
0x7e: {  	[tilespmem:s26], [sflag:$0x2] =	stream.indirect.gather [hbm4b:s4+s23], $0x80, s25, s23, $0xb8;
	[tilespmem:$0x1FB80] =	vst v63  }
.LBB2_2:
0x7f: {  	_ =	swait.ge [sflag:s28], $0x4000  }
0x80: {  	[sflag:s28] =	ssyncset.done $0x0  }
0x81: {  	[sflag:s28] =	ssyncadd.s32 $0xFFFFC000  }
0x82: {  	[spmem:s1] =	stream.indirect.scatter.add.f32 [tilespmem:s24], [sflag:$0x4], $0x80, s23, s23, $0xb8;
	[tilespmem:$0x1FB80] =	vst v63  }
0x83: {  	_ =	swait.ge [sflag:s9], $0x4000  }
0x84: {  	[sflag:s9] =	ssyncset.done $0x0  }
0x85: {  	s15 =	sadd.s32 s14, s21;
	[sflag:s9] =	ssyncadd.s32 $0xFFFFC000  }
0x86: {  	[tilespmem:s29], [sflag:$0x7] =	stream.linear.gather [hbm4b:s15+s3], $0x100, $0x38;
	[tilespmem:$0x1FB80] =	vst v63  }
0x87: {  	_ =	swait.ge [sflag:s22], $0x100  }
0x88: {  	[sflag:s22] =	ssyncset.done $0x0  }
0x89: {  	[sflag:s22] =	ssyncadd.s32 $0xFFFFFF00  }
0x8a: {  	[tilespmem:s30], [sflag:$0x3] =	stream.indirect.gather [hbm4b:s4+s23], $0x80, s29, s23, $0xb8;
	[tilespmem:$0x1FB80] =	vst v63  }
0x8b: {  	_ =	swait.ge [sflag:s31], $0x4000  }
0x8c: {  	p2 =	seq.s32 s14, $0x12000;
	[sflag:s31] =	ssyncset.done $0x0  }
.Ltmp2:
0x8d: {  	[sflag:s31] =	ssyncadd.s32 $0xFFFFC000;
	(pc) =	sbr.rel @p2 .LBB2_4-.Ltmp2, $4  }
0x8e: {  	[spmem:s1] =	stream.indirect.scatter.add.f32 [tilespmem:s26], [sflag:$0x5], $0x80, s0, s23, $0xb8;
	[tilespmem:$0x1FB80] =	vst v63  }
0x8f: {  	_ =	swait.ge [sflag:s2], $0x4000  }
0x90: {  	[sflag:s2] =	ssyncset.done $0x0  }
0x91: {  	[sflag:s2] =	ssyncadd.s32 $0xFFFFC000  }
0x92: {  	s15 =	sadd.s32 s14, s20  }
0x93: {  	[tilespmem:s3], [sflag:$0x7] =	stream.linear.gather [hbm4b:s15+s3], $0x100, $0x38;
	[tilespmem:$0x1FB80] =	vst v63  }
0x94: {  	_ =	swait.ge [sflag:s22], $0x100  }
0x95: {  	[sflag:s22] =	ssyncset.done $0x0  }
0x96: {  	[sflag:s22] =	ssyncadd.s32 $0xFFFFFF00  }
0x97: {  	[tilespmem:s24], [sflag:$0x1] =	stream.indirect.gather [hbm4b:s4+s23], $0x80, s3, s23, $0xb8;
	[tilespmem:$0x1FB80] =	vst v63  }
0x98: {  	_ =	swait.ge [sflag:s5], $0x4000  }
0x99: {  	[sflag:s5] =	ssyncset.done $0x0  }
0x9a: {  	[sflag:s5] =	ssyncadd.s32 $0xFFFFC000  }
0x9b: {  	[spmem:s1] =	stream.indirect.scatter.add.f32 [tilespmem:s30], [sflag:$0x6], $0x80, s6, s23, $0xb8;
	[tilespmem:$0x1FB80] =	vst v63  }
0x9c: {  	_ =	swait.ge [sflag:s8], $0x4000  }
0x9d: {  	[sflag:s8] =	ssyncset.done $0x0  }
0x9e: {  	s17 =	sadd.s32 s14, s19;
	[sflag:s8] =	ssyncadd.s32 $0xFFFFC000  }
0x9f: {  	[tilespmem:s25], [sflag:$0x7] =	stream.linear.gather [hbm4b:s17+s3], $0x100, $0x38;
	[tilespmem:$0x1FB80] =	vst v63  }
.Ltmp3:
0xa0: {  	_ = 	snop;
	(pc) =	sbr.rel .LBB2_2-.Ltmp3, $4  }
0xa1: {  	_ =	swait.ge [sflag:s22], $0x100  }
0xa2: {  	[sflag:s22] =	ssyncset.done $0x0  }
0xa3: {  	s14 =	sadd.s32 $0xC00, s14;
	[sflag:s22] =	ssyncadd.s32 $0xFFFFFF00  }
0xa4: {  	[tilespmem:s26], [sflag:$0x2] =	stream.indirect.gather [hbm4b:s4+s23], $0x80, s25, s23, $0xb8;
	[tilespmem:$0x1FB80] =	vst v63  }
.LBB2_5:
0xa5: {  	_ =	sfence.sel $0x180000  }
0xa6: {  	[bflag:$0x0] =	sbarrier.arrive $0xFFFF  }
0xa7: {  	_ =	strace $0x9000004A  }
0xa8: {  	s0 =	stileid.u32;
	[bflag:$0x2] =	sbarrier.arrive $0xFFFF  }
0xa9: {  	p0 =	sne.s32 s0, $0x0;
	s0 =	rddreg [dreg:$0x4]  }
0xaa: {  	s0 =	sadd.s32 @!p0 $0x100000, s0  }
0xab: {  	[sflag:s0] =	ssyncadd.tile.s32 @!p0 $0x1;
	_ =	shalt  }
.Lfunc_end2:
_tile_overlayer_lowered:
.L_overlay_start_2:
0xac: {  	(tag) =	ssettag $0x2  }
0xad: {  	s0 =	rddreg [dreg:$0x0];
	s2 =	stileid.u32  }
0xae: {  	s1 =	rddreg [dreg:$0x1];
	p0 =	sne.s32 s2, $0x0  }
0xaf: {  	s3 =	rddreg [dreg:$0x2];
	[bflag:$0x3] =	sbarrier.arrive $0xFFFF;
	s2 =	simm.s32 @!p0 $0x1C07  }
0xb0: {  	[timem:s3], [sflag:s2] =	dma.local @!p0 [hbm:s0], s1  }
0xb1: {  	s0 =	simm.s32 @!p0 $0x7  }
0xb2: {  	_ =	swait.ge @!p0 [sflag:s0], s1  }
0xb3: {  	s1 =	ssub.s32 @!p0 $0x0, s1;
	[sflag:s0] =	ssyncset.done @!p0 $0x0  }
0xb4: {  	[sflag:s0] =	ssyncadd.s32 @!p0 s1  }
0xb5: {  	[bflag:$0x3] =	sbarrier.arrive $0xFFFF  }
0xb6: {  	_ =	shalt  }

// kernel: kernel.20.cloned.1.call-start
scs
__scs_entry_jumppad:
0x0: {  	(pc) =	sbr.rel $0x88, $3  }
0x1: {  	(tag) =	ssettag $0x0;
	lr =	simm.s32 $0x1  }
0x2: {  	[smem:$0x3F9B] =	sst lr;
	_ =	strace $0xD0000000  }
0x3: {  	_ = 	snop  }
0x4: {  	_ = 	snop  }
0x5: {  	_ = 	snop  }
0x6: {  	_ = 	snop  }
0x7: {  	_ = 	snop  }
__scs_overlays_trampoline_lowered:
0x8: {  	[smem:$0x3FAA] =	sst s0  }
0x9: {  	[smem:$0x3FAB] =	sst s1  }
0xa: {  	[smem:$0x3FAC] =	sst s2  }
0xb: {  	[smem:$0x3FAD] =	sst s3  }
0xc: {  	[smem:$0x3FAE] =	sst s4  }
0xd: {  	[smem:$0x3FAF] =	sst s5  }
0xe: {  	[smem:$0x3FB0] =	sst s6  }
0xf: {  	[smem:$0x3FB1] =	sst s7  }
0x10: {  	[smem:$0x3FB2] =	sst s8  }
0x11: {  	[smem:$0x3FB3] =	sst s9;
	s0 =	simm.s32 @!p0 $0x0  }
0x12: {  	s1 =	sld [smem:$0x3F99];
	s0 =	simm.s32 @p0 $0x1  }
0x13: {  	[smem:$0x3FB4] =	sst s0;
	s0 =	simm.s32 @!p1 $0x0  }
0x14: {  	s2 =	sld [smem:$0x3F98];
	s0 =	simm.s32 @p1 $0x1  }
0x15: {  	[smem:$0x3FB5] =	sst s0;
	s0 =	simm.s32 @!p2 $0x0  }
0x16: {  	s3 =	sld [smem:$0x3FDB];
	s0 =	simm.s32 @p2 $0x1  }
0x17: {  	s4 =	simm.s32 $0x1BF5;
	[smem:$0x3FB7] =	sst s0  }
0x18: {  	s0 =	sld [smem:$0x3F9A];
	_ =	swait.ge [sflag:s4], $0x0  }
0x19: {  	s7 =	sld [smem:$0x3F9B]  }
0x1a: {  	s8 =	sadd.s32 $0xFFFFE003, lr  }
0x1b: {  	s9 =	sadd.s32 $0xFFFFFEF7, lr;
	s5 =	simm.s32 $0xFFFFFFFF;
	p2 =	slt.u32 s8, $0xFFFFF086  }
0x1c: {  	p1 =	slt.u32 s9, $0xF7A;
	s5 =	simm.s32 @!p2 $0x0  }
0x1d: {  	s5 =	simm.s32 @p1 $0x1;
	p0 =	seq.s32 s7, s2  }
0x1e: {  	s7 =	smul.u32 @!p0 $0xF7A, s2;
	p2 =	seq.s32 @!p0 s5, $0x0  }
0x1f: {  	s9 =	smul.u32 $0xF7A, s1;
	s8 =	simm.s32 @!p0 $0x1BF5;
	p2 =	por !p2, p0  }
0x20: {  	[sflag:s8] =	ssyncset.s32 @!p0 $0xFFFFF086;
	s6 =	sadd.s32 @!p0 s3, s7;
	s7 =	simm.s32 @!p0 $0x108  }
0x21: {  	s3 =	sadd.s32 s3, s9;
	s6 =	sadd.s32 @!p0 $0x88, s6;
	s7 =	simm.s32 @p2 $0x1082  }
0x22: {  	[simem:s7], [sflag:s8] =	dma.local @!p0 [hbm:s6], $0xF7A  }
0x23: {  	s9 =	sor.u32 $0xD0000000, s2;
	s6 =	simm.s32 $0x108;
	_ =	swait.ge @!p0 [sflag:s8], $0x0  }
0x24: {  	s3 =	sadd.s32 $0x88, s3;
	s6 =	simm.s32 @!p1 $0x1082;
	[sflag:s4] =	ssyncset.s32 $0xFFFFF086  }
0x25: {  	[simem:s6], [sflag:s4] =	dma.local [hbm:s3], $0xF7A  }
0x26: {  	[smem:$0x3F9B] =	sst s1;
	(tag) =	ssettag s2;
	_ =	strace s9  }
0x27: {  	s1 =	sld [smem:$0x3FAB]  }
0x28: {  	s2 =	sld [smem:$0x3FAC]  }
0x29: {  	s4 =	sld [smem:$0x3FAE]  }
0x2a: {  	p0 =	seq.s32 s5, $0x0;
	s5 =	sld [smem:$0x3FAF]  }
0x2b: {  	s6 =	sld [smem:$0x3FB0]  }
0x2c: {  	s7 =	sld [smem:$0x3FB1]  }
0x2d: {  	s3 =	simm.s32 $0x108;
	s8 =	sld [smem:$0x3FB2]  }
0x2e: {  	s3 =	simm.s32 @!p0 $0x1082;
	s9 =	sld [smem:$0x3FB3]  }
0x2f: {  	lr =	sadd.s32 s0, s3;
	s0 =	sld [smem:$0x3FAA]  }
0x30: {  	s3 =	sld [smem:$0x3FAD]  }
0x31: {  	[smem:$0x3FB6] =	sst s10  }
0x32: {  	s10 =	sld [smem:$0x3FB4];
	_ =	sdelay $0x3  }
0x33: {  	p0 =	seq.s32 s10, $0x1;
	s10 =	sld [smem:$0x3FB6];
	_ =	sdelay $0x3  }
0x34: {  	[smem:$0x3FB6] =	sst s10  }
0x35: {  	s10 =	sld [smem:$0x3FB5];
	_ =	sdelay $0x3  }
0x36: {  	p1 =	seq.s32 s10, $0x1;
	s10 =	sld [smem:$0x3FB6];
	_ =	sdelay $0x3  }
0x37: {  	[smem:$0x3FB6] =	sst s10  }
0x38: {  	s10 =	sld [smem:$0x3FB7]  }
0x39: {  	_ = 	snop;
	(pc) =	sbr.ind lr, $3  }
0x3a: {  	_ = 	snop  }
0x3b: {  	_ = 	snop  }
0x3c: {  	p2 =	seq.s32 s10, $0x1;
	s10 =	sld [smem:$0x3FB6]  }
0x3d: {  	_ =	shalt  }
0x3e: {  	_ =	shalt  }
0x3f: {  	_ =	shalt  }
0x40: {  	_ =	shalt  }
0x41: {  	_ =	shalt  }
0x42: {  	_ =	shalt  }
0x43: {  	_ =	shalt  }
0x44: {  	_ =	shalt  }
0x45: {  	_ =	shalt  }
0x46: {  	_ =	shalt  }
0x47: {  	_ =	shalt  }
0x48: {  	_ =	shalt  }
0x49: {  	_ =	shalt  }
0x4a: {  	_ =	shalt  }
0x4b: {  	_ =	shalt  }
0x4c: {  	_ =	shalt  }
0x4d: {  	_ =	shalt  }
0x4e: {  	_ =	shalt  }
0x4f: {  	_ =	shalt  }
0x50: {  	_ =	shalt  }
0x51: {  	_ =	shalt  }
0x52: {  	_ =	shalt  }
0x53: {  	_ =	shalt  }
0x54: {  	_ =	shalt  }
0x55: {  	_ =	shalt  }
0x56: {  	_ =	shalt  }
0x57: {  	_ =	shalt  }
0x58: {  	_ =	shalt  }
0x59: {  	_ =	shalt  }
0x5a: {  	_ =	shalt  }
0x5b: {  	_ =	shalt  }
0x5c: {  	_ =	shalt  }
0x5d: {  	_ =	shalt  }
0x5e: {  	_ =	shalt  }
0x5f: {  	_ =	shalt  }
0x60: {  	_ =	shalt  }
0x61: {  	_ =	shalt  }
0x62: {  	_ =	shalt  }
0x63: {  	_ =	shalt  }
0x64: {  	_ =	shalt  }
0x65: {  	_ =	shalt  }
0x66: {  	_ =	shalt  }
0x67: {  	_ =	shalt  }
0x68: {  	_ =	shalt  }
0x69: {  	_ =	shalt  }
0x6a: {  	_ =	shalt  }
0x6b: {  	_ =	shalt  }
0x6c: {  	_ =	shalt  }
0x6d: {  	_ =	shalt  }
0x6e: {  	_ =	shalt  }
0x6f: {  	_ =	shalt  }
0x70: {  	_ =	shalt  }
0x71: {  	_ =	shalt  }
0x72: {  	_ =	shalt  }
0x73: {  	_ =	shalt  }
0x74: {  	_ =	shalt  }
0x75: {  	_ =	shalt  }
0x76: {  	_ =	shalt  }
0x77: {  	_ =	shalt  }
0x78: {  	_ =	shalt  }
0x79: {  	_ =	shalt  }
0x7a: {  	_ =	shalt  }
0x7b: {  	_ =	shalt  }
0x7c: {  	_ =	shalt  }
0x7d: {  	_ =	shalt  }
0x7e: {  	_ =	shalt  }
0x7f: {  	_ =	shalt  }
0x80: {  	_ =	shalt  }
0x81: {  	_ =	shalt  }
0x82: {  	_ =	shalt  }
0x83: {  	_ =	shalt  }
0x84: {  	_ =	shalt  }
0x85: {  	_ =	shalt  }
0x86: {  	_ =	shalt  }
0x87: {  	_ =	shalt  }
.Lfunc_end0:
.L_simem_size_0:
called_computation.2_lowered:
.L_overlay_start_0:
0x88: {  	s2 =	sld [smem:$0x3FD9]  }
0x89: {  	s3 =	sld [smem:$0x3FFE];
	_ =	sdelay $0x1  }
0x8a: {  	s1 =	srdreg.scid  }
0x8b: {  	s0 =	sand.u32 $0x1, s1  }
0x8c: {  	s17 =	sshll.u32 s0, $0xA;
	s2 =	sadd.s32 s3, s2  }
0x8d: {  	s2 =	sadd.s32 s2, s17  }
0x8e: {  	[smem:$0x3FC2] =	sst s2  }
0x8f: {  	_ = 	snop  }
0x90: {  	s2 =	sld [smem:$0x3FC8]  }
0x91: {  	s18 =	sld [smem:$0x3FD0];
	(tm) =	ssettm $0x1  }
0x92: {  	s4 =	sld [smem:$0x3FFB];
	_ =	sdelay $0x3  }
0x93: {  	_ =	strace s4  }
0x94: {  	s4 =	sld [smem:$0x3FFC];
	_ =	sdelay $0x3  }
0x95: {  	_ =	strace s4  }
0x96: {  	s4 =	sld [smem:$0x3FFD];
	_ =	sdelay $0x3  }
0x97: {  	_ =	strace s4  }
0x98: {  	_ =	strace $0x8FFFFFFF  }
0x99: {  	s19 =	sld [smem:$0x3FDB];
	_ =	sdelay $0x1  }
0x9a: {  	s5 =	simm.s32 $_scs_section_size  }
0x9b: {  	s6 =	simm.s32 $_size__tile_overlayer_lowered;
	s7 =	simm.s32 $_tile_overlayer_lowered  }
0x9c: {  	s22 =	simm.s32 $0x1BFF;
	s21 =	sshll.u32 s7, $0x1;
	s4 =	sadd.s32 s5, s19  }
0x9d: {  	s8 =	simm.s32 $0x0;
	s20 =	sshll.u32 s6, $0x1;
	s6 =	sadd.s32 s21, s4  }
0x9e: {  	[timem:s8], [sflag:s22] =	dma.local [hbm:s6], s20  }
0x9f: {  	_ =	swait.ge [sflag:s22], s20  }
0xa0: {  	s5 =	ssub.s32 $0x0, s20;
	[sflag:s22] =	ssyncset.done $0x0  }
0xa1: {  	[sflag:s22] =	ssyncadd.s32 s5;
	_ =	sdelay $0x1  }
0xa2: {  	s23 =	simm.s32 $0x1B8B  }
0xa3: {  	_ =	swait.ge [sflag:s23], $0x1  }
0xa4: {  	[sflag:s23] =	ssyncset.done $0x0  }
0xa5: {  	s25 =	simm.s32 $0x1B8E;
	s24 =	sld [smem:$0x3FFE];
	[sflag:s23] =	ssyncadd.s32 $0xFFFFFFFF  }
0xa6: {  	s26 =	simm.s32 $execute0_lowered;
	[smem:$0x3FD2] =	sst s25  }
0xa7: {  	s6 =	sshll.u32 s26, $0x1;
	_ =	strace $0x8000004C;
	[dreg:$0x1] =	wrdreg $0xFFFFFFFF  }
0xa8: {  	s28 =	simm.s32 $_size_execute0_lowered;
	s4 =	sadd.s32 s4, s6;
	[dreg:$0x0] =	wrdreg $0x0  }
0xa9: {  	s6 =	sshll.u32 s28, $0x1;
	[dreg:$0x2] =	wrdreg s4  }
0xaa: {  	[dreg:$0x3] =	wrdreg s6  }
0xab: {  	[dreg:$0x4] =	wrdreg $0xC0  }
0xac: {  	_ =	task [dreg:s8], $0x5FFFF  }
0xad: {  	[dreg:$0x1] =	wrdreg $0xFFFFFFFF  }
0xae: {  	[dreg:$0x0] =	wrdreg $0x60  }
0xaf: {  	[dreg:$0x2] =	wrdreg s24  }
0xb0: {  	[dreg:$0x3] =	wrdreg s2  }
0xb1: {  	[dreg:$0x4] =	wrdreg s18  }
0xb2: {  	[dreg:$0x5] =	wrdreg $0xC3000  }
0xb3: {  	[dreg:$0x6] =	wrdreg $0x9  }
0xb4: {  	_ =	task.clear_ibuf [dreg:s8], $0x7FFFF;
	_ =	strace $0x9000004C  }
0xb5: {  	s29 =	simm.s32 $0x9;
	_ =	strace $0x8000004E  }
0xb6: {  	_ =	swait.ge [sflag:s29], $0x1  }
0xb7: {  	[sflag:s29] =	ssyncadd.s32 $0xFFFFFFFF  }
0xb8: {  	_ =	strace $0x9000004E  }
0xb9: {  	_ =	sfence  }
0xba: {  	s30 =	sld [smem:$0x0];
	_ =	sdelay $0x2  }
0xbb: {  	s31 =	sshll.u32 s1, $0xD;
	s1 =	sshrl.u32 s1, $0x2  }
0xbc: {  	s3 =	sand.u32 $0x4000, s31;
	s1 =	sadd.s32 s1, s30  }
0xbd: {  	s0 =	sor.u32 s3, s0;
	s1 =	sshll.u32 s1, $0x11  }
0xbe: {  	s0 =	sor.u32 s1, s0  }
0xbf: {  	s0 =	sadd.s32 $0x8F2B, s0  }
0xc0: {  	[sflag:s0] =	ssyncadd.remote.s32 $0x1  }
0xc1: {  	_ =	sfence.sel $0xFFFF  }
0xc2: {  	[dreg:$0x0] =	wrdreg $0xFFFFFFFF;
	(pc) =	sbr.abs _section_cstart, $3  }
0xc3: {  	[dreg:$0x1] =	wrdreg $0xFFFFFFFF  }
0xc4: {  	_ =	task.clear_ibuf [dreg:s8], $0x2FFFF;
	_ =	strace $0x9FFFFFFF  }
0xc5: {  	(tm) =	ssettm $0x7FFFFFFF  }
tec
execute0_lowered:
.L_overlay_start_1:
0x0: {  	(tag) =	ssettag $0x1  }
0x1: {  	s0 =	rddreg [dreg:$0x0]  }
0x2: {  	s2 =	rddreg [dreg:$0x1]  }
0x3: {  	s5 =	rddreg [dreg:$0x2]  }
0x4: {  	s1 =	rddreg [dreg:$0x3];
	s3 =	simm.s32 $0x0  }
0x5: {  	s4 =	srdreg.scid;
	s14 =	stileid.u32;
	s28 =	simm.s32 $0x1  }
0x6: {  	s29 =	simm.s32 $0x200;
	s30 =	simm.s32 $0x8300;
	s31 =	simm.s32 $0x2  }
0x7: {  	[smem:$0x7FF] =	sst s3;
	s6 =	sand.u32 $0x1, s4;
	s7 =	smul.u32 $0x4E000, s14  }
0x8: {  	s4 =	sadd.s32 $0x3200, s0;
	s9 =	smul.u32 $0x13800, s14;
	s0 =	sadd.s32 $0x78600, s0  }
0x9: {  	s11 =	sshll.u32 s14, $0x6;
	s15 =	sadd.s32 $0x138000, s1;
	s23 =	sshll.u32 s14, $0x9  }
0xa: {  	p0 =	sne.s32 s14, $0xF;
	p1 =	sgt.u32 s14, $0x1;
	_ =	strace $0x8000004D  }
0xb: {  	s8 =	ssub.s32 $0x2, s6;
	s12 =	sshll.u32 s6, $0x5;
	s13 =	smul.u32 $0x138800, s6  }
0xc: {  	[dreg:$0x7] =	wrdreg s15;
	s24 =	sshll.u32 s6, $0x8;
	s10 =	sshrl.u32 s8, $0x1  }
0xd: {  	s7 =	sshrl.u32 s7, $0x2;
	s25 =	sshrl.u32 s9, $0x3;
	s26 =	sor.u32 s12, s11  }
0xe: {  	s8 =	ssub.s32 s8, s10;
	s7 =	sadd.s32 s7, s1;
	s10 =	sadd.s32 s2, s26  }
0xf: {  	s17 =	sadd.s32 s9, s13;
	s18 =	sshrl.u32 s13, $0x3;
	s26 =	sadd.s32 s11, s2  }
0x10: {  	[dreg:$0x5] =	wrdreg s7;
	s7 =	sadd.s32 s5, s25;
	s5 =	sadd.s32 $0x27000, s5  }
0x11: {  	s16 =	sadd.s32 $0x400, s10;
	s19 =	sadd.s32 $0x800, s10;
	[dreg:$0x6] =	wrdreg s7  }
0x12: {  	s9 =	sadd.s32 s0, s18;
	s20 =	sadd.s32 $0x13800, s10;
	[dreg:$0x8] =	wrdreg s5  }
0x13: {  	s22 =	smax.u32 s8, $0x1;
	s25 =	sadd.s32 $0xC00, s10;
	[dreg:$0x9] =	wrdreg s16  }
0x14: {  	s18 =	sadd.s32 $0x1000, s10;
	s6 =	sadd.s32 s12, s26;
	[dreg:$0xa] =	wrdreg s19  }
0x15: {  	s26 =	simm.s32 $0x4300;
	s8 =	simm.s32 $0x5;
	[dreg:$0xb] =	wrdreg s20  }
0x16: {  	s7 =	sor.u32 $0x1C07, s11;
	s5 =	sshrl.u32 s17, $0x3;
	[dreg:$0xe] =	wrdreg s22  }
0x17: {  	s21 =	sadd.s32 $0x27000, s9;
	[dreg:$0xf] =	wrdreg s25;
	s22 =	simm.s32 $0x7  }
0x18: {  	s25 =	simm.s32 $0x100;
	s9 =	simm.s32 $0x6;
	s11 =	simm.s32 $0x0  }
0x19: {  	s0 =	sadd.s32 s0, s5;
	[dreg:$0xd] =	wrdreg s21;
	s21 =	sadd.s32 $0x1400, s6  }
.Ltmp0:
0x1a: {  	[dreg:$0xc] =	wrdreg s0;
	s0 =	sor.u32 s24, s23;
	(pc) =	sbr.rel .LBB2_1-.Ltmp0, $4  }
0x1b: {  	s6 =	simm.s32 $0x280;
	s5 =	sor.u32 $0xE000, s0;
	s0 =	sor.u32 $0xC000, s0  }
0x1c: {  	s23 =	simm.s32 $0x80;
	s5 =	sshrl.u32 s5, $0x3;
	s0 =	sshrl.u32 s0, $0x3  }
0x1d: {  	s24 =	simm.s32 $0x300;
	s19 =	sadd.s32 s5, s2;
	s20 =	sadd.s32 s0, s2  }
0x1e: {  	s0 =	simm.s32 $0x180;
	s2 =	simm.s32 $0x4;
	s5 =	simm.s32 $0x3  }
.LBB2_4:
0x1f: {  	_ =	swait.ge [sflag:s5], $0x4000  }
0x20: {  	[sflag:s5] =	ssyncset.done $0x0  }
0x21: {  	[sflag:s5] =	ssyncadd.s32 $0xFFFFC000  }
0x22: {  	[spmem:s1] =	stream.indirect.scatter.add.f32 [tilespmem:s30], [sflag:$0x6], $0x80, s6, s23, $0xb8;
	[tilespmem:$0x1FB80] =	vst v63  }
0x23: {  	_ =	swait.ge [sflag:s8], $0x4000  }
0x24: {  	[sflag:s8] =	ssyncset.done $0x0  }
0x25: {  	[sflag:s8] =	ssyncadd.s32 $0xFFFFC000  }
0x26: {  	_ =	swait.ge [sflag:s9], $0x4000  }
0x27: {  	[sflag:s9] =	ssyncset.done $0x0  }
0x28: {  	s14 =	simm.s32 @!p1 $0x0;
	s15 =	rddreg [dreg:$0xb];
	[sflag:s9] =	ssyncadd.s32 $0xFFFFC000  }
0x29: {  	[tilespmem:s14], [sflag:$0x7] =	stream.linear.gather @!p1 [hbm4b:s15+s14], $0x100, $0x38;
	[tilespmem:$0x1FB80] =	vst v63  }
0x2a: {  	s15 =	simm.s32 @!p1 $0x7  }
0x2b: {  	_ =	swait.ge @!p1 [sflag:s15], $0x100  }
0x2c: {  	[sflag:s15] =	ssyncset.done @!p1 $0x0  }
0x2d: {  	s16 =	simm.s32 @!p1 $0x80;
	s17 =	simm.s32 @!p1 $0x300;
	[sflag:s15] =	ssyncadd.s32 @!p1 $0xFFFFFF00  }
0x2e: {  	[tilespmem:s17], [sflag:$0x1] =	stream.indirect.gather @!p1 [hbm4b:s4+s16], $0x80, s14, s16, $0xb8;
	[tilespmem:$0x1FB80] =	vst v63  }
0x2f: {  	s14 =	simm.s32 @!p1 $0x1  }
0x30: {  	_ =	swait.ge @!p1 [sflag:s14], $0x4000  }
0x31: {  	[sflag:s14] =	ssyncset.done @!p1 $0x0  }
0x32: {  	[sflag:s14] =	ssyncadd.s32 @!p1 $0xFFFFC000  }
0x33: {  	[spmem:s1] =	stream.indirect.scatter.add.f32 @!p1 [tilespmem:s17], [sflag:$0x7], $0x80, s16, s16, $0xb8;
	[tilespmem:$0x1FB80] =	vst v63  }
0x34: {  	_ =	swait.ge @!p1 [sflag:s15], $0x4000  }
0x35: {  	[sflag:s15] =	ssyncset.done @!p1 $0x0  }
0x36: {  	[sflag:s15] =	ssyncadd.s32 @!p1 $0xFFFFC000  }
0x37: {  	[bflag:$0x0] =	sbarrier.arrive $0xFFFF  }
0x38: {  	s16 =	rddreg [dreg:$0xc]  }
0x39: {  	[hbm:s16], [sflag:s7] =	dma.local [spmem:s12], $0x2700  }
0x3a: {  	_ =	swait.ge [sflag:s22], $0x2700  }
0x3b: {  	[sflag:s22] =	ssyncset.done $0x0  }
0x3c: {  	s12 =	rddreg [dreg:$0xd];
	[sflag:s22] =	ssyncadd.s32 $0xFFFFD900  }
0x3d: {  	[hbm:s12], [sflag:s7] =	dma.local @!p0 [spmem:s13], $0x100  }
0x3e: {  	s12 =	simm.s32 @!p0 $0x7  }
0x3f: {  	_ =	swait.ge @!p0 [sflag:s12], $0x100  }
0x40: {  	s11 =	sadd.s32 $0x1, s11;
	s17 =	rddreg [dreg:$0xe]  }
0x41: {  	p2 =	sne.s32 s11, s17  }
.Ltmp1:
0x42: {  	_ = 	snop;
	(pc) =	sbr.rel @!p2 .LBB2_5-.Ltmp1, $3  }
0x43: {  	_ =	sdelay $0x1  }
0x44: {  	[sflag:s12] =	ssyncset.done @!p0 $0x0  }
0x45: {  	[sflag:s12] =	ssyncadd.s32 @!p0 $0xFFFFFF00  }
.LBB2_1:
0x46: {  	s12 =	rddreg [dreg:$0x5]  }
0x47: {  	s13 =	rddreg [dreg:$0x6];
	s12 =	sshrl.u32 s12, $0x3  }
0x48: {  	[spmem:s12], [sflag:s7] =	dma.local [hbm:s13], $0x2700  }
0x49: {  	_ =	swait.ge [sflag:s22], $0x2700  }
0x4a: {  	[sflag:s22] =	ssyncset.done $0x0;
	s13 =	rddreg [dreg:$0x7]  }
0x4b: {  	s14 =	rddreg [dreg:$0x8];
	[sflag:s22] =	ssyncadd.s32 $0xFFFFD900;
	s13 =	sshrl.u32 @!p0 s13, $0x3  }
0x4c: {  	[spmem:s13], [sflag:s7] =	dma.local @!p0 [hbm:s14], $0x100  }
0x4d: {  	s14 =	simm.s32 @!p0 $0x7  }
0x4e: {  	_ =	swait.ge @!p0 [sflag:s14], $0x100  }
0x4f: {  	[sflag:s14] =	ssyncset.done @!p0 $0x0  }
0x50: {  	[sflag:s14] =	ssyncadd.s32 @!p0 $0xFFFFFF00  }
0x51: {  	[bflag:$0x0] =	sbarrier.arrive $0xFFFF  }
0x52: {  	[tilespmem:s3], [sflag:$0x7] =	stream.linear.gather [hbm4b:s10+s3], $0x100, $0x38;
	[tilespmem:$0x1FB80] =	vst v63  }
0x53: {  	_ =	swait.ge [sflag:s22], $0x100  }
0x54: {  	[sflag:s22] =	ssyncset.done $0x0  }
0x55: {  	[sflag:s22] =	ssyncadd.s32 $0xFFFFFF00  }
0x56: {  	[tilespmem:s24], [sflag:$0x1] =	stream.indirect.gather [hbm4b:s4+s23], $0x80, s3, s23, $0xb8;
	[tilespmem:$0x1FB80] =	vst v63  }
0x57: {  	s15 =	rddreg [dreg:$0x9]  }
0x58: {  	[tilespmem:s25], [sflag:$0x7] =	stream.linear.gather [hbm4b:s15+s3], $0x100, $0x38;
	[tilespmem:$0x1FB80] =	vst v63  }
0x59: {  	_ =	swait.ge [sflag:s22], $0x100  }
0x5a: {  	[sflag:s22] =	ssyncset.done $0x0  }
0x5b: {  	[sflag:s22] =	ssyncadd.s32 $0xFFFFFF00  }
0x5c: {  	[tilespmem:s26], [sflag:$0x2] =	stream.indirect.gather [hbm4b:s4+s23], $0x80, s25, s23, $0xb8;
	[tilespmem:$0x1FB80] =	vst v63  }
0x5d: {  	_ =	swait.ge [sflag:s28], $0x4000  }
0x5e: {  	[sflag:s28] =	ssyncset.done $0x0  }
0x5f: {  	[sflag:s28] =	ssyncadd.s32 $0xFFFFC000  }
0x60: {  	[spmem:s1] =	stream.indirect.scatter.add.f32 [tilespmem:s24], [sflag:$0x4], $0x80, s23, s23, $0xb8;
	[tilespmem:$0x1FB80] =	vst v63  }
0x61: {  	s16 =	rddreg [dreg:$0xa]  }
0x62: {  	[tilespmem:s29], [sflag:$0x7] =	stream.linear.gather [hbm4b:s16+s3], $0x100, $0x38;
	[tilespmem:$0x1FB80] =	vst v63  }
0x63: {  	_ =	swait.ge [sflag:s22], $0x100  }
0x64: {  	[sflag:s22] =	ssyncset.done $0x0  }
0x65: {  	[sflag:s22] =	ssyncadd.s32 $0xFFFFFF00  }
0x66: {  	[tilespmem:s30], [sflag:$0x3] =	stream.indirect.gather [hbm4b:s4+s23], $0x80, s29, s23, $0xb8;
	[tilespmem:$0x1FB80] =	vst v63  }
0x67: {  	_ =	swait.ge [sflag:s31], $0x4000  }
0x68: {  	[sflag:s31] =	ssyncset.done $0x0  }
0x69: {  	[sflag:s31] =	ssyncadd.s32 $0xFFFFC000  }
0x6a: {  	[spmem:s1] =	stream.indirect.scatter.add.f32 [tilespmem:s26], [sflag:$0x5], $0x80, s0, s23, $0xb8;
	[tilespmem:$0x1FB80] =	vst v63  }
0x6b: {  	_ =	swait.ge [sflag:s2], $0x4000  }
0x6c: {  	[sflag:s2] =	ssyncset.done $0x0  }
0x6d: {  	s17 =	rddreg [dreg:$0xf];
	[sflag:s2] =	ssyncadd.s32 $0xFFFFC000  }
0x6e: {  	[tilespmem:s3], [sflag:$0x7] =	stream.linear.gather [hbm4b:s17+s3], $0x100, $0x38;
	[tilespmem:$0x1FB80] =	vst v63  }
0x6f: {  	_ =	swait.ge [sflag:s22], $0x100  }
0x70: {  	[sflag:s22] =	ssyncset.done $0x0  }
0x71: {  	[sflag:s22] =	ssyncadd.s32 $0xFFFFFF00  }
0x72: {  	[tilespmem:s24], [sflag:$0x1] =	stream.indirect.gather [hbm4b:s4+s23], $0x80, s3, s23, $0xb8;
	[tilespmem:$0x1FB80] =	vst v63  }
0x73: {  	_ =	swait.ge [sflag:s5], $0x4000  }
0x74: {  	[sflag:s5] =	ssyncset.done $0x0  }
0x75: {  	[sflag:s5] =	ssyncadd.s32 $0xFFFFC000  }
0x76: {  	[spmem:s1] =	stream.indirect.scatter.add.f32 [tilespmem:s30], [sflag:$0x6], $0x80, s6, s23, $0xb8;
	[tilespmem:$0x1FB80] =	vst v63  }
0x77: {  	_ =	swait.ge [sflag:s8], $0x4000  }
0x78: {  	[sflag:s8] =	ssyncset.done $0x0  }
0x79: {  	[sflag:s8] =	ssyncadd.s32 $0xFFFFC000  }
0x7a: {  	[tilespmem:s25], [sflag:$0x7] =	stream.linear.gather [hbm4b:s18+s3], $0x100, $0x38;
	[tilespmem:$0x1FB80] =	vst v63  }
0x7b: {  	_ =	swait.ge [sflag:s22], $0x100  }
0x7c: {  	[sflag:s22] =	ssyncset.done $0x0  }
0x7d: {  	s14 =	simm.s32 $0x0;
	[sflag:s22] =	ssyncadd.s32 $0xFFFFFF00  }
0x7e: {  	[tilespmem:s26], [sflag:$0x2] =	stream.indirect.gather [hbm4b:s4+s23], $0x80, s25, s23, $0xb8;
	[tilespmem:$0x1FB80] =	vst v63  }
.LBB2_2:
0x7f: {  	_ =	swait.ge [sflag:s28], $0x4000  }
0x80: {  	[sflag:s28] =	ssyncset.done $0x0  }
0x81: {  	[sflag:s28] =	ssyncadd.s32 $0xFFFFC000  }
0x82: {  	[spmem:s1] =	stream.indirect.scatter.add.f32 [tilespmem:s24], [sflag:$0x4], $0x80, s23, s23, $0xb8;
	[tilespmem:$0x1FB80] =	vst v63  }
0x83: {  	_ =	swait.ge [sflag:s9], $0x4000  }
0x84: {  	[sflag:s9] =	ssyncset.done $0x0  }
0x85: {  	s15 =	sadd.s32 s14, s21;
	[sflag:s9] =	ssyncadd.s32 $0xFFFFC000  }
0x86: {  	[tilespmem:s29], [sflag:$0x7] =	stream.linear.gather [hbm4b:s15+s3], $0x100, $0x38;
	[tilespmem:$0x1FB80] =	vst v63  }
0x87: {  	_ =	swait.ge [sflag:s22], $0x100  }
0x88: {  	[sflag:s22] =	ssyncset.done $0x0  }
0x89: {  	[sflag:s22] =	ssyncadd.s32 $0xFFFFFF00  }
0x8a: {  	[tilespmem:s30], [sflag:$0x3] =	stream.indirect.gather [hbm4b:s4+s23], $0x80, s29, s23, $0xb8;
	[tilespmem:$0x1FB80] =	vst v63  }
0x8b: {  	_ =	swait.ge [sflag:s31], $0x4000  }
0x8c: {  	p2 =	seq.s32 s14, $0x12000;
	[sflag:s31] =	ssyncset.done $0x0  }
.Ltmp2:
0x8d: {  	[sflag:s31] =	ssyncadd.s32 $0xFFFFC000;
	(pc) =	sbr.rel @p2 .LBB2_4-.Ltmp2, $4  }
0x8e: {  	[spmem:s1] =	stream.indirect.scatter.add.f32 [tilespmem:s26], [sflag:$0x5], $0x80, s0, s23, $0xb8;
	[tilespmem:$0x1FB80] =	vst v63  }
0x8f: {  	_ =	swait.ge [sflag:s2], $0x4000  }
0x90: {  	[sflag:s2] =	ssyncset.done $0x0  }
0x91: {  	[sflag:s2] =	ssyncadd.s32 $0xFFFFC000  }
0x92: {  	s15 =	sadd.s32 s14, s20  }
0x93: {  	[tilespmem:s3], [sflag:$0x7] =	stream.linear.gather [hbm4b:s15+s3], $0x100, $0x38;
	[tilespmem:$0x1FB80] =	vst v63  }
0x94: {  	_ =	swait.ge [sflag:s22], $0x100  }
0x95: {  	[sflag:s22] =	ssyncset.done $0x0  }
0x96: {  	[sflag:s22] =	ssyncadd.s32 $0xFFFFFF00  }
0x97: {  	[tilespmem:s24], [sflag:$0x1] =	stream.indirect.gather [hbm4b:s4+s23], $0x80, s3, s23, $0xb8;
	[tilespmem:$0x1FB80] =	vst v63  }
0x98: {  	_ =	swait.ge [sflag:s5], $0x4000  }
0x99: {  	[sflag:s5] =	ssyncset.done $0x0  }
0x9a: {  	[sflag:s5] =	ssyncadd.s32 $0xFFFFC000  }
0x9b: {  	[spmem:s1] =	stream.indirect.scatter.add.f32 [tilespmem:s30], [sflag:$0x6], $0x80, s6, s23, $0xb8;
	[tilespmem:$0x1FB80] =	vst v63  }
0x9c: {  	_ =	swait.ge [sflag:s8], $0x4000  }
0x9d: {  	[sflag:s8] =	ssyncset.done $0x0  }
0x9e: {  	s17 =	sadd.s32 s14, s19;
	[sflag:s8] =	ssyncadd.s32 $0xFFFFC000  }
0x9f: {  	[tilespmem:s25], [sflag:$0x7] =	stream.linear.gather [hbm4b:s17+s3], $0x100, $0x38;
	[tilespmem:$0x1FB80] =	vst v63  }
.Ltmp3:
0xa0: {  	_ = 	snop;
	(pc) =	sbr.rel .LBB2_2-.Ltmp3, $4  }
0xa1: {  	_ =	swait.ge [sflag:s22], $0x100  }
0xa2: {  	[sflag:s22] =	ssyncset.done $0x0  }
0xa3: {  	s14 =	sadd.s32 $0xC00, s14;
	[sflag:s22] =	ssyncadd.s32 $0xFFFFFF00  }
0xa4: {  	[tilespmem:s26], [sflag:$0x2] =	stream.indirect.gather [hbm4b:s4+s23], $0x80, s25, s23, $0xb8;
	[tilespmem:$0x1FB80] =	vst v63  }
.LBB2_5:
0xa5: {  	_ =	sfence.sel $0x180000  }
0xa6: {  	[bflag:$0x0] =	sbarrier.arrive $0xFFFF  }
0xa7: {  	_ =	strace $0x9000004D  }
0xa8: {  	s0 =	stileid.u32;
	[bflag:$0x2] =	sbarrier.arrive $0xFFFF  }
0xa9: {  	p0 =	sne.s32 s0, $0x0;
	s0 =	rddreg [dreg:$0x4]  }
0xaa: {  	s0 =	sadd.s32 @!p0 $0x100000, s0  }
0xab: {  	[sflag:s0] =	ssyncadd.tile.s32 @!p0 $0x1;
	_ =	shalt  }
.Lfunc_end2:
_tile_overlayer_lowered:
.L_overlay_start_2:
0xac: {  	(tag) =	ssettag $0x2  }
0xad: {  	s0 =	rddreg [dreg:$0x0];
	s2 =	stileid.u32  }
0xae: {  	s1 =	rddreg [dreg:$0x1];
	p0 =	sne.s32 s2, $0x0  }
0xaf: {  	s3 =	rddreg [dreg:$0x2];
	[bflag:$0x3] =	sbarrier.arrive $0xFFFF;
	s2 =	simm.s32 @!p0 $0x1C07  }
0xb0: {  	[timem:s3], [sflag:s2] =	dma.local @!p0 [hbm:s0], s1  }
0xb1: {  	s0 =	simm.s32 @!p0 $0x7  }
0xb2: {  	_ =	swait.ge @!p0 [sflag:s0], s1  }
0xb3: {  	s1 =	ssub.s32 @!p0 $0x0, s1;
	[sflag:s0] =	ssyncset.done @!p0 $0x0  }
0xb4: {  	[sflag:s0] =	ssyncadd.s32 @!p0 s1  }
0xb5: {  	[bflag:$0x3] =	sbarrier.arrive $0xFFFF  }
0xb6: {  	_ =	shalt  }

// kernel: kernel.23.cloned.1.call-start
scs
__scs_entry_jumppad:
0x0: {  	(pc) =	sbr.rel $0x88, $3  }
0x1: {  	(tag) =	ssettag $0x0;
	lr =	simm.s32 $0x1  }
0x2: {  	[smem:$0x3F9B] =	sst lr;
	_ =	strace $0xD0000000  }
0x3: {  	_ = 	snop  }
0x4: {  	_ = 	snop  }
0x5: {  	_ = 	snop  }
0x6: {  	_ = 	snop  }
0x7: {  	_ = 	snop  }
__scs_overlays_trampoline_lowered:
0x8: {  	[smem:$0x3FAA] =	sst s0  }
0x9: {  	[smem:$0x3FAB] =	sst s1  }
0xa: {  	[smem:$0x3FAC] =	sst s2  }
0xb: {  	[smem:$0x3FAD] =	sst s3  }
0xc: {  	[smem:$0x3FAE] =	sst s4  }
0xd: {  	[smem:$0x3FAF] =	sst s5  }
0xe: {  	[smem:$0x3FB0] =	sst s6  }
0xf: {  	[smem:$0x3FB1] =	sst s7  }
0x10: {  	[smem:$0x3FB2] =	sst s8  }
0x11: {  	[smem:$0x3FB3] =	sst s9;
	s0 =	simm.s32 @!p0 $0x0  }
0x12: {  	s1 =	sld [smem:$0x3F99];
	s0 =	simm.s32 @p0 $0x1  }
0x13: {  	[smem:$0x3FB4] =	sst s0;
	s0 =	simm.s32 @!p1 $0x0  }
0x14: {  	s2 =	sld [smem:$0x3F98];
	s0 =	simm.s32 @p1 $0x1  }
0x15: {  	[smem:$0x3FB5] =	sst s0;
	s0 =	simm.s32 @!p2 $0x0  }
0x16: {  	s3 =	sld [smem:$0x3FDB];
	s0 =	simm.s32 @p2 $0x1  }
0x17: {  	s4 =	simm.s32 $0x1BF5;
	[smem:$0x3FB7] =	sst s0  }
0x18: {  	s0 =	sld [smem:$0x3F9A];
	_ =	swait.ge [sflag:s4], $0x0  }
0x19: {  	s7 =	sld [smem:$0x3F9B]  }
0x1a: {  	s8 =	sadd.s32 $0xFFFFE003, lr  }
0x1b: {  	s9 =	sadd.s32 $0xFFFFFEF7, lr;
	s5 =	simm.s32 $0xFFFFFFFF;
	p2 =	slt.u32 s8, $0xFFFFF086  }
0x1c: {  	p1 =	slt.u32 s9, $0xF7A;
	s5 =	simm.s32 @!p2 $0x0  }
0x1d: {  	s5 =	simm.s32 @p1 $0x1;
	p0 =	seq.s32 s7, s2  }
0x1e: {  	s7 =	smul.u32 @!p0 $0xF7A, s2;
	p2 =	seq.s32 @!p0 s5, $0x0  }
0x1f: {  	s9 =	smul.u32 $0xF7A, s1;
	s8 =	simm.s32 @!p0 $0x1BF5;
	p2 =	por !p2, p0  }
0x20: {  	[sflag:s8] =	ssyncset.s32 @!p0 $0xFFFFF086;
	s6 =	sadd.s32 @!p0 s3, s7;
	s7 =	simm.s32 @!p0 $0x108  }
0x21: {  	s3 =	sadd.s32 s3, s9;
	s6 =	sadd.s32 @!p0 $0x88, s6;
	s7 =	simm.s32 @p2 $0x1082  }
0x22: {  	[simem:s7], [sflag:s8] =	dma.local @!p0 [hbm:s6], $0xF7A  }
0x23: {  	s9 =	sor.u32 $0xD0000000, s2;
	s6 =	simm.s32 $0x108;
	_ =	swait.ge @!p0 [sflag:s8], $0x0  }
0x24: {  	s3 =	sadd.s32 $0x88, s3;
	s6 =	simm.s32 @!p1 $0x1082;
	[sflag:s4] =	ssyncset.s32 $0xFFFFF086  }
0x25: {  	[simem:s6], [sflag:s4] =	dma.local [hbm:s3], $0xF7A  }
0x26: {  	[smem:$0x3F9B] =	sst s1;
	(tag) =	ssettag s2;
	_ =	strace s9  }
0x27: {  	s1 =	sld [smem:$0x3FAB]  }
0x28: {  	s2 =	sld [smem:$0x3FAC]  }
0x29: {  	s4 =	sld [smem:$0x3FAE]  }
0x2a: {  	p0 =	seq.s32 s5, $0x0;
	s5 =	sld [smem:$0x3FAF]  }
0x2b: {  	s6 =	sld [smem:$0x3FB0]  }
0x2c: {  	s7 =	sld [smem:$0x3FB1]  }
0x2d: {  	s3 =	simm.s32 $0x108;
	s8 =	sld [smem:$0x3FB2]  }
0x2e: {  	s3 =	simm.s32 @!p0 $0x1082;
	s9 =	sld [smem:$0x3FB3]  }
0x2f: {  	lr =	sadd.s32 s0, s3;
	s0 =	sld [smem:$0x3FAA]  }
0x30: {  	s3 =	sld [smem:$0x3FAD]  }
0x31: {  	[smem:$0x3FB6] =	sst s10  }
0x32: {  	s10 =	sld [smem:$0x3FB4];
	_ =	sdelay $0x3  }
0x33: {  	p0 =	seq.s32 s10, $0x1;
	s10 =	sld [smem:$0x3FB6];
	_ =	sdelay $0x3  }
0x34: {  	[smem:$0x3FB6] =	sst s10  }
0x35: {  	s10 =	sld [smem:$0x3FB5];
	_ =	sdelay $0x3  }
0x36: {  	p1 =	seq.s32 s10, $0x1;
	s10 =	sld [smem:$0x3FB6];
	_ =	sdelay $0x3  }
0x37: {  	[smem:$0x3FB6] =	sst s10  }
0x38: {  	s10 =	sld [smem:$0x3FB7]  }
0x39: {  	_ = 	snop;
	(pc) =	sbr.ind lr, $3  }
0x3a: {  	_ = 	snop  }
0x3b: {  	_ = 	snop  }
0x3c: {  	p2 =	seq.s32 s10, $0x1;
	s10 =	sld [smem:$0x3FB6]  }
0x3d: {  	_ =	shalt  }
0x3e: {  	_ =	shalt  }
0x3f: {  	_ =	shalt  }
0x40: {  	_ =	shalt  }
0x41: {  	_ =	shalt  }
0x42: {  	_ =	shalt  }
0x43: {  	_ =	shalt  }
0x44: {  	_ =	shalt  }
0x45: {  	_ =	shalt  }
0x46: {  	_ =	shalt  }
0x47: {  	_ =	shalt  }
0x48: {  	_ =	shalt  }
0x49: {  	_ =	shalt  }
0x4a: {  	_ =	shalt  }
0x4b: {  	_ =	shalt  }
0x4c: {  	_ =	shalt  }
0x4d: {  	_ =	shalt  }
0x4e: {  	_ =	shalt  }
0x4f: {  	_ =	shalt  }
0x50: {  	_ =	shalt  }
0x51: {  	_ =	shalt  }
0x52: {  	_ =	shalt  }
0x53: {  	_ =	shalt  }
0x54: {  	_ =	shalt  }
0x55: {  	_ =	shalt  }
0x56: {  	_ =	shalt  }
0x57: {  	_ =	shalt  }
0x58: {  	_ =	shalt  }
0x59: {  	_ =	shalt  }
0x5a: {  	_ =	shalt  }
0x5b: {  	_ =	shalt  }
0x5c: {  	_ =	shalt  }
0x5d: {  	_ =	shalt  }
0x5e: {  	_ =	shalt  }
0x5f: {  	_ =	shalt  }
0x60: {  	_ =	shalt  }
0x61: {  	_ =	shalt  }
0x62: {  	_ =	shalt  }
0x63: {  	_ =	shalt  }
0x64: {  	_ =	shalt  }
0x65: {  	_ =	shalt  }
0x66: {  	_ =	shalt  }
0x67: {  	_ =	shalt  }
0x68: {  	_ =	shalt  }
0x69: {  	_ =	shalt  }
0x6a: {  	_ =	shalt  }
0x6b: {  	_ =	shalt  }
0x6c: {  	_ =	shalt  }
0x6d: {  	_ =	shalt  }
0x6e: {  	_ =	shalt  }
0x6f: {  	_ =	shalt  }
0x70: {  	_ =	shalt  }
0x71: {  	_ =	shalt  }
0x72: {  	_ =	shalt  }
0x73: {  	_ =	shalt  }
0x74: {  	_ =	shalt  }
0x75: {  	_ =	shalt  }
0x76: {  	_ =	shalt  }
0x77: {  	_ =	shalt  }
0x78: {  	_ =	shalt  }
0x79: {  	_ =	shalt  }
0x7a: {  	_ =	shalt  }
0x7b: {  	_ =	shalt  }
0x7c: {  	_ =	shalt  }
0x7d: {  	_ =	shalt  }
0x7e: {  	_ =	shalt  }
0x7f: {  	_ =	shalt  }
0x80: {  	_ =	shalt  }
0x81: {  	_ =	shalt  }
0x82: {  	_ =	shalt  }
0x83: {  	_ =	shalt  }
0x84: {  	_ =	shalt  }
0x85: {  	_ =	shalt  }
0x86: {  	_ =	shalt  }
0x87: {  	_ =	shalt  }
.Lfunc_end0:
.L_simem_size_0:
called_computation.3_lowered:
.L_overlay_start_0:
0x88: {  	s2 =	sld [smem:$0x3FD9]  }
0x89: {  	s3 =	sld [smem:$0x3FFE];
	_ =	sdelay $0x1  }
0x8a: {  	s1 =	srdreg.scid  }
0x8b: {  	s0 =	sand.u32 $0x1, s1  }
0x8c: {  	s17 =	sshll.u32 s0, $0xA;
	s2 =	sadd.s32 s3, s2  }
0x8d: {  	s2 =	sadd.s32 s2, s17  }
0x8e: {  	[smem:$0x3FC2] =	sst s2  }
0x8f: {  	_ = 	snop  }
0x90: {  	s2 =	sld [smem:$0x3FC8]  }
0x91: {  	s18 =	sld [smem:$0x3FD0];
	(tm) =	ssettm $0x1  }
0x92: {  	s4 =	sld [smem:$0x3FFB];
	_ =	sdelay $0x3  }
0x93: {  	_ =	strace s4  }
0x94: {  	s4 =	sld [smem:$0x3FFC];
	_ =	sdelay $0x3  }
0x95: {  	_ =	strace s4  }
0x96: {  	s4 =	sld [smem:$0x3FFD];
	_ =	sdelay $0x3  }
0x97: {  	_ =	strace s4  }
0x98: {  	_ =	strace $0x8FFFFFFF  }
0x99: {  	s19 =	sld [smem:$0x3FDB];
	_ =	sdelay $0x1  }
0x9a: {  	s5 =	simm.s32 $_scs_section_size  }
0x9b: {  	s6 =	simm.s32 $_size__tile_overlayer_lowered;
	s7 =	simm.s32 $_tile_overlayer_lowered  }
0x9c: {  	s22 =	simm.s32 $0x1BFF;
	s21 =	sshll.u32 s7, $0x1;
	s4 =	sadd.s32 s5, s19  }
0x9d: {  	s8 =	simm.s32 $0x0;
	s20 =	sshll.u32 s6, $0x1;
	s6 =	sadd.s32 s21, s4  }
0x9e: {  	[timem:s8], [sflag:s22] =	dma.local [hbm:s6], s20  }
0x9f: {  	_ =	swait.ge [sflag:s22], s20  }
0xa0: {  	s5 =	ssub.s32 $0x0, s20;
	[sflag:s22] =	ssyncset.done $0x0  }
0xa1: {  	[sflag:s22] =	ssyncadd.s32 s5;
	_ =	sdelay $0x1  }
0xa2: {  	s23 =	simm.s32 $0x1B8B  }
0xa3: {  	_ =	swait.ge [sflag:s23], $0x1  }
0xa4: {  	[sflag:s23] =	ssyncset.done $0x0  }
0xa5: {  	s25 =	simm.s32 $0x1B8E;
	s24 =	sld [smem:$0x3FFE];
	[sflag:s23] =	ssyncadd.s32 $0xFFFFFFFF  }
0xa6: {  	s26 =	simm.s32 $execute0_lowered;
	[smem:$0x3FD2] =	sst s25  }
0xa7: {  	s6 =	sshll.u32 s26, $0x1;
	_ =	strace $0x8000004F;
	[dreg:$0x1] =	wrdreg $0xFFFFFFFF  }
0xa8: {  	s28 =	simm.s32 $_size_execute0_lowered;
	s4 =	sadd.s32 s4, s6;
	[dreg:$0x0] =	wrdreg $0x0  }
0xa9: {  	s6 =	sshll.u32 s28, $0x1;
	[dreg:$0x2] =	wrdreg s4  }
0xaa: {  	[dreg:$0x3] =	wrdreg s6  }
0xab: {  	[dreg:$0x4] =	wrdreg $0xC0  }
0xac: {  	_ =	task [dreg:s8], $0x5FFFF  }
0xad: {  	[dreg:$0x1] =	wrdreg $0xFFFFFFFF  }
0xae: {  	[dreg:$0x0] =	wrdreg $0x60  }
0xaf: {  	[dreg:$0x2] =	wrdreg s24  }
0xb0: {  	[dreg:$0x3] =	wrdreg s2  }
0xb1: {  	[dreg:$0x4] =	wrdreg s18  }
0xb2: {  	[dreg:$0x5] =	wrdreg $0xC3000  }
0xb3: {  	[dreg:$0x6] =	wrdreg $0x9  }
0xb4: {  	_ =	task.clear_ibuf [dreg:s8], $0x7FFFF;
	_ =	strace $0x9000004F  }
0xb5: {  	s29 =	simm.s32 $0x9;
	_ =	strace $0x80000051  }
0xb6: {  	_ =	swait.ge [sflag:s29], $0x1  }
0xb7: {  	[sflag:s29] =	ssyncadd.s32 $0xFFFFFFFF  }
0xb8: {  	_ =	strace $0x90000051  }
0xb9: {  	_ =	sfence  }
0xba: {  	s30 =	sld [smem:$0x0];
	_ =	sdelay $0x2  }
0xbb: {  	s31 =	sshll.u32 s1, $0xD;
	s1 =	sshrl.u32 s1, $0x2  }
0xbc: {  	s3 =	sand.u32 $0x4000, s31;
	s1 =	sadd.s32 s1, s30  }
0xbd: {  	s0 =	sor.u32 s3, s0;
	s1 =	sshll.u32 s1, $0x11  }
0xbe: {  	s0 =	sor.u32 s1, s0  }
0xbf: {  	s0 =	sadd.s32 $0x8F2B, s0  }
0xc0: {  	[sflag:s0] =	ssyncadd.remote.s32 $0x1  }
0xc1: {  	_ =	sfence.sel $0xFFFF  }
0xc2: {  	[dreg:$0x0] =	wrdreg $0xFFFFFFFF;
	(pc) =	sbr.abs _section_cstart, $3  }
0xc3: {  	[dreg:$0x1] =	wrdreg $0xFFFFFFFF  }
0xc4: {  	_ =	task.clear_ibuf [dreg:s8], $0x2FFFF;
	_ =	strace $0x9FFFFFFF  }
0xc5: {  	(tm) =	ssettm $0x7FFFFFFF  }
tec
execute0_lowered:
.L_overlay_start_1:
0x0: {  	(tag) =	ssettag $0x1  }
0x1: {  	s0 =	rddreg [dreg:$0x0]  }
0x2: {  	s2 =	rddreg [dreg:$0x1]  }
0x3: {  	s5 =	rddreg [dreg:$0x2]  }
0x4: {  	s1 =	rddreg [dreg:$0x3];
	s3 =	simm.s32 $0x0  }
0x5: {  	s4 =	srdreg.scid;
	s14 =	stileid.u32;
	s28 =	simm.s32 $0x1  }
0x6: {  	s29 =	simm.s32 $0x200;
	s30 =	simm.s32 $0x8300;
	s31 =	simm.s32 $0x2  }
0x7: {  	[smem:$0x7FF] =	sst s3;
	s6 =	sand.u32 $0x1, s4;
	s7 =	smul.u32 $0x4E000, s14  }
0x8: {  	s4 =	sadd.s32 $0x3200, s0;
	s9 =	smul.u32 $0x13800, s14;
	s0 =	sadd.s32 $0x2A400, s0  }
0x9: {  	s11 =	sshll.u32 s14, $0x6;
	s15 =	sadd.s32 $0x138000, s1;
	s23 =	sshll.u32 s14, $0x9  }
0xa: {  	p0 =	sne.s32 s14, $0xF;
	p1 =	sgt.u32 s14, $0x1;
	_ =	strace $0x80000050  }
0xb: {  	s8 =	ssub.s32 $0x2, s6;
	s12 =	sshll.u32 s6, $0x5;
	s13 =	smul.u32 $0x138800, s6  }
0xc: {  	[dreg:$0x7] =	wrdreg s15;
	s24 =	sshll.u32 s6, $0x8;
	s10 =	sshrl.u32 s8, $0x1  }
0xd: {  	s7 =	sshrl.u32 s7, $0x2;
	s25 =	sshrl.u32 s9, $0x3;
	s26 =	sor.u32 s12, s11  }
0xe: {  	s8 =	ssub.s32 s8, s10;
	s7 =	sadd.s32 s7, s1;
	s10 =	sadd.s32 s2, s26  }
0xf: {  	s17 =	sadd.s32 s9, s13;
	s18 =	sshrl.u32 s13, $0x3;
	s26 =	sadd.s32 s11, s2  }
0x10: {  	[dreg:$0x5] =	wrdreg s7;
	s7 =	sadd.s32 s5, s25;
	s5 =	sadd.s32 $0x27000, s5  }
0x11: {  	s16 =	sadd.s32 $0x400, s10;
	s19 =	sadd.s32 $0x800, s10;
	[dreg:$0x6] =	wrdreg s7  }
0x12: {  	s9 =	sadd.s32 s0, s18;
	s20 =	sadd.s32 $0x13800, s10;
	[dreg:$0x8] =	wrdreg s5  }
0x13: {  	s22 =	smax.u32 s8, $0x1;
	s25 =	sadd.s32 $0xC00, s10;
	[dreg:$0x9] =	wrdreg s16  }
0x14: {  	s18 =	sadd.s32 $0x1000, s10;
	s6 =	sadd.s32 s12, s26;
	[dreg:$0xa] =	wrdreg s19  }
0x15: {  	s26 =	simm.s32 $0x4300;
	s8 =	simm.s32 $0x5;
	[dreg:$0xb] =	wrdreg s20  }
0x16: {  	s7 =	sor.u32 $0x1C07, s11;
	s5 =	sshrl.u32 s17, $0x3;
	[dreg:$0xe] =	wrdreg s22  }
0x17: {  	s21 =	sadd.s32 $0x27000, s9;
	[dreg:$0xf] =	wrdreg s25;
	s22 =	simm.s32 $0x7  }
0x18: {  	s25 =	simm.s32 $0x100;
	s9 =	simm.s32 $0x6;
	s11 =	simm.s32 $0x0  }
0x19: {  	s0 =	sadd.s32 s0, s5;
	[dreg:$0xd] =	wrdreg s21;
	s21 =	sadd.s32 $0x1400, s6  }
.Ltmp0:
0x1a: {  	[dreg:$0xc] =	wrdreg s0;
	s0 =	sor.u32 s24, s23;
	(pc) =	sbr.rel .LBB2_1-.Ltmp0, $4  }
0x1b: {  	s6 =	simm.s32 $0x280;
	s5 =	sor.u32 $0xE000, s0;
	s0 =	sor.u32 $0xC000, s0  }
0x1c: {  	s23 =	simm.s32 $0x80;
	s5 =	sshrl.u32 s5, $0x3;
	s0 =	sshrl.u32 s0, $0x3  }
0x1d: {  	s24 =	simm.s32 $0x300;
	s19 =	sadd.s32 s5, s2;
	s20 =	sadd.s32 s0, s2  }
0x1e: {  	s0 =	simm.s32 $0x180;
	s2 =	simm.s32 $0x4;
	s5 =	simm.s32 $0x3  }
.LBB2_4:
0x1f: {  	_ =	swait.ge [sflag:s5], $0x4000  }
0x20: {  	[sflag:s5] =	ssyncset.done $0x0  }
0x21: {  	[sflag:s5] =	ssyncadd.s32 $0xFFFFC000  }
0x22: {  	[spmem:s1] =	stream.indirect.scatter.add.f32 [tilespmem:s30], [sflag:$0x6], $0x80, s6, s23, $0xb8;
	[tilespmem:$0x1FB80] =	vst v63  }
0x23: {  	_ =	swait.ge [sflag:s8], $0x4000  }
0x24: {  	[sflag:s8] =	ssyncset.done $0x0  }
0x25: {  	[sflag:s8] =	ssyncadd.s32 $0xFFFFC000  }
0x26: {  	_ =	swait.ge [sflag:s9], $0x4000  }
0x27: {  	[sflag:s9] =	ssyncset.done $0x0  }
0x28: {  	s14 =	simm.s32 @!p1 $0x0;
	s15 =	rddreg [dreg:$0xb];
	[sflag:s9] =	ssyncadd.s32 $0xFFFFC000  }
0x29: {  	[tilespmem:s14], [sflag:$0x7] =	stream.linear.gather @!p1 [hbm4b:s15+s14], $0x100, $0x38;
	[tilespmem:$0x1FB80] =	vst v63  }
0x2a: {  	s15 =	simm.s32 @!p1 $0x7  }
0x2b: {  	_ =	swait.ge @!p1 [sflag:s15], $0x100  }
0x2c: {  	[sflag:s15] =	ssyncset.done @!p1 $0x0  }
0x2d: {  	s16 =	simm.s32 @!p1 $0x80;
	s17 =	simm.s32 @!p1 $0x300;
	[sflag:s15] =	ssyncadd.s32 @!p1 $0xFFFFFF00  }
0x2e: {  	[tilespmem:s17], [sflag:$0x1] =	stream.indirect.gather @!p1 [hbm4b:s4+s16], $0x80, s14, s16, $0xb8;
	[tilespmem:$0x1FB80] =	vst v63  }
0x2f: {  	s14 =	simm.s32 @!p1 $0x1  }
0x30: {  	_ =	swait.ge @!p1 [sflag:s14], $0x4000  }
0x31: {  	[sflag:s14] =	ssyncset.done @!p1 $0x0  }
0x32: {  	[sflag:s14] =	ssyncadd.s32 @!p1 $0xFFFFC000  }
0x33: {  	[spmem:s1] =	stream.indirect.scatter.add.f32 @!p1 [tilespmem:s17], [sflag:$0x7], $0x80, s16, s16, $0xb8;
	[tilespmem:$0x1FB80] =	vst v63  }
0x34: {  	_ =	swait.ge @!p1 [sflag:s15], $0x4000  }
0x35: {  	[sflag:s15] =	ssyncset.done @!p1 $0x0  }
0x36: {  	[sflag:s15] =	ssyncadd.s32 @!p1 $0xFFFFC000  }
0x37: {  	[bflag:$0x0] =	sbarrier.arrive $0xFFFF  }
0x38: {  	s16 =	rddreg [dreg:$0xc]  }
0x39: {  	[hbm:s16], [sflag:s7] =	dma.local [spmem:s12], $0x2700  }
0x3a: {  	_ =	swait.ge [sflag:s22], $0x2700  }
0x3b: {  	[sflag:s22] =	ssyncset.done $0x0  }
0x3c: {  	s12 =	rddreg [dreg:$0xd];
	[sflag:s22] =	ssyncadd.s32 $0xFFFFD900  }
0x3d: {  	[hbm:s12], [sflag:s7] =	dma.local @!p0 [spmem:s13], $0x100  }
0x3e: {  	s12 =	simm.s32 @!p0 $0x7  }
0x3f: {  	_ =	swait.ge @!p0 [sflag:s12], $0x100  }
0x40: {  	s11 =	sadd.s32 $0x1, s11;
	s17 =	rddreg [dreg:$0xe]  }
0x41: {  	p2 =	sne.s32 s11, s17  }
.Ltmp1:
0x42: {  	_ = 	snop;
	(pc) =	sbr.rel @!p2 .LBB2_5-.Ltmp1, $3  }
0x43: {  	_ =	sdelay $0x1  }
0x44: {  	[sflag:s12] =	ssyncset.done @!p0 $0x0  }
0x45: {  	[sflag:s12] =	ssyncadd.s32 @!p0 $0xFFFFFF00  }
.LBB2_1:
0x46: {  	s12 =	rddreg [dreg:$0x5]  }
0x47: {  	s13 =	rddreg [dreg:$0x6];
	s12 =	sshrl.u32 s12, $0x3  }
0x48: {  	[spmem:s12], [sflag:s7] =	dma.local [hbm:s13], $0x2700  }
0x49: {  	_ =	swait.ge [sflag:s22], $0x2700  }
0x4a: {  	[sflag:s22] =	ssyncset.done $0x0;
	s13 =	rddreg [dreg:$0x7]  }
0x4b: {  	s14 =	rddreg [dreg:$0x8];
	[sflag:s22] =	ssyncadd.s32 $0xFFFFD900;
	s13 =	sshrl.u32 @!p0 s13, $0x3  }
0x4c: {  	[spmem:s13], [sflag:s7] =	dma.local @!p0 [hbm:s14], $0x100  }
0x4d: {  	s14 =	simm.s32 @!p0 $0x7  }
0x4e: {  	_ =	swait.ge @!p0 [sflag:s14], $0x100  }
0x4f: {  	[sflag:s14] =	ssyncset.done @!p0 $0x0  }
0x50: {  	[sflag:s14] =	ssyncadd.s32 @!p0 $0xFFFFFF00  }
0x51: {  	[bflag:$0x0] =	sbarrier.arrive $0xFFFF  }
0x52: {  	[tilespmem:s3], [sflag:$0x7] =	stream.linear.gather [hbm4b:s10+s3], $0x100, $0x38;
	[tilespmem:$0x1FB80] =	vst v63  }
0x53: {  	_ =	swait.ge [sflag:s22], $0x100  }
0x54: {  	[sflag:s22] =	ssyncset.done $0x0  }
0x55: {  	[sflag:s22] =	ssyncadd.s32 $0xFFFFFF00  }
0x56: {  	[tilespmem:s24], [sflag:$0x1] =	stream.indirect.gather [hbm4b:s4+s23], $0x80, s3, s23, $0xb8;
	[tilespmem:$0x1FB80] =	vst v63  }
0x57: {  	s15 =	rddreg [dreg:$0x9]  }
0x58: {  	[tilespmem:s25], [sflag:$0x7] =	stream.linear.gather [hbm4b:s15+s3], $0x100, $0x38;
	[tilespmem:$0x1FB80] =	vst v63  }
0x59: {  	_ =	swait.ge [sflag:s22], $0x100  }
0x5a: {  	[sflag:s22] =	ssyncset.done $0x0  }
0x5b: {  	[sflag:s22] =	ssyncadd.s32 $0xFFFFFF00  }
0x5c: {  	[tilespmem:s26], [sflag:$0x2] =	stream.indirect.gather [hbm4b:s4+s23], $0x80, s25, s23, $0xb8;
	[tilespmem:$0x1FB80] =	vst v63  }
0x5d: {  	_ =	swait.ge [sflag:s28], $0x4000  }
0x5e: {  	[sflag:s28] =	ssyncset.done $0x0  }
0x5f: {  	[sflag:s28] =	ssyncadd.s32 $0xFFFFC000  }
0x60: {  	[spmem:s1] =	stream.indirect.scatter.add.f32 [tilespmem:s24], [sflag:$0x4], $0x80, s23, s23, $0xb8;
	[tilespmem:$0x1FB80] =	vst v63  }
0x61: {  	s16 =	rddreg [dreg:$0xa]  }
0x62: {  	[tilespmem:s29], [sflag:$0x7] =	stream.linear.gather [hbm4b:s16+s3], $0x100, $0x38;
	[tilespmem:$0x1FB80] =	vst v63  }
0x63: {  	_ =	swait.ge [sflag:s22], $0x100  }
0x64: {  	[sflag:s22] =	ssyncset.done $0x0  }
0x65: {  	[sflag:s22] =	ssyncadd.s32 $0xFFFFFF00  }
0x66: {  	[tilespmem:s30], [sflag:$0x3] =	stream.indirect.gather [hbm4b:s4+s23], $0x80, s29, s23, $0xb8;
	[tilespmem:$0x1FB80] =	vst v63  }
0x67: {  	_ =	swait.ge [sflag:s31], $0x4000  }
0x68: {  	[sflag:s31] =	ssyncset.done $0x0  }
0x69: {  	[sflag:s31] =	ssyncadd.s32 $0xFFFFC000  }
0x6a: {  	[spmem:s1] =	stream.indirect.scatter.add.f32 [tilespmem:s26], [sflag:$0x5], $0x80, s0, s23, $0xb8;
	[tilespmem:$0x1FB80] =	vst v63  }
0x6b: {  	_ =	swait.ge [sflag:s2], $0x4000  }
0x6c: {  	[sflag:s2] =	ssyncset.done $0x0  }
0x6d: {  	s17 =	rddreg [dreg:$0xf];
	[sflag:s2] =	ssyncadd.s32 $0xFFFFC000  }
0x6e: {  	[tilespmem:s3], [sflag:$0x7] =	stream.linear.gather [hbm4b:s17+s3], $0x100, $0x38;
	[tilespmem:$0x1FB80] =	vst v63  }
0x6f: {  	_ =	swait.ge [sflag:s22], $0x100  }
0x70: {  	[sflag:s22] =	ssyncset.done $0x0  }
0x71: {  	[sflag:s22] =	ssyncadd.s32 $0xFFFFFF00  }
0x72: {  	[tilespmem:s24], [sflag:$0x1] =	stream.indirect.gather [hbm4b:s4+s23], $0x80, s3, s23, $0xb8;
	[tilespmem:$0x1FB80] =	vst v63  }
0x73: {  	_ =	swait.ge [sflag:s5], $0x4000  }
0x74: {  	[sflag:s5] =	ssyncset.done $0x0  }
0x75: {  	[sflag:s5] =	ssyncadd.s32 $0xFFFFC000  }
0x76: {  	[spmem:s1] =	stream.indirect.scatter.add.f32 [tilespmem:s30], [sflag:$0x6], $0x80, s6, s23, $0xb8;
	[tilespmem:$0x1FB80] =	vst v63  }
0x77: {  	_ =	swait.ge [sflag:s8], $0x4000  }
0x78: {  	[sflag:s8] =	ssyncset.done $0x0  }
0x79: {  	[sflag:s8] =	ssyncadd.s32 $0xFFFFC000  }
0x7a: {  	[tilespmem:s25], [sflag:$0x7] =	stream.linear.gather [hbm4b:s18+s3], $0x100, $0x38;
	[tilespmem:$0x1FB80] =	vst v63  }
0x7b: {  	_ =	swait.ge [sflag:s22], $0x100  }
0x7c: {  	[sflag:s22] =	ssyncset.done $0x0  }
0x7d: {  	s14 =	simm.s32 $0x0;
	[sflag:s22] =	ssyncadd.s32 $0xFFFFFF00  }
0x7e: {  	[tilespmem:s26], [sflag:$0x2] =	stream.indirect.gather [hbm4b:s4+s23], $0x80, s25, s23, $0xb8;
	[tilespmem:$0x1FB80] =	vst v63  }
.LBB2_2:
0x7f: {  	_ =	swait.ge [sflag:s28], $0x4000  }
0x80: {  	[sflag:s28] =	ssyncset.done $0x0  }
0x81: {  	[sflag:s28] =	ssyncadd.s32 $0xFFFFC000  }
0x82: {  	[spmem:s1] =	stream.indirect.scatter.add.f32 [tilespmem:s24], [sflag:$0x4], $0x80, s23, s23, $0xb8;
	[tilespmem:$0x1FB80] =	vst v63  }
0x83: {  	_ =	swait.ge [sflag:s9], $0x4000  }
0x84: {  	[sflag:s9] =	ssyncset.done $0x0  }
0x85: {  	s15 =	sadd.s32 s14, s21;
	[sflag:s9] =	ssyncadd.s32 $0xFFFFC000  }
0x86: {  	[tilespmem:s29], [sflag:$0x7] =	stream.linear.gather [hbm4b:s15+s3], $0x100, $0x38;
	[tilespmem:$0x1FB80] =	vst v63  }
0x87: {  	_ =	swait.ge [sflag:s22], $0x100  }
0x88: {  	[sflag:s22] =	ssyncset.done $0x0  }
0x89: {  	[sflag:s22] =	ssyncadd.s32 $0xFFFFFF00  }
0x8a: {  	[tilespmem:s30], [sflag:$0x3] =	stream.indirect.gather [hbm4b:s4+s23], $0x80, s29, s23, $0xb8;
	[tilespmem:$0x1FB80] =	vst v63  }
0x8b: {  	_ =	swait.ge [sflag:s31], $0x4000  }
0x8c: {  	p2 =	seq.s32 s14, $0x12000;
	[sflag:s31] =	ssyncset.done $0x0  }
.Ltmp2:
0x8d: {  	[sflag:s31] =	ssyncadd.s32 $0xFFFFC000;
	(pc) =	sbr.rel @p2 .LBB2_4-.Ltmp2, $4  }
0x8e: {  	[spmem:s1] =	stream.indirect.scatter.add.f32 [tilespmem:s26], [sflag:$0x5], $0x80, s0, s23, $0xb8;
	[tilespmem:$0x1FB80] =	vst v63  }
0x8f: {  	_ =	swait.ge [sflag:s2], $0x4000  }
0x90: {  	[sflag:s2] =	ssyncset.done $0x0  }
0x91: {  	[sflag:s2] =	ssyncadd.s32 $0xFFFFC000  }
0x92: {  	s15 =	sadd.s32 s14, s20  }
0x93: {  	[tilespmem:s3], [sflag:$0x7] =	stream.linear.gather [hbm4b:s15+s3], $0x100, $0x38;
	[tilespmem:$0x1FB80] =	vst v63  }
0x94: {  	_ =	swait.ge [sflag:s22], $0x100  }
0x95: {  	[sflag:s22] =	ssyncset.done $0x0  }
0x96: {  	[sflag:s22] =	ssyncadd.s32 $0xFFFFFF00  }
0x97: {  	[tilespmem:s24], [sflag:$0x1] =	stream.indirect.gather [hbm4b:s4+s23], $0x80, s3, s23, $0xb8;
	[tilespmem:$0x1FB80] =	vst v63  }
0x98: {  	_ =	swait.ge [sflag:s5], $0x4000  }
0x99: {  	[sflag:s5] =	ssyncset.done $0x0  }
0x9a: {  	[sflag:s5] =	ssyncadd.s32 $0xFFFFC000  }
0x9b: {  	[spmem:s1] =	stream.indirect.scatter.add.f32 [tilespmem:s30], [sflag:$0x6], $0x80, s6, s23, $0xb8;
	[tilespmem:$0x1FB80] =	vst v63  }
0x9c: {  	_ =	swait.ge [sflag:s8], $0x4000  }
0x9d: {  	[sflag:s8] =	ssyncset.done $0x0  }
0x9e: {  	s17 =	sadd.s32 s14, s19;
	[sflag:s8] =	ssyncadd.s32 $0xFFFFC000  }
0x9f: {  	[tilespmem:s25], [sflag:$0x7] =	stream.linear.gather [hbm4b:s17+s3], $0x100, $0x38;
	[tilespmem:$0x1FB80] =	vst v63  }
.Ltmp3:
0xa0: {  	_ = 	snop;
	(pc) =	sbr.rel .LBB2_2-.Ltmp3, $4  }
0xa1: {  	_ =	swait.ge [sflag:s22], $0x100  }
0xa2: {  	[sflag:s22] =	ssyncset.done $0x0  }
0xa3: {  	s14 =	sadd.s32 $0xC00, s14;
	[sflag:s22] =	ssyncadd.s32 $0xFFFFFF00  }
0xa4: {  	[tilespmem:s26], [sflag:$0x2] =	stream.indirect.gather [hbm4b:s4+s23], $0x80, s25, s23, $0xb8;
	[tilespmem:$0x1FB80] =	vst v63  }
.LBB2_5:
0xa5: {  	_ =	sfence.sel $0x180000  }
0xa6: {  	[bflag:$0x0] =	sbarrier.arrive $0xFFFF  }
0xa7: {  	_ =	strace $0x90000050  }
0xa8: {  	s0 =	stileid.u32;
	[bflag:$0x2] =	sbarrier.arrive $0xFFFF  }
0xa9: {  	p0 =	sne.s32 s0, $0x0;
	s0 =	rddreg [dreg:$0x4]  }
0xaa: {  	s0 =	sadd.s32 @!p0 $0x100000, s0  }
0xab: {  	[sflag:s0] =	ssyncadd.tile.s32 @!p0 $0x1;
	_ =	shalt  }
.Lfunc_end2:
_tile_overlayer_lowered:
.L_overlay_start_2:
0xac: {  	(tag) =	ssettag $0x2  }
0xad: {  	s0 =	rddreg [dreg:$0x0];
	s2 =	stileid.u32  }
0xae: {  	s1 =	rddreg [dreg:$0x1];
	p0 =	sne.s32 s2, $0x0  }
0xaf: {  	s3 =	rddreg [dreg:$0x2];
	[bflag:$0x3] =	sbarrier.arrive $0xFFFF;
	s2 =	simm.s32 @!p0 $0x1C07  }
0xb0: {  	[timem:s3], [sflag:s2] =	dma.local @!p0 [hbm:s0], s1  }
0xb1: {  	s0 =	simm.s32 @!p0 $0x7  }
0xb2: {  	_ =	swait.ge @!p0 [sflag:s0], s1  }
0xb3: {  	s1 =	ssub.s32 @!p0 $0x0, s1;
	[sflag:s0] =	ssyncset.done @!p0 $0x0  }
0xb4: {  	[sflag:s0] =	ssyncadd.s32 @!p0 s1  }
0xb5: {  	[bflag:$0x3] =	sbarrier.arrive $0xFFFF  }
0xb6: {  	_ =	shalt  }

// kernel: kernel.26.cloned.1.call-start
scs
__scs_entry_jumppad:
0x0: {  	(pc) =	sbr.rel $0x88, $3  }
0x1: {  	(tag) =	ssettag $0x0;
	lr =	simm.s32 $0x1  }
0x2: {  	[smem:$0x3F9B] =	sst lr;
	_ =	strace $0xD0000000  }
0x3: {  	_ = 	snop  }
0x4: {  	_ = 	snop  }
0x5: {  	_ = 	snop  }
0x6: {  	_ = 	snop  }
0x7: {  	_ = 	snop  }
__scs_overlays_trampoline_lowered:
0x8: {  	[smem:$0x3FAA] =	sst s0  }
0x9: {  	[smem:$0x3FAB] =	sst s1  }
0xa: {  	[smem:$0x3FAC] =	sst s2  }
0xb: {  	[smem:$0x3FAD] =	sst s3  }
0xc: {  	[smem:$0x3FAE] =	sst s4  }
0xd: {  	[smem:$0x3FAF] =	sst s5  }
0xe: {  	[smem:$0x3FB0] =	sst s6  }
0xf: {  	[smem:$0x3FB1] =	sst s7  }
0x10: {  	[smem:$0x3FB2] =	sst s8  }
0x11: {  	[smem:$0x3FB3] =	sst s9;
	s0 =	simm.s32 @!p0 $0x0  }
0x12: {  	s1 =	sld [smem:$0x3F99];
	s0 =	simm.s32 @p0 $0x1  }
0x13: {  	[smem:$0x3FB4] =	sst s0;
	s0 =	simm.s32 @!p1 $0x0  }
0x14: {  	s2 =	sld [smem:$0x3F98];
	s0 =	simm.s32 @p1 $0x1  }
0x15: {  	[smem:$0x3FB5] =	sst s0;
	s0 =	simm.s32 @!p2 $0x0  }
0x16: {  	s3 =	sld [smem:$0x3FDB];
	s0 =	simm.s32 @p2 $0x1  }
0x17: {  	s4 =	simm.s32 $0x1BF5;
	[smem:$0x3FB7] =	sst s0  }
0x18: {  	s0 =	sld [smem:$0x3F9A];
	_ =	swait.ge [sflag:s4], $0x0  }
0x19: {  	s7 =	sld [smem:$0x3F9B]  }
0x1a: {  	s8 =	sadd.s32 $0xFFFFE003, lr  }
0x1b: {  	s9 =	sadd.s32 $0xFFFFFEF7, lr;
	s5 =	simm.s32 $0xFFFFFFFF;
	p2 =	slt.u32 s8, $0xFFFFF086  }
0x1c: {  	p1 =	slt.u32 s9, $0xF7A;
	s5 =	simm.s32 @!p2 $0x0  }
0x1d: {  	s5 =	simm.s32 @p1 $0x1;
	p0 =	seq.s32 s7, s2  }
0x1e: {  	s7 =	smul.u32 @!p0 $0xF7A, s2;
	p2 =	seq.s32 @!p0 s5, $0x0  }
0x1f: {  	s9 =	smul.u32 $0xF7A, s1;
	s8 =	simm.s32 @!p0 $0x1BF5;
	p2 =	por !p2, p0  }
0x20: {  	[sflag:s8] =	ssyncset.s32 @!p0 $0xFFFFF086;
	s6 =	sadd.s32 @!p0 s3, s7;
	s7 =	simm.s32 @!p0 $0x108  }
0x21: {  	s3 =	sadd.s32 s3, s9;
	s6 =	sadd.s32 @!p0 $0x88, s6;
	s7 =	simm.s32 @p2 $0x1082  }
0x22: {  	[simem:s7], [sflag:s8] =	dma.local @!p0 [hbm:s6], $0xF7A  }
0x23: {  	s9 =	sor.u32 $0xD0000000, s2;
	s6 =	simm.s32 $0x108;
	_ =	swait.ge @!p0 [sflag:s8], $0x0  }
0x24: {  	s3 =	sadd.s32 $0x88, s3;
	s6 =	simm.s32 @!p1 $0x1082;
	[sflag:s4] =	ssyncset.s32 $0xFFFFF086  }
0x25: {  	[simem:s6], [sflag:s4] =	dma.local [hbm:s3], $0xF7A  }
0x26: {  	[smem:$0x3F9B] =	sst s1;
	(tag) =	ssettag s2;
	_ =	strace s9  }
0x27: {  	s1 =	sld [smem:$0x3FAB]  }
0x28: {  	s2 =	sld [smem:$0x3FAC]  }
0x29: {  	s4 =	sld [smem:$0x3FAE]  }
0x2a: {  	p0 =	seq.s32 s5, $0x0;
	s5 =	sld [smem:$0x3FAF]  }
0x2b: {  	s6 =	sld [smem:$0x3FB0]  }
0x2c: {  	s7 =	sld [smem:$0x3FB1]  }
0x2d: {  	s3 =	simm.s32 $0x108;
	s8 =	sld [smem:$0x3FB2]  }
0x2e: {  	s3 =	simm.s32 @!p0 $0x1082;
	s9 =	sld [smem:$0x3FB3]  }
0x2f: {  	lr =	sadd.s32 s0, s3;
	s0 =	sld [smem:$0x3FAA]  }
0x30: {  	s3 =	sld [smem:$0x3FAD]  }
0x31: {  	[smem:$0x3FB6] =	sst s10  }
0x32: {  	s10 =	sld [smem:$0x3FB4];
	_ =	sdelay $0x3  }
0x33: {  	p0 =	seq.s32 s10, $0x1;
	s10 =	sld [smem:$0x3FB6];
	_ =	sdelay $0x3  }
0x34: {  	[smem:$0x3FB6] =	sst s10  }
0x35: {  	s10 =	sld [smem:$0x3FB5];
	_ =	sdelay $0x3  }
0x36: {  	p1 =	seq.s32 s10, $0x1;
	s10 =	sld [smem:$0x3FB6];
	_ =	sdelay $0x3  }
0x37: {  	[smem:$0x3FB6] =	sst s10  }
0x38: {  	s10 =	sld [smem:$0x3FB7]  }
0x39: {  	_ = 	snop;
	(pc) =	sbr.ind lr, $3  }
0x3a: {  	_ = 	snop  }
0x3b: {  	_ = 	snop  }
0x3c: {  	p2 =	seq.s32 s10, $0x1;
	s10 =	sld [smem:$0x3FB6]  }
0x3d: {  	_ =	shalt  }
0x3e: {  	_ =	shalt  }
0x3f: {  	_ =	shalt  }
0x40: {  	_ =	shalt  }
0x41: {  	_ =	shalt  }
0x42: {  	_ =	shalt  }
0x43: {  	_ =	shalt  }
0x44: {  	_ =	shalt  }
0x45: {  	_ =	shalt  }
0x46: {  	_ =	shalt  }
0x47: {  	_ =	shalt  }
0x48: {  	_ =	shalt  }
0x49: {  	_ =	shalt  }
0x4a: {  	_ =	shalt  }
0x4b: {  	_ =	shalt  }
0x4c: {  	_ =	shalt  }
0x4d: {  	_ =	shalt  }
0x4e: {  	_ =	shalt  }
0x4f: {  	_ =	shalt  }
0x50: {  	_ =	shalt  }
0x51: {  	_ =	shalt  }
0x52: {  	_ =	shalt  }
0x53: {  	_ =	shalt  }
0x54: {  	_ =	shalt  }
0x55: {  	_ =	shalt  }
0x56: {  	_ =	shalt  }
0x57: {  	_ =	shalt  }
0x58: {  	_ =	shalt  }
0x59: {  	_ =	shalt  }
0x5a: {  	_ =	shalt  }
0x5b: {  	_ =	shalt  }
0x5c: {  	_ =	shalt  }
0x5d: {  	_ =	shalt  }
0x5e: {  	_ =	shalt  }
0x5f: {  	_ =	shalt  }
0x60: {  	_ =	shalt  }
0x61: {  	_ =	shalt  }
0x62: {  	_ =	shalt  }
0x63: {  	_ =	shalt  }
0x64: {  	_ =	shalt  }
0x65: {  	_ =	shalt  }
0x66: {  	_ =	shalt  }
0x67: {  	_ =	shalt  }
0x68: {  	_ =	shalt  }
0x69: {  	_ =	shalt  }
0x6a: {  	_ =	shalt  }
0x6b: {  	_ =	shalt  }
0x6c: {  	_ =	shalt  }
0x6d: {  	_ =	shalt  }
0x6e: {  	_ =	shalt  }
0x6f: {  	_ =	shalt  }
0x70: {  	_ =	shalt  }
0x71: {  	_ =	shalt  }
0x72: {  	_ =	shalt  }
0x73: {  	_ =	shalt  }
0x74: {  	_ =	shalt  }
0x75: {  	_ =	shalt  }
0x76: {  	_ =	shalt  }
0x77: {  	_ =	shalt  }
0x78: {  	_ =	shalt  }
0x79: {  	_ =	shalt  }
0x7a: {  	_ =	shalt  }
0x7b: {  	_ =	shalt  }
0x7c: {  	_ =	shalt  }
0x7d: {  	_ =	shalt  }
0x7e: {  	_ =	shalt  }
0x7f: {  	_ =	shalt  }
0x80: {  	_ =	shalt  }
0x81: {  	_ =	shalt  }
0x82: {  	_ =	shalt  }
0x83: {  	_ =	shalt  }
0x84: {  	_ =	shalt  }
0x85: {  	_ =	shalt  }
0x86: {  	_ =	shalt  }
0x87: {  	_ =	shalt  }
.Lfunc_end0:
.L_simem_size_0:
called_computation.4_lowered:
.L_overlay_start_0:
0x88: {  	s2 =	sld [smem:$0x3FD9]  }
0x89: {  	s3 =	sld [smem:$0x3FFE];
	_ =	sdelay $0x1  }
0x8a: {  	s1 =	srdreg.scid  }
0x8b: {  	s0 =	sand.u32 $0x1, s1  }
0x8c: {  	s17 =	sshll.u32 s0, $0xA;
	s2 =	sadd.s32 s3, s2  }
0x8d: {  	s2 =	sadd.s32 s2, s17  }
0x8e: {  	[smem:$0x3FC2] =	sst s2  }
0x8f: {  	_ = 	snop  }
0x90: {  	s2 =	sld [smem:$0x3FC8]  }
0x91: {  	s18 =	sld [smem:$0x3FD0];
	(tm) =	ssettm $0x1  }
0x92: {  	s4 =	sld [smem:$0x3FFB];
	_ =	sdelay $0x3  }
0x93: {  	_ =	strace s4  }
0x94: {  	s4 =	sld [smem:$0x3FFC];
	_ =	sdelay $0x3  }
0x95: {  	_ =	strace s4  }
0x96: {  	s4 =	sld [smem:$0x3FFD];
	_ =	sdelay $0x3  }
0x97: {  	_ =	strace s4  }
0x98: {  	_ =	strace $0x8FFFFFFF  }
0x99: {  	s19 =	sld [smem:$0x3FDB];
	_ =	sdelay $0x1  }
0x9a: {  	s5 =	simm.s32 $_scs_section_size  }
0x9b: {  	s6 =	simm.s32 $_size__tile_overlayer_lowered;
	s7 =	simm.s32 $_tile_overlayer_lowered  }
0x9c: {  	s22 =	simm.s32 $0x1BFF;
	s21 =	sshll.u32 s7, $0x1;
	s4 =	sadd.s32 s5, s19  }
0x9d: {  	s8 =	simm.s32 $0x0;
	s20 =	sshll.u32 s6, $0x1;
	s6 =	sadd.s32 s21, s4  }
0x9e: {  	[timem:s8], [sflag:s22] =	dma.local [hbm:s6], s20  }
0x9f: {  	_ =	swait.ge [sflag:s22], s20  }
0xa0: {  	s5 =	ssub.s32 $0x0, s20;
	[sflag:s22] =	ssyncset.done $0x0  }
0xa1: {  	[sflag:s22] =	ssyncadd.s32 s5;
	_ =	sdelay $0x1  }
0xa2: {  	s23 =	simm.s32 $0x1B8B  }
0xa3: {  	_ =	swait.ge [sflag:s23], $0x1  }
0xa4: {  	[sflag:s23] =	ssyncset.done $0x0  }
0xa5: {  	s25 =	simm.s32 $0x1B8E;
	s24 =	sld [smem:$0x3FFE];
	[sflag:s23] =	ssyncadd.s32 $0xFFFFFFFF  }
0xa6: {  	s26 =	simm.s32 $execute0_lowered;
	[smem:$0x3FD2] =	sst s25  }
0xa7: {  	s6 =	sshll.u32 s26, $0x1;
	_ =	strace $0x80000052;
	[dreg:$0x1] =	wrdreg $0xFFFFFFFF  }
0xa8: {  	s28 =	simm.s32 $_size_execute0_lowered;
	s4 =	sadd.s32 s4, s6;
	[dreg:$0x0] =	wrdreg $0x0  }
0xa9: {  	s6 =	sshll.u32 s28, $0x1;
	[dreg:$0x2] =	wrdreg s4  }
0xaa: {  	[dreg:$0x3] =	wrdreg s6  }
0xab: {  	[dreg:$0x4] =	wrdreg $0xC0  }
0xac: {  	_ =	task [dreg:s8], $0x5FFFF  }
0xad: {  	[dreg:$0x1] =	wrdreg $0xFFFFFFFF  }
0xae: {  	[dreg:$0x0] =	wrdreg $0x60  }
0xaf: {  	[dreg:$0x2] =	wrdreg s24  }
0xb0: {  	[dreg:$0x3] =	wrdreg s2  }
0xb1: {  	[dreg:$0x4] =	wrdreg s18  }
0xb2: {  	[dreg:$0x5] =	wrdreg $0xC3000  }
0xb3: {  	[dreg:$0x6] =	wrdreg $0x9  }
0xb4: {  	_ =	task.clear_ibuf [dreg:s8], $0x7FFFF;
	_ =	strace $0x90000052  }
0xb5: {  	s29 =	simm.s32 $0x9;
	_ =	strace $0x80000054  }
0xb6: {  	_ =	swait.ge [sflag:s29], $0x1  }
0xb7: {  	[sflag:s29] =	ssyncadd.s32 $0xFFFFFFFF  }
0xb8: {  	_ =	strace $0x90000054  }
0xb9: {  	_ =	sfence  }
0xba: {  	s30 =	sld [smem:$0x0];
	_ =	sdelay $0x2  }
0xbb: {  	s31 =	sshll.u32 s1, $0xD;
	s1 =	sshrl.u32 s1, $0x2  }
0xbc: {  	s3 =	sand.u32 $0x4000, s31;
	s1 =	sadd.s32 s1, s30  }
0xbd: {  	s0 =	sor.u32 s3, s0;
	s1 =	sshll.u32 s1, $0x11  }
0xbe: {  	s0 =	sor.u32 s1, s0  }
0xbf: {  	s0 =	sadd.s32 $0x8F2B, s0  }
0xc0: {  	[sflag:s0] =	ssyncadd.remote.s32 $0x1  }
0xc1: {  	_ =	sfence.sel $0xFFFF  }
0xc2: {  	[dreg:$0x0] =	wrdreg $0xFFFFFFFF;
	(pc) =	sbr.abs _section_cstart, $3  }
0xc3: {  	[dreg:$0x1] =	wrdreg $0xFFFFFFFF  }
0xc4: {  	_ =	task.clear_ibuf [dreg:s8], $0x2FFFF;
	_ =	strace $0x9FFFFFFF  }
0xc5: {  	(tm) =	ssettm $0x7FFFFFFF  }
tec
execute0_lowered:
.L_overlay_start_1:
0x0: {  	(tag) =	ssettag $0x1  }
0x1: {  	s0 =	rddreg [dreg:$0x0]  }
0x2: {  	s2 =	rddreg [dreg:$0x1]  }
0x3: {  	s5 =	rddreg [dreg:$0x2]  }
0x4: {  	s1 =	rddreg [dreg:$0x3];
	s3 =	simm.s32 $0x0  }
0x5: {  	s4 =	srdreg.scid;
	s14 =	stileid.u32;
	s28 =	simm.s32 $0x1  }
0x6: {  	s29 =	simm.s32 $0x200;
	s30 =	simm.s32 $0x8300;
	s31 =	simm.s32 $0x2  }
0x7: {  	[smem:$0x7FF] =	sst s3;
	s6 =	sand.u32 $0x1, s4;
	s7 =	smul.u32 $0x4E000, s14  }
0x8: {  	s4 =	sadd.s32 $0x3200, s0;
	s9 =	smul.u32 $0x13800, s14;
	s0 =	sadd.s32 $0x78600, s0  }
0x9: {  	s11 =	sshll.u32 s14, $0x6;
	s15 =	sadd.s32 $0x138000, s1;
	s23 =	sshll.u32 s14, $0x9  }
0xa: {  	p0 =	sne.s32 s14, $0xF;
	p1 =	sgt.u32 s14, $0x1;
	_ =	strace $0x80000053  }
0xb: {  	s8 =	ssub.s32 $0x2, s6;
	s12 =	sshll.u32 s6, $0x5;
	s13 =	smul.u32 $0x138800, s6  }
0xc: {  	[dreg:$0x7] =	wrdreg s15;
	s24 =	sshll.u32 s6, $0x8;
	s10 =	sshrl.u32 s8, $0x1  }
0xd: {  	s7 =	sshrl.u32 s7, $0x2;
	s25 =	sshrl.u32 s9, $0x3;
	s26 =	sor.u32 s12, s11  }
0xe: {  	s8 =	ssub.s32 s8, s10;
	s7 =	sadd.s32 s7, s1;
	s10 =	sadd.s32 s2, s26  }
0xf: {  	s17 =	sadd.s32 s9, s13;
	s18 =	sshrl.u32 s13, $0x3;
	s26 =	sadd.s32 s11, s2  }
0x10: {  	[dreg:$0x5] =	wrdreg s7;
	s7 =	sadd.s32 s5, s25;
	s5 =	sadd.s32 $0x27000, s5  }
0x11: {  	s16 =	sadd.s32 $0x400, s10;
	s19 =	sadd.s32 $0x800, s10;
	[dreg:$0x6] =	wrdreg s7  }
0x12: {  	s9 =	sadd.s32 s0, s18;
	s20 =	sadd.s32 $0x13800, s10;
	[dreg:$0x8] =	wrdreg s5  }
0x13: {  	s22 =	smax.u32 s8, $0x1;
	s25 =	sadd.s32 $0xC00, s10;
	[dreg:$0x9] =	wrdreg s16  }
0x14: {  	s18 =	sadd.s32 $0x1000, s10;
	s6 =	sadd.s32 s12, s26;
	[dreg:$0xa] =	wrdreg s19  }
0x15: {  	s26 =	simm.s32 $0x4300;
	s8 =	simm.s32 $0x5;
	[dreg:$0xb] =	wrdreg s20  }
0x16: {  	s7 =	sor.u32 $0x1C07, s11;
	s5 =	sshrl.u32 s17, $0x3;
	[dreg:$0xe] =	wrdreg s22  }
0x17: {  	s21 =	sadd.s32 $0x27000, s9;
	[dreg:$0xf] =	wrdreg s25;
	s22 =	simm.s32 $0x7  }
0x18: {  	s25 =	simm.s32 $0x100;
	s9 =	simm.s32 $0x6;
	s11 =	simm.s32 $0x0  }
0x19: {  	s0 =	sadd.s32 s0, s5;
	[dreg:$0xd] =	wrdreg s21;
	s21 =	sadd.s32 $0x1400, s6  }
.Ltmp0:
0x1a: {  	[dreg:$0xc] =	wrdreg s0;
	s0 =	sor.u32 s24, s23;
	(pc) =	sbr.rel .LBB2_1-.Ltmp0, $4  }
0x1b: {  	s6 =	simm.s32 $0x280;
	s5 =	sor.u32 $0xE000, s0;
	s0 =	sor.u32 $0xC000, s0  }
0x1c: {  	s23 =	simm.s32 $0x80;
	s5 =	sshrl.u32 s5, $0x3;
	s0 =	sshrl.u32 s0, $0x3  }
0x1d: {  	s24 =	simm.s32 $0x300;
	s19 =	sadd.s32 s5, s2;
	s20 =	sadd.s32 s0, s2  }
0x1e: {  	s0 =	simm.s32 $0x180;
	s2 =	simm.s32 $0x4;
	s5 =	simm.s32 $0x3  }
.LBB2_4:
0x1f: {  	_ =	swait.ge [sflag:s5], $0x4000  }
0x20: {  	[sflag:s5] =	ssyncset.done $0x0  }
0x21: {  	[sflag:s5] =	ssyncadd.s32 $0xFFFFC000  }
0x22: {  	[spmem:s1] =	stream.indirect.scatter.add.f32 [tilespmem:s30], [sflag:$0x6], $0x80, s6, s23, $0xb8;
	[tilespmem:$0x1FB80] =	vst v63  }
0x23: {  	_ =	swait.ge [sflag:s8], $0x4000  }
0x24: {  	[sflag:s8] =	ssyncset.done $0x0  }
0x25: {  	[sflag:s8] =	ssyncadd.s32 $0xFFFFC000  }
0x26: {  	_ =	swait.ge [sflag:s9], $0x4000  }
0x27: {  	[sflag:s9] =	ssyncset.done $0x0  }
0x28: {  	s14 =	simm.s32 @!p1 $0x0;
	s15 =	rddreg [dreg:$0xb];
	[sflag:s9] =	ssyncadd.s32 $0xFFFFC000  }
0x29: {  	[tilespmem:s14], [sflag:$0x7] =	stream.linear.gather @!p1 [hbm4b:s15+s14], $0x100, $0x38;
	[tilespmem:$0x1FB80] =	vst v63  }
0x2a: {  	s15 =	simm.s32 @!p1 $0x7  }
0x2b: {  	_ =	swait.ge @!p1 [sflag:s15], $0x100  }
0x2c: {  	[sflag:s15] =	ssyncset.done @!p1 $0x0  }
0x2d: {  	s16 =	simm.s32 @!p1 $0x80;
	s17 =	simm.s32 @!p1 $0x300;
	[sflag:s15] =	ssyncadd.s32 @!p1 $0xFFFFFF00  }
0x2e: {  	[tilespmem:s17], [sflag:$0x1] =	stream.indirect.gather @!p1 [hbm4b:s4+s16], $0x80, s14, s16, $0xb8;
	[tilespmem:$0x1FB80] =	vst v63  }
0x2f: {  	s14 =	simm.s32 @!p1 $0x1  }
0x30: {  	_ =	swait.ge @!p1 [sflag:s14], $0x4000  }
0x31: {  	[sflag:s14] =	ssyncset.done @!p1 $0x0  }
0x32: {  	[sflag:s14] =	ssyncadd.s32 @!p1 $0xFFFFC000  }
0x33: {  	[spmem:s1] =	stream.indirect.scatter.add.f32 @!p1 [tilespmem:s17], [sflag:$0x7], $0x80, s16, s16, $0xb8;
	[tilespmem:$0x1FB80] =	vst v63  }
0x34: {  	_ =	swait.ge @!p1 [sflag:s15], $0x4000  }
0x35: {  	[sflag:s15] =	ssyncset.done @!p1 $0x0  }
0x36: {  	[sflag:s15] =	ssyncadd.s32 @!p1 $0xFFFFC000  }
0x37: {  	[bflag:$0x0] =	sbarrier.arrive $0xFFFF  }
0x38: {  	s16 =	rddreg [dreg:$0xc]  }
0x39: {  	[hbm:s16], [sflag:s7] =	dma.local [spmem:s12], $0x2700  }
0x3a: {  	_ =	swait.ge [sflag:s22], $0x2700  }
0x3b: {  	[sflag:s22] =	ssyncset.done $0x0  }
0x3c: {  	s12 =	rddreg [dreg:$0xd];
	[sflag:s22] =	ssyncadd.s32 $0xFFFFD900  }
0x3d: {  	[hbm:s12], [sflag:s7] =	dma.local @!p0 [spmem:s13], $0x100  }
0x3e: {  	s12 =	simm.s32 @!p0 $0x7  }
0x3f: {  	_ =	swait.ge @!p0 [sflag:s12], $0x100  }
0x40: {  	s11 =	sadd.s32 $0x1, s11;
	s17 =	rddreg [dreg:$0xe]  }
0x41: {  	p2 =	sne.s32 s11, s17  }
.Ltmp1:
0x42: {  	_ = 	snop;
	(pc) =	sbr.rel @!p2 .LBB2_5-.Ltmp1, $3  }
0x43: {  	_ =	sdelay $0x1  }
0x44: {  	[sflag:s12] =	ssyncset.done @!p0 $0x0  }
0x45: {  	[sflag:s12] =	ssyncadd.s32 @!p0 $0xFFFFFF00  }
.LBB2_1:
0x46: {  	s12 =	rddreg [dreg:$0x5]  }
0x47: {  	s13 =	rddreg [dreg:$0x6];
	s12 =	sshrl.u32 s12, $0x3  }
0x48: {  	[spmem:s12], [sflag:s7] =	dma.local [hbm:s13], $0x2700  }
0x49: {  	_ =	swait.ge [sflag:s22], $0x2700  }
0x4a: {  	[sflag:s22] =	ssyncset.done $0x0;
	s13 =	rddreg [dreg:$0x7]  }
0x4b: {  	s14 =	rddreg [dreg:$0x8];
	[sflag:s22] =	ssyncadd.s32 $0xFFFFD900;
	s13 =	sshrl.u32 @!p0 s13, $0x3  }
0x4c: {  	[spmem:s13], [sflag:s7] =	dma.local @!p0 [hbm:s14], $0x100  }
0x4d: {  	s14 =	simm.s32 @!p0 $0x7  }
0x4e: {  	_ =	swait.ge @!p0 [sflag:s14], $0x100  }
0x4f: {  	[sflag:s14] =	ssyncset.done @!p0 $0x0  }
0x50: {  	[sflag:s14] =	ssyncadd.s32 @!p0 $0xFFFFFF00  }
0x51: {  	[bflag:$0x0] =	sbarrier.arrive $0xFFFF  }
0x52: {  	[tilespmem:s3], [sflag:$0x7] =	stream.linear.gather [hbm4b:s10+s3], $0x100, $0x38;
	[tilespmem:$0x1FB80] =	vst v63  }
0x53: {  	_ =	swait.ge [sflag:s22], $0x100  }
0x54: {  	[sflag:s22] =	ssyncset.done $0x0  }
0x55: {  	[sflag:s22] =	ssyncadd.s32 $0xFFFFFF00  }
0x56: {  	[tilespmem:s24], [sflag:$0x1] =	stream.indirect.gather [hbm4b:s4+s23], $0x80, s3, s23, $0xb8;
	[tilespmem:$0x1FB80] =	vst v63  }
0x57: {  	s15 =	rddreg [dreg:$0x9]  }
0x58: {  	[tilespmem:s25], [sflag:$0x7] =	stream.linear.gather [hbm4b:s15+s3], $0x100, $0x38;
	[tilespmem:$0x1FB80] =	vst v63  }
0x59: {  	_ =	swait.ge [sflag:s22], $0x100  }
0x5a: {  	[sflag:s22] =	ssyncset.done $0x0  }
0x5b: {  	[sflag:s22] =	ssyncadd.s32 $0xFFFFFF00  }
0x5c: {  	[tilespmem:s26], [sflag:$0x2] =	stream.indirect.gather [hbm4b:s4+s23], $0x80, s25, s23, $0xb8;
	[tilespmem:$0x1FB80] =	vst v63  }
0x5d: {  	_ =	swait.ge [sflag:s28], $0x4000  }
0x5e: {  	[sflag:s28] =	ssyncset.done $0x0  }
0x5f: {  	[sflag:s28] =	ssyncadd.s32 $0xFFFFC000  }
0x60: {  	[spmem:s1] =	stream.indirect.scatter.add.f32 [tilespmem:s24], [sflag:$0x4], $0x80, s23, s23, $0xb8;
	[tilespmem:$0x1FB80] =	vst v63  }
0x61: {  	s16 =	rddreg [dreg:$0xa]  }
0x62: {  	[tilespmem:s29], [sflag:$0x7] =	stream.linear.gather [hbm4b:s16+s3], $0x100, $0x38;
	[tilespmem:$0x1FB80] =	vst v63  }
0x63: {  	_ =	swait.ge [sflag:s22], $0x100  }
0x64: {  	[sflag:s22] =	ssyncset.done $0x0  }
0x65: {  	[sflag:s22] =	ssyncadd.s32 $0xFFFFFF00  }
0x66: {  	[tilespmem:s30], [sflag:$0x3] =	stream.indirect.gather [hbm4b:s4+s23], $0x80, s29, s23, $0xb8;
	[tilespmem:$0x1FB80] =	vst v63  }
0x67: {  	_ =	swait.ge [sflag:s31], $0x4000  }
0x68: {  	[sflag:s31] =	ssyncset.done $0x0  }
0x69: {  	[sflag:s31] =	ssyncadd.s32 $0xFFFFC000  }
0x6a: {  	[spmem:s1] =	stream.indirect.scatter.add.f32 [tilespmem:s26], [sflag:$0x5], $0x80, s0, s23, $0xb8;
	[tilespmem:$0x1FB80] =	vst v63  }
0x6b: {  	_ =	swait.ge [sflag:s2], $0x4000  }
0x6c: {  	[sflag:s2] =	ssyncset.done $0x0  }
0x6d: {  	s17 =	rddreg [dreg:$0xf];
	[sflag:s2] =	ssyncadd.s32 $0xFFFFC000  }
0x6e: {  	[tilespmem:s3], [sflag:$0x7] =	stream.linear.gather [hbm4b:s17+s3], $0x100, $0x38;
	[tilespmem:$0x1FB80] =	vst v63  }
0x6f: {  	_ =	swait.ge [sflag:s22], $0x100  }
0x70: {  	[sflag:s22] =	ssyncset.done $0x0  }
0x71: {  	[sflag:s22] =	ssyncadd.s32 $0xFFFFFF00  }
0x72: {  	[tilespmem:s24], [sflag:$0x1] =	stream.indirect.gather [hbm4b:s4+s23], $0x80, s3, s23, $0xb8;
	[tilespmem:$0x1FB80] =	vst v63  }
0x73: {  	_ =	swait.ge [sflag:s5], $0x4000  }
0x74: {  	[sflag:s5] =	ssyncset.done $0x0  }
0x75: {  	[sflag:s5] =	ssyncadd.s32 $0xFFFFC000  }
0x76: {  	[spmem:s1] =	stream.indirect.scatter.add.f32 [tilespmem:s30], [sflag:$0x6], $0x80, s6, s23, $0xb8;
	[tilespmem:$0x1FB80] =	vst v63  }
0x77: {  	_ =	swait.ge [sflag:s8], $0x4000  }
0x78: {  	[sflag:s8] =	ssyncset.done $0x0  }
0x79: {  	[sflag:s8] =	ssyncadd.s32 $0xFFFFC000  }
0x7a: {  	[tilespmem:s25], [sflag:$0x7] =	stream.linear.gather [hbm4b:s18+s3], $0x100, $0x38;
	[tilespmem:$0x1FB80] =	vst v63  }
0x7b: {  	_ =	swait.ge [sflag:s22], $0x100  }
0x7c: {  	[sflag:s22] =	ssyncset.done $0x0  }
0x7d: {  	s14 =	simm.s32 $0x0;
	[sflag:s22] =	ssyncadd.s32 $0xFFFFFF00  }
0x7e: {  	[tilespmem:s26], [sflag:$0x2] =	stream.indirect.gather [hbm4b:s4+s23], $0x80, s25, s23, $0xb8;
	[tilespmem:$0x1FB80] =	vst v63  }
.LBB2_2:
0x7f: {  	_ =	swait.ge [sflag:s28], $0x4000  }
0x80: {  	[sflag:s28] =	ssyncset.done $0x0  }
0x81: {  	[sflag:s28] =	ssyncadd.s32 $0xFFFFC000  }
0x82: {  	[spmem:s1] =	stream.indirect.scatter.add.f32 [tilespmem:s24], [sflag:$0x4], $0x80, s23, s23, $0xb8;
	[tilespmem:$0x1FB80] =	vst v63  }
0x83: {  	_ =	swait.ge [sflag:s9], $0x4000  }
0x84: {  	[sflag:s9] =	ssyncset.done $0x0  }
0x85: {  	s15 =	sadd.s32 s14, s21;
	[sflag:s9] =	ssyncadd.s32 $0xFFFFC000  }
0x86: {  	[tilespmem:s29], [sflag:$0x7] =	stream.linear.gather [hbm4b:s15+s3], $0x100, $0x38;
	[tilespmem:$0x1FB80] =	vst v63  }
0x87: {  	_ =	swait.ge [sflag:s22], $0x100  }
0x88: {  	[sflag:s22] =	ssyncset.done $0x0  }
0x89: {  	[sflag:s22] =	ssyncadd.s32 $0xFFFFFF00  }
0x8a: {  	[tilespmem:s30], [sflag:$0x3] =	stream.indirect.gather [hbm4b:s4+s23], $0x80, s29, s23, $0xb8;
	[tilespmem:$0x1FB80] =	vst v63  }
0x8b: {  	_ =	swait.ge [sflag:s31], $0x4000  }
0x8c: {  	p2 =	seq.s32 s14, $0x12000;
	[sflag:s31] =	ssyncset.done $0x0  }
.Ltmp2:
0x8d: {  	[sflag:s31] =	ssyncadd.s32 $0xFFFFC000;
	(pc) =	sbr.rel @p2 .LBB2_4-.Ltmp2, $4  }
0x8e: {  	[spmem:s1] =	stream.indirect.scatter.add.f32 [tilespmem:s26], [sflag:$0x5], $0x80, s0, s23, $0xb8;
	[tilespmem:$0x1FB80] =	vst v63  }
0x8f: {  	_ =	swait.ge [sflag:s2], $0x4000  }
0x90: {  	[sflag:s2] =	ssyncset.done $0x0  }
0x91: {  	[sflag:s2] =	ssyncadd.s32 $0xFFFFC000  }
0x92: {  	s15 =	sadd.s32 s14, s20  }
0x93: {  	[tilespmem:s3], [sflag:$0x7] =	stream.linear.gather [hbm4b:s15+s3], $0x100, $0x38;
	[tilespmem:$0x1FB80] =	vst v63  }
0x94: {  	_ =	swait.ge [sflag:s22], $0x100  }
0x95: {  	[sflag:s22] =	ssyncset.done $0x0  }
0x96: {  	[sflag:s22] =	ssyncadd.s32 $0xFFFFFF00  }
0x97: {  	[tilespmem:s24], [sflag:$0x1] =	stream.indirect.gather [hbm4b:s4+s23], $0x80, s3, s23, $0xb8;
	[tilespmem:$0x1FB80] =	vst v63  }
0x98: {  	_ =	swait.ge [sflag:s5], $0x4000  }
0x99: {  	[sflag:s5] =	ssyncset.done $0x0  }
0x9a: {  	[sflag:s5] =	ssyncadd.s32 $0xFFFFC000  }
0x9b: {  	[spmem:s1] =	stream.indirect.scatter.add.f32 [tilespmem:s30], [sflag:$0x6], $0x80, s6, s23, $0xb8;
	[tilespmem:$0x1FB80] =	vst v63  }
0x9c: {  	_ =	swait.ge [sflag:s8], $0x4000  }
0x9d: {  	[sflag:s8] =	ssyncset.done $0x0  }
0x9e: {  	s17 =	sadd.s32 s14, s19;
	[sflag:s8] =	ssyncadd.s32 $0xFFFFC000  }
0x9f: {  	[tilespmem:s25], [sflag:$0x7] =	stream.linear.gather [hbm4b:s17+s3], $0x100, $0x38;
	[tilespmem:$0x1FB80] =	vst v63  }
.Ltmp3:
0xa0: {  	_ = 	snop;
	(pc) =	sbr.rel .LBB2_2-.Ltmp3, $4  }
0xa1: {  	_ =	swait.ge [sflag:s22], $0x100  }
0xa2: {  	[sflag:s22] =	ssyncset.done $0x0  }
0xa3: {  	s14 =	sadd.s32 $0xC00, s14;
	[sflag:s22] =	ssyncadd.s32 $0xFFFFFF00  }
0xa4: {  	[tilespmem:s26], [sflag:$0x2] =	stream.indirect.gather [hbm4b:s4+s23], $0x80, s25, s23, $0xb8;
	[tilespmem:$0x1FB80] =	vst v63  }
.LBB2_5:
0xa5: {  	_ =	sfence.sel $0x180000  }
0xa6: {  	[bflag:$0x0] =	sbarrier.arrive $0xFFFF  }
0xa7: {  	_ =	strace $0x90000053  }
0xa8: {  	s0 =	stileid.u32;
	[bflag:$0x2] =	sbarrier.arrive $0xFFFF  }
0xa9: {  	p0 =	sne.s32 s0, $0x0;
	s0 =	rddreg [dreg:$0x4]  }
0xaa: {  	s0 =	sadd.s32 @!p0 $0x100000, s0  }
0xab: {  	[sflag:s0] =	ssyncadd.tile.s32 @!p0 $0x1;
	_ =	shalt  }
.Lfunc_end2:
_tile_overlayer_lowered:
.L_overlay_start_2:
0xac: {  	(tag) =	ssettag $0x2  }
0xad: {  	s0 =	rddreg [dreg:$0x0];
	s2 =	stileid.u32  }
0xae: {  	s1 =	rddreg [dreg:$0x1];
	p0 =	sne.s32 s2, $0x0  }
0xaf: {  	s3 =	rddreg [dreg:$0x2];
	[bflag:$0x3] =	sbarrier.arrive $0xFFFF;
	s2 =	simm.s32 @!p0 $0x1C07  }
0xb0: {  	[timem:s3], [sflag:s2] =	dma.local @!p0 [hbm:s0], s1  }
0xb1: {  	s0 =	simm.s32 @!p0 $0x7  }
0xb2: {  	_ =	swait.ge @!p0 [sflag:s0], s1  }
0xb3: {  	s1 =	ssub.s32 @!p0 $0x0, s1;
	[sflag:s0] =	ssyncset.done @!p0 $0x0  }
0xb4: {  	[sflag:s0] =	ssyncadd.s32 @!p0 s1  }
0xb5: {  	[bflag:$0x3] =	sbarrier.arrive $0xFFFF  }
0xb6: {  	_ =	shalt  }

</sc_bundles>
